<compile_context>
chip_gen: v7x
topology: tpu7x:2x2x1
jax: 0.10.2.dev20260603
libtpu: 0.0.44.dev20260713+nightly
codegen_flags: <defaults>
</compile_context>

<pallas_src>
import functools

import jax
import jax.numpy as jnp
from jax import lax
from jax.experimental import pallas as pl
from jax.experimental.pallas import tpu as pltpu
from jax.experimental.pallas import tpu_sc as plsc

F = 128
NW = 32
CHUNK = 80


def _silu(x):
    return x * jax.nn.sigmoid(x)



def _atoms_body(atom_ref, w1_ref, w2_ref, w3_ref, p1_ref, p2_ref, p3_ref):
    a = atom_ref[...]
    p1_ref[...] = jnp.dot(a, w1_ref[...], preferred_element_type=jnp.float32)
    p2_ref[...] = jnp.dot(a, w2_ref[...], preferred_element_type=jnp.float32)
    p3_ref[...] = jnp.dot(a, w3_ref[...], preferred_element_type=jnp.float32)


def _edges_body(edge_ref, w4_ref, w5_ref, q4_ref, q5_ref):
    e = edge_ref[...]
    q4_ref[...] = jnp.dot(e, w4_ref[...], preferred_element_type=jnp.float32)
    q5_ref[...] = jnp.dot(e, w5_ref[...], preferred_element_type=jnp.float32)



def _sc_index_prep(nbr0, nbr1, bp0, bp1):
    L = bp0.shape[0]
    rows_per_w = L // NW
    n_blk = rows_per_w // CHUNK
    slot = 5 * CHUNK
    words_per_w = n_blk * slot
    mesh = plsc.VectorSubcoreMesh(core_axis_name="c", subcore_axis_name="s")

    @functools.partial(
        pl.kernel,
        mesh=mesh,
        out_type=jax.ShapeDtypeStruct((NW * words_per_w,), jnp.int32),
        scratch_types=[
            pltpu.VMEM((words_per_w,), jnp.int32),
            pltpu.SemaphoreType.DMA,
            pltpu.SemaphoreType.DMA,
        ],
    )
    def idx_kernel(nbr0_hbm, nbr1_hbm, bp0_hbm, bp1_hbm, idx5_hbm,
                   ibuf, sem_a, sem_g):
        wid = lax.axis_index("s") * 2 + lax.axis_index("c")
        base = wid * rows_per_w

        def cp(b, carry):
            src = pl.ds(base + b * CHUNK, CHUNK)
            pltpu.make_async_copy(bp0_hbm.at[src],
                                  ibuf.at[pl.ds(b * slot + 3 * CHUNK,
                                                CHUNK)], sem_a).start()
            pltpu.make_async_copy(bp1_hbm.at[src],
                                  ibuf.at[pl.ds(b * slot + 4 * CHUNK,
                                                CHUNK)], sem_a).start()
            return carry

        lax.fori_loop(0, n_blk, cp, 0, unroll=False)
        pltpu.make_async_copy(bp0_hbm.at[pl.ds(0, 2 * rows_per_w)],
                              ibuf.at[pl.ds(0, 2 * rows_per_w)],
                              sem_a).wait()

        def gat(b, carry):
            s0 = pl.ds(b * slot + 3 * CHUNK, CHUNK)
            s1 = pl.ds(b * slot + 4 * CHUNK, CHUNK)
            pltpu.make_async_copy(nbr0_hbm.at[ibuf.at[s1]],
                                  ibuf.at[pl.ds(b * slot, CHUNK)],
                                  sem_g).start()
            pltpu.make_async_copy(nbr1_hbm.at[ibuf.at[s0]],
                                  ibuf.at[pl.ds(b * slot + CHUNK, CHUNK)],
                                  sem_g).start()
            pltpu.make_async_copy(nbr1_hbm.at[ibuf.at[s1]],
                                  ibuf.at[pl.ds(b * slot + 2 * CHUNK,
                                                CHUNK)], sem_g).start()
            return carry

        lax.fori_loop(0, n_blk, gat, 0, unroll=False)
        pltpu.make_async_copy(nbr0_hbm.at[pl.ds(0, 3 * rows_per_w)],
                              ibuf.at[pl.ds(0, 3 * rows_per_w)],
                              sem_g).wait()
        pltpu.sync_copy(ibuf, idx5_hbm.at[pl.ds(wid * words_per_w,
                                                words_per_w)])

    return idx_kernel(nbr0, nbr1, bp0, bp1)


def _sc_gather_pass(tables, slot_ks, init_src, idx5, row_off, n_rows, CHUNK):
    rows_per_w = n_rows // NW
    n_chunks = rows_per_w // CHUNK
    assert rows_per_w % CHUNK == 0 and n_chunks >= 5
    assert rows_per_w % 8 == 0 and CHUNK % 8 == 0 and row_off % 8 == 0
    mesh = plsc.VectorSubcoreMesh(core_axis_name="c", subcore_axis_name="s")
    n_in = len(tables) + (0 if init_src is None else 1)

    @functools.partial(
        pl.kernel,
        mesh=mesh,
        out_type=jax.ShapeDtypeStruct((n_rows, F), jnp.float32),
        scratch_types=(
            [pltpu.VMEM((5 * CHUNK,), jnp.int32)] * 3
            + [pltpu.VMEM((CHUNK, F), jnp.float32)] * 3
            + [pltpu.SemaphoreType.DMA] * 12
        ),
    )
    def sc_kernel(*refs):
        tabs = list(refs[:len(tables)])
        init_hbm = None if init_src is None else refs[len(tables)]
        idx5_hbm = refs[n_in]
        out_hbm = refs[n_in + 1]
        (ib0, ib1, ib2, ab0, ab1, ab2,
         si0, si1, si2, s00, s01, s02,
         sa0, sa1, sa2, so0, so1, so2) = refs[n_in + 2:]
        wid = lax.axis_index("s") * 2 + lax.axis_index("c")
        w_base = row_off + wid * rows_per_w
        w_out = wid * rows_per_w
        ibs = [ib0, ib1, ib2]
        abs_ = [ab0, ab1, ab2]
        sis = [si0, si1, si2]
        s0s = [s00, s01, s02]
        sas = [sa0, sa1, sa2]
        sos = [so0, so1, so2]
        slot = 5 * CHUNK
        w_slot = (w_base // CHUNK) * slot
        add_tabs = (list(zip(tabs[1:], slot_ks[1:])) if init_src is None
                    else list(zip(tabs, slot_ks)))

        def issue_idx(ci, r):
            pltpu.make_async_copy(
                idx5_hbm.at[pl.ds(w_slot + ci * slot, slot)],
                ibs[r], sis[r]).start()

        def wait_idx(r):
            pltpu.make_async_copy(
                idx5_hbm.at[pl.ds(0, slot)], ibs[r], sis[r]).wait()

        def issue_g0(ci, r):
            if init_src is None:
                pltpu.make_async_copy(
                    tabs[0].at[ibs[r].at[pl.ds(slot_ks[0] * CHUNK, CHUNK)]],
                    abs_[r], s0s[r]).start()
            else:
                pltpu.make_async_copy(
                    init_hbm.at[pl.ds(w_base + ci * CHUNK, CHUNK)],
                    abs_[r], s0s[r]).start()

        def wait_g0(r):
            pltpu.make_async_copy(
                tabs[0].at[pl.ds(0, CHUNK)], abs_[r], s0s[r]).wait()

        def issue_gadds(r):
            for tab, k in add_tabs:
                pltpu.async_copy(
                    tab.at[ibs[r].at[pl.ds(k * CHUNK, CHUNK)]],
                    abs_[r], sas[r], add=True)

        def wait_gadds(r):
            for _ in add_tabs:
                pltpu.make_async_copy(
                    tabs[0].at[pl.ds(0, CHUNK)], abs_[r], sas[r]).wait()

        def issue_out(ci, r):
            pltpu.make_async_copy(
                abs_[r], out_hbm.at[pl.ds(w_out + ci * CHUNK, CHUNK)],
                sos[r]).start()

        def wait_out(r):
            pltpu.make_async_copy(
                abs_[r], out_hbm.at[pl.ds(0, CHUNK)], sos[r]).wait()

        def step(ci, r, w_i1=True, w_o2=True, g_g1=True, w_a1=True,
                 o_o1=True, g_i2=True):
            r1 = (r + 1) % 3
            r2 = (r + 2) % 3
            wait_g0(r)
            issue_gadds(r)
            if w_i1:
                wait_idx(r1)
            if w_o2:
                wait_out(r1)
            if g_g1:
                issue_g0(ci + 1, r1)
            if w_a1:
                wait_gadds(r2)
            if o_o1:
                issue_out(ci - 1, r2)
            if g_i2:
                issue_idx(ci + 2, r2)

        n = n_chunks
        issue_idx(0, 0)
        issue_idx(1, 1)
        wait_idx(0)
        issue_g0(0, 0)
        step(0, 0, w_o2=False, w_a1=False, o_o1=False)
        step(1, 1, w_o2=False)

        def triple_body(t, carry):
            ci = 3 * t + 2
            step(ci, 2)
            step(ci + 1, 0)
            step(ci + 2, 1)
            return carry

        n_triples = (n - 4) // 3
        lax.fori_loop(0, n_triples, triple_body, 0, unroll=False)
        for ci in range(2 + 3 * n_triples, n - 2):
            step(ci, ci % 3)
        step(n - 2, (n - 2) % 3, g_i2=False)
        step(n - 1, (n - 1) % 3, w_i1=False, g_g1=False, g_i2=False)
        wait_gadds((n - 1) % 3)
        issue_out(n - 1, (n - 1) % 3)
        wait_out((n - 2) % 3)
        wait_out((n - 1) % 3)

    args = list(tables) + ([] if init_src is None else [init_src]) + [idx5]
    return sc_kernel(*args)



def _final_body_aliased(prev_ref, h_ref, edge_ref, tdij_ref, tdik_ref, a_ref,
                        w1_ref, b1_ref, w2_ref, b2_ref, wbj_ref, bbj_ref,
                        wbk_ref, bbk_ref, wa_ref, ba_ref, bfea_ref, out_ref):
    del prev_ref
    _final_body(h_ref, edge_ref, tdij_ref, tdik_ref, a_ref,
                w1_ref, b1_ref, w2_ref, b2_ref, wbj_ref, bbj_ref,
                wbk_ref, bbk_ref, wa_ref, ba_ref, bfea_ref, out_ref)


def _final_body(h_ref, edge_ref, tdij_ref, tdik_ref, a_ref,
                w1_ref, b1_ref, w2_ref, b2_ref, wbj_ref, bbj_ref,
                wbk_ref, bbk_ref, wa_ref, ba_ref, bfea_ref, out_ref):
    h = _silu(h_ref[...] + bfea_ref[...])
    g = jax.nn.sigmoid(
        jnp.dot(h, w1_ref[...], preferred_element_type=jnp.float32)
        + b1_ref[...])
    g = g * _silu(
        jnp.dot(h, w2_ref[...], preferred_element_type=jnp.float32)
        + b2_ref[...])
    bj = jnp.dot(tdij_ref[...], wbj_ref[...],
                 preferred_element_type=jnp.float32) + bbj_ref[...]
    bk = jnp.dot(tdik_ref[...], wbk_ref[...],
                 preferred_element_type=jnp.float32) + bbk_ref[...]
    ang = a_ref[...] * wa_ref[...] + ba_ref[...]
    out_ref[...] = edge_ref[...] + g * bj * bk * ang



def kernel(atom_fea, edge_ij, triple_dist_ij, triple_dist_ik, triple_a_jik,
           nbr_atoms, bond_pairs_indices, n_bond_pairs_bond,
           W_angle, b_angle, W_bk, b_bk, W_bj, b_bj,
           W_fea, b_fea, W_1, b_1, W_2, b_2):
    n_atoms = atom_fea.shape[0]
    m_edges = edge_ij.shape[0]
    l_trip = bond_pairs_indices.shape[0]

    wf1 = W_fea[0:F]
    wf2 = W_fea[F:2 * F]
    wf3 = W_fea[2 * F:3 * F]
    wf4 = W_fea[3 * F:4 * F]
    wf5 = W_fea[4 * F:5 * F]

    bp0 = bond_pairs_indices[:, 0]
    bp1 = bond_pairs_indices[:, 1]
    idx5 = _sc_index_prep(nbr_atoms[:, 0], nbr_atoms[:, 1], bp0, bp1)

    p1, p2, p3 = pl.pallas_call(
        _atoms_body,
        out_shape=[jax.ShapeDtypeStruct((n_atoms, F), jnp.float32)] * 3,
    )(atom_fea, wf1, wf2, wf3)

    BM = 2000
    grid_a = m_edges // BM
    q4, q5 = pl.pallas_call(
        _edges_body,
        grid=(grid_a,),
        in_specs=[
            pl.BlockSpec((BM, F), lambda i: (i, 0)),
            pl.BlockSpec((F, F), lambda i: (0, 0)),
            pl.BlockSpec((F, F), lambda i: (0, 0)),
        ],
        out_specs=[
            pl.BlockSpec((BM, F), lambda i: (i, 0)),
            pl.BlockSpec((BM, F), lambda i: (i, 0)),
        ],
        out_shape=[jax.ShapeDtypeStruct((m_edges, F), jnp.float32)] * 2,
    )(edge_ij, wf4, wf5)


    BMC = 2560
    slice_rows = [90 * NW * CHUNK, 35 * NW * CHUNK]
    a_col = triple_a_jik.reshape(l_trip, 1)
    row = lambda v: v.reshape(1, F)
    const = pl.BlockSpec((1, F), lambda i: (0, 0))
    weights = (W_1, row(b_1), W_2, row(b_2), W_bj, row(b_bj), W_bk,
               row(b_bk), W_angle, row(b_angle), row(b_fea))
    weight_specs = [
        pl.BlockSpec((F, F), lambda i: (0, 0)),
        const,
        pl.BlockSpec((F, F), lambda i: (0, 0)),
        const,
        pl.BlockSpec((16, F), lambda i: (0, 0)),
        const,
        pl.BlockSpec((16, F), lambda i: (0, 0)),
        const,
        const,
        const,
        const,
    ]
    out = None
    row_off = 0
    for s, n_rows in enumerate(slice_rows):
        h_s = _sc_gather_pass([p1, p2, p3, q4, q5], [0, 1, 2, 3, 4], None,
                              idx5, row_off=row_off, n_rows=n_rows,
                              CHUNK=CHUNK)
        off = row_off // BMC
        grid_s = n_rows // BMC
        data_specs = [
            pl.BlockSpec((BMC, F), lambda i: (i, 0)),
            pl.BlockSpec((BMC, F), lambda i, o=off: (i + o, 0)),
            pl.BlockSpec((BMC, 16), lambda i, o=off: (i + o, 0)),
            pl.BlockSpec((BMC, 16), lambda i, o=off: (i + o, 0)),
            pl.BlockSpec((BMC, 1), lambda i, o=off: (i + o, 0)),
        ]
        out_spec = pl.BlockSpec((BMC, F), lambda i, o=off: (i + o, 0))
        out_shape = jax.ShapeDtypeStruct((l_trip, F), jnp.float32)
        if s == 0:
            out = pl.pallas_call(
                _final_body,
                grid=(grid_s,),
                in_specs=data_specs + weight_specs,
                out_specs=out_spec,
                out_shape=out_shape,
            )(h_s, edge_ij, triple_dist_ij, triple_dist_ik, a_col, *weights)
        else:
            out = pl.pallas_call(
                _final_body_aliased,
                grid=(grid_s,),
                in_specs=[pl.BlockSpec(memory_space=pl.ANY)] + data_specs
                + weight_specs,
                out_specs=out_spec,
                out_shape=out_shape,
                input_output_aliases={0: 0},
            )(out, h_s, edge_ij, triple_dist_ij, triple_dist_ik, a_col,
              *weights)
        row_off += n_rows
    return out

# --- scband reference (transcript-rebuilt; emitter-appended) ---
"""Pipeline reference for scband-three-body-19593640804836 (READ-ONLY COPY).

The authoritative reference and input builder live on the scoring server;
editing this copy changes nothing except your own understanding.
"""

import jax, jax.numpy as jnp
import numpy as np

N = 10000
M = 320000
L = 320000
ATOM = 128
NBR = 128


def _linear_params(key, fan_in, fan_out):
    k1, k2 = jax.random.split(key)
    s = 1.0 / np.sqrt(fan_in)
    W = jax.random.uniform(k1, (fan_in, fan_out), minval=-s, maxval=s, dtype=jnp.float32)
    b = jax.random.uniform(k2, (fan_out,), minval=-s, maxval=s, dtype=jnp.float32)
    return W, b


def setup_inputs(seed: int = 0):
    key = jax.random.key(seed)
    ks = jax.random.split(key, 16)
    inp = {}
    inp["atom_fea"] = jax.random.normal(ks[0], (N, ATOM), dtype=jnp.float32)
    inp["edge_ij"] = jax.random.normal(ks[1], (M, NBR), dtype=jnp.float32)
    inp["triple_dist_ij"] = jax.random.uniform(ks[2], (L, 16), dtype=jnp.float32)
    inp["triple_dist_ik"] = jax.random.uniform(ks[3], (L, 16), dtype=jnp.float32)
    inp["triple_a_jik"] = jax.random.uniform(ks[4], (L,), dtype=jnp.float32)
    inp["nbr_atoms"] = jax.random.randint(ks[5], (M, 2), 0, N, dtype=jnp.int32)
    inp["bond_pairs_indices"] = jax.random.randint(ks[6], (L, 2), 0, M, dtype=jnp.int32)
    inp["n_bond_pairs_bond"] = jnp.ones((M,), dtype=jnp.int32)
    inp["W_angle"], inp["b_angle"] = _linear_params(ks[7], 1, NBR)
    inp["W_bk"], inp["b_bk"] = _linear_params(ks[8], 16, NBR)
    inp["W_bj"], inp["b_bj"] = _linear_params(ks[9], 16, NBR)
    inp["W_fea"], inp["b_fea"] = _linear_params(ks[10], 3 * ATOM + 2 * NBR, NBR)
    inp["W_1"], inp["b_1"] = _linear_params(ks[11], NBR, NBR)
    inp["W_2"], inp["b_2"] = _linear_params(ks[12], NBR, NBR)
    return inp


def _silu(x):
    return x * jax.nn.sigmoid(x)


def reference(atom_fea, edge_ij, triple_dist_ij, triple_dist_ik, triple_a_jik,
              nbr_atoms, bond_pairs_indices, n_bond_pairs_bond,
              W_angle, b_angle, W_bk, b_bk, W_bj, b_bj,
              W_fea, b_fea, W_1, b_1, W_2, b_2):
    ti = jnp.take(nbr_atoms[:, 0], bond_pairs_indices[:, 1], axis=0)
    tj = jnp.take(nbr_atoms[:, 1], bond_pairs_indices[:, 0], axis=0)
    tk = jnp.take(nbr_atoms[:, 1], bond_pairs_indices[:, 1], axis=0)
    fea = jnp.concatenate([
        jnp.take(atom_fea, ti, axis=0),
        jnp.take(atom_fea, tj, axis=0),
        jnp.take(atom_fea, tk, axis=0),
        jnp.take(edge_ij, bond_pairs_indices[:, 0], axis=0),
        jnp.take(edge_ij, bond_pairs_indices[:, 1], axis=0),
    ], axis=-1)
    fea = _silu(fea @ W_fea + b_fea)
    angles = triple_a_jik[:, None] @ W_angle + b_angle
    bk = triple_dist_ik @ W_bk + b_bk
    bj = triple_dist_ij @ W_bj + b_bj
    fea = jax.nn.sigmoid(fea @ W_1 + b_1) * _silu(fea @ W_2 + b_2) * bj * bk * angles
    idx = jnp.repeat(jnp.arange(n_bond_pairs_bond.shape[0]), n_bond_pairs_bond,
                     total_repeat_length=fea.shape[0])
    return edge_ij.at[idx].add(fea)

if __name__ == "__main__":
    import jax
    _d = setup_inputs()
    print(jax.jit(kernel)(*tuple(_d.values())))

</pallas_src>

<mosaic_0001>
#map = affine_map<(d0, d1) -> (0, 0)>
#map1 = affine_map<(d0, d1) -> (0)>
module attributes {stable_mosaic.version = 14 : i64} {
  func.func @sc_kernel(%arg0: i32, %arg1: i32, %arg2: memref<10000x128xf32, #tpu.memory_space<hbm>>, %arg3: memref<10000x128xf32, #tpu.memory_space<hbm>>, %arg4: memref<10000x128xf32, #tpu.memory_space<hbm>>, %arg5: memref<320000x128xf32, #tpu.memory_space<hbm>>, %arg6: memref<320000x128xf32, #tpu.memory_space<hbm>>, %arg7: memref<1600000xi32, #tpu.memory_space<hbm>>, %arg8: memref<230400x128xf32, #tpu.memory_space<hbm>>, %arg9: memref<400xi32, #tpu.memory_space<vmem>>, %arg10: memref<400xi32, #tpu.memory_space<vmem>>, %arg11: memref<400xi32, #tpu.memory_space<vmem>>, %arg12: memref<80x128xf32, #tpu.memory_space<vmem>>, %arg13: memref<80x128xf32, #tpu.memory_space<vmem>>, %arg14: memref<80x128xf32, #tpu.memory_space<vmem>>, %arg15: memref<!tpu.dma_semaphore, #tpu.memory_space<semaphore_mem>>, %arg16: memref<!tpu.dma_semaphore, #tpu.memory_space<semaphore_mem>>, %arg17: memref<!tpu.dma_semaphore, #tpu.memory_space<semaphore_mem>>, %arg18: memref<!tpu.dma_semaphore, #tpu.memory_space<semaphore_mem>>, %arg19: memref<!tpu.dma_semaphore, #tpu.memory_space<semaphore_mem>>, %arg20: memref<!tpu.dma_semaphore, #tpu.memory_space<semaphore_mem>>, %arg21: memref<!tpu.dma_semaphore, #tpu.memory_space<semaphore_mem>>, %arg22: memref<!tpu.dma_semaphore, #tpu.memory_space<semaphore_mem>>, %arg23: memref<!tpu.dma_semaphore, #tpu.memory_space<semaphore_mem>>, %arg24: memref<!tpu.dma_semaphore, #tpu.memory_space<semaphore_mem>>, %arg25: memref<!tpu.dma_semaphore, #tpu.memory_space<semaphore_mem>>, %arg26: memref<!tpu.dma_semaphore, #tpu.memory_space<semaphore_mem>>) attributes {dimension_semantics = [#tpu.dimension_semantics<core_parallel>, #tpu.dimension_semantics<subcore_parallel>], iteration_bounds = array<i64: 2, 16>, scalar_prefetch = 0 : i64, scratch_operands = 18 : i64, tpu.core_type = #tpu.core_type<sc_vector_subcore>, window_params = [{transform_indices = #map}, {transform_indices = #map}, {transform_indices = #map}, {transform_indices = #map}, {transform_indices = #map}, {transform_indices = #map1}, {transform_indices = #map}]} {
    %mul3A = arith.constant 2 : i32
    %mul3A_0 = arith.muli %arg1, %mul3A : i32
    %add3A = arith.addi %mul3A_0, %arg0 : i32
    %mul3A_1 = arith.constant 7200 : i32
    %mul3A_2 = arith.muli %add3A, %mul3A_1 : i32
    %add3A_3 = arith.constant 0 : i32
    %add3A_4 = arith.addi %add3A_3, %mul3A_2 : i32
    %mul3A_5 = arith.constant 7200 : i32
    %mul3A_6 = arith.muli %add3A, %mul3A_5 : i32
    %jit3A = arith.constant 80 : i32
    %div3A = arith.divsi %add3A_4, %jit3A : i32
    %sign3A = arith.constant 0 : i32
    %sign3A_7 = arith.cmpi sgt, %add3A_4, %sign3A : i32
    %sign3A_8 = arith.extui %sign3A_7 : i1 to i32
    %sign3A_9 = arith.constant 0 : i32
    %sign3A_10 = arith.cmpi slt, %add3A_4, %sign3A_9 : i32
    %sign3A_11 = arith.extui %sign3A_10 : i1 to i32
    %sign3A_12 = arith.subi %sign3A_8, %sign3A_11 : i32
    %sign3A_13 = arith.constant 0 : i32
    %sign3A_14 = arith.cmpi sgt, %jit3A, %sign3A_13 : i32
    %sign3A_15 = arith.extui %sign3A_14 : i1 to i32
    %sign3A_16 = arith.constant 0 : i32
    %sign3A_17 = arith.cmpi slt, %jit3A, %sign3A_16 : i32
    %sign3A_18 = arith.extui %sign3A_17 : i1 to i32
    %sign3A_19 = arith.subi %sign3A_15, %sign3A_18 : i32
    %ne3A = arith.cmpi ne, %sign3A_12, %sign3A_19 : i32
    %rem3A = arith.remsi %add3A_4, %jit3A : i32
    %ne3A_20 = arith.constant 0 : i32
    %ne3A_21 = arith.cmpi ne, %rem3A, %ne3A_20 : i32
    %and3A = arith.andi %ne3A, %ne3A_21 : i1
    %sub3A = arith.constant 1 : i32
    %sub3A_22 = arith.subi %div3A, %sub3A : i32
    %select_n3A = arith.select %and3A, %sub3A_22, %div3A : i32
    %mul3A_23 = arith.constant 400 : i32
    %mul3A_24 = arith.muli %select_n3A, %mul3A_23 : i32
    %add3A_25 = arith.constant 0 : i32
    %add3A_26 = arith.addi %mul3A_24, %add3A_25 : i32
    %dma_start3A = tpu.memref_slice %arg7[%add3A_26] : memref<1600000xi32, #tpu.memory_space<hbm>> -> memref<400xi32, #tpu.memory_space<hbm>>
    %dma_start3A_27 = tpu.memref_slice %arg7[%add3A_26] : memref<1600000xi32, #tpu.memory_space<hbm>> -> memref<400xi32, #tpu.memory_space<hbm>>
    tpu.enqueue_dma source(%dma_start3A_27 : memref<400xi32, #tpu.memory_space<hbm>>) target(%arg9 : memref<400xi32, #tpu.memory_space<vmem>>) target_semaphore(%arg15 : memref<!tpu.dma_semaphore, #tpu.memory_space<semaphore_mem>>)
    %add3A_28 = arith.constant 400 : i32
    %add3A_29 = arith.addi %mul3A_24, %add3A_28 : i32
    %dma_start3A_30 = tpu.memref_slice %arg7[%add3A_29] : memref<1600000xi32, #tpu.memory_space<hbm>> -> memref<400xi32, #tpu.memory_space<hbm>>
    %dma_start3A_31 = tpu.memref_slice %arg7[%add3A_29] : memref<1600000xi32, #tpu.memory_space<hbm>> -> memref<400xi32, #tpu.memory_space<hbm>>
    tpu.enqueue_dma source(%dma_start3A_31 : memref<400xi32, #tpu.memory_space<hbm>>) target(%arg10 : memref<400xi32, #tpu.memory_space<vmem>>) target_semaphore(%arg16 : memref<!tpu.dma_semaphore, #tpu.memory_space<semaphore_mem>>)
    %dma_wait3A = arith.constant 0 : i32
    %dma_wait3A_32 = tpu.memref_slice %arg7[%dma_wait3A] : memref<1600000xi32, #tpu.memory_space<hbm>> -> memref<400xi32, #tpu.memory_space<hbm>>
    %dma_wait3A_33 = arith.constant 0 : i32
    %dma_wait3A_34 = tpu.memref_slice %arg7[%dma_wait3A_33] : memref<1600000xi32, #tpu.memory_space<hbm>> -> memref<400xi32, #tpu.memory_space<hbm>>
    tpu.wait_dma2 semaphore(%arg15 : memref<!tpu.dma_semaphore, #tpu.memory_space<semaphore_mem>>) src(%dma_wait3A_34 : memref<400xi32, #tpu.memory_space<hbm>>) dst(%arg9 : memref<400xi32, #tpu.memory_space<vmem>>)
    %dma_start3A_35 = arith.constant 0 : i32
    %dma_start3A_36 = tpu.memref_slice %arg9[%dma_start3A_35] : memref<400xi32, #tpu.memory_space<vmem>> -> memref<80xi32, #tpu.memory_space<vmem>>
    %dma_start3A_37 = arith.constant 0 : i32
    %dma_start3A_38 = arith.constant 0 : i32
    %dma_start3A_39 = tpu.memref_slice %arg2[%dma_start3A_37, %dma_start3A_38] : memref<10000x128xf32, #tpu.memory_space<hbm>> -> memref<10000x128xf32, #tpu.memory_space<hbm>>
    tpu.enqueue_indirect_dma source(%dma_start3A_39 : memref<10000x128xf32, #tpu.memory_space<hbm>>) target(%arg12 : memref<80x128xf32, #tpu.memory_space<vmem>>) offsets(%dma_start3A_36 : memref<80xi32, #tpu.memory_space<vmem>>) semaphore(%arg18 : memref<!tpu.dma_semaphore, #tpu.memory_space<semaphore_mem>>)
    %dma_wait3A_40 = arith.constant 0 : i32
    %dma_wait3A_41 = arith.constant 0 : i32
    %dma_wait3A_42 = tpu.memref_slice %arg2[%dma_wait3A_40, %dma_wait3A_41] : memref<10000x128xf32, #tpu.memory_space<hbm>> -> memref<80x128xf32, #tpu.memory_space<hbm>>
    %dma_wait3A_43 = arith.constant 0 : i32
    %dma_wait3A_44 = arith.constant 0 : i32
    %dma_wait3A_45 = tpu.memref_slice %arg2[%dma_wait3A_43, %dma_wait3A_44] : memref<10000x128xf32, #tpu.memory_space<hbm>> -> memref<80x128xf32, #tpu.memory_space<hbm>>
    tpu.wait_dma2 semaphore(%arg18 : memref<!tpu.dma_semaphore, #tpu.memory_space<semaphore_mem>>) src(%dma_wait3A_45 : memref<80x128xf32, #tpu.memory_space<hbm>>) dst(%arg12 : memref<80x128xf32, #tpu.memory_space<vmem>>)
    %dma_start3A_46 = arith.constant 80 : i32
    %dma_start3A_47 = tpu.memref_slice %arg9[%dma_start3A_46] : memref<400xi32, #tpu.memory_space<vmem>> -> memref<80xi32, #tpu.memory_space<vmem>>
    %dma_start3A_48 = arith.constant 0 : i32
    %dma_start3A_49 = arith.constant 0 : i32
    %dma_start3A_50 = tpu.memref_slice %arg3[%dma_start3A_48, %dma_start3A_49] : memref<10000x128xf32, #tpu.memory_space<hbm>> -> memref<10000x128xf32, #tpu.memory_space<hbm>>
    tpu.enqueue_indirect_dma source(%dma_start3A_50 : memref<10000x128xf32, #tpu.memory_space<hbm>>) target(%arg12 : memref<80x128xf32, #tpu.memory_space<vmem>>) offsets(%dma_start3A_47 : memref<80xi32, #tpu.memory_space<vmem>>) semaphore(%arg21 : memref<!tpu.dma_semaphore, #tpu.memory_space<semaphore_mem>>) {add = true}
    %dma_start3A_51 = arith.constant 160 : i32
    %dma_start3A_52 = tpu.memref_slice %arg9[%dma_start3A_51] : memref<400xi32, #tpu.memory_space<vmem>> -> memref<80xi32, #tpu.memory_space<vmem>>
    %dma_start3A_53 = arith.constant 0 : i32
    %dma_start3A_54 = arith.constant 0 : i32
    %dma_start3A_55 = tpu.memref_slice %arg4[%dma_start3A_53, %dma_start3A_54] : memref<10000x128xf32, #tpu.memory_space<hbm>> -> memref<10000x128xf32, #tpu.memory_space<hbm>>
    tpu.enqueue_indirect_dma source(%dma_start3A_55 : memref<10000x128xf32, #tpu.memory_space<hbm>>) target(%arg12 : memref<80x128xf32, #tpu.memory_space<vmem>>) offsets(%dma_start3A_52 : memref<80xi32, #tpu.memory_space<vmem>>) semaphore(%arg21 : memref<!tpu.dma_semaphore, #tpu.memory_space<semaphore_mem>>) {add = true}
    %dma_start3A_56 = arith.constant 240 : i32
    %dma_start3A_57 = tpu.memref_slice %arg9[%dma_start3A_56] : memref<400xi32, #tpu.memory_space<vmem>> -> memref<80xi32, #tpu.memory_space<vmem>>
    %dma_start3A_58 = arith.constant 0 : i32
    %dma_start3A_59 = arith.constant 0 : i32
    %dma_start3A_60 = tpu.memref_slice %arg5[%dma_start3A_58, %dma_start3A_59] : memref<320000x128xf32, #tpu.memory_space<hbm>> -> memref<320000x128xf32, #tpu.memory_space<hbm>>
    tpu.enqueue_indirect_dma source(%dma_start3A_60 : memref<320000x128xf32, #tpu.memory_space<hbm>>) target(%arg12 : memref<80x128xf32, #tpu.memory_space<vmem>>) offsets(%dma_start3A_57 : memref<80xi32, #tpu.memory_space<vmem>>) semaphore(%arg21 : memref<!tpu.dma_semaphore, #tpu.memory_space<semaphore_mem>>) {add = true}
    %dma_start3A_61 = arith.constant 320 : i32
    %dma_start3A_62 = tpu.memref_slice %arg9[%dma_start3A_61] : memref<400xi32, #tpu.memory_space<vmem>> -> memref<80xi32, #tpu.memory_space<vmem>>
    %dma_start3A_63 = arith.constant 0 : i32
    %dma_start3A_64 = arith.constant 0 : i32
    %dma_start3A_65 = tpu.memref_slice %arg6[%dma_start3A_63, %dma_start3A_64] : memref<320000x128xf32, #tpu.memory_space<hbm>> -> memref<320000x128xf32, #tpu.memory_space<hbm>>
    tpu.enqueue_indirect_dma source(%dma_start3A_65 : memref<320000x128xf32, #tpu.memory_space<hbm>>) target(%arg12 : memref<80x128xf32, #tpu.memory_space<vmem>>) offsets(%dma_start3A_62 : memref<80xi32, #tpu.memory_space<vmem>>) semaphore(%arg21 : memref<!tpu.dma_semaphore, #tpu.memory_space<semaphore_mem>>) {add = true}
    %dma_wait3A_66 = arith.constant 0 : i32
    %dma_wait3A_67 = tpu.memref_slice %arg7[%dma_wait3A_66] : memref<1600000xi32, #tpu.memory_space<hbm>> -> memref<400xi32, #tpu.memory_space<hbm>>
    %dma_wait3A_68 = arith.constant 0 : i32
    %dma_wait3A_69 = tpu.memref_slice %arg7[%dma_wait3A_68] : memref<1600000xi32, #tpu.memory_space<hbm>> -> memref<400xi32, #tpu.memory_space<hbm>>
    tpu.wait_dma2 semaphore(%arg16 : memref<!tpu.dma_semaphore, #tpu.memory_space<semaphore_mem>>) src(%dma_wait3A_69 : memref<400xi32, #tpu.memory_space<hbm>>) dst(%arg10 : memref<400xi32, #tpu.memory_space<vmem>>)
    %dma_start3A_70 = arith.constant 0 : i32
    %dma_start3A_71 = tpu.memref_slice %arg10[%dma_start3A_70] : memref<400xi32, #tpu.memory_space<vmem>> -> memref<80xi32, #tpu.memory_space<vmem>>
    %dma_start3A_72 = arith.constant 0 : i32
    %dma_start3A_73 = arith.constant 0 : i32
    %dma_start3A_74 = tpu.memref_slice %arg2[%dma_start3A_72, %dma_start3A_73] : memref<10000x128xf32, #tpu.memory_space<hbm>> -> memref<10000x128xf32, #tpu.memory_space<hbm>>
    tpu.enqueue_indirect_dma source(%dma_start3A_74 : memref<10000x128xf32, #tpu.memory_space<hbm>>) target(%arg13 : memref<80x128xf32, #tpu.memory_space<vmem>>) offsets(%dma_start3A_71 : memref<80xi32, #tpu.memory_space<vmem>>) semaphore(%arg19 : memref<!tpu.dma_semaphore, #tpu.memory_space<semaphore_mem>>)
    %add3A_75 = arith.constant 800 : i32
    %add3A_76 = arith.addi %mul3A_24, %add3A_75 : i32
    %dma_start3A_77 = tpu.memref_slice %arg7[%add3A_76] : memref<1600000xi32, #tpu.memory_space<hbm>> -> memref<400xi32, #tpu.memory_space<hbm>>
    %dma_start3A_78 = tpu.memref_slice %arg7[%add3A_76] : memref<1600000xi32, #tpu.memory_space<hbm>> -> memref<400xi32, #tpu.memory_space<hbm>>
    tpu.enqueue_dma source(%dma_start3A_78 : memref<400xi32, #tpu.memory_space<hbm>>) target(%arg11 : memref<400xi32, #tpu.memory_space<vmem>>) target_semaphore(%arg17 : memref<!tpu.dma_semaphore, #tpu.memory_space<semaphore_mem>>)
    %dma_wait3A_79 = arith.constant 0 : i32
    %dma_wait3A_80 = arith.constant 0 : i32
    %dma_wait3A_81 = tpu.memref_slice %arg2[%dma_wait3A_79, %dma_wait3A_80] : memref<10000x128xf32, #tpu.memory_space<hbm>> -> memref<80x128xf32, #tpu.memory_space<hbm>>
    %dma_wait3A_82 = arith.constant 0 : i32
    %dma_wait3A_83 = arith.constant 0 : i32
    %dma_wait3A_84 = tpu.memref_slice %arg2[%dma_wait3A_82, %dma_wait3A_83] : memref<10000x128xf32, #tpu.memory_space<hbm>> -> memref<80x128xf32, #tpu.memory_space<hbm>>
    tpu.wait_dma2 semaphore(%arg19 : memref<!tpu.dma_semaphore, #tpu.memory_space<semaphore_mem>>) src(%dma_wait3A_84 : memref<80x128xf32, #tpu.memory_space<hbm>>) dst(%arg13 : memref<80x128xf32, #tpu.memory_space<vmem>>)
    %dma_start3A_85 = arith.constant 80 : i32
    %dma_start3A_86 = tpu.memref_slice %arg10[%dma_start3A_85] : memref<400xi32, #tpu.memory_space<vmem>> -> memref<80xi32, #tpu.memory_space<vmem>>
    %dma_start3A_87 = arith.constant 0 : i32
    %dma_start3A_88 = arith.constant 0 : i32
    %dma_start3A_89 = tpu.memref_slice %arg3[%dma_start3A_87, %dma_start3A_88] : memref<10000x128xf32, #tpu.memory_space<hbm>> -> memref<10000x128xf32, #tpu.memory_space<hbm>>
    tpu.enqueue_indirect_dma source(%dma_start3A_89 : memref<10000x128xf32, #tpu.memory_space<hbm>>) target(%arg13 : memref<80x128xf32, #tpu.memory_space<vmem>>) offsets(%dma_start3A_86 : memref<80xi32, #tpu.memory_space<vmem>>) semaphore(%arg22 : memref<!tpu.dma_semaphore, #tpu.memory_space<semaphore_mem>>) {add = true}
    %dma_start3A_90 = arith.constant 160 : i32
    %dma_start3A_91 = tpu.memref_slice %arg10[%dma_start3A_90] : memref<400xi32, #tpu.memory_space<vmem>> -> memref<80xi32, #tpu.memory_space<vmem>>
    %dma_start3A_92 = arith.constant 0 : i32
    %dma_start3A_93 = arith.constant 0 : i32
    %dma_start3A_94 = tpu.memref_slice %arg4[%dma_start3A_92, %dma_start3A_93] : memref<10000x128xf32, #tpu.memory_space<hbm>> -> memref<10000x128xf32, #tpu.memory_space<hbm>>
    tpu.enqueue_indirect_dma source(%dma_start3A_94 : memref<10000x128xf32, #tpu.memory_space<hbm>>) target(%arg13 : memref<80x128xf32, #tpu.memory_space<vmem>>) offsets(%dma_start3A_91 : memref<80xi32, #tpu.memory_space<vmem>>) semaphore(%arg22 : memref<!tpu.dma_semaphore, #tpu.memory_space<semaphore_mem>>) {add = true}
    %dma_start3A_95 = arith.constant 240 : i32
    %dma_start3A_96 = tpu.memref_slice %arg10[%dma_start3A_95] : memref<400xi32, #tpu.memory_space<vmem>> -> memref<80xi32, #tpu.memory_space<vmem>>
    %dma_start3A_97 = arith.constant 0 : i32
    %dma_start3A_98 = arith.constant 0 : i32
    %dma_start3A_99 = tpu.memref_slice %arg5[%dma_start3A_97, %dma_start3A_98] : memref<320000x128xf32, #tpu.memory_space<hbm>> -> memref<320000x128xf32, #tpu.memory_space<hbm>>
    tpu.enqueue_indirect_dma source(%dma_start3A_99 : memref<320000x128xf32, #tpu.memory_space<hbm>>) target(%arg13 : memref<80x128xf32, #tpu.memory_space<vmem>>) offsets(%dma_start3A_96 : memref<80xi32, #tpu.memory_space<vmem>>) semaphore(%arg22 : memref<!tpu.dma_semaphore, #tpu.memory_space<semaphore_mem>>) {add = true}
    %dma_start3A_100 = arith.constant 320 : i32
    %dma_start3A_101 = tpu.memref_slice %arg10[%dma_start3A_100] : memref<400xi32, #tpu.memory_space<vmem>> -> memref<80xi32, #tpu.memory_space<vmem>>
    %dma_start3A_102 = arith.constant 0 : i32
    %dma_start3A_103 = arith.constant 0 : i32
    %dma_start3A_104 = tpu.memref_slice %arg6[%dma_start3A_102, %dma_start3A_103] : memref<320000x128xf32, #tpu.memory_space<hbm>> -> memref<320000x128xf32, #tpu.memory_space<hbm>>
    tpu.enqueue_indirect_dma source(%dma_start3A_104 : memref<320000x128xf32, #tpu.memory_space<hbm>>) target(%arg13 : memref<80x128xf32, #tpu.memory_space<vmem>>) offsets(%dma_start3A_101 : memref<80xi32, #tpu.memory_space<vmem>>) semaphore(%arg22 : memref<!tpu.dma_semaphore, #tpu.memory_space<semaphore_mem>>) {add = true}
    %dma_wait3A_105 = arith.constant 0 : i32
    %dma_wait3A_106 = tpu.memref_slice %arg7[%dma_wait3A_105] : memref<1600000xi32, #tpu.memory_space<hbm>> -> memref<400xi32, #tpu.memory_space<hbm>>
    %dma_wait3A_107 = arith.constant 0 : i32
    %dma_wait3A_108 = tpu.memref_slice %arg7[%dma_wait3A_107] : memref<1600000xi32, #tpu.memory_space<hbm>> -> memref<400xi32, #tpu.memory_space<hbm>>
    tpu.wait_dma2 semaphore(%arg17 : memref<!tpu.dma_semaphore, #tpu.memory_space<semaphore_mem>>) src(%dma_wait3A_108 : memref<400xi32, #tpu.memory_space<hbm>>) dst(%arg11 : memref<400xi32, #tpu.memory_space<vmem>>)
    %dma_start3A_109 = arith.constant 0 : i32
    %dma_start3A_110 = tpu.memref_slice %arg11[%dma_start3A_109] : memref<400xi32, #tpu.memory_space<vmem>> -> memref<80xi32, #tpu.memory_space<vmem>>
    %dma_start3A_111 = arith.constant 0 : i32
    %dma_start3A_112 = arith.constant 0 : i32
    %dma_start3A_113 = tpu.memref_slice %arg2[%dma_start3A_111, %dma_start3A_112] : memref<10000x128xf32, #tpu.memory_space<hbm>> -> memref<10000x128xf32, #tpu.memory_space<hbm>>
    tpu.enqueue_indirect_dma source(%dma_start3A_113 : memref<10000x128xf32, #tpu.memory_space<hbm>>) target(%arg14 : memref<80x128xf32, #tpu.memory_space<vmem>>) offsets(%dma_start3A_110 : memref<80xi32, #tpu.memory_space<vmem>>) semaphore(%arg20 : memref<!tpu.dma_semaphore, #tpu.memory_space<semaphore_mem>>)
    %dma_wait3A_114 = arith.constant 0 : i32
    %dma_wait3A_115 = arith.constant 0 : i32
    %dma_wait3A_116 = tpu.memref_slice %arg2[%dma_wait3A_114, %dma_wait3A_115] : memref<10000x128xf32, #tpu.memory_space<hbm>> -> memref<80x128xf32, #tpu.memory_space<hbm>>
    %dma_wait3A_117 = arith.constant 0 : i32
    %dma_wait3A_118 = arith.constant 0 : i32
    %dma_wait3A_119 = tpu.memref_slice %arg2[%dma_wait3A_117, %dma_wait3A_118] : memref<10000x128xf32, #tpu.memory_space<hbm>> -> memref<80x128xf32, #tpu.memory_space<hbm>>
    tpu.wait_dma2 semaphore(%arg21 : memref<!tpu.dma_semaphore, #tpu.memory_space<semaphore_mem>>) src(%dma_wait3A_119 : memref<80x128xf32, #tpu.memory_space<hbm>>) dst(%arg12 : memref<80x128xf32, #tpu.memory_space<vmem>>)
    %dma_wait3A_120 = arith.constant 0 : i32
    %dma_wait3A_121 = arith.constant 0 : i32
    %dma_wait3A_122 = tpu.memref_slice %arg2[%dma_wait3A_120, %dma_wait3A_121] : memref<10000x128xf32, #tpu.memory_space<hbm>> -> memref<80x128xf32, #tpu.memory_space<hbm>>
    %dma_wait3A_123 = arith.constant 0 : i32
    %dma_wait3A_124 = arith.constant 0 : i32
    %dma_wait3A_125 = tpu.memref_slice %arg2[%dma_wait3A_123, %dma_wait3A_124] : memref<10000x128xf32, #tpu.memory_space<hbm>> -> memref<80x128xf32, #tpu.memory_space<hbm>>
    tpu.wait_dma2 semaphore(%arg21 : memref<!tpu.dma_semaphore, #tpu.memory_space<semaphore_mem>>) src(%dma_wait3A_125 : memref<80x128xf32, #tpu.memory_space<hbm>>) dst(%arg12 : memref<80x128xf32, #tpu.memory_space<vmem>>)
    %dma_wait3A_126 = arith.constant 0 : i32
    %dma_wait3A_127 = arith.constant 0 : i32
    %dma_wait3A_128 = tpu.memref_slice %arg2[%dma_wait3A_126, %dma_wait3A_127] : memref<10000x128xf32, #tpu.memory_space<hbm>> -> memref<80x128xf32, #tpu.memory_space<hbm>>
    %dma_wait3A_129 = arith.constant 0 : i32
    %dma_wait3A_130 = arith.constant 0 : i32
    %dma_wait3A_131 = tpu.memref_slice %arg2[%dma_wait3A_129, %dma_wait3A_130] : memref<10000x128xf32, #tpu.memory_space<hbm>> -> memref<80x128xf32, #tpu.memory_space<hbm>>
    tpu.wait_dma2 semaphore(%arg21 : memref<!tpu.dma_semaphore, #tpu.memory_space<semaphore_mem>>) src(%dma_wait3A_131 : memref<80x128xf32, #tpu.memory_space<hbm>>) dst(%arg12 : memref<80x128xf32, #tpu.memory_space<vmem>>)
    %dma_wait3A_132 = arith.constant 0 : i32
    %dma_wait3A_133 = arith.constant 0 : i32
    %dma_wait3A_134 = tpu.memref_slice %arg2[%dma_wait3A_132, %dma_wait3A_133] : memref<10000x128xf32, #tpu.memory_space<hbm>> -> memref<80x128xf32, #tpu.memory_space<hbm>>
    %dma_wait3A_135 = arith.constant 0 : i32
    %dma_wait3A_136 = arith.constant 0 : i32
    %dma_wait3A_137 = tpu.memref_slice %arg2[%dma_wait3A_135, %dma_wait3A_136] : memref<10000x128xf32, #tpu.memory_space<hbm>> -> memref<80x128xf32, #tpu.memory_space<hbm>>
    tpu.wait_dma2 semaphore(%arg21 : memref<!tpu.dma_semaphore, #tpu.memory_space<semaphore_mem>>) src(%dma_wait3A_137 : memref<80x128xf32, #tpu.memory_space<hbm>>) dst(%arg12 : memref<80x128xf32, #tpu.memory_space<vmem>>)
    %add3A_138 = arith.constant 0 : i32
    %add3A_139 = arith.addi %mul3A_6, %add3A_138 : i32
    %dma_start3A_140 = arith.constant 0 : i32
    %dma_start3A_141 = tpu.memref_slice %arg8[%add3A_139, %dma_start3A_140] : memref<230400x128xf32, #tpu.memory_space<hbm>> -> memref<80x128xf32, #tpu.memory_space<hbm>>
    %dma_start3A_142 = arith.constant 0 : i32
    %dma_start3A_143 = tpu.memref_slice %arg8[%add3A_139, %dma_start3A_142] : memref<230400x128xf32, #tpu.memory_space<hbm>> -> memref<80x128xf32, #tpu.memory_space<hbm>>
    tpu.enqueue_dma source(%arg12 : memref<80x128xf32, #tpu.memory_space<vmem>>) target(%dma_start3A_143 : memref<80x128xf32, #tpu.memory_space<hbm>>) target_semaphore(%arg24 : memref<!tpu.dma_semaphore, #tpu.memory_space<semaphore_mem>>)
    %add3A_144 = arith.constant 1200 : i32
    %add3A_145 = arith.addi %mul3A_24, %add3A_144 : i32
    %dma_start3A_146 = tpu.memref_slice %arg7[%add3A_145] : memref<1600000xi32, #tpu.memory_space<hbm>> -> memref<400xi32, #tpu.memory_space<hbm>>
    %dma_start3A_147 = tpu.memref_slice %arg7[%add3A_145] : memref<1600000xi32, #tpu.memory_space<hbm>> -> memref<400xi32, #tpu.memory_space<hbm>>
    tpu.enqueue_dma source(%dma_start3A_147 : memref<400xi32, #tpu.memory_space<hbm>>) target(%arg9 : memref<400xi32, #tpu.memory_space<vmem>>) target_semaphore(%arg15 : memref<!tpu.dma_semaphore, #tpu.memory_space<semaphore_mem>>)
    %scan3A = arith.constant 0 : i32
    %scan3A_148 = arith.constant 0 : i32
    %scan3A_149 = arith.constant 28 : i32
    %scan3A_150 = arith.addi %scan3A_148, %scan3A_149 : i32
    %scan3A_151 = arith.constant 1 : i32
    scf.for %scan3A_478 = %scan3A_148 to %scan3A_150 step %scan3A_151  : i32 {
      %mul3A_479 = arith.constant 3 : i32
      %mul3A_480 = arith.muli %mul3A_479, %scan3A_478 : i32
      %add3A_481 = arith.constant 2 : i32
      %add3A_482 = arith.addi %mul3A_480, %add3A_481 : i32
      %dma_wait3A_483 = arith.constant 0 : i32
      %dma_wait3A_484 = arith.constant 0 : i32
      %dma_wait3A_485 = tpu.memref_slice %arg2[%dma_wait3A_483, %dma_wait3A_484] : memref<10000x128xf32, #tpu.memory_space<hbm>> -> memref<80x128xf32, #tpu.memory_space<hbm>>
      %dma_wait3A_486 = arith.constant 0 : i32
      %dma_wait3A_487 = arith.constant 0 : i32
      %dma_wait3A_488 = tpu.memref_slice %arg2[%dma_wait3A_486, %dma_wait3A_487] : memref<10000x128xf32, #tpu.memory_space<hbm>> -> memref<80x128xf32, #tpu.memory_space<hbm>>
      tpu.wait_dma2 semaphore(%arg20 : memref<!tpu.dma_semaphore, #tpu.memory_space<semaphore_mem>>) src(%dma_wait3A_488 : memref<80x128xf32, #tpu.memory_space<hbm>>) dst(%arg14 : memref<80x128xf32, #tpu.memory_space<vmem>>)
      %dma_start3A_489 = arith.constant 80 : i32
      %dma_start3A_490 = tpu.memref_slice %arg11[%dma_start3A_489] : memref<400xi32, #tpu.memory_space<vmem>> -> memref<80xi32, #tpu.memory_space<vmem>>
      %dma_start3A_491 = arith.constant 0 : i32
      %dma_start3A_492 = arith.constant 0 : i32
      %dma_start3A_493 = tpu.memref_slice %arg3[%dma_start3A_491, %dma_start3A_492] : memref<10000x128xf32, #tpu.memory_space<hbm>> -> memref<10000x128xf32, #tpu.memory_space<hbm>>
      tpu.enqueue_indirect_dma source(%dma_start3A_493 : memref<10000x128xf32, #tpu.memory_space<hbm>>) target(%arg14 : memref<80x128xf32, #tpu.memory_space<vmem>>) offsets(%dma_start3A_490 : memref<80xi32, #tpu.memory_space<vmem>>) semaphore(%arg23 : memref<!tpu.dma_semaphore, #tpu.memory_space<semaphore_mem>>) {add = true}
      %dma_start3A_494 = arith.constant 160 : i32
      %dma_start3A_495 = tpu.memref_slice %arg11[%dma_start3A_494] : memref<400xi32, #tpu.memory_space<vmem>> -> memref<80xi32, #tpu.memory_space<vmem>>
      %dma_start3A_496 = arith.constant 0 : i32
      %dma_start3A_497 = arith.constant 0 : i32
      %dma_start3A_498 = tpu.memref_slice %arg4[%dma_start3A_496, %dma_start3A_497] : memref<10000x128xf32, #tpu.memory_space<hbm>> -> memref<10000x128xf32, #tpu.memory_space<hbm>>
      tpu.enqueue_indirect_dma source(%dma_start3A_498 : memref<10000x128xf32, #tpu.memory_space<hbm>>) target(%arg14 : memref<80x128xf32, #tpu.memory_space<vmem>>) offsets(%dma_start3A_495 : memref<80xi32, #tpu.memory_space<vmem>>) semaphore(%arg23 : memref<!tpu.dma_semaphore, #tpu.memory_space<semaphore_mem>>) {add = true}
      %dma_start3A_499 = arith.constant 240 : i32
      %dma_start3A_500 = tpu.memref_slice %arg11[%dma_start3A_499] : memref<400xi32, #tpu.memory_space<vmem>> -> memref<80xi32, #tpu.memory_space<vmem>>
      %dma_start3A_501 = arith.constant 0 : i32
      %dma_start3A_502 = arith.constant 0 : i32
      %dma_start3A_503 = tpu.memref_slice %arg5[%dma_start3A_501, %dma_start3A_502] : memref<320000x128xf32, #tpu.memory_space<hbm>> -> memref<320000x128xf32, #tpu.memory_space<hbm>>
      tpu.enqueue_indirect_dma source(%dma_start3A_503 : memref<320000x128xf32, #tpu.memory_space<hbm>>) target(%arg14 : memref<80x128xf32, #tpu.memory_space<vmem>>) offsets(%dma_start3A_500 : memref<80xi32, #tpu.memory_space<vmem>>) semaphore(%arg23 : memref<!tpu.dma_semaphore, #tpu.memory_space<semaphore_mem>>) {add = true}
      %dma_start3A_504 = arith.constant 320 : i32
      %dma_start3A_505 = tpu.memref_slice %arg11[%dma_start3A_504] : memref<400xi32, #tpu.memory_space<vmem>> -> memref<80xi32, #tpu.memory_space<vmem>>
      %dma_start3A_506 = arith.constant 0 : i32
      %dma_start3A_507 = arith.constant 0 : i32
      %dma_start3A_508 = tpu.memref_slice %arg6[%dma_start3A_506, %dma_start3A_507] : memref<320000x128xf32, #tpu.memory_space<hbm>> -> memref<320000x128xf32, #tpu.memory_space<hbm>>
      tpu.enqueue_indirect_dma source(%dma_start3A_508 : memref<320000x128xf32, #tpu.memory_space<hbm>>) target(%arg14 : memref<80x128xf32, #tpu.memory_space<vmem>>) offsets(%dma_start3A_505 : memref<80xi32, #tpu.memory_space<vmem>>) semaphore(%arg23 : memref<!tpu.dma_semaphore, #tpu.memory_space<semaphore_mem>>) {add = true}
      %dma_wait3A_509 = arith.constant 0 : i32
      %dma_wait3A_510 = tpu.memref_slice %arg7[%dma_wait3A_509] : memref<1600000xi32, #tpu.memory_space<hbm>> -> memref<400xi32, #tpu.memory_space<hbm>>
      %dma_wait3A_511 = arith.constant 0 : i32
      %dma_wait3A_512 = tpu.memref_slice %arg7[%dma_wait3A_511] : memref<1600000xi32, #tpu.memory_space<hbm>> -> memref<400xi32, #tpu.memory_space<hbm>>
      tpu.wait_dma2 semaphore(%arg15 : memref<!tpu.dma_semaphore, #tpu.memory_space<semaphore_mem>>) src(%dma_wait3A_512 : memref<400xi32, #tpu.memory_space<hbm>>) dst(%arg9 : memref<400xi32, #tpu.memory_space<vmem>>)
      %dma_wait3A_513 = arith.constant 0 : i32
      %dma_wait3A_514 = arith.constant 0 : i32
      %dma_wait3A_515 = tpu.memref_slice %arg8[%dma_wait3A_513, %dma_wait3A_514] : memref<230400x128xf32, #tpu.memory_space<hbm>> -> memref<80x128xf32, #tpu.memory_space<hbm>>
      %dma_wait3A_516 = arith.constant 0 : i32
      %dma_wait3A_517 = arith.constant 0 : i32
      %dma_wait3A_518 = tpu.memref_slice %arg8[%dma_wait3A_516, %dma_wait3A_517] : memref<230400x128xf32, #tpu.memory_space<hbm>> -> memref<80x128xf32, #tpu.memory_space<hbm>>
      tpu.wait_dma2 semaphore(%arg24 : memref<!tpu.dma_semaphore, #tpu.memory_space<semaphore_mem>>) src(%arg12 : memref<80x128xf32, #tpu.memory_space<vmem>>) dst(%dma_wait3A_518 : memref<80x128xf32, #tpu.memory_space<hbm>>)
      %add3A_519 = arith.constant 1 : i32
      %add3A_520 = arith.addi %add3A_482, %add3A_519 : i32
      %dma_start3A_521 = arith.constant 0 : i32
      %dma_start3A_522 = tpu.memref_slice %arg9[%dma_start3A_521] : memref<400xi32, #tpu.memory_space<vmem>> -> memref<80xi32, #tpu.memory_space<vmem>>
      %dma_start3A_523 = arith.constant 0 : i32
      %dma_start3A_524 = arith.constant 0 : i32
      %dma_start3A_525 = tpu.memref_slice %arg2[%dma_start3A_523, %dma_start3A_524] : memref<10000x128xf32, #tpu.memory_space<hbm>> -> memref<10000x128xf32, #tpu.memory_space<hbm>>
      tpu.enqueue_indirect_dma source(%dma_start3A_525 : memref<10000x128xf32, #tpu.memory_space<hbm>>) target(%arg12 : memref<80x128xf32, #tpu.memory_space<vmem>>) offsets(%dma_start3A_522 : memref<80xi32, #tpu.memory_space<vmem>>) semaphore(%arg18 : memref<!tpu.dma_semaphore, #tpu.memory_space<semaphore_mem>>)
      %dma_wait3A_526 = arith.constant 0 : i32
      %dma_wait3A_527 = arith.constant 0 : i32
      %dma_wait3A_528 = tpu.memref_slice %arg2[%dma_wait3A_526, %dma_wait3A_527] : memref<10000x128xf32, #tpu.memory_space<hbm>> -> memref<80x128xf32, #tpu.memory_space<hbm>>
      %dma_wait3A_529 = arith.constant 0 : i32
      %dma_wait3A_530 = arith.constant 0 : i32
      %dma_wait3A_531 = tpu.memref_slice %arg2[%dma_wait3A_529, %dma_wait3A_530] : memref<10000x128xf32, #tpu.memory_space<hbm>> -> memref<80x128xf32, #tpu.memory_space<hbm>>
      tpu.wait_dma2 semaphore(%arg22 : memref<!tpu.dma_semaphore, #tpu.memory_space<semaphore_mem>>) src(%dma_wait3A_531 : memref<80x128xf32, #tpu.memory_space<hbm>>) dst(%arg13 : memref<80x128xf32, #tpu.memory_space<vmem>>)
      %dma_wait3A_532 = arith.constant 0 : i32
      %dma_wait3A_533 = arith.constant 0 : i32
      %dma_wait3A_534 = tpu.memref_slice %arg2[%dma_wait3A_532, %dma_wait3A_533] : memref<10000x128xf32, #tpu.memory_space<hbm>> -> memref<80x128xf32, #tpu.memory_space<hbm>>
      %dma_wait3A_535 = arith.constant 0 : i32
      %dma_wait3A_536 = arith.constant 0 : i32
      %dma_wait3A_537 = tpu.memref_slice %arg2[%dma_wait3A_535, %dma_wait3A_536] : memref<10000x128xf32, #tpu.memory_space<hbm>> -> memref<80x128xf32, #tpu.memory_space<hbm>>
      tpu.wait_dma2 semaphore(%arg22 : memref<!tpu.dma_semaphore, #tpu.memory_space<semaphore_mem>>) src(%dma_wait3A_537 : memref<80x128xf32, #tpu.memory_space<hbm>>) dst(%arg13 : memref<80x128xf32, #tpu.memory_space<vmem>>)
      %dma_wait3A_538 = arith.constant 0 : i32
      %dma_wait3A_539 = arith.constant 0 : i32
      %dma_wait3A_540 = tpu.memref_slice %arg2[%dma_wait3A_538, %dma_wait3A_539] : memref<10000x128xf32, #tpu.memory_space<hbm>> -> memref<80x128xf32, #tpu.memory_space<hbm>>
      %dma_wait3A_541 = arith.constant 0 : i32
      %dma_wait3A_542 = arith.constant 0 : i32
      %dma_wait3A_543 = tpu.memref_slice %arg2[%dma_wait3A_541, %dma_wait3A_542] : memref<10000x128xf32, #tpu.memory_space<hbm>> -> memref<80x128xf32, #tpu.memory_space<hbm>>
      tpu.wait_dma2 semaphore(%arg22 : memref<!tpu.dma_semaphore, #tpu.memory_space<semaphore_mem>>) src(%dma_wait3A_543 : memref<80x128xf32, #tpu.memory_space<hbm>>) dst(%arg13 : memref<80x128xf32, #tpu.memory_space<vmem>>)
      %dma_wait3A_544 = arith.constant 0 : i32
      %dma_wait3A_545 = arith.constant 0 : i32
      %dma_wait3A_546 = tpu.memref_slice %arg2[%dma_wait3A_544, %dma_wait3A_545] : memref<10000x128xf32, #tpu.memory_space<hbm>> -> memref<80x128xf32, #tpu.memory_space<hbm>>
      %dma_wait3A_547 = arith.constant 0 : i32
      %dma_wait3A_548 = arith.constant 0 : i32
      %dma_wait3A_549 = tpu.memref_slice %arg2[%dma_wait3A_547, %dma_wait3A_548] : memref<10000x128xf32, #tpu.memory_space<hbm>> -> memref<80x128xf32, #tpu.memory_space<hbm>>
      tpu.wait_dma2 semaphore(%arg22 : memref<!tpu.dma_semaphore, #tpu.memory_space<semaphore_mem>>) src(%dma_wait3A_549 : memref<80x128xf32, #tpu.memory_space<hbm>>) dst(%arg13 : memref<80x128xf32, #tpu.memory_space<vmem>>)
      %sub3A_550 = arith.constant 1 : i32
      %sub3A_551 = arith.subi %add3A_482, %sub3A_550 : i32
      %mul3A_552 = arith.constant 80 : i32
      %mul3A_553 = arith.muli %sub3A_551, %mul3A_552 : i32
      %add3A_554 = arith.addi %mul3A_6, %mul3A_553 : i32
      %dma_start3A_555 = arith.constant 0 : i32
      %dma_start3A_556 = tpu.memref_slice %arg8[%add3A_554, %dma_start3A_555] : memref<230400x128xf32, #tpu.memory_space<hbm>> -> memref<80x128xf32, #tpu.memory_space<hbm>>
      %dma_start3A_557 = arith.constant 0 : i32
      %dma_start3A_558 = tpu.memref_slice %arg8[%add3A_554, %dma_start3A_557] : memref<230400x128xf32, #tpu.memory_space<hbm>> -> memref<80x128xf32, #tpu.memory_space<hbm>>
      tpu.enqueue_dma source(%arg13 : memref<80x128xf32, #tpu.memory_space<vmem>>) target(%dma_start3A_558 : memref<80x128xf32, #tpu.memory_space<hbm>>) target_semaphore(%arg25 : memref<!tpu.dma_semaphore, #tpu.memory_space<semaphore_mem>>)
      %add3A_559 = arith.constant 2 : i32
      %add3A_560 = arith.addi %add3A_482, %add3A_559 : i32
      %mul3A_561 = arith.constant 400 : i32
      %mul3A_562 = arith.muli %add3A_560, %mul3A_561 : i32
      %add3A_563 = arith.addi %mul3A_24, %mul3A_562 : i32
      %dma_start3A_564 = tpu.memref_slice %arg7[%add3A_563] : memref<1600000xi32, #tpu.memory_space<hbm>> -> memref<400xi32, #tpu.memory_space<hbm>>
      %dma_start3A_565 = tpu.memref_slice %arg7[%add3A_563] : memref<1600000xi32, #tpu.memory_space<hbm>> -> memref<400xi32, #tpu.memory_space<hbm>>
      tpu.enqueue_dma source(%dma_start3A_565 : memref<400xi32, #tpu.memory_space<hbm>>) target(%arg10 : memref<400xi32, #tpu.memory_space<vmem>>) target_semaphore(%arg16 : memref<!tpu.dma_semaphore, #tpu.memory_space<semaphore_mem>>)
      %add3A_566 = arith.constant 1 : i32
      %add3A_567 = arith.addi %add3A_482, %add3A_566 : i32
      %dma_wait3A_568 = arith.constant 0 : i32
      %dma_wait3A_569 = arith.constant 0 : i32
      %dma_wait3A_570 = tpu.memref_slice %arg2[%dma_wait3A_568, %dma_wait3A_569] : memref<10000x128xf32, #tpu.memory_space<hbm>> -> memref<80x128xf32, #tpu.memory_space<hbm>>
      %dma_wait3A_571 = arith.constant 0 : i32
      %dma_wait3A_572 = arith.constant 0 : i32
      %dma_wait3A_573 = tpu.memref_slice %arg2[%dma_wait3A_571, %dma_wait3A_572] : memref<10000x128xf32, #tpu.memory_space<hbm>> -> memref<80x128xf32, #tpu.memory_space<hbm>>
      tpu.wait_dma2 semaphore(%arg18 : memref<!tpu.dma_semaphore, #tpu.memory_space<semaphore_mem>>) src(%dma_wait3A_573 : memref<80x128xf32, #tpu.memory_space<hbm>>) dst(%arg12 : memref<80x128xf32, #tpu.memory_space<vmem>>)
      %dma_start3A_574 = arith.constant 80 : i32
      %dma_start3A_575 = tpu.memref_slice %arg9[%dma_start3A_574] : memref<400xi32, #tpu.memory_space<vmem>> -> memref<80xi32, #tpu.memory_space<vmem>>
      %dma_start3A_576 = arith.constant 0 : i32
      %dma_start3A_577 = arith.constant 0 : i32
      %dma_start3A_578 = tpu.memref_slice %arg3[%dma_start3A_576, %dma_start3A_577] : memref<10000x128xf32, #tpu.memory_space<hbm>> -> memref<10000x128xf32, #tpu.memory_space<hbm>>
      tpu.enqueue_indirect_dma source(%dma_start3A_578 : memref<10000x128xf32, #tpu.memory_space<hbm>>) target(%arg12 : memref<80x128xf32, #tpu.memory_space<vmem>>) offsets(%dma_start3A_575 : memref<80xi32, #tpu.memory_space<vmem>>) semaphore(%arg21 : memref<!tpu.dma_semaphore, #tpu.memory_space<semaphore_mem>>) {add = true}
      %dma_start3A_579 = arith.constant 160 : i32
      %dma_start3A_580 = tpu.memref_slice %arg9[%dma_start3A_579] : memref<400xi32, #tpu.memory_space<vmem>> -> memref<80xi32, #tpu.memory_space<vmem>>
      %dma_start3A_581 = arith.constant 0 : i32
      %dma_start3A_582 = arith.constant 0 : i32
      %dma_start3A_583 = tpu.memref_slice %arg4[%dma_start3A_581, %dma_start3A_582] : memref<10000x128xf32, #tpu.memory_space<hbm>> -> memref<10000x128xf32, #tpu.memory_space<hbm>>
      tpu.enqueue_indirect_dma source(%dma_start3A_583 : memref<10000x128xf32, #tpu.memory_space<hbm>>) target(%arg12 : memref<80x128xf32, #tpu.memory_space<vmem>>) offsets(%dma_start3A_580 : memref<80xi32, #tpu.memory_space<vmem>>) semaphore(%arg21 : memref<!tpu.dma_semaphore, #tpu.memory_space<semaphore_mem>>) {add = true}
      %dma_start3A_584 = arith.constant 240 : i32
      %dma_start3A_585 = tpu.memref_slice %arg9[%dma_start3A_584] : memref<400xi32, #tpu.memory_space<vmem>> -> memref<80xi32, #tpu.memory_space<vmem>>
      %dma_start3A_586 = arith.constant 0 : i32
      %dma_start3A_587 = arith.constant 0 : i32
      %dma_start3A_588 = tpu.memref_slice %arg5[%dma_start3A_586, %dma_start3A_587] : memref<320000x128xf32, #tpu.memory_space<hbm>> -> memref<320000x128xf32, #tpu.memory_space<hbm>>
      tpu.enqueue_indirect_dma source(%dma_start3A_588 : memref<320000x128xf32, #tpu.memory_space<hbm>>) target(%arg12 : memref<80x128xf32, #tpu.memory_space<vmem>>) offsets(%dma_start3A_585 : memref<80xi32, #tpu.memory_space<vmem>>) semaphore(%arg21 : memref<!tpu.dma_semaphore, #tpu.memory_space<semaphore_mem>>) {add = true}
      %dma_start3A_589 = arith.constant 320 : i32
      %dma_start3A_590 = tpu.memref_slice %arg9[%dma_start3A_589] : memref<400xi32, #tpu.memory_space<vmem>> -> memref<80xi32, #tpu.memory_space<vmem>>
      %dma_start3A_591 = arith.constant 0 : i32
      %dma_start3A_592 = arith.constant 0 : i32
      %dma_start3A_593 = tpu.memref_slice %arg6[%dma_start3A_591, %dma_start3A_592] : memref<320000x128xf32, #tpu.memory_space<hbm>> -> memref<320000x128xf32, #tpu.memory_space<hbm>>
      tpu.enqueue_indirect_dma source(%dma_start3A_593 : memref<320000x128xf32, #tpu.memory_space<hbm>>) target(%arg12 : memref<80x128xf32, #tpu.memory_space<vmem>>) offsets(%dma_start3A_590 : memref<80xi32, #tpu.memory_space<vmem>>) semaphore(%arg21 : memref<!tpu.dma_semaphore, #tpu.memory_space<semaphore_mem>>) {add = true}
      %dma_wait3A_594 = arith.constant 0 : i32
      %dma_wait3A_595 = tpu.memref_slice %arg7[%dma_wait3A_594] : memref<1600000xi32, #tpu.memory_space<hbm>> -> memref<400xi32, #tpu.memory_space<hbm>>
      %dma_wait3A_596 = arith.constant 0 : i32
      %dma_wait3A_597 = tpu.memref_slice %arg7[%dma_wait3A_596] : memref<1600000xi32, #tpu.memory_space<hbm>> -> memref<400xi32, #tpu.memory_space<hbm>>
      tpu.wait_dma2 semaphore(%arg16 : memref<!tpu.dma_semaphore, #tpu.memory_space<semaphore_mem>>) src(%dma_wait3A_597 : memref<400xi32, #tpu.memory_space<hbm>>) dst(%arg10 : memref<400xi32, #tpu.memory_space<vmem>>)
      %dma_wait3A_598 = arith.constant 0 : i32
      %dma_wait3A_599 = arith.constant 0 : i32
      %dma_wait3A_600 = tpu.memref_slice %arg8[%dma_wait3A_598, %dma_wait3A_599] : memref<230400x128xf32, #tpu.memory_space<hbm>> -> memref<80x128xf32, #tpu.memory_space<hbm>>
      %dma_wait3A_601 = arith.constant 0 : i32
      %dma_wait3A_602 = arith.constant 0 : i32
      %dma_wait3A_603 = tpu.memref_slice %arg8[%dma_wait3A_601, %dma_wait3A_602] : memref<230400x128xf32, #tpu.memory_space<hbm>> -> memref<80x128xf32, #tpu.memory_space<hbm>>
      tpu.wait_dma2 semaphore(%arg25 : memref<!tpu.dma_semaphore, #tpu.memory_space<semaphore_mem>>) src(%arg13 : memref<80x128xf32, #tpu.memory_space<vmem>>) dst(%dma_wait3A_603 : memref<80x128xf32, #tpu.memory_space<hbm>>)
      %add3A_604 = arith.constant 1 : i32
      %add3A_605 = arith.addi %add3A_567, %add3A_604 : i32
      %dma_start3A_606 = arith.constant 0 : i32
      %dma_start3A_607 = tpu.memref_slice %arg10[%dma_start3A_606] : memref<400xi32, #tpu.memory_space<vmem>> -> memref<80xi32, #tpu.memory_space<vmem>>
      %dma_start3A_608 = arith.constant 0 : i32
      %dma_start3A_609 = arith.constant 0 : i32
      %dma_start3A_610 = tpu.memref_slice %arg2[%dma_start3A_608, %dma_start3A_609] : memref<10000x128xf32, #tpu.memory_space<hbm>> -> memref<10000x128xf32, #tpu.memory_space<hbm>>
      tpu.enqueue_indirect_dma source(%dma_start3A_610 : memref<10000x128xf32, #tpu.memory_space<hbm>>) target(%arg13 : memref<80x128xf32, #tpu.memory_space<vmem>>) offsets(%dma_start3A_607 : memref<80xi32, #tpu.memory_space<vmem>>) semaphore(%arg19 : memref<!tpu.dma_semaphore, #tpu.memory_space<semaphore_mem>>)
      %dma_wait3A_611 = arith.constant 0 : i32
      %dma_wait3A_612 = arith.constant 0 : i32
      %dma_wait3A_613 = tpu.memref_slice %arg2[%dma_wait3A_611, %dma_wait3A_612] : memref<10000x128xf32, #tpu.memory_space<hbm>> -> memref<80x128xf32, #tpu.memory_space<hbm>>
      %dma_wait3A_614 = arith.constant 0 : i32
      %dma_wait3A_615 = arith.constant 0 : i32
      %dma_wait3A_616 = tpu.memref_slice %arg2[%dma_wait3A_614, %dma_wait3A_615] : memref<10000x128xf32, #tpu.memory_space<hbm>> -> memref<80x128xf32, #tpu.memory_space<hbm>>
      tpu.wait_dma2 semaphore(%arg23 : memref<!tpu.dma_semaphore, #tpu.memory_space<semaphore_mem>>) src(%dma_wait3A_616 : memref<80x128xf32, #tpu.memory_space<hbm>>) dst(%arg14 : memref<80x128xf32, #tpu.memory_space<vmem>>)
      %dma_wait3A_617 = arith.constant 0 : i32
      %dma_wait3A_618 = arith.constant 0 : i32
      %dma_wait3A_619 = tpu.memref_slice %arg2[%dma_wait3A_617, %dma_wait3A_618] : memref<10000x128xf32, #tpu.memory_space<hbm>> -> memref<80x128xf32, #tpu.memory_space<hbm>>
      %dma_wait3A_620 = arith.constant 0 : i32
      %dma_wait3A_621 = arith.constant 0 : i32
      %dma_wait3A_622 = tpu.memref_slice %arg2[%dma_wait3A_620, %dma_wait3A_621] : memref<10000x128xf32, #tpu.memory_space<hbm>> -> memref<80x128xf32, #tpu.memory_space<hbm>>
      tpu.wait_dma2 semaphore(%arg23 : memref<!tpu.dma_semaphore, #tpu.memory_space<semaphore_mem>>) src(%dma_wait3A_622 : memref<80x128xf32, #tpu.memory_space<hbm>>) dst(%arg14 : memref<80x128xf32, #tpu.memory_space<vmem>>)
      %dma_wait3A_623 = arith.constant 0 : i32
      %dma_wait3A_624 = arith.constant 0 : i32
      %dma_wait3A_625 = tpu.memref_slice %arg2[%dma_wait3A_623, %dma_wait3A_624] : memref<10000x128xf32, #tpu.memory_space<hbm>> -> memref<80x128xf32, #tpu.memory_space<hbm>>
      %dma_wait3A_626 = arith.constant 0 : i32
      %dma_wait3A_627 = arith.constant 0 : i32
      %dma_wait3A_628 = tpu.memref_slice %arg2[%dma_wait3A_626, %dma_wait3A_627] : memref<10000x128xf32, #tpu.memory_space<hbm>> -> memref<80x128xf32, #tpu.memory_space<hbm>>
      tpu.wait_dma2 semaphore(%arg23 : memref<!tpu.dma_semaphore, #tpu.memory_space<semaphore_mem>>) src(%dma_wait3A_628 : memref<80x128xf32, #tpu.memory_space<hbm>>) dst(%arg14 : memref<80x128xf32, #tpu.memory_space<vmem>>)
      %dma_wait3A_629 = arith.constant 0 : i32
      %dma_wait3A_630 = arith.constant 0 : i32
      %dma_wait3A_631 = tpu.memref_slice %arg2[%dma_wait3A_629, %dma_wait3A_630] : memref<10000x128xf32, #tpu.memory_space<hbm>> -> memref<80x128xf32, #tpu.memory_space<hbm>>
      %dma_wait3A_632 = arith.constant 0 : i32
      %dma_wait3A_633 = arith.constant 0 : i32
      %dma_wait3A_634 = tpu.memref_slice %arg2[%dma_wait3A_632, %dma_wait3A_633] : memref<10000x128xf32, #tpu.memory_space<hbm>> -> memref<80x128xf32, #tpu.memory_space<hbm>>
      tpu.wait_dma2 semaphore(%arg23 : memref<!tpu.dma_semaphore, #tpu.memory_space<semaphore_mem>>) src(%dma_wait3A_634 : memref<80x128xf32, #tpu.memory_space<hbm>>) dst(%arg14 : memref<80x128xf32, #tpu.memory_space<vmem>>)
      %sub3A_635 = arith.constant 1 : i32
      %sub3A_636 = arith.subi %add3A_567, %sub3A_635 : i32
      %mul3A_637 = arith.constant 80 : i32
      %mul3A_638 = arith.muli %sub3A_636, %mul3A_637 : i32
      %add3A_639 = arith.addi %mul3A_6, %mul3A_638 : i32
      %dma_start3A_640 = arith.constant 0 : i32
      %dma_start3A_641 = tpu.memref_slice %arg8[%add3A_639, %dma_start3A_640] : memref<230400x128xf32, #tpu.memory_space<hbm>> -> memref<80x128xf32, #tpu.memory_space<hbm>>
      %dma_start3A_642 = arith.constant 0 : i32
      %dma_start3A_643 = tpu.memref_slice %arg8[%add3A_639, %dma_start3A_642] : memref<230400x128xf32, #tpu.memory_space<hbm>> -> memref<80x128xf32, #tpu.memory_space<hbm>>
      tpu.enqueue_dma source(%arg14 : memref<80x128xf32, #tpu.memory_space<vmem>>) target(%dma_start3A_643 : memref<80x128xf32, #tpu.memory_space<hbm>>) target_semaphore(%arg26 : memref<!tpu.dma_semaphore, #tpu.memory_space<semaphore_mem>>)
      %add3A_644 = arith.constant 2 : i32
      %add3A_645 = arith.addi %add3A_567, %add3A_644 : i32
      %mul3A_646 = arith.constant 400 : i32
      %mul3A_647 = arith.muli %add3A_645, %mul3A_646 : i32
      %add3A_648 = arith.addi %mul3A_24, %mul3A_647 : i32
      %dma_start3A_649 = tpu.memref_slice %arg7[%add3A_648] : memref<1600000xi32, #tpu.memory_space<hbm>> -> memref<400xi32, #tpu.memory_space<hbm>>
      %dma_start3A_650 = tpu.memref_slice %arg7[%add3A_648] : memref<1600000xi32, #tpu.memory_space<hbm>> -> memref<400xi32, #tpu.memory_space<hbm>>
      tpu.enqueue_dma source(%dma_start3A_650 : memref<400xi32, #tpu.memory_space<hbm>>) target(%arg11 : memref<400xi32, #tpu.memory_space<vmem>>) target_semaphore(%arg17 : memref<!tpu.dma_semaphore, #tpu.memory_space<semaphore_mem>>)
      %add3A_651 = arith.constant 2 : i32
      %add3A_652 = arith.addi %add3A_482, %add3A_651 : i32
      %dma_wait3A_653 = arith.constant 0 : i32
      %dma_wait3A_654 = arith.constant 0 : i32
      %dma_wait3A_655 = tpu.memref_slice %arg2[%dma_wait3A_653, %dma_wait3A_654] : memref<10000x128xf32, #tpu.memory_space<hbm>> -> memref<80x128xf32, #tpu.memory_space<hbm>>
      %dma_wait3A_656 = arith.constant 0 : i32
      %dma_wait3A_657 = arith.constant 0 : i32
      %dma_wait3A_658 = tpu.memref_slice %arg2[%dma_wait3A_656, %dma_wait3A_657] : memref<10000x128xf32, #tpu.memory_space<hbm>> -> memref<80x128xf32, #tpu.memory_space<hbm>>
      tpu.wait_dma2 semaphore(%arg19 : memref<!tpu.dma_semaphore, #tpu.memory_space<semaphore_mem>>) src(%dma_wait3A_658 : memref<80x128xf32, #tpu.memory_space<hbm>>) dst(%arg13 : memref<80x128xf32, #tpu.memory_space<vmem>>)
      %dma_start3A_659 = arith.constant 80 : i32
      %dma_start3A_660 = tpu.memref_slice %arg10[%dma_start3A_659] : memref<400xi32, #tpu.memory_space<vmem>> -> memref<80xi32, #tpu.memory_space<vmem>>
      %dma_start3A_661 = arith.constant 0 : i32
      %dma_start3A_662 = arith.constant 0 : i32
      %dma_start3A_663 = tpu.memref_slice %arg3[%dma_start3A_661, %dma_start3A_662] : memref<10000x128xf32, #tpu.memory_space<hbm>> -> memref<10000x128xf32, #tpu.memory_space<hbm>>
      tpu.enqueue_indirect_dma source(%dma_start3A_663 : memref<10000x128xf32, #tpu.memory_space<hbm>>) target(%arg13 : memref<80x128xf32, #tpu.memory_space<vmem>>) offsets(%dma_start3A_660 : memref<80xi32, #tpu.memory_space<vmem>>) semaphore(%arg22 : memref<!tpu.dma_semaphore, #tpu.memory_space<semaphore_mem>>) {add = true}
      %dma_start3A_664 = arith.constant 160 : i32
      %dma_start3A_665 = tpu.memref_slice %arg10[%dma_start3A_664] : memref<400xi32, #tpu.memory_space<vmem>> -> memref<80xi32, #tpu.memory_space<vmem>>
      %dma_start3A_666 = arith.constant 0 : i32
      %dma_start3A_667 = arith.constant 0 : i32
      %dma_start3A_668 = tpu.memref_slice %arg4[%dma_start3A_666, %dma_start3A_667] : memref<10000x128xf32, #tpu.memory_space<hbm>> -> memref<10000x128xf32, #tpu.memory_space<hbm>>
      tpu.enqueue_indirect_dma source(%dma_start3A_668 : memref<10000x128xf32, #tpu.memory_space<hbm>>) target(%arg13 : memref<80x128xf32, #tpu.memory_space<vmem>>) offsets(%dma_start3A_665 : memref<80xi32, #tpu.memory_space<vmem>>) semaphore(%arg22 : memref<!tpu.dma_semaphore, #tpu.memory_space<semaphore_mem>>) {add = true}
      %dma_start3A_669 = arith.constant 240 : i32
      %dma_start3A_670 = tpu.memref_slice %arg10[%dma_start3A_669] : memref<400xi32, #tpu.memory_space<vmem>> -> memref<80xi32, #tpu.memory_space<vmem>>
      %dma_start3A_671 = arith.constant 0 : i32
      %dma_start3A_672 = arith.constant 0 : i32
      %dma_start3A_673 = tpu.memref_slice %arg5[%dma_start3A_671, %dma_start3A_672] : memref<320000x128xf32, #tpu.memory_space<hbm>> -> memref<320000x128xf32, #tpu.memory_space<hbm>>
      tpu.enqueue_indirect_dma source(%dma_start3A_673 : memref<320000x128xf32, #tpu.memory_space<hbm>>) target(%arg13 : memref<80x128xf32, #tpu.memory_space<vmem>>) offsets(%dma_start3A_670 : memref<80xi32, #tpu.memory_space<vmem>>) semaphore(%arg22 : memref<!tpu.dma_semaphore, #tpu.memory_space<semaphore_mem>>) {add = true}
      %dma_start3A_674 = arith.constant 320 : i32
      %dma_start3A_675 = tpu.memref_slice %arg10[%dma_start3A_674] : memref<400xi32, #tpu.memory_space<vmem>> -> memref<80xi32, #tpu.memory_space<vmem>>
      %dma_start3A_676 = arith.constant 0 : i32
      %dma_start3A_677 = arith.constant 0 : i32
      %dma_start3A_678 = tpu.memref_slice %arg6[%dma_start3A_676, %dma_start3A_677] : memref<320000x128xf32, #tpu.memory_space<hbm>> -> memref<320000x128xf32, #tpu.memory_space<hbm>>
      tpu.enqueue_indirect_dma source(%dma_start3A_678 : memref<320000x128xf32, #tpu.memory_space<hbm>>) target(%arg13 : memref<80x128xf32, #tpu.memory_space<vmem>>) offsets(%dma_start3A_675 : memref<80xi32, #tpu.memory_space<vmem>>) semaphore(%arg22 : memref<!tpu.dma_semaphore, #tpu.memory_space<semaphore_mem>>) {add = true}
      %dma_wait3A_679 = arith.constant 0 : i32
      %dma_wait3A_680 = tpu.memref_slice %arg7[%dma_wait3A_679] : memref<1600000xi32, #tpu.memory_space<hbm>> -> memref<400xi32, #tpu.memory_space<hbm>>
      %dma_wait3A_681 = arith.constant 0 : i32
      %dma_wait3A_682 = tpu.memref_slice %arg7[%dma_wait3A_681] : memref<1600000xi32, #tpu.memory_space<hbm>> -> memref<400xi32, #tpu.memory_space<hbm>>
      tpu.wait_dma2 semaphore(%arg17 : memref<!tpu.dma_semaphore, #tpu.memory_space<semaphore_mem>>) src(%dma_wait3A_682 : memref<400xi32, #tpu.memory_space<hbm>>) dst(%arg11 : memref<400xi32, #tpu.memory_space<vmem>>)
      %dma_wait3A_683 = arith.constant 0 : i32
      %dma_wait3A_684 = arith.constant 0 : i32
      %dma_wait3A_685 = tpu.memref_slice %arg8[%dma_wait3A_683, %dma_wait3A_684] : memref<230400x128xf32, #tpu.memory_space<hbm>> -> memref<80x128xf32, #tpu.memory_space<hbm>>
      %dma_wait3A_686 = arith.constant 0 : i32
      %dma_wait3A_687 = arith.constant 0 : i32
      %dma_wait3A_688 = tpu.memref_slice %arg8[%dma_wait3A_686, %dma_wait3A_687] : memref<230400x128xf32, #tpu.memory_space<hbm>> -> memref<80x128xf32, #tpu.memory_space<hbm>>
      tpu.wait_dma2 semaphore(%arg26 : memref<!tpu.dma_semaphore, #tpu.memory_space<semaphore_mem>>) src(%arg14 : memref<80x128xf32, #tpu.memory_space<vmem>>) dst(%dma_wait3A_688 : memref<80x128xf32, #tpu.memory_space<hbm>>)
      %add3A_689 = arith.constant 1 : i32
      %add3A_690 = arith.addi %add3A_652, %add3A_689 : i32
      %dma_start3A_691 = arith.constant 0 : i32
      %dma_start3A_692 = tpu.memref_slice %arg11[%dma_start3A_691] : memref<400xi32, #tpu.memory_space<vmem>> -> memref<80xi32, #tpu.memory_space<vmem>>
      %dma_start3A_693 = arith.constant 0 : i32
      %dma_start3A_694 = arith.constant 0 : i32
      %dma_start3A_695 = tpu.memref_slice %arg2[%dma_start3A_693, %dma_start3A_694] : memref<10000x128xf32, #tpu.memory_space<hbm>> -> memref<10000x128xf32, #tpu.memory_space<hbm>>
      tpu.enqueue_indirect_dma source(%dma_start3A_695 : memref<10000x128xf32, #tpu.memory_space<hbm>>) target(%arg14 : memref<80x128xf32, #tpu.memory_space<vmem>>) offsets(%dma_start3A_692 : memref<80xi32, #tpu.memory_space<vmem>>) semaphore(%arg20 : memref<!tpu.dma_semaphore, #tpu.memory_space<semaphore_mem>>)
      %dma_wait3A_696 = arith.constant 0 : i32
      %dma_wait3A_697 = arith.constant 0 : i32
      %dma_wait3A_698 = tpu.memref_slice %arg2[%dma_wait3A_696, %dma_wait3A_697] : memref<10000x128xf32, #tpu.memory_space<hbm>> -> memref<80x128xf32, #tpu.memory_space<hbm>>
      %dma_wait3A_699 = arith.constant 0 : i32
      %dma_wait3A_700 = arith.constant 0 : i32
      %dma_wait3A_701 = tpu.memref_slice %arg2[%dma_wait3A_699, %dma_wait3A_700] : memref<10000x128xf32, #tpu.memory_space<hbm>> -> memref<80x128xf32, #tpu.memory_space<hbm>>
      tpu.wait_dma2 semaphore(%arg21 : memref<!tpu.dma_semaphore, #tpu.memory_space<semaphore_mem>>) src(%dma_wait3A_701 : memref<80x128xf32, #tpu.memory_space<hbm>>) dst(%arg12 : memref<80x128xf32, #tpu.memory_space<vmem>>)
      %dma_wait3A_702 = arith.constant 0 : i32
      %dma_wait3A_703 = arith.constant 0 : i32
      %dma_wait3A_704 = tpu.memref_slice %arg2[%dma_wait3A_702, %dma_wait3A_703] : memref<10000x128xf32, #tpu.memory_space<hbm>> -> memref<80x128xf32, #tpu.memory_space<hbm>>
      %dma_wait3A_705 = arith.constant 0 : i32
      %dma_wait3A_706 = arith.constant 0 : i32
      %dma_wait3A_707 = tpu.memref_slice %arg2[%dma_wait3A_705, %dma_wait3A_706] : memref<10000x128xf32, #tpu.memory_space<hbm>> -> memref<80x128xf32, #tpu.memory_space<hbm>>
      tpu.wait_dma2 semaphore(%arg21 : memref<!tpu.dma_semaphore, #tpu.memory_space<semaphore_mem>>) src(%dma_wait3A_707 : memref<80x128xf32, #tpu.memory_space<hbm>>) dst(%arg12 : memref<80x128xf32, #tpu.memory_space<vmem>>)
      %dma_wait3A_708 = arith.constant 0 : i32
      %dma_wait3A_709 = arith.constant 0 : i32
      %dma_wait3A_710 = tpu.memref_slice %arg2[%dma_wait3A_708, %dma_wait3A_709] : memref<10000x128xf32, #tpu.memory_space<hbm>> -> memref<80x128xf32, #tpu.memory_space<hbm>>
      %dma_wait3A_711 = arith.constant 0 : i32
      %dma_wait3A_712 = arith.constant 0 : i32
      %dma_wait3A_713 = tpu.memref_slice %arg2[%dma_wait3A_711, %dma_wait3A_712] : memref<10000x128xf32, #tpu.memory_space<hbm>> -> memref<80x128xf32, #tpu.memory_space<hbm>>
      tpu.wait_dma2 semaphore(%arg21 : memref<!tpu.dma_semaphore, #tpu.memory_space<semaphore_mem>>) src(%dma_wait3A_713 : memref<80x128xf32, #tpu.memory_space<hbm>>) dst(%arg12 : memref<80x128xf32, #tpu.memory_space<vmem>>)
      %dma_wait3A_714 = arith.constant 0 : i32
      %dma_wait3A_715 = arith.constant 0 : i32
      %dma_wait3A_716 = tpu.memref_slice %arg2[%dma_wait3A_714, %dma_wait3A_715] : memref<10000x128xf32, #tpu.memory_space<hbm>> -> memref<80x128xf32, #tpu.memory_space<hbm>>
      %dma_wait3A_717 = arith.constant 0 : i32
      %dma_wait3A_718 = arith.constant 0 : i32
      %dma_wait3A_719 = tpu.memref_slice %arg2[%dma_wait3A_717, %dma_wait3A_718] : memref<10000x128xf32, #tpu.memory_space<hbm>> -> memref<80x128xf32, #tpu.memory_space<hbm>>
      tpu.wait_dma2 semaphore(%arg21 : memref<!tpu.dma_semaphore, #tpu.memory_space<semaphore_mem>>) src(%dma_wait3A_719 : memref<80x128xf32, #tpu.memory_space<hbm>>) dst(%arg12 : memref<80x128xf32, #tpu.memory_space<vmem>>)
      %sub3A_720 = arith.constant 1 : i32
      %sub3A_721 = arith.subi %add3A_652, %sub3A_720 : i32
      %mul3A_722 = arith.constant 80 : i32
      %mul3A_723 = arith.muli %sub3A_721, %mul3A_722 : i32
      %add3A_724 = arith.addi %mul3A_6, %mul3A_723 : i32
      %dma_start3A_725 = arith.constant 0 : i32
      %dma_start3A_726 = tpu.memref_slice %arg8[%add3A_724, %dma_start3A_725] : memref<230400x128xf32, #tpu.memory_space<hbm>> -> memref<80x128xf32, #tpu.memory_space<hbm>>
      %dma_start3A_727 = arith.constant 0 : i32
      %dma_start3A_728 = tpu.memref_slice %arg8[%add3A_724, %dma_start3A_727] : memref<230400x128xf32, #tpu.memory_space<hbm>> -> memref<80x128xf32, #tpu.memory_space<hbm>>
      tpu.enqueue_dma source(%arg12 : memref<80x128xf32, #tpu.memory_space<vmem>>) target(%dma_start3A_728 : memref<80x128xf32, #tpu.memory_space<hbm>>) target_semaphore(%arg24 : memref<!tpu.dma_semaphore, #tpu.memory_space<semaphore_mem>>)
      %add3A_729 = arith.constant 2 : i32
      %add3A_730 = arith.addi %add3A_652, %add3A_729 : i32
      %mul3A_731 = arith.constant 400 : i32
      %mul3A_732 = arith.muli %add3A_730, %mul3A_731 : i32
      %add3A_733 = arith.addi %mul3A_24, %mul3A_732 : i32
      %dma_start3A_734 = tpu.memref_slice %arg7[%add3A_733] : memref<1600000xi32, #tpu.memory_space<hbm>> -> memref<400xi32, #tpu.memory_space<hbm>>
      %dma_start3A_735 = tpu.memref_slice %arg7[%add3A_733] : memref<1600000xi32, #tpu.memory_space<hbm>> -> memref<400xi32, #tpu.memory_space<hbm>>
      tpu.enqueue_dma source(%dma_start3A_735 : memref<400xi32, #tpu.memory_space<hbm>>) target(%arg9 : memref<400xi32, #tpu.memory_space<vmem>>) target_semaphore(%arg15 : memref<!tpu.dma_semaphore, #tpu.memory_space<semaphore_mem>>)
    }
    %scan3A_152 = arith.constant 28 : i32
    %dma_wait3A_153 = arith.constant 0 : i32
    %dma_wait3A_154 = arith.constant 0 : i32
    %dma_wait3A_155 = tpu.memref_slice %arg2[%dma_wait3A_153, %dma_wait3A_154] : memref<10000x128xf32, #tpu.memory_space<hbm>> -> memref<80x128xf32, #tpu.memory_space<hbm>>
    %dma_wait3A_156 = arith.constant 0 : i32
    %dma_wait3A_157 = arith.constant 0 : i32
    %dma_wait3A_158 = tpu.memref_slice %arg2[%dma_wait3A_156, %dma_wait3A_157] : memref<10000x128xf32, #tpu.memory_space<hbm>> -> memref<80x128xf32, #tpu.memory_space<hbm>>
    tpu.wait_dma2 semaphore(%arg20 : memref<!tpu.dma_semaphore, #tpu.memory_space<semaphore_mem>>) src(%dma_wait3A_158 : memref<80x128xf32, #tpu.memory_space<hbm>>) dst(%arg14 : memref<80x128xf32, #tpu.memory_space<vmem>>)
    %dma_start3A_159 = arith.constant 80 : i32
    %dma_start3A_160 = tpu.memref_slice %arg11[%dma_start3A_159] : memref<400xi32, #tpu.memory_space<vmem>> -> memref<80xi32, #tpu.memory_space<vmem>>
    %dma_start3A_161 = arith.constant 0 : i32
    %dma_start3A_162 = arith.constant 0 : i32
    %dma_start3A_163 = tpu.memref_slice %arg3[%dma_start3A_161, %dma_start3A_162] : memref<10000x128xf32, #tpu.memory_space<hbm>> -> memref<10000x128xf32, #tpu.memory_space<hbm>>
    tpu.enqueue_indirect_dma source(%dma_start3A_163 : memref<10000x128xf32, #tpu.memory_space<hbm>>) target(%arg14 : memref<80x128xf32, #tpu.memory_space<vmem>>) offsets(%dma_start3A_160 : memref<80xi32, #tpu.memory_space<vmem>>) semaphore(%arg23 : memref<!tpu.dma_semaphore, #tpu.memory_space<semaphore_mem>>) {add = true}
    %dma_start3A_164 = arith.constant 160 : i32
    %dma_start3A_165 = tpu.memref_slice %arg11[%dma_start3A_164] : memref<400xi32, #tpu.memory_space<vmem>> -> memref<80xi32, #tpu.memory_space<vmem>>
    %dma_start3A_166 = arith.constant 0 : i32
    %dma_start3A_167 = arith.constant 0 : i32
    %dma_start3A_168 = tpu.memref_slice %arg4[%dma_start3A_166, %dma_start3A_167] : memref<10000x128xf32, #tpu.memory_space<hbm>> -> memref<10000x128xf32, #tpu.memory_space<hbm>>
    tpu.enqueue_indirect_dma source(%dma_start3A_168 : memref<10000x128xf32, #tpu.memory_space<hbm>>) target(%arg14 : memref<80x128xf32, #tpu.memory_space<vmem>>) offsets(%dma_start3A_165 : memref<80xi32, #tpu.memory_space<vmem>>) semaphore(%arg23 : memref<!tpu.dma_semaphore, #tpu.memory_space<semaphore_mem>>) {add = true}
    %dma_start3A_169 = arith.constant 240 : i32
    %dma_start3A_170 = tpu.memref_slice %arg11[%dma_start3A_169] : memref<400xi32, #tpu.memory_space<vmem>> -> memref<80xi32, #tpu.memory_space<vmem>>
    %dma_start3A_171 = arith.constant 0 : i32
    %dma_start3A_172 = arith.constant 0 : i32
    %dma_start3A_173 = tpu.memref_slice %arg5[%dma_start3A_171, %dma_start3A_172] : memref<320000x128xf32, #tpu.memory_space<hbm>> -> memref<320000x128xf32, #tpu.memory_space<hbm>>
    tpu.enqueue_indirect_dma source(%dma_start3A_173 : memref<320000x128xf32, #tpu.memory_space<hbm>>) target(%arg14 : memref<80x128xf32, #tpu.memory_space<vmem>>) offsets(%dma_start3A_170 : memref<80xi32, #tpu.memory_space<vmem>>) semaphore(%arg23 : memref<!tpu.dma_semaphore, #tpu.memory_space<semaphore_mem>>) {add = true}
    %dma_start3A_174 = arith.constant 320 : i32
    %dma_start3A_175 = tpu.memref_slice %arg11[%dma_start3A_174] : memref<400xi32, #tpu.memory_space<vmem>> -> memref<80xi32, #tpu.memory_space<vmem>>
    %dma_start3A_176 = arith.constant 0 : i32
    %dma_start3A_177 = arith.constant 0 : i32
    %dma_start3A_178 = tpu.memref_slice %arg6[%dma_start3A_176, %dma_start3A_177] : memref<320000x128xf32, #tpu.memory_space<hbm>> -> memref<320000x128xf32, #tpu.memory_space<hbm>>
    tpu.enqueue_indirect_dma source(%dma_start3A_178 : memref<320000x128xf32, #tpu.memory_space<hbm>>) target(%arg14 : memref<80x128xf32, #tpu.memory_space<vmem>>) offsets(%dma_start3A_175 : memref<80xi32, #tpu.memory_space<vmem>>) semaphore(%arg23 : memref<!tpu.dma_semaphore, #tpu.memory_space<semaphore_mem>>) {add = true}
    %dma_wait3A_179 = arith.constant 0 : i32
    %dma_wait3A_180 = tpu.memref_slice %arg7[%dma_wait3A_179] : memref<1600000xi32, #tpu.memory_space<hbm>> -> memref<400xi32, #tpu.memory_space<hbm>>
    %dma_wait3A_181 = arith.constant 0 : i32
    %dma_wait3A_182 = tpu.memref_slice %arg7[%dma_wait3A_181] : memref<1600000xi32, #tpu.memory_space<hbm>> -> memref<400xi32, #tpu.memory_space<hbm>>
    tpu.wait_dma2 semaphore(%arg15 : memref<!tpu.dma_semaphore, #tpu.memory_space<semaphore_mem>>) src(%dma_wait3A_182 : memref<400xi32, #tpu.memory_space<hbm>>) dst(%arg9 : memref<400xi32, #tpu.memory_space<vmem>>)
    %dma_wait3A_183 = arith.constant 0 : i32
    %dma_wait3A_184 = arith.constant 0 : i32
    %dma_wait3A_185 = tpu.memref_slice %arg8[%dma_wait3A_183, %dma_wait3A_184] : memref<230400x128xf32, #tpu.memory_space<hbm>> -> memref<80x128xf32, #tpu.memory_space<hbm>>
    %dma_wait3A_186 = arith.constant 0 : i32
    %dma_wait3A_187 = arith.constant 0 : i32
    %dma_wait3A_188 = tpu.memref_slice %arg8[%dma_wait3A_186, %dma_wait3A_187] : memref<230400x128xf32, #tpu.memory_space<hbm>> -> memref<80x128xf32, #tpu.memory_space<hbm>>
    tpu.wait_dma2 semaphore(%arg24 : memref<!tpu.dma_semaphore, #tpu.memory_space<semaphore_mem>>) src(%arg12 : memref<80x128xf32, #tpu.memory_space<vmem>>) dst(%dma_wait3A_188 : memref<80x128xf32, #tpu.memory_space<hbm>>)
    %dma_start3A_189 = arith.constant 0 : i32
    %dma_start3A_190 = tpu.memref_slice %arg9[%dma_start3A_189] : memref<400xi32, #tpu.memory_space<vmem>> -> memref<80xi32, #tpu.memory_space<vmem>>
    %dma_start3A_191 = arith.constant 0 : i32
    %dma_start3A_192 = arith.constant 0 : i32
    %dma_start3A_193 = tpu.memref_slice %arg2[%dma_start3A_191, %dma_start3A_192] : memref<10000x128xf32, #tpu.memory_space<hbm>> -> memref<10000x128xf32, #tpu.memory_space<hbm>>
    tpu.enqueue_indirect_dma source(%dma_start3A_193 : memref<10000x128xf32, #tpu.memory_space<hbm>>) target(%arg12 : memref<80x128xf32, #tpu.memory_space<vmem>>) offsets(%dma_start3A_190 : memref<80xi32, #tpu.memory_space<vmem>>) semaphore(%arg18 : memref<!tpu.dma_semaphore, #tpu.memory_space<semaphore_mem>>)
    %dma_wait3A_194 = arith.constant 0 : i32
    %dma_wait3A_195 = arith.constant 0 : i32
    %dma_wait3A_196 = tpu.memref_slice %arg2[%dma_wait3A_194, %dma_wait3A_195] : memref<10000x128xf32, #tpu.memory_space<hbm>> -> memref<80x128xf32, #tpu.memory_space<hbm>>
    %dma_wait3A_197 = arith.constant 0 : i32
    %dma_wait3A_198 = arith.constant 0 : i32
    %dma_wait3A_199 = tpu.memref_slice %arg2[%dma_wait3A_197, %dma_wait3A_198] : memref<10000x128xf32, #tpu.memory_space<hbm>> -> memref<80x128xf32, #tpu.memory_space<hbm>>
    tpu.wait_dma2 semaphore(%arg22 : memref<!tpu.dma_semaphore, #tpu.memory_space<semaphore_mem>>) src(%dma_wait3A_199 : memref<80x128xf32, #tpu.memory_space<hbm>>) dst(%arg13 : memref<80x128xf32, #tpu.memory_space<vmem>>)
    %dma_wait3A_200 = arith.constant 0 : i32
    %dma_wait3A_201 = arith.constant 0 : i32
    %dma_wait3A_202 = tpu.memref_slice %arg2[%dma_wait3A_200, %dma_wait3A_201] : memref<10000x128xf32, #tpu.memory_space<hbm>> -> memref<80x128xf32, #tpu.memory_space<hbm>>
    %dma_wait3A_203 = arith.constant 0 : i32
    %dma_wait3A_204 = arith.constant 0 : i32
    %dma_wait3A_205 = tpu.memref_slice %arg2[%dma_wait3A_203, %dma_wait3A_204] : memref<10000x128xf32, #tpu.memory_space<hbm>> -> memref<80x128xf32, #tpu.memory_space<hbm>>
    tpu.wait_dma2 semaphore(%arg22 : memref<!tpu.dma_semaphore, #tpu.memory_space<semaphore_mem>>) src(%dma_wait3A_205 : memref<80x128xf32, #tpu.memory_space<hbm>>) dst(%arg13 : memref<80x128xf32, #tpu.memory_space<vmem>>)
    %dma_wait3A_206 = arith.constant 0 : i32
    %dma_wait3A_207 = arith.constant 0 : i32
    %dma_wait3A_208 = tpu.memref_slice %arg2[%dma_wait3A_206, %dma_wait3A_207] : memref<10000x128xf32, #tpu.memory_space<hbm>> -> memref<80x128xf32, #tpu.memory_space<hbm>>
    %dma_wait3A_209 = arith.constant 0 : i32
    %dma_wait3A_210 = arith.constant 0 : i32
    %dma_wait3A_211 = tpu.memref_slice %arg2[%dma_wait3A_209, %dma_wait3A_210] : memref<10000x128xf32, #tpu.memory_space<hbm>> -> memref<80x128xf32, #tpu.memory_space<hbm>>
    tpu.wait_dma2 semaphore(%arg22 : memref<!tpu.dma_semaphore, #tpu.memory_space<semaphore_mem>>) src(%dma_wait3A_211 : memref<80x128xf32, #tpu.memory_space<hbm>>) dst(%arg13 : memref<80x128xf32, #tpu.memory_space<vmem>>)
    %dma_wait3A_212 = arith.constant 0 : i32
    %dma_wait3A_213 = arith.constant 0 : i32
    %dma_wait3A_214 = tpu.memref_slice %arg2[%dma_wait3A_212, %dma_wait3A_213] : memref<10000x128xf32, #tpu.memory_space<hbm>> -> memref<80x128xf32, #tpu.memory_space<hbm>>
    %dma_wait3A_215 = arith.constant 0 : i32
    %dma_wait3A_216 = arith.constant 0 : i32
    %dma_wait3A_217 = tpu.memref_slice %arg2[%dma_wait3A_215, %dma_wait3A_216] : memref<10000x128xf32, #tpu.memory_space<hbm>> -> memref<80x128xf32, #tpu.memory_space<hbm>>
    tpu.wait_dma2 semaphore(%arg22 : memref<!tpu.dma_semaphore, #tpu.memory_space<semaphore_mem>>) src(%dma_wait3A_217 : memref<80x128xf32, #tpu.memory_space<hbm>>) dst(%arg13 : memref<80x128xf32, #tpu.memory_space<vmem>>)
    %add3A_218 = arith.constant 6800 : i32
    %add3A_219 = arith.addi %mul3A_6, %add3A_218 : i32
    %dma_start3A_220 = arith.constant 0 : i32
    %dma_start3A_221 = tpu.memref_slice %arg8[%add3A_219, %dma_start3A_220] : memref<230400x128xf32, #tpu.memory_space<hbm>> -> memref<80x128xf32, #tpu.memory_space<hbm>>
    %dma_start3A_222 = arith.constant 0 : i32
    %dma_start3A_223 = tpu.memref_slice %arg8[%add3A_219, %dma_start3A_222] : memref<230400x128xf32, #tpu.memory_space<hbm>> -> memref<80x128xf32, #tpu.memory_space<hbm>>
    tpu.enqueue_dma source(%arg13 : memref<80x128xf32, #tpu.memory_space<vmem>>) target(%dma_start3A_223 : memref<80x128xf32, #tpu.memory_space<hbm>>) target_semaphore(%arg25 : memref<!tpu.dma_semaphore, #tpu.memory_space<semaphore_mem>>)
    %add3A_224 = arith.constant 35200 : i32
    %add3A_225 = arith.addi %mul3A_24, %add3A_224 : i32
    %dma_start3A_226 = tpu.memref_slice %arg7[%add3A_225] : memref<1600000xi32, #tpu.memory_space<hbm>> -> memref<400xi32, #tpu.memory_space<hbm>>
    %dma_start3A_227 = tpu.memref_slice %arg7[%add3A_225] : memref<1600000xi32, #tpu.memory_space<hbm>> -> memref<400xi32, #tpu.memory_space<hbm>>
    tpu.enqueue_dma source(%dma_start3A_227 : memref<400xi32, #tpu.memory_space<hbm>>) target(%arg10 : memref<400xi32, #tpu.memory_space<vmem>>) target_semaphore(%arg16 : memref<!tpu.dma_semaphore, #tpu.memory_space<semaphore_mem>>)
    %dma_wait3A_228 = arith.constant 0 : i32
    %dma_wait3A_229 = arith.constant 0 : i32
    %dma_wait3A_230 = tpu.memref_slice %arg2[%dma_wait3A_228, %dma_wait3A_229] : memref<10000x128xf32, #tpu.memory_space<hbm>> -> memref<80x128xf32, #tpu.memory_space<hbm>>
    %dma_wait3A_231 = arith.constant 0 : i32
    %dma_wait3A_232 = arith.constant 0 : i32
    %dma_wait3A_233 = tpu.memref_slice %arg2[%dma_wait3A_231, %dma_wait3A_232] : memref<10000x128xf32, #tpu.memory_space<hbm>> -> memref<80x128xf32, #tpu.memory_space<hbm>>
    tpu.wait_dma2 semaphore(%arg18 : memref<!tpu.dma_semaphore, #tpu.memory_space<semaphore_mem>>) src(%dma_wait3A_233 : memref<80x128xf32, #tpu.memory_space<hbm>>) dst(%arg12 : memref<80x128xf32, #tpu.memory_space<vmem>>)
    %dma_start3A_234 = arith.constant 80 : i32
    %dma_start3A_235 = tpu.memref_slice %arg9[%dma_start3A_234] : memref<400xi32, #tpu.memory_space<vmem>> -> memref<80xi32, #tpu.memory_space<vmem>>
    %dma_start3A_236 = arith.constant 0 : i32
    %dma_start3A_237 = arith.constant 0 : i32
    %dma_start3A_238 = tpu.memref_slice %arg3[%dma_start3A_236, %dma_start3A_237] : memref<10000x128xf32, #tpu.memory_space<hbm>> -> memref<10000x128xf32, #tpu.memory_space<hbm>>
    tpu.enqueue_indirect_dma source(%dma_start3A_238 : memref<10000x128xf32, #tpu.memory_space<hbm>>) target(%arg12 : memref<80x128xf32, #tpu.memory_space<vmem>>) offsets(%dma_start3A_235 : memref<80xi32, #tpu.memory_space<vmem>>) semaphore(%arg21 : memref<!tpu.dma_semaphore, #tpu.memory_space<semaphore_mem>>) {add = true}
    %dma_start3A_239 = arith.constant 160 : i32
    %dma_start3A_240 = tpu.memref_slice %arg9[%dma_start3A_239] : memref<400xi32, #tpu.memory_space<vmem>> -> memref<80xi32, #tpu.memory_space<vmem>>
    %dma_start3A_241 = arith.constant 0 : i32
    %dma_start3A_242 = arith.constant 0 : i32
    %dma_start3A_243 = tpu.memref_slice %arg4[%dma_start3A_241, %dma_start3A_242] : memref<10000x128xf32, #tpu.memory_space<hbm>> -> memref<10000x128xf32, #tpu.memory_space<hbm>>
    tpu.enqueue_indirect_dma source(%dma_start3A_243 : memref<10000x128xf32, #tpu.memory_space<hbm>>) target(%arg12 : memref<80x128xf32, #tpu.memory_space<vmem>>) offsets(%dma_start3A_240 : memref<80xi32, #tpu.memory_space<vmem>>) semaphore(%arg21 : memref<!tpu.dma_semaphore, #tpu.memory_space<semaphore_mem>>) {add = true}
    %dma_start3A_244 = arith.constant 240 : i32
    %dma_start3A_245 = tpu.memref_slice %arg9[%dma_start3A_244] : memref<400xi32, #tpu.memory_space<vmem>> -> memref<80xi32, #tpu.memory_space<vmem>>
    %dma_start3A_246 = arith.constant 0 : i32
    %dma_start3A_247 = arith.constant 0 : i32
    %dma_start3A_248 = tpu.memref_slice %arg5[%dma_start3A_246, %dma_start3A_247] : memref<320000x128xf32, #tpu.memory_space<hbm>> -> memref<320000x128xf32, #tpu.memory_space<hbm>>
    tpu.enqueue_indirect_dma source(%dma_start3A_248 : memref<320000x128xf32, #tpu.memory_space<hbm>>) target(%arg12 : memref<80x128xf32, #tpu.memory_space<vmem>>) offsets(%dma_start3A_245 : memref<80xi32, #tpu.memory_space<vmem>>) semaphore(%arg21 : memref<!tpu.dma_semaphore, #tpu.memory_space<semaphore_mem>>) {add = true}
    %dma_start3A_249 = arith.constant 320 : i32
    %dma_start3A_250 = tpu.memref_slice %arg9[%dma_start3A_249] : memref<400xi32, #tpu.memory_space<vmem>> -> memref<80xi32, #tpu.memory_space<vmem>>
    %dma_start3A_251 = arith.constant 0 : i32
    %dma_start3A_252 = arith.constant 0 : i32
    %dma_start3A_253 = tpu.memref_slice %arg6[%dma_start3A_251, %dma_start3A_252] : memref<320000x128xf32, #tpu.memory_space<hbm>> -> memref<320000x128xf32, #tpu.memory_space<hbm>>
    tpu.enqueue_indirect_dma source(%dma_start3A_253 : memref<320000x128xf32, #tpu.memory_space<hbm>>) target(%arg12 : memref<80x128xf32, #tpu.memory_space<vmem>>) offsets(%dma_start3A_250 : memref<80xi32, #tpu.memory_space<vmem>>) semaphore(%arg21 : memref<!tpu.dma_semaphore, #tpu.memory_space<semaphore_mem>>) {add = true}
    %dma_wait3A_254 = arith.constant 0 : i32
    %dma_wait3A_255 = tpu.memref_slice %arg7[%dma_wait3A_254] : memref<1600000xi32, #tpu.memory_space<hbm>> -> memref<400xi32, #tpu.memory_space<hbm>>
    %dma_wait3A_256 = arith.constant 0 : i32
    %dma_wait3A_257 = tpu.memref_slice %arg7[%dma_wait3A_256] : memref<1600000xi32, #tpu.memory_space<hbm>> -> memref<400xi32, #tpu.memory_space<hbm>>
    tpu.wait_dma2 semaphore(%arg16 : memref<!tpu.dma_semaphore, #tpu.memory_space<semaphore_mem>>) src(%dma_wait3A_257 : memref<400xi32, #tpu.memory_space<hbm>>) dst(%arg10 : memref<400xi32, #tpu.memory_space<vmem>>)
    %dma_wait3A_258 = arith.constant 0 : i32
    %dma_wait3A_259 = arith.constant 0 : i32
    %dma_wait3A_260 = tpu.memref_slice %arg8[%dma_wait3A_258, %dma_wait3A_259] : memref<230400x128xf32, #tpu.memory_space<hbm>> -> memref<80x128xf32, #tpu.memory_space<hbm>>
    %dma_wait3A_261 = arith.constant 0 : i32
    %dma_wait3A_262 = arith.constant 0 : i32
    %dma_wait3A_263 = tpu.memref_slice %arg8[%dma_wait3A_261, %dma_wait3A_262] : memref<230400x128xf32, #tpu.memory_space<hbm>> -> memref<80x128xf32, #tpu.memory_space<hbm>>
    tpu.wait_dma2 semaphore(%arg25 : memref<!tpu.dma_semaphore, #tpu.memory_space<semaphore_mem>>) src(%arg13 : memref<80x128xf32, #tpu.memory_space<vmem>>) dst(%dma_wait3A_263 : memref<80x128xf32, #tpu.memory_space<hbm>>)
    %dma_start3A_264 = arith.constant 0 : i32
    %dma_start3A_265 = tpu.memref_slice %arg10[%dma_start3A_264] : memref<400xi32, #tpu.memory_space<vmem>> -> memref<80xi32, #tpu.memory_space<vmem>>
    %dma_start3A_266 = arith.constant 0 : i32
    %dma_start3A_267 = arith.constant 0 : i32
    %dma_start3A_268 = tpu.memref_slice %arg2[%dma_start3A_266, %dma_start3A_267] : memref<10000x128xf32, #tpu.memory_space<hbm>> -> memref<10000x128xf32, #tpu.memory_space<hbm>>
    tpu.enqueue_indirect_dma source(%dma_start3A_268 : memref<10000x128xf32, #tpu.memory_space<hbm>>) target(%arg13 : memref<80x128xf32, #tpu.memory_space<vmem>>) offsets(%dma_start3A_265 : memref<80xi32, #tpu.memory_space<vmem>>) semaphore(%arg19 : memref<!tpu.dma_semaphore, #tpu.memory_space<semaphore_mem>>)
    %dma_wait3A_269 = arith.constant 0 : i32
    %dma_wait3A_270 = arith.constant 0 : i32
    %dma_wait3A_271 = tpu.memref_slice %arg2[%dma_wait3A_269, %dma_wait3A_270] : memref<10000x128xf32, #tpu.memory_space<hbm>> -> memref<80x128xf32, #tpu.memory_space<hbm>>
    %dma_wait3A_272 = arith.constant 0 : i32
    %dma_wait3A_273 = arith.constant 0 : i32
    %dma_wait3A_274 = tpu.memref_slice %arg2[%dma_wait3A_272, %dma_wait3A_273] : memref<10000x128xf32, #tpu.memory_space<hbm>> -> memref<80x128xf32, #tpu.memory_space<hbm>>
    tpu.wait_dma2 semaphore(%arg23 : memref<!tpu.dma_semaphore, #tpu.memory_space<semaphore_mem>>) src(%dma_wait3A_274 : memref<80x128xf32, #tpu.memory_space<hbm>>) dst(%arg14 : memref<80x128xf32, #tpu.memory_space<vmem>>)
    %dma_wait3A_275 = arith.constant 0 : i32
    %dma_wait3A_276 = arith.constant 0 : i32
    %dma_wait3A_277 = tpu.memref_slice %arg2[%dma_wait3A_275, %dma_wait3A_276] : memref<10000x128xf32, #tpu.memory_space<hbm>> -> memref<80x128xf32, #tpu.memory_space<hbm>>
    %dma_wait3A_278 = arith.constant 0 : i32
    %dma_wait3A_279 = arith.constant 0 : i32
    %dma_wait3A_280 = tpu.memref_slice %arg2[%dma_wait3A_278, %dma_wait3A_279] : memref<10000x128xf32, #tpu.memory_space<hbm>> -> memref<80x128xf32, #tpu.memory_space<hbm>>
    tpu.wait_dma2 semaphore(%arg23 : memref<!tpu.dma_semaphore, #tpu.memory_space<semaphore_mem>>) src(%dma_wait3A_280 : memref<80x128xf32, #tpu.memory_space<hbm>>) dst(%arg14 : memref<80x128xf32, #tpu.memory_space<vmem>>)
    %dma_wait3A_281 = arith.constant 0 : i32
    %dma_wait3A_282 = arith.constant 0 : i32
    %dma_wait3A_283 = tpu.memref_slice %arg2[%dma_wait3A_281, %dma_wait3A_282] : memref<10000x128xf32, #tpu.memory_space<hbm>> -> memref<80x128xf32, #tpu.memory_space<hbm>>
    %dma_wait3A_284 = arith.constant 0 : i32
    %dma_wait3A_285 = arith.constant 0 : i32
    %dma_wait3A_286 = tpu.memref_slice %arg2[%dma_wait3A_284, %dma_wait3A_285] : memref<10000x128xf32, #tpu.memory_space<hbm>> -> memref<80x128xf32, #tpu.memory_space<hbm>>
    tpu.wait_dma2 semaphore(%arg23 : memref<!tpu.dma_semaphore, #tpu.memory_space<semaphore_mem>>) src(%dma_wait3A_286 : memref<80x128xf32, #tpu.memory_space<hbm>>) dst(%arg14 : memref<80x128xf32, #tpu.memory_space<vmem>>)
    %dma_wait3A_287 = arith.constant 0 : i32
    %dma_wait3A_288 = arith.constant 0 : i32
    %dma_wait3A_289 = tpu.memref_slice %arg2[%dma_wait3A_287, %dma_wait3A_288] : memref<10000x128xf32, #tpu.memory_space<hbm>> -> memref<80x128xf32, #tpu.memory_space<hbm>>
    %dma_wait3A_290 = arith.constant 0 : i32
    %dma_wait3A_291 = arith.constant 0 : i32
    %dma_wait3A_292 = tpu.memref_slice %arg2[%dma_wait3A_290, %dma_wait3A_291] : memref<10000x128xf32, #tpu.memory_space<hbm>> -> memref<80x128xf32, #tpu.memory_space<hbm>>
    tpu.wait_dma2 semaphore(%arg23 : memref<!tpu.dma_semaphore, #tpu.memory_space<semaphore_mem>>) src(%dma_wait3A_292 : memref<80x128xf32, #tpu.memory_space<hbm>>) dst(%arg14 : memref<80x128xf32, #tpu.memory_space<vmem>>)
    %add3A_293 = arith.constant 6880 : i32
    %add3A_294 = arith.addi %mul3A_6, %add3A_293 : i32
    %dma_start3A_295 = arith.constant 0 : i32
    %dma_start3A_296 = tpu.memref_slice %arg8[%add3A_294, %dma_start3A_295] : memref<230400x128xf32, #tpu.memory_space<hbm>> -> memref<80x128xf32, #tpu.memory_space<hbm>>
    %dma_start3A_297 = arith.constant 0 : i32
    %dma_start3A_298 = tpu.memref_slice %arg8[%add3A_294, %dma_start3A_297] : memref<230400x128xf32, #tpu.memory_space<hbm>> -> memref<80x128xf32, #tpu.memory_space<hbm>>
    tpu.enqueue_dma source(%arg14 : memref<80x128xf32, #tpu.memory_space<vmem>>) target(%dma_start3A_298 : memref<80x128xf32, #tpu.memory_space<hbm>>) target_semaphore(%arg26 : memref<!tpu.dma_semaphore, #tpu.memory_space<semaphore_mem>>)
    %add3A_299 = arith.constant 35600 : i32
    %add3A_300 = arith.addi %mul3A_24, %add3A_299 : i32
    %dma_start3A_301 = tpu.memref_slice %arg7[%add3A_300] : memref<1600000xi32, #tpu.memory_space<hbm>> -> memref<400xi32, #tpu.memory_space<hbm>>
    %dma_start3A_302 = tpu.memref_slice %arg7[%add3A_300] : memref<1600000xi32, #tpu.memory_space<hbm>> -> memref<400xi32, #tpu.memory_space<hbm>>
    tpu.enqueue_dma source(%dma_start3A_302 : memref<400xi32, #tpu.memory_space<hbm>>) target(%arg11 : memref<400xi32, #tpu.memory_space<vmem>>) target_semaphore(%arg17 : memref<!tpu.dma_semaphore, #tpu.memory_space<semaphore_mem>>)
    %dma_wait3A_303 = arith.constant 0 : i32
    %dma_wait3A_304 = arith.constant 0 : i32
    %dma_wait3A_305 = tpu.memref_slice %arg2[%dma_wait3A_303, %dma_wait3A_304] : memref<10000x128xf32, #tpu.memory_space<hbm>> -> memref<80x128xf32, #tpu.memory_space<hbm>>
    %dma_wait3A_306 = arith.constant 0 : i32
    %dma_wait3A_307 = arith.constant 0 : i32
    %dma_wait3A_308 = tpu.memref_slice %arg2[%dma_wait3A_306, %dma_wait3A_307] : memref<10000x128xf32, #tpu.memory_space<hbm>> -> memref<80x128xf32, #tpu.memory_space<hbm>>
    tpu.wait_dma2 semaphore(%arg19 : memref<!tpu.dma_semaphore, #tpu.memory_space<semaphore_mem>>) src(%dma_wait3A_308 : memref<80x128xf32, #tpu.memory_space<hbm>>) dst(%arg13 : memref<80x128xf32, #tpu.memory_space<vmem>>)
    %dma_start3A_309 = arith.constant 80 : i32
    %dma_start3A_310 = tpu.memref_slice %arg10[%dma_start3A_309] : memref<400xi32, #tpu.memory_space<vmem>> -> memref<80xi32, #tpu.memory_space<vmem>>
    %dma_start3A_311 = arith.constant 0 : i32
    %dma_start3A_312 = arith.constant 0 : i32
    %dma_start3A_313 = tpu.memref_slice %arg3[%dma_start3A_311, %dma_start3A_312] : memref<10000x128xf32, #tpu.memory_space<hbm>> -> memref<10000x128xf32, #tpu.memory_space<hbm>>
    tpu.enqueue_indirect_dma source(%dma_start3A_313 : memref<10000x128xf32, #tpu.memory_space<hbm>>) target(%arg13 : memref<80x128xf32, #tpu.memory_space<vmem>>) offsets(%dma_start3A_310 : memref<80xi32, #tpu.memory_space<vmem>>) semaphore(%arg22 : memref<!tpu.dma_semaphore, #tpu.memory_space<semaphore_mem>>) {add = true}
    %dma_start3A_314 = arith.constant 160 : i32
    %dma_start3A_315 = tpu.memref_slice %arg10[%dma_start3A_314] : memref<400xi32, #tpu.memory_space<vmem>> -> memref<80xi32, #tpu.memory_space<vmem>>
    %dma_start3A_316 = arith.constant 0 : i32
    %dma_start3A_317 = arith.constant 0 : i32
    %dma_start3A_318 = tpu.memref_slice %arg4[%dma_start3A_316, %dma_start3A_317] : memref<10000x128xf32, #tpu.memory_space<hbm>> -> memref<10000x128xf32, #tpu.memory_space<hbm>>
    tpu.enqueue_indirect_dma source(%dma_start3A_318 : memref<10000x128xf32, #tpu.memory_space<hbm>>) target(%arg13 : memref<80x128xf32, #tpu.memory_space<vmem>>) offsets(%dma_start3A_315 : memref<80xi32, #tpu.memory_space<vmem>>) semaphore(%arg22 : memref<!tpu.dma_semaphore, #tpu.memory_space<semaphore_mem>>) {add = true}
    %dma_start3A_319 = arith.constant 240 : i32
    %dma_start3A_320 = tpu.memref_slice %arg10[%dma_start3A_319] : memref<400xi32, #tpu.memory_space<vmem>> -> memref<80xi32, #tpu.memory_space<vmem>>
    %dma_start3A_321 = arith.constant 0 : i32
    %dma_start3A_322 = arith.constant 0 : i32
    %dma_start3A_323 = tpu.memref_slice %arg5[%dma_start3A_321, %dma_start3A_322] : memref<320000x128xf32, #tpu.memory_space<hbm>> -> memref<320000x128xf32, #tpu.memory_space<hbm>>
    tpu.enqueue_indirect_dma source(%dma_start3A_323 : memref<320000x128xf32, #tpu.memory_space<hbm>>) target(%arg13 : memref<80x128xf32, #tpu.memory_space<vmem>>) offsets(%dma_start3A_320 : memref<80xi32, #tpu.memory_space<vmem>>) semaphore(%arg22 : memref<!tpu.dma_semaphore, #tpu.memory_space<semaphore_mem>>) {add = true}
    %dma_start3A_324 = arith.constant 320 : i32
    %dma_start3A_325 = tpu.memref_slice %arg10[%dma_start3A_324] : memref<400xi32, #tpu.memory_space<vmem>> -> memref<80xi32, #tpu.memory_space<vmem>>
    %dma_start3A_326 = arith.constant 0 : i32
    %dma_start3A_327 = arith.constant 0 : i32
    %dma_start3A_328 = tpu.memref_slice %arg6[%dma_start3A_326, %dma_start3A_327] : memref<320000x128xf32, #tpu.memory_space<hbm>> -> memref<320000x128xf32, #tpu.memory_space<hbm>>
    tpu.enqueue_indirect_dma source(%dma_start3A_328 : memref<320000x128xf32, #tpu.memory_space<hbm>>) target(%arg13 : memref<80x128xf32, #tpu.memory_space<vmem>>) offsets(%dma_start3A_325 : memref<80xi32, #tpu.memory_space<vmem>>) semaphore(%arg22 : memref<!tpu.dma_semaphore, #tpu.memory_space<semaphore_mem>>) {add = true}
    %dma_wait3A_329 = arith.constant 0 : i32
    %dma_wait3A_330 = tpu.memref_slice %arg7[%dma_wait3A_329] : memref<1600000xi32, #tpu.memory_space<hbm>> -> memref<400xi32, #tpu.memory_space<hbm>>
    %dma_wait3A_331 = arith.constant 0 : i32
    %dma_wait3A_332 = tpu.memref_slice %arg7[%dma_wait3A_331] : memref<1600000xi32, #tpu.memory_space<hbm>> -> memref<400xi32, #tpu.memory_space<hbm>>
    tpu.wait_dma2 semaphore(%arg17 : memref<!tpu.dma_semaphore, #tpu.memory_space<semaphore_mem>>) src(%dma_wait3A_332 : memref<400xi32, #tpu.memory_space<hbm>>) dst(%arg11 : memref<400xi32, #tpu.memory_space<vmem>>)
    %dma_wait3A_333 = arith.constant 0 : i32
    %dma_wait3A_334 = arith.constant 0 : i32
    %dma_wait3A_335 = tpu.memref_slice %arg8[%dma_wait3A_333, %dma_wait3A_334] : memref<230400x128xf32, #tpu.memory_space<hbm>> -> memref<80x128xf32, #tpu.memory_space<hbm>>
    %dma_wait3A_336 = arith.constant 0 : i32
    %dma_wait3A_337 = arith.constant 0 : i32
    %dma_wait3A_338 = tpu.memref_slice %arg8[%dma_wait3A_336, %dma_wait3A_337] : memref<230400x128xf32, #tpu.memory_space<hbm>> -> memref<80x128xf32, #tpu.memory_space<hbm>>
    tpu.wait_dma2 semaphore(%arg26 : memref<!tpu.dma_semaphore, #tpu.memory_space<semaphore_mem>>) src(%arg14 : memref<80x128xf32, #tpu.memory_space<vmem>>) dst(%dma_wait3A_338 : memref<80x128xf32, #tpu.memory_space<hbm>>)
    %dma_start3A_339 = arith.constant 0 : i32
    %dma_start3A_340 = tpu.memref_slice %arg11[%dma_start3A_339] : memref<400xi32, #tpu.memory_space<vmem>> -> memref<80xi32, #tpu.memory_space<vmem>>
    %dma_start3A_341 = arith.constant 0 : i32
    %dma_start3A_342 = arith.constant 0 : i32
    %dma_start3A_343 = tpu.memref_slice %arg2[%dma_start3A_341, %dma_start3A_342] : memref<10000x128xf32, #tpu.memory_space<hbm>> -> memref<10000x128xf32, #tpu.memory_space<hbm>>
    tpu.enqueue_indirect_dma source(%dma_start3A_343 : memref<10000x128xf32, #tpu.memory_space<hbm>>) target(%arg14 : memref<80x128xf32, #tpu.memory_space<vmem>>) offsets(%dma_start3A_340 : memref<80xi32, #tpu.memory_space<vmem>>) semaphore(%arg20 : memref<!tpu.dma_semaphore, #tpu.memory_space<semaphore_mem>>)
    %dma_wait3A_344 = arith.constant 0 : i32
    %dma_wait3A_345 = arith.constant 0 : i32
    %dma_wait3A_346 = tpu.memref_slice %arg2[%dma_wait3A_344, %dma_wait3A_345] : memref<10000x128xf32, #tpu.memory_space<hbm>> -> memref<80x128xf32, #tpu.memory_space<hbm>>
    %dma_wait3A_347 = arith.constant 0 : i32
    %dma_wait3A_348 = arith.constant 0 : i32
    %dma_wait3A_349 = tpu.memref_slice %arg2[%dma_wait3A_347, %dma_wait3A_348] : memref<10000x128xf32, #tpu.memory_space<hbm>> -> memref<80x128xf32, #tpu.memory_space<hbm>>
    tpu.wait_dma2 semaphore(%arg21 : memref<!tpu.dma_semaphore, #tpu.memory_space<semaphore_mem>>) src(%dma_wait3A_349 : memref<80x128xf32, #tpu.memory_space<hbm>>) dst(%arg12 : memref<80x128xf32, #tpu.memory_space<vmem>>)
    %dma_wait3A_350 = arith.constant 0 : i32
    %dma_wait3A_351 = arith.constant 0 : i32
    %dma_wait3A_352 = tpu.memref_slice %arg2[%dma_wait3A_350, %dma_wait3A_351] : memref<10000x128xf32, #tpu.memory_space<hbm>> -> memref<80x128xf32, #tpu.memory_space<hbm>>
    %dma_wait3A_353 = arith.constant 0 : i32
    %dma_wait3A_354 = arith.constant 0 : i32
    %dma_wait3A_355 = tpu.memref_slice %arg2[%dma_wait3A_353, %dma_wait3A_354] : memref<10000x128xf32, #tpu.memory_space<hbm>> -> memref<80x128xf32, #tpu.memory_space<hbm>>
    tpu.wait_dma2 semaphore(%arg21 : memref<!tpu.dma_semaphore, #tpu.memory_space<semaphore_mem>>) src(%dma_wait3A_355 : memref<80x128xf32, #tpu.memory_space<hbm>>) dst(%arg12 : memref<80x128xf32, #tpu.memory_space<vmem>>)
    %dma_wait3A_356 = arith.constant 0 : i32
    %dma_wait3A_357 = arith.constant 0 : i32
    %dma_wait3A_358 = tpu.memref_slice %arg2[%dma_wait3A_356, %dma_wait3A_357] : memref<10000x128xf32, #tpu.memory_space<hbm>> -> memref<80x128xf32, #tpu.memory_space<hbm>>
    %dma_wait3A_359 = arith.constant 0 : i32
    %dma_wait3A_360 = arith.constant 0 : i32
    %dma_wait3A_361 = tpu.memref_slice %arg2[%dma_wait3A_359, %dma_wait3A_360] : memref<10000x128xf32, #tpu.memory_space<hbm>> -> memref<80x128xf32, #tpu.memory_space<hbm>>
    tpu.wait_dma2 semaphore(%arg21 : memref<!tpu.dma_semaphore, #tpu.memory_space<semaphore_mem>>) src(%dma_wait3A_361 : memref<80x128xf32, #tpu.memory_space<hbm>>) dst(%arg12 : memref<80x128xf32, #tpu.memory_space<vmem>>)
    %dma_wait3A_362 = arith.constant 0 : i32
    %dma_wait3A_363 = arith.constant 0 : i32
    %dma_wait3A_364 = tpu.memref_slice %arg2[%dma_wait3A_362, %dma_wait3A_363] : memref<10000x128xf32, #tpu.memory_space<hbm>> -> memref<80x128xf32, #tpu.memory_space<hbm>>
    %dma_wait3A_365 = arith.constant 0 : i32
    %dma_wait3A_366 = arith.constant 0 : i32
    %dma_wait3A_367 = tpu.memref_slice %arg2[%dma_wait3A_365, %dma_wait3A_366] : memref<10000x128xf32, #tpu.memory_space<hbm>> -> memref<80x128xf32, #tpu.memory_space<hbm>>
    tpu.wait_dma2 semaphore(%arg21 : memref<!tpu.dma_semaphore, #tpu.memory_space<semaphore_mem>>) src(%dma_wait3A_367 : memref<80x128xf32, #tpu.memory_space<hbm>>) dst(%arg12 : memref<80x128xf32, #tpu.memory_space<vmem>>)
    %add3A_368 = arith.constant 6960 : i32
    %add3A_369 = arith.addi %mul3A_6, %add3A_368 : i32
    %dma_start3A_370 = arith.constant 0 : i32
    %dma_start3A_371 = tpu.memref_slice %arg8[%add3A_369, %dma_start3A_370] : memref<230400x128xf32, #tpu.memory_space<hbm>> -> memref<80x128xf32, #tpu.memory_space<hbm>>
    %dma_start3A_372 = arith.constant 0 : i32
    %dma_start3A_373 = tpu.memref_slice %arg8[%add3A_369, %dma_start3A_372] : memref<230400x128xf32, #tpu.memory_space<hbm>> -> memref<80x128xf32, #tpu.memory_space<hbm>>
    tpu.enqueue_dma source(%arg12 : memref<80x128xf32, #tpu.memory_space<vmem>>) target(%dma_start3A_373 : memref<80x128xf32, #tpu.memory_space<hbm>>) target_semaphore(%arg24 : memref<!tpu.dma_semaphore, #tpu.memory_space<semaphore_mem>>)
    %dma_wait3A_374 = arith.constant 0 : i32
    %dma_wait3A_375 = arith.constant 0 : i32
    %dma_wait3A_376 = tpu.memref_slice %arg2[%dma_wait3A_374, %dma_wait3A_375] : memref<10000x128xf32, #tpu.memory_space<hbm>> -> memref<80x128xf32, #tpu.memory_space<hbm>>
    %dma_wait3A_377 = arith.constant 0 : i32
    %dma_wait3A_378 = arith.constant 0 : i32
    %dma_wait3A_379 = tpu.memref_slice %arg2[%dma_wait3A_377, %dma_wait3A_378] : memref<10000x128xf32, #tpu.memory_space<hbm>> -> memref<80x128xf32, #tpu.memory_space<hbm>>
    tpu.wait_dma2 semaphore(%arg20 : memref<!tpu.dma_semaphore, #tpu.memory_space<semaphore_mem>>) src(%dma_wait3A_379 : memref<80x128xf32, #tpu.memory_space<hbm>>) dst(%arg14 : memref<80x128xf32, #tpu.memory_space<vmem>>)
    %dma_start3A_380 = arith.constant 80 : i32
    %dma_start3A_381 = tpu.memref_slice %arg11[%dma_start3A_380] : memref<400xi32, #tpu.memory_space<vmem>> -> memref<80xi32, #tpu.memory_space<vmem>>
    %dma_start3A_382 = arith.constant 0 : i32
    %dma_start3A_383 = arith.constant 0 : i32
    %dma_start3A_384 = tpu.memref_slice %arg3[%dma_start3A_382, %dma_start3A_383] : memref<10000x128xf32, #tpu.memory_space<hbm>> -> memref<10000x128xf32, #tpu.memory_space<hbm>>
    tpu.enqueue_indirect_dma source(%dma_start3A_384 : memref<10000x128xf32, #tpu.memory_space<hbm>>) target(%arg14 : memref<80x128xf32, #tpu.memory_space<vmem>>) offsets(%dma_start3A_381 : memref<80xi32, #tpu.memory_space<vmem>>) semaphore(%arg23 : memref<!tpu.dma_semaphore, #tpu.memory_space<semaphore_mem>>) {add = true}
    %dma_start3A_385 = arith.constant 160 : i32
    %dma_start3A_386 = tpu.memref_slice %arg11[%dma_start3A_385] : memref<400xi32, #tpu.memory_space<vmem>> -> memref<80xi32, #tpu.memory_space<vmem>>
    %dma_start3A_387 = arith.constant 0 : i32
    %dma_start3A_388 = arith.constant 0 : i32
    %dma_start3A_389 = tpu.memref_slice %arg4[%dma_start3A_387, %dma_start3A_388] : memref<10000x128xf32, #tpu.memory_space<hbm>> -> memref<10000x128xf32, #tpu.memory_space<hbm>>
    tpu.enqueue_indirect_dma source(%dma_start3A_389 : memref<10000x128xf32, #tpu.memory_space<hbm>>) target(%arg14 : memref<80x128xf32, #tpu.memory_space<vmem>>) offsets(%dma_start3A_386 : memref<80xi32, #tpu.memory_space<vmem>>) semaphore(%arg23 : memref<!tpu.dma_semaphore, #tpu.memory_space<semaphore_mem>>) {add = true}
    %dma_start3A_390 = arith.constant 240 : i32
    %dma_start3A_391 = tpu.memref_slice %arg11[%dma_start3A_390] : memref<400xi32, #tpu.memory_space<vmem>> -> memref<80xi32, #tpu.memory_space<vmem>>
    %dma_start3A_392 = arith.constant 0 : i32
    %dma_start3A_393 = arith.constant 0 : i32
    %dma_start3A_394 = tpu.memref_slice %arg5[%dma_start3A_392, %dma_start3A_393] : memref<320000x128xf32, #tpu.memory_space<hbm>> -> memref<320000x128xf32, #tpu.memory_space<hbm>>
    tpu.enqueue_indirect_dma source(%dma_start3A_394 : memref<320000x128xf32, #tpu.memory_space<hbm>>) target(%arg14 : memref<80x128xf32, #tpu.memory_space<vmem>>) offsets(%dma_start3A_391 : memref<80xi32, #tpu.memory_space<vmem>>) semaphore(%arg23 : memref<!tpu.dma_semaphore, #tpu.memory_space<semaphore_mem>>) {add = true}
    %dma_start3A_395 = arith.constant 320 : i32
    %dma_start3A_396 = tpu.memref_slice %arg11[%dma_start3A_395] : memref<400xi32, #tpu.memory_space<vmem>> -> memref<80xi32, #tpu.memory_space<vmem>>
    %dma_start3A_397 = arith.constant 0 : i32
    %dma_start3A_398 = arith.constant 0 : i32
    %dma_start3A_399 = tpu.memref_slice %arg6[%dma_start3A_397, %dma_start3A_398] : memref<320000x128xf32, #tpu.memory_space<hbm>> -> memref<320000x128xf32, #tpu.memory_space<hbm>>
    tpu.enqueue_indirect_dma source(%dma_start3A_399 : memref<320000x128xf32, #tpu.memory_space<hbm>>) target(%arg14 : memref<80x128xf32, #tpu.memory_space<vmem>>) offsets(%dma_start3A_396 : memref<80xi32, #tpu.memory_space<vmem>>) semaphore(%arg23 : memref<!tpu.dma_semaphore, #tpu.memory_space<semaphore_mem>>) {add = true}
    %dma_wait3A_400 = arith.constant 0 : i32
    %dma_wait3A_401 = arith.constant 0 : i32
    %dma_wait3A_402 = tpu.memref_slice %arg8[%dma_wait3A_400, %dma_wait3A_401] : memref<230400x128xf32, #tpu.memory_space<hbm>> -> memref<80x128xf32, #tpu.memory_space<hbm>>
    %dma_wait3A_403 = arith.constant 0 : i32
    %dma_wait3A_404 = arith.constant 0 : i32
    %dma_wait3A_405 = tpu.memref_slice %arg8[%dma_wait3A_403, %dma_wait3A_404] : memref<230400x128xf32, #tpu.memory_space<hbm>> -> memref<80x128xf32, #tpu.memory_space<hbm>>
    tpu.wait_dma2 semaphore(%arg24 : memref<!tpu.dma_semaphore, #tpu.memory_space<semaphore_mem>>) src(%arg12 : memref<80x128xf32, #tpu.memory_space<vmem>>) dst(%dma_wait3A_405 : memref<80x128xf32, #tpu.memory_space<hbm>>)
    %dma_wait3A_406 = arith.constant 0 : i32
    %dma_wait3A_407 = arith.constant 0 : i32
    %dma_wait3A_408 = tpu.memref_slice %arg2[%dma_wait3A_406, %dma_wait3A_407] : memref<10000x128xf32, #tpu.memory_space<hbm>> -> memref<80x128xf32, #tpu.memory_space<hbm>>
    %dma_wait3A_409 = arith.constant 0 : i32
    %dma_wait3A_410 = arith.constant 0 : i32
    %dma_wait3A_411 = tpu.memref_slice %arg2[%dma_wait3A_409, %dma_wait3A_410] : memref<10000x128xf32, #tpu.memory_space<hbm>> -> memref<80x128xf32, #tpu.memory_space<hbm>>
    tpu.wait_dma2 semaphore(%arg22 : memref<!tpu.dma_semaphore, #tpu.memory_space<semaphore_mem>>) src(%dma_wait3A_411 : memref<80x128xf32, #tpu.memory_space<hbm>>) dst(%arg13 : memref<80x128xf32, #tpu.memory_space<vmem>>)
    %dma_wait3A_412 = arith.constant 0 : i32
    %dma_wait3A_413 = arith.constant 0 : i32
    %dma_wait3A_414 = tpu.memref_slice %arg2[%dma_wait3A_412, %dma_wait3A_413] : memref<10000x128xf32, #tpu.memory_space<hbm>> -> memref<80x128xf32, #tpu.memory_space<hbm>>
    %dma_wait3A_415 = arith.constant 0 : i32
    %dma_wait3A_416 = arith.constant 0 : i32
    %dma_wait3A_417 = tpu.memref_slice %arg2[%dma_wait3A_415, %dma_wait3A_416] : memref<10000x128xf32, #tpu.memory_space<hbm>> -> memref<80x128xf32, #tpu.memory_space<hbm>>
    tpu.wait_dma2 semaphore(%arg22 : memref<!tpu.dma_semaphore, #tpu.memory_space<semaphore_mem>>) src(%dma_wait3A_417 : memref<80x128xf32, #tpu.memory_space<hbm>>) dst(%arg13 : memref<80x128xf32, #tpu.memory_space<vmem>>)
    %dma_wait3A_418 = arith.constant 0 : i32
    %dma_wait3A_419 = arith.constant 0 : i32
    %dma_wait3A_420 = tpu.memref_slice %arg2[%dma_wait3A_418, %dma_wait3A_419] : memref<10000x128xf32, #tpu.memory_space<hbm>> -> memref<80x128xf32, #tpu.memory_space<hbm>>
    %dma_wait3A_421 = arith.constant 0 : i32
    %dma_wait3A_422 = arith.constant 0 : i32
    %dma_wait3A_423 = tpu.memref_slice %arg2[%dma_wait3A_421, %dma_wait3A_422] : memref<10000x128xf32, #tpu.memory_space<hbm>> -> memref<80x128xf32, #tpu.memory_space<hbm>>
    tpu.wait_dma2 semaphore(%arg22 : memref<!tpu.dma_semaphore, #tpu.memory_space<semaphore_mem>>) src(%dma_wait3A_423 : memref<80x128xf32, #tpu.memory_space<hbm>>) dst(%arg13 : memref<80x128xf32, #tpu.memory_space<vmem>>)
    %dma_wait3A_424 = arith.constant 0 : i32
    %dma_wait3A_425 = arith.constant 0 : i32
    %dma_wait3A_426 = tpu.memref_slice %arg2[%dma_wait3A_424, %dma_wait3A_425] : memref<10000x128xf32, #tpu.memory_space<hbm>> -> memref<80x128xf32, #tpu.memory_space<hbm>>
    %dma_wait3A_427 = arith.constant 0 : i32
    %dma_wait3A_428 = arith.constant 0 : i32
    %dma_wait3A_429 = tpu.memref_slice %arg2[%dma_wait3A_427, %dma_wait3A_428] : memref<10000x128xf32, #tpu.memory_space<hbm>> -> memref<80x128xf32, #tpu.memory_space<hbm>>
    tpu.wait_dma2 semaphore(%arg22 : memref<!tpu.dma_semaphore, #tpu.memory_space<semaphore_mem>>) src(%dma_wait3A_429 : memref<80x128xf32, #tpu.memory_space<hbm>>) dst(%arg13 : memref<80x128xf32, #tpu.memory_space<vmem>>)
    %add3A_430 = arith.constant 7040 : i32
    %add3A_431 = arith.addi %mul3A_6, %add3A_430 : i32
    %dma_start3A_432 = arith.constant 0 : i32
    %dma_start3A_433 = tpu.memref_slice %arg8[%add3A_431, %dma_start3A_432] : memref<230400x128xf32, #tpu.memory_space<hbm>> -> memref<80x128xf32, #tpu.memory_space<hbm>>
    %dma_start3A_434 = arith.constant 0 : i32
    %dma_start3A_435 = tpu.memref_slice %arg8[%add3A_431, %dma_start3A_434] : memref<230400x128xf32, #tpu.memory_space<hbm>> -> memref<80x128xf32, #tpu.memory_space<hbm>>
    tpu.enqueue_dma source(%arg13 : memref<80x128xf32, #tpu.memory_space<vmem>>) target(%dma_start3A_435 : memref<80x128xf32, #tpu.memory_space<hbm>>) target_semaphore(%arg25 : memref<!tpu.dma_semaphore, #tpu.memory_space<semaphore_mem>>)
    %dma_wait3A_436 = arith.constant 0 : i32
    %dma_wait3A_437 = arith.constant 0 : i32
    %dma_wait3A_438 = tpu.memref_slice %arg2[%dma_wait3A_436, %dma_wait3A_437] : memref<10000x128xf32, #tpu.memory_space<hbm>> -> memref<80x128xf32, #tpu.memory_space<hbm>>
    %dma_wait3A_439 = arith.constant 0 : i32
    %dma_wait3A_440 = arith.constant 0 : i32
    %dma_wait3A_441 = tpu.memref_slice %arg2[%dma_wait3A_439, %dma_wait3A_440] : memref<10000x128xf32, #tpu.memory_space<hbm>> -> memref<80x128xf32, #tpu.memory_space<hbm>>
    tpu.wait_dma2 semaphore(%arg23 : memref<!tpu.dma_semaphore, #tpu.memory_space<semaphore_mem>>) src(%dma_wait3A_441 : memref<80x128xf32, #tpu.memory_space<hbm>>) dst(%arg14 : memref<80x128xf32, #tpu.memory_space<vmem>>)
    %dma_wait3A_442 = arith.constant 0 : i32
    %dma_wait3A_443 = arith.constant 0 : i32
    %dma_wait3A_444 = tpu.memref_slice %arg2[%dma_wait3A_442, %dma_wait3A_443] : memref<10000x128xf32, #tpu.memory_space<hbm>> -> memref<80x128xf32, #tpu.memory_space<hbm>>
    %dma_wait3A_445 = arith.constant 0 : i32
    %dma_wait3A_446 = arith.constant 0 : i32
    %dma_wait3A_447 = tpu.memref_slice %arg2[%dma_wait3A_445, %dma_wait3A_446] : memref<10000x128xf32, #tpu.memory_space<hbm>> -> memref<80x128xf32, #tpu.memory_space<hbm>>
    tpu.wait_dma2 semaphore(%arg23 : memref<!tpu.dma_semaphore, #tpu.memory_space<semaphore_mem>>) src(%dma_wait3A_447 : memref<80x128xf32, #tpu.memory_space<hbm>>) dst(%arg14 : memref<80x128xf32, #tpu.memory_space<vmem>>)
    %dma_wait3A_448 = arith.constant 0 : i32
    %dma_wait3A_449 = arith.constant 0 : i32
    %dma_wait3A_450 = tpu.memref_slice %arg2[%dma_wait3A_448, %dma_wait3A_449] : memref<10000x128xf32, #tpu.memory_space<hbm>> -> memref<80x128xf32, #tpu.memory_space<hbm>>
    %dma_wait3A_451 = arith.constant 0 : i32
    %dma_wait3A_452 = arith.constant 0 : i32
    %dma_wait3A_453 = tpu.memref_slice %arg2[%dma_wait3A_451, %dma_wait3A_452] : memref<10000x128xf32, #tpu.memory_space<hbm>> -> memref<80x128xf32, #tpu.memory_space<hbm>>
    tpu.wait_dma2 semaphore(%arg23 : memref<!tpu.dma_semaphore, #tpu.memory_space<semaphore_mem>>) src(%dma_wait3A_453 : memref<80x128xf32, #tpu.memory_space<hbm>>) dst(%arg14 : memref<80x128xf32, #tpu.memory_space<vmem>>)
    %dma_wait3A_454 = arith.constant 0 : i32
    %dma_wait3A_455 = arith.constant 0 : i32
    %dma_wait3A_456 = tpu.memref_slice %arg2[%dma_wait3A_454, %dma_wait3A_455] : memref<10000x128xf32, #tpu.memory_space<hbm>> -> memref<80x128xf32, #tpu.memory_space<hbm>>
    %dma_wait3A_457 = arith.constant 0 : i32
    %dma_wait3A_458 = arith.constant 0 : i32
    %dma_wait3A_459 = tpu.memref_slice %arg2[%dma_wait3A_457, %dma_wait3A_458] : memref<10000x128xf32, #tpu.memory_space<hbm>> -> memref<80x128xf32, #tpu.memory_space<hbm>>
    tpu.wait_dma2 semaphore(%arg23 : memref<!tpu.dma_semaphore, #tpu.memory_space<semaphore_mem>>) src(%dma_wait3A_459 : memref<80x128xf32, #tpu.memory_space<hbm>>) dst(%arg14 : memref<80x128xf32, #tpu.memory_space<vmem>>)
    %add3A_460 = arith.constant 7120 : i32
    %add3A_461 = arith.addi %mul3A_6, %add3A_460 : i32
    %dma_start3A_462 = arith.constant 0 : i32
    %dma_start3A_463 = tpu.memref_slice %arg8[%add3A_461, %dma_start3A_462] : memref<230400x128xf32, #tpu.memory_space<hbm>> -> memref<80x128xf32, #tpu.memory_space<hbm>>
    %dma_start3A_464 = arith.constant 0 : i32
    %dma_start3A_465 = tpu.memref_slice %arg8[%add3A_461, %dma_start3A_464] : memref<230400x128xf32, #tpu.memory_space<hbm>> -> memref<80x128xf32, #tpu.memory_space<hbm>>
    tpu.enqueue_dma source(%arg14 : memref<80x128xf32, #tpu.memory_space<vmem>>) target(%dma_start3A_465 : memref<80x128xf32, #tpu.memory_space<hbm>>) target_semaphore(%arg26 : memref<!tpu.dma_semaphore, #tpu.memory_space<semaphore_mem>>)
    %dma_wait3A_466 = arith.constant 0 : i32
    %dma_wait3A_467 = arith.constant 0 : i32
    %dma_wait3A_468 = tpu.memref_slice %arg8[%dma_wait3A_466, %dma_wait3A_467] : memref<230400x128xf32, #tpu.memory_space<hbm>> -> memref<80x128xf32, #tpu.memory_space<hbm>>
    %dma_wait3A_469 = arith.constant 0 : i32
    %dma_wait3A_470 = arith.constant 0 : i32
    %dma_wait3A_471 = tpu.memref_slice %arg8[%dma_wait3A_469, %dma_wait3A_470] : memref<230400x128xf32, #tpu.memory_space<hbm>> -> memref<80x128xf32, #tpu.memory_space<hbm>>
    tpu.wait_dma2 semaphore(%arg25 : memref<!tpu.dma_semaphore, #tpu.memory_space<semaphore_mem>>) src(%arg13 : memref<80x128xf32, #tpu.memory_space<vmem>>) dst(%dma_wait3A_471 : memref<80x128xf32, #tpu.memory_space<hbm>>)
    %dma_wait3A_472 = arith.constant 0 : i32
    %dma_wait3A_473 = arith.constant 0 : i32
    %dma_wait3A_474 = tpu.memref_slice %arg8[%dma_wait3A_472, %dma_wait3A_473] : memref<230400x128xf32, #tpu.memory_space<hbm>> -> memref<80x128xf32, #tpu.memory_space<hbm>>
    %dma_wait3A_475 = arith.constant 0 : i32
    %dma_wait3A_476 = arith.constant 0 : i32
    %dma_wait3A_477 = tpu.memref_slice %arg8[%dma_wait3A_475, %dma_wait3A_476] : memref<230400x128xf32, #tpu.memory_space<hbm>> -> memref<80x128xf32, #tpu.memory_space<hbm>>
    tpu.wait_dma2 semaphore(%arg26 : memref<!tpu.dma_semaphore, #tpu.memory_space<semaphore_mem>>) src(%arg14 : memref<80x128xf32, #tpu.memory_space<vmem>>) dst(%dma_wait3A_477 : memref<80x128xf32, #tpu.memory_space<hbm>>)
    return
  }
}

#map = affine_map<(d0, d1) -> (0, 0)>
#map1 = affine_map<(d0, d1) -> (0)>
module attributes {stable_mosaic.version = 14 : i64} {
  func.func @sc_kernel(%arg0: i32, %arg1: i32, %arg2: memref<10000x128xf32, #tpu.memory_space<hbm>>, %arg3: memref<10000x128xf32, #tpu.memory_space<hbm>>, %arg4: memref<10000x128xf32, #tpu.memory_space<hbm>>, %arg5: memref<320000x128xf32, #tpu.memory_space<hbm>>, %arg6: memref<320000x128xf32, #tpu.memory_space<hbm>>, %arg7: memref<1600000xi32, #tpu.memory_space<hbm>>, %arg8: memref<89600x128xf32, #tpu.memory_space<hbm>>, %arg9: memref<400xi32, #tpu.memory_space<vmem>>, %arg10: memref<400xi32, #tpu.memory_space<vmem>>, %arg11: memref<400xi32, #tpu.memory_space<vmem>>, %arg12: memref<80x128xf32, #tpu.memory_space<vmem>>, %arg13: memref<80x128xf32, #tpu.memory_space<vmem>>, %arg14: memref<80x128xf32, #tpu.memory_space<vmem>>, %arg15: memref<!tpu.dma_semaphore, #tpu.memory_space<semaphore_mem>>, %arg16: memref<!tpu.dma_semaphore, #tpu.memory_space<semaphore_mem>>, %arg17: memref<!tpu.dma_semaphore, #tpu.memory_space<semaphore_mem>>, %arg18: memref<!tpu.dma_semaphore, #tpu.memory_space<semaphore_mem>>, %arg19: memref<!tpu.dma_semaphore, #tpu.memory_space<semaphore_mem>>, %arg20: memref<!tpu.dma_semaphore, #tpu.memory_space<semaphore_mem>>, %arg21: memref<!tpu.dma_semaphore, #tpu.memory_space<semaphore_mem>>, %arg22: memref<!tpu.dma_semaphore, #tpu.memory_space<semaphore_mem>>, %arg23: memref<!tpu.dma_semaphore, #tpu.memory_space<semaphore_mem>>, %arg24: memref<!tpu.dma_semaphore, #tpu.memory_space<semaphore_mem>>, %arg25: memref<!tpu.dma_semaphore, #tpu.memory_space<semaphore_mem>>, %arg26: memref<!tpu.dma_semaphore, #tpu.memory_space<semaphore_mem>>) attributes {dimension_semantics = [#tpu.dimension_semantics<core_parallel>, #tpu.dimension_semantics<subcore_parallel>], iteration_bounds = array<i64: 2, 16>, scalar_prefetch = 0 : i64, scratch_operands = 18 : i64, tpu.core_type = #tpu.core_type<sc_vector_subcore>, window_params = [{transform_indices = #map}, {transform_indices = #map}, {transform_indices = #map}, {transform_indices = #map}, {transform_indices = #map}, {transform_indices = #map1}, {transform_indices = #map}]} {
    %mul3A = arith.constant 2 : i32
    %mul3A_0 = arith.muli %arg1, %mul3A : i32
    %add3A = arith.addi %mul3A_0, %arg0 : i32
    %mul3A_1 = arith.constant 2800 : i32
    %mul3A_2 = arith.muli %add3A, %mul3A_1 : i32
    %add3A_3 = arith.constant 230400 : i32
    %add3A_4 = arith.addi %add3A_3, %mul3A_2 : i32
    %mul3A_5 = arith.constant 2800 : i32
    %mul3A_6 = arith.muli %add3A, %mul3A_5 : i32
    %jit3A = arith.constant 80 : i32
    %div3A = arith.divsi %add3A_4, %jit3A : i32
    %sign3A = arith.constant 0 : i32
    %sign3A_7 = arith.cmpi sgt, %add3A_4, %sign3A : i32
    %sign3A_8 = arith.extui %sign3A_7 : i1 to i32
    %sign3A_9 = arith.constant 0 : i32
    %sign3A_10 = arith.cmpi slt, %add3A_4, %sign3A_9 : i32
    %sign3A_11 = arith.extui %sign3A_10 : i1 to i32
    %sign3A_12 = arith.subi %sign3A_8, %sign3A_11 : i32
    %sign3A_13 = arith.constant 0 : i32
    %sign3A_14 = arith.cmpi sgt, %jit3A, %sign3A_13 : i32
    %sign3A_15 = arith.extui %sign3A_14 : i1 to i32
    %sign3A_16 = arith.constant 0 : i32
    %sign3A_17 = arith.cmpi slt, %jit3A, %sign3A_16 : i32
    %sign3A_18 = arith.extui %sign3A_17 : i1 to i32
    %sign3A_19 = arith.subi %sign3A_15, %sign3A_18 : i32
    %ne3A = arith.cmpi ne, %sign3A_12, %sign3A_19 : i32
    %rem3A = arith.remsi %add3A_4, %jit3A : i32
    %ne3A_20 = arith.constant 0 : i32
    %ne3A_21 = arith.cmpi ne, %rem3A, %ne3A_20 : i32
    %and3A = arith.andi %ne3A, %ne3A_21 : i1
    %sub3A = arith.constant 1 : i32
    %sub3A_22 = arith.subi %div3A, %sub3A : i32
    %select_n3A = arith.select %and3A, %sub3A_22, %div3A : i32
    %mul3A_23 = arith.constant 400 : i32
    %mul3A_24 = arith.muli %select_n3A, %mul3A_23 : i32
    %add3A_25 = arith.constant 0 : i32
    %add3A_26 = arith.addi %mul3A_24, %add3A_25 : i32
    %dma_start3A = tpu.memref_slice %arg7[%add3A_26] : memref<1600000xi32, #tpu.memory_space<hbm>> -> memref<400xi32, #tpu.memory_space<hbm>>
    %dma_start3A_27 = tpu.memref_slice %arg7[%add3A_26] : memref<1600000xi32, #tpu.memory_space<hbm>> -> memref<400xi32, #tpu.memory_space<hbm>>
    tpu.enqueue_dma source(%dma_start3A_27 : memref<400xi32, #tpu.memory_space<hbm>>) target(%arg9 : memref<400xi32, #tpu.memory_space<vmem>>) target_semaphore(%arg15 : memref<!tpu.dma_semaphore, #tpu.memory_space<semaphore_mem>>)
    %add3A_28 = arith.constant 400 : i32
    %add3A_29 = arith.addi %mul3A_24, %add3A_28 : i32
    %dma_start3A_30 = tpu.memref_slice %arg7[%add3A_29] : memref<1600000xi32, #tpu.memory_space<hbm>> -> memref<400xi32, #tpu.memory_space<hbm>>
    %dma_start3A_31 = tpu.memref_slice %arg7[%add3A_29] : memref<1600000xi32, #tpu.memory_space<hbm>> -> memref<400xi32, #tpu.memory_space<hbm>>
    tpu.enqueue_dma source(%dma_start3A_31 : memref<400xi32, #tpu.memory_space<hbm>>) target(%arg10 : memref<400xi32, #tpu.memory_space<vmem>>) target_semaphore(%arg16 : memref<!tpu.dma_semaphore, #tpu.memory_space<semaphore_mem>>)
    %dma_wait3A = arith.constant 0 : i32
    %dma_wait3A_32 = tpu.memref_slice %arg7[%dma_wait3A] : memref<1600000xi32, #tpu.memory_space<hbm>> -> memref<400xi32, #tpu.memory_space<hbm>>
    %dma_wait3A_33 = arith.constant 0 : i32
    %dma_wait3A_34 = tpu.memref_slice %arg7[%dma_wait3A_33] : memref<1600000xi32, #tpu.memory_space<hbm>> -> memref<400xi32, #tpu.memory_space<hbm>>
    tpu.wait_dma2 semaphore(%arg15 : memref<!tpu.dma_semaphore, #tpu.memory_space<semaphore_mem>>) src(%dma_wait3A_34 : memref<400xi32, #tpu.memory_space<hbm>>) dst(%arg9 : memref<400xi32, #tpu.memory_space<vmem>>)
    %dma_start3A_35 = arith.constant 0 : i32
    %dma_start3A_36 = tpu.memref_slice %arg9[%dma_start3A_35] : memref<400xi32, #tpu.memory_space<vmem>> -> memref<80xi32, #tpu.memory_space<vmem>>
    %dma_start3A_37 = arith.constant 0 : i32
    %dma_start3A_38 = arith.constant 0 : i32
    %dma_start3A_39 = tpu.memref_slice %arg2[%dma_start3A_37, %dma_start3A_38] : memref<10000x128xf32, #tpu.memory_space<hbm>> -> memref<10000x128xf32, #tpu.memory_space<hbm>>
    tpu.enqueue_indirect_dma source(%dma_start3A_39 : memref<10000x128xf32, #tpu.memory_space<hbm>>) target(%arg12 : memref<80x128xf32, #tpu.memory_space<vmem>>) offsets(%dma_start3A_36 : memref<80xi32, #tpu.memory_space<vmem>>) semaphore(%arg18 : memref<!tpu.dma_semaphore, #tpu.memory_space<semaphore_mem>>)
    %dma_wait3A_40 = arith.constant 0 : i32
    %dma_wait3A_41 = arith.constant 0 : i32
    %dma_wait3A_42 = tpu.memref_slice %arg2[%dma_wait3A_40, %dma_wait3A_41] : memref<10000x128xf32, #tpu.memory_space<hbm>> -> memref<80x128xf32, #tpu.memory_space<hbm>>
    %dma_wait3A_43 = arith.constant 0 : i32
    %dma_wait3A_44 = arith.constant 0 : i32
    %dma_wait3A_45 = tpu.memref_slice %arg2[%dma_wait3A_43, %dma_wait3A_44] : memref<10000x128xf32, #tpu.memory_space<hbm>> -> memref<80x128xf32, #tpu.memory_space<hbm>>
    tpu.wait_dma2 semaphore(%arg18 : memref<!tpu.dma_semaphore, #tpu.memory_space<semaphore_mem>>) src(%dma_wait3A_45 : memref<80x128xf32, #tpu.memory_space<hbm>>) dst(%arg12 : memref<80x128xf32, #tpu.memory_space<vmem>>)
    %dma_start3A_46 = arith.constant 80 : i32
    %dma_start3A_47 = tpu.memref_slice %arg9[%dma_start3A_46] : memref<400xi32, #tpu.memory_space<vmem>> -> memref<80xi32, #tpu.memory_space<vmem>>
    %dma_start3A_48 = arith.constant 0 : i32
    %dma_start3A_49 = arith.constant 0 : i32
    %dma_start3A_50 = tpu.memref_slice %arg3[%dma_start3A_48, %dma_start3A_49] : memref<10000x128xf32, #tpu.memory_space<hbm>> -> memref<10000x128xf32, #tpu.memory_space<hbm>>
    tpu.enqueue_indirect_dma source(%dma_start3A_50 : memref<10000x128xf32, #tpu.memory_space<hbm>>) target(%arg12 : memref<80x128xf32, #tpu.memory_space<vmem>>) offsets(%dma_start3A_47 : memref<80xi32, #tpu.memory_space<vmem>>) semaphore(%arg21 : memref<!tpu.dma_semaphore, #tpu.memory_space<semaphore_mem>>) {add = true}
    %dma_start3A_51 = arith.constant 160 : i32
    %dma_start3A_52 = tpu.memref_slice %arg9[%dma_start3A_51] : memref<400xi32, #tpu.memory_space<vmem>> -> memref<80xi32, #tpu.memory_space<vmem>>
    %dma_start3A_53 = arith.constant 0 : i32
    %dma_start3A_54 = arith.constant 0 : i32
    %dma_start3A_55 = tpu.memref_slice %arg4[%dma_start3A_53, %dma_start3A_54] : memref<10000x128xf32, #tpu.memory_space<hbm>> -> memref<10000x128xf32, #tpu.memory_space<hbm>>
    tpu.enqueue_indirect_dma source(%dma_start3A_55 : memref<10000x128xf32, #tpu.memory_space<hbm>>) target(%arg12 : memref<80x128xf32, #tpu.memory_space<vmem>>) offsets(%dma_start3A_52 : memref<80xi32, #tpu.memory_space<vmem>>) semaphore(%arg21 : memref<!tpu.dma_semaphore, #tpu.memory_space<semaphore_mem>>) {add = true}
    %dma_start3A_56 = arith.constant 240 : i32
    %dma_start3A_57 = tpu.memref_slice %arg9[%dma_start3A_56] : memref<400xi32, #tpu.memory_space<vmem>> -> memref<80xi32, #tpu.memory_space<vmem>>
    %dma_start3A_58 = arith.constant 0 : i32
    %dma_start3A_59 = arith.constant 0 : i32
    %dma_start3A_60 = tpu.memref_slice %arg5[%dma_start3A_58, %dma_start3A_59] : memref<320000x128xf32, #tpu.memory_space<hbm>> -> memref<320000x128xf32, #tpu.memory_space<hbm>>
    tpu.enqueue_indirect_dma source(%dma_start3A_60 : memref<320000x128xf32, #tpu.memory_space<hbm>>) target(%arg12 : memref<80x128xf32, #tpu.memory_space<vmem>>) offsets(%dma_start3A_57 : memref<80xi32, #tpu.memory_space<vmem>>) semaphore(%arg21 : memref<!tpu.dma_semaphore, #tpu.memory_space<semaphore_mem>>) {add = true}
    %dma_start3A_61 = arith.constant 320 : i32
    %dma_start3A_62 = tpu.memref_slice %arg9[%dma_start3A_61] : memref<400xi32, #tpu.memory_space<vmem>> -> memref<80xi32, #tpu.memory_space<vmem>>
    %dma_start3A_63 = arith.constant 0 : i32
    %dma_start3A_64 = arith.constant 0 : i32
    %dma_start3A_65 = tpu.memref_slice %arg6[%dma_start3A_63, %dma_start3A_64] : memref<320000x128xf32, #tpu.memory_space<hbm>> -> memref<320000x128xf32, #tpu.memory_space<hbm>>
    tpu.enqueue_indirect_dma source(%dma_start3A_65 : memref<320000x128xf32, #tpu.memory_space<hbm>>) target(%arg12 : memref<80x128xf32, #tpu.memory_space<vmem>>) offsets(%dma_start3A_62 : memref<80xi32, #tpu.memory_space<vmem>>) semaphore(%arg21 : memref<!tpu.dma_semaphore, #tpu.memory_space<semaphore_mem>>) {add = true}
    %dma_wait3A_66 = arith.constant 0 : i32
    %dma_wait3A_67 = tpu.memref_slice %arg7[%dma_wait3A_66] : memref<1600000xi32, #tpu.memory_space<hbm>> -> memref<400xi32, #tpu.memory_space<hbm>>
    %dma_wait3A_68 = arith.constant 0 : i32
    %dma_wait3A_69 = tpu.memref_slice %arg7[%dma_wait3A_68] : memref<1600000xi32, #tpu.memory_space<hbm>> -> memref<400xi32, #tpu.memory_space<hbm>>
    tpu.wait_dma2 semaphore(%arg16 : memref<!tpu.dma_semaphore, #tpu.memory_space<semaphore_mem>>) src(%dma_wait3A_69 : memref<400xi32, #tpu.memory_space<hbm>>) dst(%arg10 : memref<400xi32, #tpu.memory_space<vmem>>)
    %dma_start3A_70 = arith.constant 0 : i32
    %dma_start3A_71 = tpu.memref_slice %arg10[%dma_start3A_70] : memref<400xi32, #tpu.memory_space<vmem>> -> memref<80xi32, #tpu.memory_space<vmem>>
    %dma_start3A_72 = arith.constant 0 : i32
    %dma_start3A_73 = arith.constant 0 : i32
    %dma_start3A_74 = tpu.memref_slice %arg2[%dma_start3A_72, %dma_start3A_73] : memref<10000x128xf32, #tpu.memory_space<hbm>> -> memref<10000x128xf32, #tpu.memory_space<hbm>>
    tpu.enqueue_indirect_dma source(%dma_start3A_74 : memref<10000x128xf32, #tpu.memory_space<hbm>>) target(%arg13 : memref<80x128xf32, #tpu.memory_space<vmem>>) offsets(%dma_start3A_71 : memref<80xi32, #tpu.memory_space<vmem>>) semaphore(%arg19 : memref<!tpu.dma_semaphore, #tpu.memory_space<semaphore_mem>>)
    %add3A_75 = arith.constant 800 : i32
    %add3A_76 = arith.addi %mul3A_24, %add3A_75 : i32
    %dma_start3A_77 = tpu.memref_slice %arg7[%add3A_76] : memref<1600000xi32, #tpu.memory_space<hbm>> -> memref<400xi32, #tpu.memory_space<hbm>>
    %dma_start3A_78 = tpu.memref_slice %arg7[%add3A_76] : memref<1600000xi32, #tpu.memory_space<hbm>> -> memref<400xi32, #tpu.memory_space<hbm>>
    tpu.enqueue_dma source(%dma_start3A_78 : memref<400xi32, #tpu.memory_space<hbm>>) target(%arg11 : memref<400xi32, #tpu.memory_space<vmem>>) target_semaphore(%arg17 : memref<!tpu.dma_semaphore, #tpu.memory_space<semaphore_mem>>)
    %dma_wait3A_79 = arith.constant 0 : i32
    %dma_wait3A_80 = arith.constant 0 : i32
    %dma_wait3A_81 = tpu.memref_slice %arg2[%dma_wait3A_79, %dma_wait3A_80] : memref<10000x128xf32, #tpu.memory_space<hbm>> -> memref<80x128xf32, #tpu.memory_space<hbm>>
    %dma_wait3A_82 = arith.constant 0 : i32
    %dma_wait3A_83 = arith.constant 0 : i32
    %dma_wait3A_84 = tpu.memref_slice %arg2[%dma_wait3A_82, %dma_wait3A_83] : memref<10000x128xf32, #tpu.memory_space<hbm>> -> memref<80x128xf32, #tpu.memory_space<hbm>>
    tpu.wait_dma2 semaphore(%arg19 : memref<!tpu.dma_semaphore, #tpu.memory_space<semaphore_mem>>) src(%dma_wait3A_84 : memref<80x128xf32, #tpu.memory_space<hbm>>) dst(%arg13 : memref<80x128xf32, #tpu.memory_space<vmem>>)
    %dma_start3A_85 = arith.constant 80 : i32
    %dma_start3A_86 = tpu.memref_slice %arg10[%dma_start3A_85] : memref<400xi32, #tpu.memory_space<vmem>> -> memref<80xi32, #tpu.memory_space<vmem>>
    %dma_start3A_87 = arith.constant 0 : i32
    %dma_start3A_88 = arith.constant 0 : i32
    %dma_start3A_89 = tpu.memref_slice %arg3[%dma_start3A_87, %dma_start3A_88] : memref<10000x128xf32, #tpu.memory_space<hbm>> -> memref<10000x128xf32, #tpu.memory_space<hbm>>
    tpu.enqueue_indirect_dma source(%dma_start3A_89 : memref<10000x128xf32, #tpu.memory_space<hbm>>) target(%arg13 : memref<80x128xf32, #tpu.memory_space<vmem>>) offsets(%dma_start3A_86 : memref<80xi32, #tpu.memory_space<vmem>>) semaphore(%arg22 : memref<!tpu.dma_semaphore, #tpu.memory_space<semaphore_mem>>) {add = true}
    %dma_start3A_90 = arith.constant 160 : i32
    %dma_start3A_91 = tpu.memref_slice %arg10[%dma_start3A_90] : memref<400xi32, #tpu.memory_space<vmem>> -> memref<80xi32, #tpu.memory_space<vmem>>
    %dma_start3A_92 = arith.constant 0 : i32
    %dma_start3A_93 = arith.constant 0 : i32
    %dma_start3A_94 = tpu.memref_slice %arg4[%dma_start3A_92, %dma_start3A_93] : memref<10000x128xf32, #tpu.memory_space<hbm>> -> memref<10000x128xf32, #tpu.memory_space<hbm>>
    tpu.enqueue_indirect_dma source(%dma_start3A_94 : memref<10000x128xf32, #tpu.memory_space<hbm>>) target(%arg13 : memref<80x128xf32, #tpu.memory_space<vmem>>) offsets(%dma_start3A_91 : memref<80xi32, #tpu.memory_space<vmem>>) semaphore(%arg22 : memref<!tpu.dma_semaphore, #tpu.memory_space<semaphore_mem>>) {add = true}
    %dma_start3A_95 = arith.constant 240 : i32
    %dma_start3A_96 = tpu.memref_slice %arg10[%dma_start3A_95] : memref<400xi32, #tpu.memory_space<vmem>> -> memref<80xi32, #tpu.memory_space<vmem>>
    %dma_start3A_97 = arith.constant 0 : i32
    %dma_start3A_98 = arith.constant 0 : i32
    %dma_start3A_99 = tpu.memref_slice %arg5[%dma_start3A_97, %dma_start3A_98] : memref<320000x128xf32, #tpu.memory_space<hbm>> -> memref<320000x128xf32, #tpu.memory_space<hbm>>
    tpu.enqueue_indirect_dma source(%dma_start3A_99 : memref<320000x128xf32, #tpu.memory_space<hbm>>) target(%arg13 : memref<80x128xf32, #tpu.memory_space<vmem>>) offsets(%dma_start3A_96 : memref<80xi32, #tpu.memory_space<vmem>>) semaphore(%arg22 : memref<!tpu.dma_semaphore, #tpu.memory_space<semaphore_mem>>) {add = true}
    %dma_start3A_100 = arith.constant 320 : i32
    %dma_start3A_101 = tpu.memref_slice %arg10[%dma_start3A_100] : memref<400xi32, #tpu.memory_space<vmem>> -> memref<80xi32, #tpu.memory_space<vmem>>
    %dma_start3A_102 = arith.constant 0 : i32
    %dma_start3A_103 = arith.constant 0 : i32
    %dma_start3A_104 = tpu.memref_slice %arg6[%dma_start3A_102, %dma_start3A_103] : memref<320000x128xf32, #tpu.memory_space<hbm>> -> memref<320000x128xf32, #tpu.memory_space<hbm>>
    tpu.enqueue_indirect_dma source(%dma_start3A_104 : memref<320000x128xf32, #tpu.memory_space<hbm>>) target(%arg13 : memref<80x128xf32, #tpu.memory_space<vmem>>) offsets(%dma_start3A_101 : memref<80xi32, #tpu.memory_space<vmem>>) semaphore(%arg22 : memref<!tpu.dma_semaphore, #tpu.memory_space<semaphore_mem>>) {add = true}
    %dma_wait3A_105 = arith.constant 0 : i32
    %dma_wait3A_106 = tpu.memref_slice %arg7[%dma_wait3A_105] : memref<1600000xi32, #tpu.memory_space<hbm>> -> memref<400xi32, #tpu.memory_space<hbm>>
    %dma_wait3A_107 = arith.constant 0 : i32
    %dma_wait3A_108 = tpu.memref_slice %arg7[%dma_wait3A_107] : memref<1600000xi32, #tpu.memory_space<hbm>> -> memref<400xi32, #tpu.memory_space<hbm>>
    tpu.wait_dma2 semaphore(%arg17 : memref<!tpu.dma_semaphore, #tpu.memory_space<semaphore_mem>>) src(%dma_wait3A_108 : memref<400xi32, #tpu.memory_space<hbm>>) dst(%arg11 : memref<400xi32, #tpu.memory_space<vmem>>)
    %dma_start3A_109 = arith.constant 0 : i32
    %dma_start3A_110 = tpu.memref_slice %arg11[%dma_start3A_109] : memref<400xi32, #tpu.memory_space<vmem>> -> memref<80xi32, #tpu.memory_space<vmem>>
    %dma_start3A_111 = arith.constant 0 : i32
    %dma_start3A_112 = arith.constant 0 : i32
    %dma_start3A_113 = tpu.memref_slice %arg2[%dma_start3A_111, %dma_start3A_112] : memref<10000x128xf32, #tpu.memory_space<hbm>> -> memref<10000x128xf32, #tpu.memory_space<hbm>>
    tpu.enqueue_indirect_dma source(%dma_start3A_113 : memref<10000x128xf32, #tpu.memory_space<hbm>>) target(%arg14 : memref<80x128xf32, #tpu.memory_space<vmem>>) offsets(%dma_start3A_110 : memref<80xi32, #tpu.memory_space<vmem>>) semaphore(%arg20 : memref<!tpu.dma_semaphore, #tpu.memory_space<semaphore_mem>>)
    %dma_wait3A_114 = arith.constant 0 : i32
    %dma_wait3A_115 = arith.constant 0 : i32
    %dma_wait3A_116 = tpu.memref_slice %arg2[%dma_wait3A_114, %dma_wait3A_115] : memref<10000x128xf32, #tpu.memory_space<hbm>> -> memref<80x128xf32, #tpu.memory_space<hbm>>
    %dma_wait3A_117 = arith.constant 0 : i32
    %dma_wait3A_118 = arith.constant 0 : i32
    %dma_wait3A_119 = tpu.memref_slice %arg2[%dma_wait3A_117, %dma_wait3A_118] : memref<10000x128xf32, #tpu.memory_space<hbm>> -> memref<80x128xf32, #tpu.memory_space<hbm>>
    tpu.wait_dma2 semaphore(%arg21 : memref<!tpu.dma_semaphore, #tpu.memory_space<semaphore_mem>>) src(%dma_wait3A_119 : memref<80x128xf32, #tpu.memory_space<hbm>>) dst(%arg12 : memref<80x128xf32, #tpu.memory_space<vmem>>)
    %dma_wait3A_120 = arith.constant 0 : i32
    %dma_wait3A_121 = arith.constant 0 : i32
    %dma_wait3A_122 = tpu.memref_slice %arg2[%dma_wait3A_120, %dma_wait3A_121] : memref<10000x128xf32, #tpu.memory_space<hbm>> -> memref<80x128xf32, #tpu.memory_space<hbm>>
    %dma_wait3A_123 = arith.constant 0 : i32
    %dma_wait3A_124 = arith.constant 0 : i32
    %dma_wait3A_125 = tpu.memref_slice %arg2[%dma_wait3A_123, %dma_wait3A_124] : memref<10000x128xf32, #tpu.memory_space<hbm>> -> memref<80x128xf32, #tpu.memory_space<hbm>>
    tpu.wait_dma2 semaphore(%arg21 : memref<!tpu.dma_semaphore, #tpu.memory_space<semaphore_mem>>) src(%dma_wait3A_125 : memref<80x128xf32, #tpu.memory_space<hbm>>) dst(%arg12 : memref<80x128xf32, #tpu.memory_space<vmem>>)
    %dma_wait3A_126 = arith.constant 0 : i32
    %dma_wait3A_127 = arith.constant 0 : i32
    %dma_wait3A_128 = tpu.memref_slice %arg2[%dma_wait3A_126, %dma_wait3A_127] : memref<10000x128xf32, #tpu.memory_space<hbm>> -> memref<80x128xf32, #tpu.memory_space<hbm>>
    %dma_wait3A_129 = arith.constant 0 : i32
    %dma_wait3A_130 = arith.constant 0 : i32
    %dma_wait3A_131 = tpu.memref_slice %arg2[%dma_wait3A_129, %dma_wait3A_130] : memref<10000x128xf32, #tpu.memory_space<hbm>> -> memref<80x128xf32, #tpu.memory_space<hbm>>
    tpu.wait_dma2 semaphore(%arg21 : memref<!tpu.dma_semaphore, #tpu.memory_space<semaphore_mem>>) src(%dma_wait3A_131 : memref<80x128xf32, #tpu.memory_space<hbm>>) dst(%arg12 : memref<80x128xf32, #tpu.memory_space<vmem>>)
    %dma_wait3A_132 = arith.constant 0 : i32
    %dma_wait3A_133 = arith.constant 0 : i32
    %dma_wait3A_134 = tpu.memref_slice %arg2[%dma_wait3A_132, %dma_wait3A_133] : memref<10000x128xf32, #tpu.memory_space<hbm>> -> memref<80x128xf32, #tpu.memory_space<hbm>>
    %dma_wait3A_135 = arith.constant 0 : i32
    %dma_wait3A_136 = arith.constant 0 : i32
    %dma_wait3A_137 = tpu.memref_slice %arg2[%dma_wait3A_135, %dma_wait3A_136] : memref<10000x128xf32, #tpu.memory_space<hbm>> -> memref<80x128xf32, #tpu.memory_space<hbm>>
    tpu.wait_dma2 semaphore(%arg21 : memref<!tpu.dma_semaphore, #tpu.memory_space<semaphore_mem>>) src(%dma_wait3A_137 : memref<80x128xf32, #tpu.memory_space<hbm>>) dst(%arg12 : memref<80x128xf32, #tpu.memory_space<vmem>>)
    %add3A_138 = arith.constant 0 : i32
    %add3A_139 = arith.addi %mul3A_6, %add3A_138 : i32
    %dma_start3A_140 = arith.constant 0 : i32
    %dma_start3A_141 = tpu.memref_slice %arg8[%add3A_139, %dma_start3A_140] : memref<89600x128xf32, #tpu.memory_space<hbm>> -> memref<80x128xf32, #tpu.memory_space<hbm>>
    %dma_start3A_142 = arith.constant 0 : i32
    %dma_start3A_143 = tpu.memref_slice %arg8[%add3A_139, %dma_start3A_142] : memref<89600x128xf32, #tpu.memory_space<hbm>> -> memref<80x128xf32, #tpu.memory_space<hbm>>
    tpu.enqueue_dma source(%arg12 : memref<80x128xf32, #tpu.memory_space<vmem>>) target(%dma_start3A_143 : memref<80x128xf32, #tpu.memory_space<hbm>>) target_semaphore(%arg24 : memref<!tpu.dma_semaphore, #tpu.memory_space<semaphore_mem>>)
    %add3A_144 = arith.constant 1200 : i32
    %add3A_145 = arith.addi %mul3A_24, %add3A_144 : i32
    %dma_start3A_146 = tpu.memref_slice %arg7[%add3A_145] : memref<1600000xi32, #tpu.memory_space<hbm>> -> memref<400xi32, #tpu.memory_space<hbm>>
    %dma_start3A_147 = tpu.memref_slice %arg7[%add3A_145] : memref<1600000xi32, #tpu.memory_space<hbm>> -> memref<400xi32, #tpu.memory_space<hbm>>
    tpu.enqueue_dma source(%dma_start3A_147 : memref<400xi32, #tpu.memory_space<hbm>>) target(%arg9 : memref<400xi32, #tpu.memory_space<vmem>>) target_semaphore(%arg15 : memref<!tpu.dma_semaphore, #tpu.memory_space<semaphore_mem>>)
    %scan3A = arith.constant 0 : i32
    %scan3A_148 = arith.constant 0 : i32
    %scan3A_149 = arith.constant 10 : i32
    %scan3A_150 = arith.addi %scan3A_148, %scan3A_149 : i32
    %scan3A_151 = arith.constant 1 : i32
    scf.for %scan3A_403 = %scan3A_148 to %scan3A_150 step %scan3A_151  : i32 {
      %mul3A_404 = arith.constant 3 : i32
      %mul3A_405 = arith.muli %mul3A_404, %scan3A_403 : i32
      %add3A_406 = arith.constant 2 : i32
      %add3A_407 = arith.addi %mul3A_405, %add3A_406 : i32
      %dma_wait3A_408 = arith.constant 0 : i32
      %dma_wait3A_409 = arith.constant 0 : i32
      %dma_wait3A_410 = tpu.memref_slice %arg2[%dma_wait3A_408, %dma_wait3A_409] : memref<10000x128xf32, #tpu.memory_space<hbm>> -> memref<80x128xf32, #tpu.memory_space<hbm>>
      %dma_wait3A_411 = arith.constant 0 : i32
      %dma_wait3A_412 = arith.constant 0 : i32
      %dma_wait3A_413 = tpu.memref_slice %arg2[%dma_wait3A_411, %dma_wait3A_412] : memref<10000x128xf32, #tpu.memory_space<hbm>> -> memref<80x128xf32, #tpu.memory_space<hbm>>
      tpu.wait_dma2 semaphore(%arg20 : memref<!tpu.dma_semaphore, #tpu.memory_space<semaphore_mem>>) src(%dma_wait3A_413 : memref<80x128xf32, #tpu.memory_space<hbm>>) dst(%arg14 : memref<80x128xf32, #tpu.memory_space<vmem>>)
      %dma_start3A_414 = arith.constant 80 : i32
      %dma_start3A_415 = tpu.memref_slice %arg11[%dma_start3A_414] : memref<400xi32, #tpu.memory_space<vmem>> -> memref<80xi32, #tpu.memory_space<vmem>>
      %dma_start3A_416 = arith.constant 0 : i32
      %dma_start3A_417 = arith.constant 0 : i32
      %dma_start3A_418 = tpu.memref_slice %arg3[%dma_start3A_416, %dma_start3A_417] : memref<10000x128xf32, #tpu.memory_space<hbm>> -> memref<10000x128xf32, #tpu.memory_space<hbm>>
      tpu.enqueue_indirect_dma source(%dma_start3A_418 : memref<10000x128xf32, #tpu.memory_space<hbm>>) target(%arg14 : memref<80x128xf32, #tpu.memory_space<vmem>>) offsets(%dma_start3A_415 : memref<80xi32, #tpu.memory_space<vmem>>) semaphore(%arg23 : memref<!tpu.dma_semaphore, #tpu.memory_space<semaphore_mem>>) {add = true}
      %dma_start3A_419 = arith.constant 160 : i32
      %dma_start3A_420 = tpu.memref_slice %arg11[%dma_start3A_419] : memref<400xi32, #tpu.memory_space<vmem>> -> memref<80xi32, #tpu.memory_space<vmem>>
      %dma_start3A_421 = arith.constant 0 : i32
      %dma_start3A_422 = arith.constant 0 : i32
      %dma_start3A_423 = tpu.memref_slice %arg4[%dma_start3A_421, %dma_start3A_422] : memref<10000x128xf32, #tpu.memory_space<hbm>> -> memref<10000x128xf32, #tpu.memory_space<hbm>>
      tpu.enqueue_indirect_dma source(%dma_start3A_423 : memref<10000x128xf32, #tpu.memory_space<hbm>>) target(%arg14 : memref<80x128xf32, #tpu.memory_space<vmem>>) offsets(%dma_start3A_420 : memref<80xi32, #tpu.memory_space<vmem>>) semaphore(%arg23 : memref<!tpu.dma_semaphore, #tpu.memory_space<semaphore_mem>>) {add = true}
      %dma_start3A_424 = arith.constant 240 : i32
      %dma_start3A_425 = tpu.memref_slice %arg11[%dma_start3A_424] : memref<400xi32, #tpu.memory_space<vmem>> -> memref<80xi32, #tpu.memory_space<vmem>>
      %dma_start3A_426 = arith.constant 0 : i32
      %dma_start3A_427 = arith.constant 0 : i32
      %dma_start3A_428 = tpu.memref_slice %arg5[%dma_start3A_426, %dma_start3A_427] : memref<320000x128xf32, #tpu.memory_space<hbm>> -> memref<320000x128xf32, #tpu.memory_space<hbm>>
      tpu.enqueue_indirect_dma source(%dma_start3A_428 : memref<320000x128xf32, #tpu.memory_space<hbm>>) target(%arg14 : memref<80x128xf32, #tpu.memory_space<vmem>>) offsets(%dma_start3A_425 : memref<80xi32, #tpu.memory_space<vmem>>) semaphore(%arg23 : memref<!tpu.dma_semaphore, #tpu.memory_space<semaphore_mem>>) {add = true}
      %dma_start3A_429 = arith.constant 320 : i32
      %dma_start3A_430 = tpu.memref_slice %arg11[%dma_start3A_429] : memref<400xi32, #tpu.memory_space<vmem>> -> memref<80xi32, #tpu.memory_space<vmem>>
      %dma_start3A_431 = arith.constant 0 : i32
      %dma_start3A_432 = arith.constant 0 : i32
      %dma_start3A_433 = tpu.memref_slice %arg6[%dma_start3A_431, %dma_start3A_432] : memref<320000x128xf32, #tpu.memory_space<hbm>> -> memref<320000x128xf32, #tpu.memory_space<hbm>>
      tpu.enqueue_indirect_dma source(%dma_start3A_433 : memref<320000x128xf32, #tpu.memory_space<hbm>>) target(%arg14 : memref<80x128xf32, #tpu.memory_space<vmem>>) offsets(%dma_start3A_430 : memref<80xi32, #tpu.memory_space<vmem>>) semaphore(%arg23 : memref<!tpu.dma_semaphore, #tpu.memory_space<semaphore_mem>>) {add = true}
      %dma_wait3A_434 = arith.constant 0 : i32
      %dma_wait3A_435 = tpu.memref_slice %arg7[%dma_wait3A_434] : memref<1600000xi32, #tpu.memory_space<hbm>> -> memref<400xi32, #tpu.memory_space<hbm>>
      %dma_wait3A_436 = arith.constant 0 : i32
      %dma_wait3A_437 = tpu.memref_slice %arg7[%dma_wait3A_436] : memref<1600000xi32, #tpu.memory_space<hbm>> -> memref<400xi32, #tpu.memory_space<hbm>>
      tpu.wait_dma2 semaphore(%arg15 : memref<!tpu.dma_semaphore, #tpu.memory_space<semaphore_mem>>) src(%dma_wait3A_437 : memref<400xi32, #tpu.memory_space<hbm>>) dst(%arg9 : memref<400xi32, #tpu.memory_space<vmem>>)
      %dma_wait3A_438 = arith.constant 0 : i32
      %dma_wait3A_439 = arith.constant 0 : i32
      %dma_wait3A_440 = tpu.memref_slice %arg8[%dma_wait3A_438, %dma_wait3A_439] : memref<89600x128xf32, #tpu.memory_space<hbm>> -> memref<80x128xf32, #tpu.memory_space<hbm>>
      %dma_wait3A_441 = arith.constant 0 : i32
      %dma_wait3A_442 = arith.constant 0 : i32
      %dma_wait3A_443 = tpu.memref_slice %arg8[%dma_wait3A_441, %dma_wait3A_442] : memref<89600x128xf32, #tpu.memory_space<hbm>> -> memref<80x128xf32, #tpu.memory_space<hbm>>
      tpu.wait_dma2 semaphore(%arg24 : memref<!tpu.dma_semaphore, #tpu.memory_space<semaphore_mem>>) src(%arg12 : memref<80x128xf32, #tpu.memory_space<vmem>>) dst(%dma_wait3A_443 : memref<80x128xf32, #tpu.memory_space<hbm>>)
      %add3A_444 = arith.constant 1 : i32
      %add3A_445 = arith.addi %add3A_407, %add3A_444 : i32
      %dma_start3A_446 = arith.constant 0 : i32
      %dma_start3A_447 = tpu.memref_slice %arg9[%dma_start3A_446] : memref<400xi32, #tpu.memory_space<vmem>> -> memref<80xi32, #tpu.memory_space<vmem>>
      %dma_start3A_448 = arith.constant 0 : i32
      %dma_start3A_449 = arith.constant 0 : i32
      %dma_start3A_450 = tpu.memref_slice %arg2[%dma_start3A_448, %dma_start3A_449] : memref<10000x128xf32, #tpu.memory_space<hbm>> -> memref<10000x128xf32, #tpu.memory_space<hbm>>
      tpu.enqueue_indirect_dma source(%dma_start3A_450 : memref<10000x128xf32, #tpu.memory_space<hbm>>) target(%arg12 : memref<80x128xf32, #tpu.memory_space<vmem>>) offsets(%dma_start3A_447 : memref<80xi32, #tpu.memory_space<vmem>>) semaphore(%arg18 : memref<!tpu.dma_semaphore, #tpu.memory_space<semaphore_mem>>)
      %dma_wait3A_451 = arith.constant 0 : i32
      %dma_wait3A_452 = arith.constant 0 : i32
      %dma_wait3A_453 = tpu.memref_slice %arg2[%dma_wait3A_451, %dma_wait3A_452] : memref<10000x128xf32, #tpu.memory_space<hbm>> -> memref<80x128xf32, #tpu.memory_space<hbm>>
      %dma_wait3A_454 = arith.constant 0 : i32
      %dma_wait3A_455 = arith.constant 0 : i32
      %dma_wait3A_456 = tpu.memref_slice %arg2[%dma_wait3A_454, %dma_wait3A_455] : memref<10000x128xf32, #tpu.memory_space<hbm>> -> memref<80x128xf32, #tpu.memory_space<hbm>>
      tpu.wait_dma2 semaphore(%arg22 : memref<!tpu.dma_semaphore, #tpu.memory_space<semaphore_mem>>) src(%dma_wait3A_456 : memref<80x128xf32, #tpu.memory_space<hbm>>) dst(%arg13 : memref<80x128xf32, #tpu.memory_space<vmem>>)
      %dma_wait3A_457 = arith.constant 0 : i32
      %dma_wait3A_458 = arith.constant 0 : i32
      %dma_wait3A_459 = tpu.memref_slice %arg2[%dma_wait3A_457, %dma_wait3A_458] : memref<10000x128xf32, #tpu.memory_space<hbm>> -> memref<80x128xf32, #tpu.memory_space<hbm>>
      %dma_wait3A_460 = arith.constant 0 : i32
      %dma_wait3A_461 = arith.constant 0 : i32
      %dma_wait3A_462 = tpu.memref_slice %arg2[%dma_wait3A_460, %dma_wait3A_461] : memref<10000x128xf32, #tpu.memory_space<hbm>> -> memref<80x128xf32, #tpu.memory_space<hbm>>
      tpu.wait_dma2 semaphore(%arg22 : memref<!tpu.dma_semaphore, #tpu.memory_space<semaphore_mem>>) src(%dma_wait3A_462 : memref<80x128xf32, #tpu.memory_space<hbm>>) dst(%arg13 : memref<80x128xf32, #tpu.memory_space<vmem>>)
      %dma_wait3A_463 = arith.constant 0 : i32
      %dma_wait3A_464 = arith.constant 0 : i32
      %dma_wait3A_465 = tpu.memref_slice %arg2[%dma_wait3A_463, %dma_wait3A_464] : memref<10000x128xf32, #tpu.memory_space<hbm>> -> memref<80x128xf32, #tpu.memory_space<hbm>>
      %dma_wait3A_466 = arith.constant 0 : i32
      %dma_wait3A_467 = arith.constant 0 : i32
      %dma_wait3A_468 = tpu.memref_slice %arg2[%dma_wait3A_466, %dma_wait3A_467] : memref<10000x128xf32, #tpu.memory_space<hbm>> -> memref<80x128xf32, #tpu.memory_space<hbm>>
      tpu.wait_dma2 semaphore(%arg22 : memref<!tpu.dma_semaphore, #tpu.memory_space<semaphore_mem>>) src(%dma_wait3A_468 : memref<80x128xf32, #tpu.memory_space<hbm>>) dst(%arg13 : memref<80x128xf32, #tpu.memory_space<vmem>>)
      %dma_wait3A_469 = arith.constant 0 : i32
      %dma_wait3A_470 = arith.constant 0 : i32
      %dma_wait3A_471 = tpu.memref_slice %arg2[%dma_wait3A_469, %dma_wait3A_470] : memref<10000x128xf32, #tpu.memory_space<hbm>> -> memref<80x128xf32, #tpu.memory_space<hbm>>
      %dma_wait3A_472 = arith.constant 0 : i32
      %dma_wait3A_473 = arith.constant 0 : i32
      %dma_wait3A_474 = tpu.memref_slice %arg2[%dma_wait3A_472, %dma_wait3A_473] : memref<10000x128xf32, #tpu.memory_space<hbm>> -> memref<80x128xf32, #tpu.memory_space<hbm>>
      tpu.wait_dma2 semaphore(%arg22 : memref<!tpu.dma_semaphore, #tpu.memory_space<semaphore_mem>>) src(%dma_wait3A_474 : memref<80x128xf32, #tpu.memory_space<hbm>>) dst(%arg13 : memref<80x128xf32, #tpu.memory_space<vmem>>)
      %sub3A_475 = arith.constant 1 : i32
      %sub3A_476 = arith.subi %add3A_407, %sub3A_475 : i32
      %mul3A_477 = arith.constant 80 : i32
      %mul3A_478 = arith.muli %sub3A_476, %mul3A_477 : i32
      %add3A_479 = arith.addi %mul3A_6, %mul3A_478 : i32
      %dma_start3A_480 = arith.constant 0 : i32
      %dma_start3A_481 = tpu.memref_slice %arg8[%add3A_479, %dma_start3A_480] : memref<89600x128xf32, #tpu.memory_space<hbm>> -> memref<80x128xf32, #tpu.memory_space<hbm>>
      %dma_start3A_482 = arith.constant 0 : i32
      %dma_start3A_483 = tpu.memref_slice %arg8[%add3A_479, %dma_start3A_482] : memref<89600x128xf32, #tpu.memory_space<hbm>> -> memref<80x128xf32, #tpu.memory_space<hbm>>
      tpu.enqueue_dma source(%arg13 : memref<80x128xf32, #tpu.memory_space<vmem>>) target(%dma_start3A_483 : memref<80x128xf32, #tpu.memory_space<hbm>>) target_semaphore(%arg25 : memref<!tpu.dma_semaphore, #tpu.memory_space<semaphore_mem>>)
      %add3A_484 = arith.constant 2 : i32
      %add3A_485 = arith.addi %add3A_407, %add3A_484 : i32
      %mul3A_486 = arith.constant 400 : i32
      %mul3A_487 = arith.muli %add3A_485, %mul3A_486 : i32
      %add3A_488 = arith.addi %mul3A_24, %mul3A_487 : i32
      %dma_start3A_489 = tpu.memref_slice %arg7[%add3A_488] : memref<1600000xi32, #tpu.memory_space<hbm>> -> memref<400xi32, #tpu.memory_space<hbm>>
      %dma_start3A_490 = tpu.memref_slice %arg7[%add3A_488] : memref<1600000xi32, #tpu.memory_space<hbm>> -> memref<400xi32, #tpu.memory_space<hbm>>
      tpu.enqueue_dma source(%dma_start3A_490 : memref<400xi32, #tpu.memory_space<hbm>>) target(%arg10 : memref<400xi32, #tpu.memory_space<vmem>>) target_semaphore(%arg16 : memref<!tpu.dma_semaphore, #tpu.memory_space<semaphore_mem>>)
      %add3A_491 = arith.constant 1 : i32
      %add3A_492 = arith.addi %add3A_407, %add3A_491 : i32
      %dma_wait3A_493 = arith.constant 0 : i32
      %dma_wait3A_494 = arith.constant 0 : i32
      %dma_wait3A_495 = tpu.memref_slice %arg2[%dma_wait3A_493, %dma_wait3A_494] : memref<10000x128xf32, #tpu.memory_space<hbm>> -> memref<80x128xf32, #tpu.memory_space<hbm>>
      %dma_wait3A_496 = arith.constant 0 : i32
      %dma_wait3A_497 = arith.constant 0 : i32
      %dma_wait3A_498 = tpu.memref_slice %arg2[%dma_wait3A_496, %dma_wait3A_497] : memref<10000x128xf32, #tpu.memory_space<hbm>> -> memref<80x128xf32, #tpu.memory_space<hbm>>
      tpu.wait_dma2 semaphore(%arg18 : memref<!tpu.dma_semaphore, #tpu.memory_space<semaphore_mem>>) src(%dma_wait3A_498 : memref<80x128xf32, #tpu.memory_space<hbm>>) dst(%arg12 : memref<80x128xf32, #tpu.memory_space<vmem>>)
      %dma_start3A_499 = arith.constant 80 : i32
      %dma_start3A_500 = tpu.memref_slice %arg9[%dma_start3A_499] : memref<400xi32, #tpu.memory_space<vmem>> -> memref<80xi32, #tpu.memory_space<vmem>>
      %dma_start3A_501 = arith.constant 0 : i32
      %dma_start3A_502 = arith.constant 0 : i32
      %dma_start3A_503 = tpu.memref_slice %arg3[%dma_start3A_501, %dma_start3A_502] : memref<10000x128xf32, #tpu.memory_space<hbm>> -> memref<10000x128xf32, #tpu.memory_space<hbm>>
      tpu.enqueue_indirect_dma source(%dma_start3A_503 : memref<10000x128xf32, #tpu.memory_space<hbm>>) target(%arg12 : memref<80x128xf32, #tpu.memory_space<vmem>>) offsets(%dma_start3A_500 : memref<80xi32, #tpu.memory_space<vmem>>) semaphore(%arg21 : memref<!tpu.dma_semaphore, #tpu.memory_space<semaphore_mem>>) {add = true}
      %dma_start3A_504 = arith.constant 160 : i32
      %dma_start3A_505 = tpu.memref_slice %arg9[%dma_start3A_504] : memref<400xi32, #tpu.memory_space<vmem>> -> memref<80xi32, #tpu.memory_space<vmem>>
      %dma_start3A_506 = arith.constant 0 : i32
      %dma_start3A_507 = arith.constant 0 : i32
      %dma_start3A_508 = tpu.memref_slice %arg4[%dma_start3A_506, %dma_start3A_507] : memref<10000x128xf32, #tpu.memory_space<hbm>> -> memref<10000x128xf32, #tpu.memory_space<hbm>>
      tpu.enqueue_indirect_dma source(%dma_start3A_508 : memref<10000x128xf32, #tpu.memory_space<hbm>>) target(%arg12 : memref<80x128xf32, #tpu.memory_space<vmem>>) offsets(%dma_start3A_505 : memref<80xi32, #tpu.memory_space<vmem>>) semaphore(%arg21 : memref<!tpu.dma_semaphore, #tpu.memory_space<semaphore_mem>>) {add = true}
      %dma_start3A_509 = arith.constant 240 : i32
      %dma_start3A_510 = tpu.memref_slice %arg9[%dma_start3A_509] : memref<400xi32, #tpu.memory_space<vmem>> -> memref<80xi32, #tpu.memory_space<vmem>>
      %dma_start3A_511 = arith.constant 0 : i32
      %dma_start3A_512 = arith.constant 0 : i32
      %dma_start3A_513 = tpu.memref_slice %arg5[%dma_start3A_511, %dma_start3A_512] : memref<320000x128xf32, #tpu.memory_space<hbm>> -> memref<320000x128xf32, #tpu.memory_space<hbm>>
      tpu.enqueue_indirect_dma source(%dma_start3A_513 : memref<320000x128xf32, #tpu.memory_space<hbm>>) target(%arg12 : memref<80x128xf32, #tpu.memory_space<vmem>>) offsets(%dma_start3A_510 : memref<80xi32, #tpu.memory_space<vmem>>) semaphore(%arg21 : memref<!tpu.dma_semaphore, #tpu.memory_space<semaphore_mem>>) {add = true}
      %dma_start3A_514 = arith.constant 320 : i32
      %dma_start3A_515 = tpu.memref_slice %arg9[%dma_start3A_514] : memref<400xi32, #tpu.memory_space<vmem>> -> memref<80xi32, #tpu.memory_space<vmem>>
      %dma_start3A_516 = arith.constant 0 : i32
      %dma_start3A_517 = arith.constant 0 : i32
      %dma_start3A_518 = tpu.memref_slice %arg6[%dma_start3A_516, %dma_start3A_517] : memref<320000x128xf32, #tpu.memory_space<hbm>> -> memref<320000x128xf32, #tpu.memory_space<hbm>>
      tpu.enqueue_indirect_dma source(%dma_start3A_518 : memref<320000x128xf32, #tpu.memory_space<hbm>>) target(%arg12 : memref<80x128xf32, #tpu.memory_space<vmem>>) offsets(%dma_start3A_515 : memref<80xi32, #tpu.memory_space<vmem>>) semaphore(%arg21 : memref<!tpu.dma_semaphore, #tpu.memory_space<semaphore_mem>>) {add = true}
      %dma_wait3A_519 = arith.constant 0 : i32
      %dma_wait3A_520 = tpu.memref_slice %arg7[%dma_wait3A_519] : memref<1600000xi32, #tpu.memory_space<hbm>> -> memref<400xi32, #tpu.memory_space<hbm>>
      %dma_wait3A_521 = arith.constant 0 : i32
      %dma_wait3A_522 = tpu.memref_slice %arg7[%dma_wait3A_521] : memref<1600000xi32, #tpu.memory_space<hbm>> -> memref<400xi32, #tpu.memory_space<hbm>>
      tpu.wait_dma2 semaphore(%arg16 : memref<!tpu.dma_semaphore, #tpu.memory_space<semaphore_mem>>) src(%dma_wait3A_522 : memref<400xi32, #tpu.memory_space<hbm>>) dst(%arg10 : memref<400xi32, #tpu.memory_space<vmem>>)
      %dma_wait3A_523 = arith.constant 0 : i32
      %dma_wait3A_524 = arith.constant 0 : i32
      %dma_wait3A_525 = tpu.memref_slice %arg8[%dma_wait3A_523, %dma_wait3A_524] : memref<89600x128xf32, #tpu.memory_space<hbm>> -> memref<80x128xf32, #tpu.memory_space<hbm>>
      %dma_wait3A_526 = arith.constant 0 : i32
      %dma_wait3A_527 = arith.constant 0 : i32
      %dma_wait3A_528 = tpu.memref_slice %arg8[%dma_wait3A_526, %dma_wait3A_527] : memref<89600x128xf32, #tpu.memory_space<hbm>> -> memref<80x128xf32, #tpu.memory_space<hbm>>
      tpu.wait_dma2 semaphore(%arg25 : memref<!tpu.dma_semaphore, #tpu.memory_space<semaphore_mem>>) src(%arg13 : memref<80x128xf32, #tpu.memory_space<vmem>>) dst(%dma_wait3A_528 : memref<80x128xf32, #tpu.memory_space<hbm>>)
      %add3A_529 = arith.constant 1 : i32
      %add3A_530 = arith.addi %add3A_492, %add3A_529 : i32
      %dma_start3A_531 = arith.constant 0 : i32
      %dma_start3A_532 = tpu.memref_slice %arg10[%dma_start3A_531] : memref<400xi32, #tpu.memory_space<vmem>> -> memref<80xi32, #tpu.memory_space<vmem>>
      %dma_start3A_533 = arith.constant 0 : i32
      %dma_start3A_534 = arith.constant 0 : i32
      %dma_start3A_535 = tpu.memref_slice %arg2[%dma_start3A_533, %dma_start3A_534] : memref<10000x128xf32, #tpu.memory_space<hbm>> -> memref<10000x128xf32, #tpu.memory_space<hbm>>
      tpu.enqueue_indirect_dma source(%dma_start3A_535 : memref<10000x128xf32, #tpu.memory_space<hbm>>) target(%arg13 : memref<80x128xf32, #tpu.memory_space<vmem>>) offsets(%dma_start3A_532 : memref<80xi32, #tpu.memory_space<vmem>>) semaphore(%arg19 : memref<!tpu.dma_semaphore, #tpu.memory_space<semaphore_mem>>)
      %dma_wait3A_536 = arith.constant 0 : i32
      %dma_wait3A_537 = arith.constant 0 : i32
      %dma_wait3A_538 = tpu.memref_slice %arg2[%dma_wait3A_536, %dma_wait3A_537] : memref<10000x128xf32, #tpu.memory_space<hbm>> -> memref<80x128xf32, #tpu.memory_space<hbm>>
      %dma_wait3A_539 = arith.constant 0 : i32
      %dma_wait3A_540 = arith.constant 0 : i32
      %dma_wait3A_541 = tpu.memref_slice %arg2[%dma_wait3A_539, %dma_wait3A_540] : memref<10000x128xf32, #tpu.memory_space<hbm>> -> memref<80x128xf32, #tpu.memory_space<hbm>>
      tpu.wait_dma2 semaphore(%arg23 : memref<!tpu.dma_semaphore, #tpu.memory_space<semaphore_mem>>) src(%dma_wait3A_541 : memref<80x128xf32, #tpu.memory_space<hbm>>) dst(%arg14 : memref<80x128xf32, #tpu.memory_space<vmem>>)
      %dma_wait3A_542 = arith.constant 0 : i32
      %dma_wait3A_543 = arith.constant 0 : i32
      %dma_wait3A_544 = tpu.memref_slice %arg2[%dma_wait3A_542, %dma_wait3A_543] : memref<10000x128xf32, #tpu.memory_space<hbm>> -> memref<80x128xf32, #tpu.memory_space<hbm>>
      %dma_wait3A_545 = arith.constant 0 : i32
      %dma_wait3A_546 = arith.constant 0 : i32
      %dma_wait3A_547 = tpu.memref_slice %arg2[%dma_wait3A_545, %dma_wait3A_546] : memref<10000x128xf32, #tpu.memory_space<hbm>> -> memref<80x128xf32, #tpu.memory_space<hbm>>
      tpu.wait_dma2 semaphore(%arg23 : memref<!tpu.dma_semaphore, #tpu.memory_space<semaphore_mem>>) src(%dma_wait3A_547 : memref<80x128xf32, #tpu.memory_space<hbm>>) dst(%arg14 : memref<80x128xf32, #tpu.memory_space<vmem>>)
      %dma_wait3A_548 = arith.constant 0 : i32
      %dma_wait3A_549 = arith.constant 0 : i32
      %dma_wait3A_550 = tpu.memref_slice %arg2[%dma_wait3A_548, %dma_wait3A_549] : memref<10000x128xf32, #tpu.memory_space<hbm>> -> memref<80x128xf32, #tpu.memory_space<hbm>>
      %dma_wait3A_551 = arith.constant 0 : i32
      %dma_wait3A_552 = arith.constant 0 : i32
      %dma_wait3A_553 = tpu.memref_slice %arg2[%dma_wait3A_551, %dma_wait3A_552] : memref<10000x128xf32, #tpu.memory_space<hbm>> -> memref<80x128xf32, #tpu.memory_space<hbm>>
      tpu.wait_dma2 semaphore(%arg23 : memref<!tpu.dma_semaphore, #tpu.memory_space<semaphore_mem>>) src(%dma_wait3A_553 : memref<80x128xf32, #tpu.memory_space<hbm>>) dst(%arg14 : memref<80x128xf32, #tpu.memory_space<vmem>>)
      %dma_wait3A_554 = arith.constant 0 : i32
      %dma_wait3A_555 = arith.constant 0 : i32
      %dma_wait3A_556 = tpu.memref_slice %arg2[%dma_wait3A_554, %dma_wait3A_555] : memref<10000x128xf32, #tpu.memory_space<hbm>> -> memref<80x128xf32, #tpu.memory_space<hbm>>
      %dma_wait3A_557 = arith.constant 0 : i32
      %dma_wait3A_558 = arith.constant 0 : i32
      %dma_wait3A_559 = tpu.memref_slice %arg2[%dma_wait3A_557, %dma_wait3A_558] : memref<10000x128xf32, #tpu.memory_space<hbm>> -> memref<80x128xf32, #tpu.memory_space<hbm>>
      tpu.wait_dma2 semaphore(%arg23 : memref<!tpu.dma_semaphore, #tpu.memory_space<semaphore_mem>>) src(%dma_wait3A_559 : memref<80x128xf32, #tpu.memory_space<hbm>>) dst(%arg14 : memref<80x128xf32, #tpu.memory_space<vmem>>)
      %sub3A_560 = arith.constant 1 : i32
      %sub3A_561 = arith.subi %add3A_492, %sub3A_560 : i32
      %mul3A_562 = arith.constant 80 : i32
      %mul3A_563 = arith.muli %sub3A_561, %mul3A_562 : i32
      %add3A_564 = arith.addi %mul3A_6, %mul3A_563 : i32
      %dma_start3A_565 = arith.constant 0 : i32
      %dma_start3A_566 = tpu.memref_slice %arg8[%add3A_564, %dma_start3A_565] : memref<89600x128xf32, #tpu.memory_space<hbm>> -> memref<80x128xf32, #tpu.memory_space<hbm>>
      %dma_start3A_567 = arith.constant 0 : i32
      %dma_start3A_568 = tpu.memref_slice %arg8[%add3A_564, %dma_start3A_567] : memref<89600x128xf32, #tpu.memory_space<hbm>> -> memref<80x128xf32, #tpu.memory_space<hbm>>
      tpu.enqueue_dma source(%arg14 : memref<80x128xf32, #tpu.memory_space<vmem>>) target(%dma_start3A_568 : memref<80x128xf32, #tpu.memory_space<hbm>>) target_semaphore(%arg26 : memref<!tpu.dma_semaphore, #tpu.memory_space<semaphore_mem>>)
      %add3A_569 = arith.constant 2 : i32
      %add3A_570 = arith.addi %add3A_492, %add3A_569 : i32
      %mul3A_571 = arith.constant 400 : i32
      %mul3A_572 = arith.muli %add3A_570, %mul3A_571 : i32
      %add3A_573 = arith.addi %mul3A_24, %mul3A_572 : i32
      %dma_start3A_574 = tpu.memref_slice %arg7[%add3A_573] : memref<1600000xi32, #tpu.memory_space<hbm>> -> memref<400xi32, #tpu.memory_space<hbm>>
      %dma_start3A_575 = tpu.memref_slice %arg7[%add3A_573] : memref<1600000xi32, #tpu.memory_space<hbm>> -> memref<400xi32, #tpu.memory_space<hbm>>
      tpu.enqueue_dma source(%dma_start3A_575 : memref<400xi32, #tpu.memory_space<hbm>>) target(%arg11 : memref<400xi32, #tpu.memory_space<vmem>>) target_semaphore(%arg17 : memref<!tpu.dma_semaphore, #tpu.memory_space<semaphore_mem>>)
      %add3A_576 = arith.constant 2 : i32
      %add3A_577 = arith.addi %add3A_407, %add3A_576 : i32
      %dma_wait3A_578 = arith.constant 0 : i32
      %dma_wait3A_579 = arith.constant 0 : i32
      %dma_wait3A_580 = tpu.memref_slice %arg2[%dma_wait3A_578, %dma_wait3A_579] : memref<10000x128xf32, #tpu.memory_space<hbm>> -> memref<80x128xf32, #tpu.memory_space<hbm>>
      %dma_wait3A_581 = arith.constant 0 : i32
      %dma_wait3A_582 = arith.constant 0 : i32
      %dma_wait3A_583 = tpu.memref_slice %arg2[%dma_wait3A_581, %dma_wait3A_582] : memref<10000x128xf32, #tpu.memory_space<hbm>> -> memref<80x128xf32, #tpu.memory_space<hbm>>
      tpu.wait_dma2 semaphore(%arg19 : memref<!tpu.dma_semaphore, #tpu.memory_space<semaphore_mem>>) src(%dma_wait3A_583 : memref<80x128xf32, #tpu.memory_space<hbm>>) dst(%arg13 : memref<80x128xf32, #tpu.memory_space<vmem>>)
      %dma_start3A_584 = arith.constant 80 : i32
      %dma_start3A_585 = tpu.memref_slice %arg10[%dma_start3A_584] : memref<400xi32, #tpu.memory_space<vmem>> -> memref<80xi32, #tpu.memory_space<vmem>>
      %dma_start3A_586 = arith.constant 0 : i32
      %dma_start3A_587 = arith.constant 0 : i32
      %dma_start3A_588 = tpu.memref_slice %arg3[%dma_start3A_586, %dma_start3A_587] : memref<10000x128xf32, #tpu.memory_space<hbm>> -> memref<10000x128xf32, #tpu.memory_space<hbm>>
      tpu.enqueue_indirect_dma source(%dma_start3A_588 : memref<10000x128xf32, #tpu.memory_space<hbm>>) target(%arg13 : memref<80x128xf32, #tpu.memory_space<vmem>>) offsets(%dma_start3A_585 : memref<80xi32, #tpu.memory_space<vmem>>) semaphore(%arg22 : memref<!tpu.dma_semaphore, #tpu.memory_space<semaphore_mem>>) {add = true}
      %dma_start3A_589 = arith.constant 160 : i32
      %dma_start3A_590 = tpu.memref_slice %arg10[%dma_start3A_589] : memref<400xi32, #tpu.memory_space<vmem>> -> memref<80xi32, #tpu.memory_space<vmem>>
      %dma_start3A_591 = arith.constant 0 : i32
      %dma_start3A_592 = arith.constant 0 : i32
      %dma_start3A_593 = tpu.memref_slice %arg4[%dma_start3A_591, %dma_start3A_592] : memref<10000x128xf32, #tpu.memory_space<hbm>> -> memref<10000x128xf32, #tpu.memory_space<hbm>>
      tpu.enqueue_indirect_dma source(%dma_start3A_593 : memref<10000x128xf32, #tpu.memory_space<hbm>>) target(%arg13 : memref<80x128xf32, #tpu.memory_space<vmem>>) offsets(%dma_start3A_590 : memref<80xi32, #tpu.memory_space<vmem>>) semaphore(%arg22 : memref<!tpu.dma_semaphore, #tpu.memory_space<semaphore_mem>>) {add = true}
      %dma_start3A_594 = arith.constant 240 : i32
      %dma_start3A_595 = tpu.memref_slice %arg10[%dma_start3A_594] : memref<400xi32, #tpu.memory_space<vmem>> -> memref<80xi32, #tpu.memory_space<vmem>>
      %dma_start3A_596 = arith.constant 0 : i32
      %dma_start3A_597 = arith.constant 0 : i32
      %dma_start3A_598 = tpu.memref_slice %arg5[%dma_start3A_596, %dma_start3A_597] : memref<320000x128xf32, #tpu.memory_space<hbm>> -> memref<320000x128xf32, #tpu.memory_space<hbm>>
      tpu.enqueue_indirect_dma source(%dma_start3A_598 : memref<320000x128xf32, #tpu.memory_space<hbm>>) target(%arg13 : memref<80x128xf32, #tpu.memory_space<vmem>>) offsets(%dma_start3A_595 : memref<80xi32, #tpu.memory_space<vmem>>) semaphore(%arg22 : memref<!tpu.dma_semaphore, #tpu.memory_space<semaphore_mem>>) {add = true}
      %dma_start3A_599 = arith.constant 320 : i32
      %dma_start3A_600 = tpu.memref_slice %arg10[%dma_start3A_599] : memref<400xi32, #tpu.memory_space<vmem>> -> memref<80xi32, #tpu.memory_space<vmem>>
      %dma_start3A_601 = arith.constant 0 : i32
      %dma_start3A_602 = arith.constant 0 : i32
      %dma_start3A_603 = tpu.memref_slice %arg6[%dma_start3A_601, %dma_start3A_602] : memref<320000x128xf32, #tpu.memory_space<hbm>> -> memref<320000x128xf32, #tpu.memory_space<hbm>>
      tpu.enqueue_indirect_dma source(%dma_start3A_603 : memref<320000x128xf32, #tpu.memory_space<hbm>>) target(%arg13 : memref<80x128xf32, #tpu.memory_space<vmem>>) offsets(%dma_start3A_600 : memref<80xi32, #tpu.memory_space<vmem>>) semaphore(%arg22 : memref<!tpu.dma_semaphore, #tpu.memory_space<semaphore_mem>>) {add = true}
      %dma_wait3A_604 = arith.constant 0 : i32
      %dma_wait3A_605 = tpu.memref_slice %arg7[%dma_wait3A_604] : memref<1600000xi32, #tpu.memory_space<hbm>> -> memref<400xi32, #tpu.memory_space<hbm>>
      %dma_wait3A_606 = arith.constant 0 : i32
      %dma_wait3A_607 = tpu.memref_slice %arg7[%dma_wait3A_606] : memref<1600000xi32, #tpu.memory_space<hbm>> -> memref<400xi32, #tpu.memory_space<hbm>>
      tpu.wait_dma2 semaphore(%arg17 : memref<!tpu.dma_semaphore, #tpu.memory_space<semaphore_mem>>) src(%dma_wait3A_607 : memref<400xi32, #tpu.memory_space<hbm>>) dst(%arg11 : memref<400xi32, #tpu.memory_space<vmem>>)
      %dma_wait3A_608 = arith.constant 0 : i32
      %dma_wait3A_609 = arith.constant 0 : i32
      %dma_wait3A_610 = tpu.memref_slice %arg8[%dma_wait3A_608, %dma_wait3A_609] : memref<89600x128xf32, #tpu.memory_space<hbm>> -> memref<80x128xf32, #tpu.memory_space<hbm>>
      %dma_wait3A_611 = arith.constant 0 : i32
      %dma_wait3A_612 = arith.constant 0 : i32
      %dma_wait3A_613 = tpu.memref_slice %arg8[%dma_wait3A_611, %dma_wait3A_612] : memref<89600x128xf32, #tpu.memory_space<hbm>> -> memref<80x128xf32, #tpu.memory_space<hbm>>
      tpu.wait_dma2 semaphore(%arg26 : memref<!tpu.dma_semaphore, #tpu.memory_space<semaphore_mem>>) src(%arg14 : memref<80x128xf32, #tpu.memory_space<vmem>>) dst(%dma_wait3A_613 : memref<80x128xf32, #tpu.memory_space<hbm>>)
      %add3A_614 = arith.constant 1 : i32
      %add3A_615 = arith.addi %add3A_577, %add3A_614 : i32
      %dma_start3A_616 = arith.constant 0 : i32
      %dma_start3A_617 = tpu.memref_slice %arg11[%dma_start3A_616] : memref<400xi32, #tpu.memory_space<vmem>> -> memref<80xi32, #tpu.memory_space<vmem>>
      %dma_start3A_618 = arith.constant 0 : i32
      %dma_start3A_619 = arith.constant 0 : i32
      %dma_start3A_620 = tpu.memref_slice %arg2[%dma_start3A_618, %dma_start3A_619] : memref<10000x128xf32, #tpu.memory_space<hbm>> -> memref<10000x128xf32, #tpu.memory_space<hbm>>
      tpu.enqueue_indirect_dma source(%dma_start3A_620 : memref<10000x128xf32, #tpu.memory_space<hbm>>) target(%arg14 : memref<80x128xf32, #tpu.memory_space<vmem>>) offsets(%dma_start3A_617 : memref<80xi32, #tpu.memory_space<vmem>>) semaphore(%arg20 : memref<!tpu.dma_semaphore, #tpu.memory_space<semaphore_mem>>)
      %dma_wait3A_621 = arith.constant 0 : i32
      %dma_wait3A_622 = arith.constant 0 : i32
      %dma_wait3A_623 = tpu.memref_slice %arg2[%dma_wait3A_621, %dma_wait3A_622] : memref<10000x128xf32, #tpu.memory_space<hbm>> -> memref<80x128xf32, #tpu.memory_space<hbm>>
      %dma_wait3A_624 = arith.constant 0 : i32
      %dma_wait3A_625 = arith.constant 0 : i32
      %dma_wait3A_626 = tpu.memref_slice %arg2[%dma_wait3A_624, %dma_wait3A_625] : memref<10000x128xf32, #tpu.memory_space<hbm>> -> memref<80x128xf32, #tpu.memory_space<hbm>>
      tpu.wait_dma2 semaphore(%arg21 : memref<!tpu.dma_semaphore, #tpu.memory_space<semaphore_mem>>) src(%dma_wait3A_626 : memref<80x128xf32, #tpu.memory_space<hbm>>) dst(%arg12 : memref<80x128xf32, #tpu.memory_space<vmem>>)
      %dma_wait3A_627 = arith.constant 0 : i32
      %dma_wait3A_628 = arith.constant 0 : i32
      %dma_wait3A_629 = tpu.memref_slice %arg2[%dma_wait3A_627, %dma_wait3A_628] : memref<10000x128xf32, #tpu.memory_space<hbm>> -> memref<80x128xf32, #tpu.memory_space<hbm>>
      %dma_wait3A_630 = arith.constant 0 : i32
      %dma_wait3A_631 = arith.constant 0 : i32
      %dma_wait3A_632 = tpu.memref_slice %arg2[%dma_wait3A_630, %dma_wait3A_631] : memref<10000x128xf32, #tpu.memory_space<hbm>> -> memref<80x128xf32, #tpu.memory_space<hbm>>
      tpu.wait_dma2 semaphore(%arg21 : memref<!tpu.dma_semaphore, #tpu.memory_space<semaphore_mem>>) src(%dma_wait3A_632 : memref<80x128xf32, #tpu.memory_space<hbm>>) dst(%arg12 : memref<80x128xf32, #tpu.memory_space<vmem>>)
      %dma_wait3A_633 = arith.constant 0 : i32
      %dma_wait3A_634 = arith.constant 0 : i32
      %dma_wait3A_635 = tpu.memref_slice %arg2[%dma_wait3A_633, %dma_wait3A_634] : memref<10000x128xf32, #tpu.memory_space<hbm>> -> memref<80x128xf32, #tpu.memory_space<hbm>>
      %dma_wait3A_636 = arith.constant 0 : i32
      %dma_wait3A_637 = arith.constant 0 : i32
      %dma_wait3A_638 = tpu.memref_slice %arg2[%dma_wait3A_636, %dma_wait3A_637] : memref<10000x128xf32, #tpu.memory_space<hbm>> -> memref<80x128xf32, #tpu.memory_space<hbm>>
      tpu.wait_dma2 semaphore(%arg21 : memref<!tpu.dma_semaphore, #tpu.memory_space<semaphore_mem>>) src(%dma_wait3A_638 : memref<80x128xf32, #tpu.memory_space<hbm>>) dst(%arg12 : memref<80x128xf32, #tpu.memory_space<vmem>>)
      %dma_wait3A_639 = arith.constant 0 : i32
      %dma_wait3A_640 = arith.constant 0 : i32
      %dma_wait3A_641 = tpu.memref_slice %arg2[%dma_wait3A_639, %dma_wait3A_640] : memref<10000x128xf32, #tpu.memory_space<hbm>> -> memref<80x128xf32, #tpu.memory_space<hbm>>
      %dma_wait3A_642 = arith.constant 0 : i32
      %dma_wait3A_643 = arith.constant 0 : i32
      %dma_wait3A_644 = tpu.memref_slice %arg2[%dma_wait3A_642, %dma_wait3A_643] : memref<10000x128xf32, #tpu.memory_space<hbm>> -> memref<80x128xf32, #tpu.memory_space<hbm>>
      tpu.wait_dma2 semaphore(%arg21 : memref<!tpu.dma_semaphore, #tpu.memory_space<semaphore_mem>>) src(%dma_wait3A_644 : memref<80x128xf32, #tpu.memory_space<hbm>>) dst(%arg12 : memref<80x128xf32, #tpu.memory_space<vmem>>)
      %sub3A_645 = arith.constant 1 : i32
      %sub3A_646 = arith.subi %add3A_577, %sub3A_645 : i32
      %mul3A_647 = arith.constant 80 : i32
      %mul3A_648 = arith.muli %sub3A_646, %mul3A_647 : i32
      %add3A_649 = arith.addi %mul3A_6, %mul3A_648 : i32
      %dma_start3A_650 = arith.constant 0 : i32
      %dma_start3A_651 = tpu.memref_slice %arg8[%add3A_649, %dma_start3A_650] : memref<89600x128xf32, #tpu.memory_space<hbm>> -> memref<80x128xf32, #tpu.memory_space<hbm>>
      %dma_start3A_652 = arith.constant 0 : i32
      %dma_start3A_653 = tpu.memref_slice %arg8[%add3A_649, %dma_start3A_652] : memref<89600x128xf32, #tpu.memory_space<hbm>> -> memref<80x128xf32, #tpu.memory_space<hbm>>
      tpu.enqueue_dma source(%arg12 : memref<80x128xf32, #tpu.memory_space<vmem>>) target(%dma_start3A_653 : memref<80x128xf32, #tpu.memory_space<hbm>>) target_semaphore(%arg24 : memref<!tpu.dma_semaphore, #tpu.memory_space<semaphore_mem>>)
      %add3A_654 = arith.constant 2 : i32
      %add3A_655 = arith.addi %add3A_577, %add3A_654 : i32
      %mul3A_656 = arith.constant 400 : i32
      %mul3A_657 = arith.muli %add3A_655, %mul3A_656 : i32
      %add3A_658 = arith.addi %mul3A_24, %mul3A_657 : i32
      %dma_start3A_659 = tpu.memref_slice %arg7[%add3A_658] : memref<1600000xi32, #tpu.memory_space<hbm>> -> memref<400xi32, #tpu.memory_space<hbm>>
      %dma_start3A_660 = tpu.memref_slice %arg7[%add3A_658] : memref<1600000xi32, #tpu.memory_space<hbm>> -> memref<400xi32, #tpu.memory_space<hbm>>
      tpu.enqueue_dma source(%dma_start3A_660 : memref<400xi32, #tpu.memory_space<hbm>>) target(%arg9 : memref<400xi32, #tpu.memory_space<vmem>>) target_semaphore(%arg15 : memref<!tpu.dma_semaphore, #tpu.memory_space<semaphore_mem>>)
    }
    %scan3A_152 = arith.constant 10 : i32
    %dma_wait3A_153 = arith.constant 0 : i32
    %dma_wait3A_154 = arith.constant 0 : i32
    %dma_wait3A_155 = tpu.memref_slice %arg2[%dma_wait3A_153, %dma_wait3A_154] : memref<10000x128xf32, #tpu.memory_space<hbm>> -> memref<80x128xf32, #tpu.memory_space<hbm>>
    %dma_wait3A_156 = arith.constant 0 : i32
    %dma_wait3A_157 = arith.constant 0 : i32
    %dma_wait3A_158 = tpu.memref_slice %arg2[%dma_wait3A_156, %dma_wait3A_157] : memref<10000x128xf32, #tpu.memory_space<hbm>> -> memref<80x128xf32, #tpu.memory_space<hbm>>
    tpu.wait_dma2 semaphore(%arg20 : memref<!tpu.dma_semaphore, #tpu.memory_space<semaphore_mem>>) src(%dma_wait3A_158 : memref<80x128xf32, #tpu.memory_space<hbm>>) dst(%arg14 : memref<80x128xf32, #tpu.memory_space<vmem>>)
    %dma_start3A_159 = arith.constant 80 : i32
    %dma_start3A_160 = tpu.memref_slice %arg11[%dma_start3A_159] : memref<400xi32, #tpu.memory_space<vmem>> -> memref<80xi32, #tpu.memory_space<vmem>>
    %dma_start3A_161 = arith.constant 0 : i32
    %dma_start3A_162 = arith.constant 0 : i32
    %dma_start3A_163 = tpu.memref_slice %arg3[%dma_start3A_161, %dma_start3A_162] : memref<10000x128xf32, #tpu.memory_space<hbm>> -> memref<10000x128xf32, #tpu.memory_space<hbm>>
    tpu.enqueue_indirect_dma source(%dma_start3A_163 : memref<10000x128xf32, #tpu.memory_space<hbm>>) target(%arg14 : memref<80x128xf32, #tpu.memory_space<vmem>>) offsets(%dma_start3A_160 : memref<80xi32, #tpu.memory_space<vmem>>) semaphore(%arg23 : memref<!tpu.dma_semaphore, #tpu.memory_space<semaphore_mem>>) {add = true}
    %dma_start3A_164 = arith.constant 160 : i32
    %dma_start3A_165 = tpu.memref_slice %arg11[%dma_start3A_164] : memref<400xi32, #tpu.memory_space<vmem>> -> memref<80xi32, #tpu.memory_space<vmem>>
    %dma_start3A_166 = arith.constant 0 : i32
    %dma_start3A_167 = arith.constant 0 : i32
    %dma_start3A_168 = tpu.memref_slice %arg4[%dma_start3A_166, %dma_start3A_167] : memref<10000x128xf32, #tpu.memory_space<hbm>> -> memref<10000x128xf32, #tpu.memory_space<hbm>>
    tpu.enqueue_indirect_dma source(%dma_start3A_168 : memref<10000x128xf32, #tpu.memory_space<hbm>>) target(%arg14 : memref<80x128xf32, #tpu.memory_space<vmem>>) offsets(%dma_start3A_165 : memref<80xi32, #tpu.memory_space<vmem>>) semaphore(%arg23 : memref<!tpu.dma_semaphore, #tpu.memory_space<semaphore_mem>>) {add = true}
    %dma_start3A_169 = arith.constant 240 : i32
    %dma_start3A_170 = tpu.memref_slice %arg11[%dma_start3A_169] : memref<400xi32, #tpu.memory_space<vmem>> -> memref<80xi32, #tpu.memory_space<vmem>>
    %dma_start3A_171 = arith.constant 0 : i32
    %dma_start3A_172 = arith.constant 0 : i32
    %dma_start3A_173 = tpu.memref_slice %arg5[%dma_start3A_171, %dma_start3A_172] : memref<320000x128xf32, #tpu.memory_space<hbm>> -> memref<320000x128xf32, #tpu.memory_space<hbm>>
    tpu.enqueue_indirect_dma source(%dma_start3A_173 : memref<320000x128xf32, #tpu.memory_space<hbm>>) target(%arg14 : memref<80x128xf32, #tpu.memory_space<vmem>>) offsets(%dma_start3A_170 : memref<80xi32, #tpu.memory_space<vmem>>) semaphore(%arg23 : memref<!tpu.dma_semaphore, #tpu.memory_space<semaphore_mem>>) {add = true}
    %dma_start3A_174 = arith.constant 320 : i32
    %dma_start3A_175 = tpu.memref_slice %arg11[%dma_start3A_174] : memref<400xi32, #tpu.memory_space<vmem>> -> memref<80xi32, #tpu.memory_space<vmem>>
    %dma_start3A_176 = arith.constant 0 : i32
    %dma_start3A_177 = arith.constant 0 : i32
    %dma_start3A_178 = tpu.memref_slice %arg6[%dma_start3A_176, %dma_start3A_177] : memref<320000x128xf32, #tpu.memory_space<hbm>> -> memref<320000x128xf32, #tpu.memory_space<hbm>>
    tpu.enqueue_indirect_dma source(%dma_start3A_178 : memref<320000x128xf32, #tpu.memory_space<hbm>>) target(%arg14 : memref<80x128xf32, #tpu.memory_space<vmem>>) offsets(%dma_start3A_175 : memref<80xi32, #tpu.memory_space<vmem>>) semaphore(%arg23 : memref<!tpu.dma_semaphore, #tpu.memory_space<semaphore_mem>>) {add = true}
    %dma_wait3A_179 = arith.constant 0 : i32
    %dma_wait3A_180 = tpu.memref_slice %arg7[%dma_wait3A_179] : memref<1600000xi32, #tpu.memory_space<hbm>> -> memref<400xi32, #tpu.memory_space<hbm>>
    %dma_wait3A_181 = arith.constant 0 : i32
    %dma_wait3A_182 = tpu.memref_slice %arg7[%dma_wait3A_181] : memref<1600000xi32, #tpu.memory_space<hbm>> -> memref<400xi32, #tpu.memory_space<hbm>>
    tpu.wait_dma2 semaphore(%arg15 : memref<!tpu.dma_semaphore, #tpu.memory_space<semaphore_mem>>) src(%dma_wait3A_182 : memref<400xi32, #tpu.memory_space<hbm>>) dst(%arg9 : memref<400xi32, #tpu.memory_space<vmem>>)
    %dma_wait3A_183 = arith.constant 0 : i32
    %dma_wait3A_184 = arith.constant 0 : i32
    %dma_wait3A_185 = tpu.memref_slice %arg8[%dma_wait3A_183, %dma_wait3A_184] : memref<89600x128xf32, #tpu.memory_space<hbm>> -> memref<80x128xf32, #tpu.memory_space<hbm>>
    %dma_wait3A_186 = arith.constant 0 : i32
    %dma_wait3A_187 = arith.constant 0 : i32
    %dma_wait3A_188 = tpu.memref_slice %arg8[%dma_wait3A_186, %dma_wait3A_187] : memref<89600x128xf32, #tpu.memory_space<hbm>> -> memref<80x128xf32, #tpu.memory_space<hbm>>
    tpu.wait_dma2 semaphore(%arg24 : memref<!tpu.dma_semaphore, #tpu.memory_space<semaphore_mem>>) src(%arg12 : memref<80x128xf32, #tpu.memory_space<vmem>>) dst(%dma_wait3A_188 : memref<80x128xf32, #tpu.memory_space<hbm>>)
    %dma_start3A_189 = arith.constant 0 : i32
    %dma_start3A_190 = tpu.memref_slice %arg9[%dma_start3A_189] : memref<400xi32, #tpu.memory_space<vmem>> -> memref<80xi32, #tpu.memory_space<vmem>>
    %dma_start3A_191 = arith.constant 0 : i32
    %dma_start3A_192 = arith.constant 0 : i32
    %dma_start3A_193 = tpu.memref_slice %arg2[%dma_start3A_191, %dma_start3A_192] : memref<10000x128xf32, #tpu.memory_space<hbm>> -> memref<10000x128xf32, #tpu.memory_space<hbm>>
    tpu.enqueue_indirect_dma source(%dma_start3A_193 : memref<10000x128xf32, #tpu.memory_space<hbm>>) target(%arg12 : memref<80x128xf32, #tpu.memory_space<vmem>>) offsets(%dma_start3A_190 : memref<80xi32, #tpu.memory_space<vmem>>) semaphore(%arg18 : memref<!tpu.dma_semaphore, #tpu.memory_space<semaphore_mem>>)
    %dma_wait3A_194 = arith.constant 0 : i32
    %dma_wait3A_195 = arith.constant 0 : i32
    %dma_wait3A_196 = tpu.memref_slice %arg2[%dma_wait3A_194, %dma_wait3A_195] : memref<10000x128xf32, #tpu.memory_space<hbm>> -> memref<80x128xf32, #tpu.memory_space<hbm>>
    %dma_wait3A_197 = arith.constant 0 : i32
    %dma_wait3A_198 = arith.constant 0 : i32
    %dma_wait3A_199 = tpu.memref_slice %arg2[%dma_wait3A_197, %dma_wait3A_198] : memref<10000x128xf32, #tpu.memory_space<hbm>> -> memref<80x128xf32, #tpu.memory_space<hbm>>
    tpu.wait_dma2 semaphore(%arg22 : memref<!tpu.dma_semaphore, #tpu.memory_space<semaphore_mem>>) src(%dma_wait3A_199 : memref<80x128xf32, #tpu.memory_space<hbm>>) dst(%arg13 : memref<80x128xf32, #tpu.memory_space<vmem>>)
    %dma_wait3A_200 = arith.constant 0 : i32
    %dma_wait3A_201 = arith.constant 0 : i32
    %dma_wait3A_202 = tpu.memref_slice %arg2[%dma_wait3A_200, %dma_wait3A_201] : memref<10000x128xf32, #tpu.memory_space<hbm>> -> memref<80x128xf32, #tpu.memory_space<hbm>>
    %dma_wait3A_203 = arith.constant 0 : i32
    %dma_wait3A_204 = arith.constant 0 : i32
    %dma_wait3A_205 = tpu.memref_slice %arg2[%dma_wait3A_203, %dma_wait3A_204] : memref<10000x128xf32, #tpu.memory_space<hbm>> -> memref<80x128xf32, #tpu.memory_space<hbm>>
    tpu.wait_dma2 semaphore(%arg22 : memref<!tpu.dma_semaphore, #tpu.memory_space<semaphore_mem>>) src(%dma_wait3A_205 : memref<80x128xf32, #tpu.memory_space<hbm>>) dst(%arg13 : memref<80x128xf32, #tpu.memory_space<vmem>>)
    %dma_wait3A_206 = arith.constant 0 : i32
    %dma_wait3A_207 = arith.constant 0 : i32
    %dma_wait3A_208 = tpu.memref_slice %arg2[%dma_wait3A_206, %dma_wait3A_207] : memref<10000x128xf32, #tpu.memory_space<hbm>> -> memref<80x128xf32, #tpu.memory_space<hbm>>
    %dma_wait3A_209 = arith.constant 0 : i32
    %dma_wait3A_210 = arith.constant 0 : i32
    %dma_wait3A_211 = tpu.memref_slice %arg2[%dma_wait3A_209, %dma_wait3A_210] : memref<10000x128xf32, #tpu.memory_space<hbm>> -> memref<80x128xf32, #tpu.memory_space<hbm>>
    tpu.wait_dma2 semaphore(%arg22 : memref<!tpu.dma_semaphore, #tpu.memory_space<semaphore_mem>>) src(%dma_wait3A_211 : memref<80x128xf32, #tpu.memory_space<hbm>>) dst(%arg13 : memref<80x128xf32, #tpu.memory_space<vmem>>)
    %dma_wait3A_212 = arith.constant 0 : i32
    %dma_wait3A_213 = arith.constant 0 : i32
    %dma_wait3A_214 = tpu.memref_slice %arg2[%dma_wait3A_212, %dma_wait3A_213] : memref<10000x128xf32, #tpu.memory_space<hbm>> -> memref<80x128xf32, #tpu.memory_space<hbm>>
    %dma_wait3A_215 = arith.constant 0 : i32
    %dma_wait3A_216 = arith.constant 0 : i32
    %dma_wait3A_217 = tpu.memref_slice %arg2[%dma_wait3A_215, %dma_wait3A_216] : memref<10000x128xf32, #tpu.memory_space<hbm>> -> memref<80x128xf32, #tpu.memory_space<hbm>>
    tpu.wait_dma2 semaphore(%arg22 : memref<!tpu.dma_semaphore, #tpu.memory_space<semaphore_mem>>) src(%dma_wait3A_217 : memref<80x128xf32, #tpu.memory_space<hbm>>) dst(%arg13 : memref<80x128xf32, #tpu.memory_space<vmem>>)
    %add3A_218 = arith.constant 2480 : i32
    %add3A_219 = arith.addi %mul3A_6, %add3A_218 : i32
    %dma_start3A_220 = arith.constant 0 : i32
    %dma_start3A_221 = tpu.memref_slice %arg8[%add3A_219, %dma_start3A_220] : memref<89600x128xf32, #tpu.memory_space<hbm>> -> memref<80x128xf32, #tpu.memory_space<hbm>>
    %dma_start3A_222 = arith.constant 0 : i32
    %dma_start3A_223 = tpu.memref_slice %arg8[%add3A_219, %dma_start3A_222] : memref<89600x128xf32, #tpu.memory_space<hbm>> -> memref<80x128xf32, #tpu.memory_space<hbm>>
    tpu.enqueue_dma source(%arg13 : memref<80x128xf32, #tpu.memory_space<vmem>>) target(%dma_start3A_223 : memref<80x128xf32, #tpu.memory_space<hbm>>) target_semaphore(%arg25 : memref<!tpu.dma_semaphore, #tpu.memory_space<semaphore_mem>>)
    %add3A_224 = arith.constant 13600 : i32
    %add3A_225 = arith.addi %mul3A_24, %add3A_224 : i32
    %dma_start3A_226 = tpu.memref_slice %arg7[%add3A_225] : memref<1600000xi32, #tpu.memory_space<hbm>> -> memref<400xi32, #tpu.memory_space<hbm>>
    %dma_start3A_227 = tpu.memref_slice %arg7[%add3A_225] : memref<1600000xi32, #tpu.memory_space<hbm>> -> memref<400xi32, #tpu.memory_space<hbm>>
    tpu.enqueue_dma source(%dma_start3A_227 : memref<400xi32, #tpu.memory_space<hbm>>) target(%arg10 : memref<400xi32, #tpu.memory_space<vmem>>) target_semaphore(%arg16 : memref<!tpu.dma_semaphore, #tpu.memory_space<semaphore_mem>>)
    %dma_wait3A_228 = arith.constant 0 : i32
    %dma_wait3A_229 = arith.constant 0 : i32
    %dma_wait3A_230 = tpu.memref_slice %arg2[%dma_wait3A_228, %dma_wait3A_229] : memref<10000x128xf32, #tpu.memory_space<hbm>> -> memref<80x128xf32, #tpu.memory_space<hbm>>
    %dma_wait3A_231 = arith.constant 0 : i32
    %dma_wait3A_232 = arith.constant 0 : i32
    %dma_wait3A_233 = tpu.memref_slice %arg2[%dma_wait3A_231, %dma_wait3A_232] : memref<10000x128xf32, #tpu.memory_space<hbm>> -> memref<80x128xf32, #tpu.memory_space<hbm>>
    tpu.wait_dma2 semaphore(%arg18 : memref<!tpu.dma_semaphore, #tpu.memory_space<semaphore_mem>>) src(%dma_wait3A_233 : memref<80x128xf32, #tpu.memory_space<hbm>>) dst(%arg12 : memref<80x128xf32, #tpu.memory_space<vmem>>)
    %dma_start3A_234 = arith.constant 80 : i32
    %dma_start3A_235 = tpu.memref_slice %arg9[%dma_start3A_234] : memref<400xi32, #tpu.memory_space<vmem>> -> memref<80xi32, #tpu.memory_space<vmem>>
    %dma_start3A_236 = arith.constant 0 : i32
    %dma_start3A_237 = arith.constant 0 : i32
    %dma_start3A_238 = tpu.memref_slice %arg3[%dma_start3A_236, %dma_start3A_237] : memref<10000x128xf32, #tpu.memory_space<hbm>> -> memref<10000x128xf32, #tpu.memory_space<hbm>>
    tpu.enqueue_indirect_dma source(%dma_start3A_238 : memref<10000x128xf32, #tpu.memory_space<hbm>>) target(%arg12 : memref<80x128xf32, #tpu.memory_space<vmem>>) offsets(%dma_start3A_235 : memref<80xi32, #tpu.memory_space<vmem>>) semaphore(%arg21 : memref<!tpu.dma_semaphore, #tpu.memory_space<semaphore_mem>>) {add = true}
    %dma_start3A_239 = arith.constant 160 : i32
    %dma_start3A_240 = tpu.memref_slice %arg9[%dma_start3A_239] : memref<400xi32, #tpu.memory_space<vmem>> -> memref<80xi32, #tpu.memory_space<vmem>>
    %dma_start3A_241 = arith.constant 0 : i32
    %dma_start3A_242 = arith.constant 0 : i32
    %dma_start3A_243 = tpu.memref_slice %arg4[%dma_start3A_241, %dma_start3A_242] : memref<10000x128xf32, #tpu.memory_space<hbm>> -> memref<10000x128xf32, #tpu.memory_space<hbm>>
    tpu.enqueue_indirect_dma source(%dma_start3A_243 : memref<10000x128xf32, #tpu.memory_space<hbm>>) target(%arg12 : memref<80x128xf32, #tpu.memory_space<vmem>>) offsets(%dma_start3A_240 : memref<80xi32, #tpu.memory_space<vmem>>) semaphore(%arg21 : memref<!tpu.dma_semaphore, #tpu.memory_space<semaphore_mem>>) {add = true}
    %dma_start3A_244 = arith.constant 240 : i32
    %dma_start3A_245 = tpu.memref_slice %arg9[%dma_start3A_244] : memref<400xi32, #tpu.memory_space<vmem>> -> memref<80xi32, #tpu.memory_space<vmem>>
    %dma_start3A_246 = arith.constant 0 : i32
    %dma_start3A_247 = arith.constant 0 : i32
    %dma_start3A_248 = tpu.memref_slice %arg5[%dma_start3A_246, %dma_start3A_247] : memref<320000x128xf32, #tpu.memory_space<hbm>> -> memref<320000x128xf32, #tpu.memory_space<hbm>>
    tpu.enqueue_indirect_dma source(%dma_start3A_248 : memref<320000x128xf32, #tpu.memory_space<hbm>>) target(%arg12 : memref<80x128xf32, #tpu.memory_space<vmem>>) offsets(%dma_start3A_245 : memref<80xi32, #tpu.memory_space<vmem>>) semaphore(%arg21 : memref<!tpu.dma_semaphore, #tpu.memory_space<semaphore_mem>>) {add = true}
    %dma_start3A_249 = arith.constant 320 : i32
    %dma_start3A_250 = tpu.memref_slice %arg9[%dma_start3A_249] : memref<400xi32, #tpu.memory_space<vmem>> -> memref<80xi32, #tpu.memory_space<vmem>>
    %dma_start3A_251 = arith.constant 0 : i32
    %dma_start3A_252 = arith.constant 0 : i32
    %dma_start3A_253 = tpu.memref_slice %arg6[%dma_start3A_251, %dma_start3A_252] : memref<320000x128xf32, #tpu.memory_space<hbm>> -> memref<320000x128xf32, #tpu.memory_space<hbm>>
    tpu.enqueue_indirect_dma source(%dma_start3A_253 : memref<320000x128xf32, #tpu.memory_space<hbm>>) target(%arg12 : memref<80x128xf32, #tpu.memory_space<vmem>>) offsets(%dma_start3A_250 : memref<80xi32, #tpu.memory_space<vmem>>) semaphore(%arg21 : memref<!tpu.dma_semaphore, #tpu.memory_space<semaphore_mem>>) {add = true}
    %dma_wait3A_254 = arith.constant 0 : i32
    %dma_wait3A_255 = tpu.memref_slice %arg7[%dma_wait3A_254] : memref<1600000xi32, #tpu.memory_space<hbm>> -> memref<400xi32, #tpu.memory_space<hbm>>
    %dma_wait3A_256 = arith.constant 0 : i32
    %dma_wait3A_257 = tpu.memref_slice %arg7[%dma_wait3A_256] : memref<1600000xi32, #tpu.memory_space<hbm>> -> memref<400xi32, #tpu.memory_space<hbm>>
    tpu.wait_dma2 semaphore(%arg16 : memref<!tpu.dma_semaphore, #tpu.memory_space<semaphore_mem>>) src(%dma_wait3A_257 : memref<400xi32, #tpu.memory_space<hbm>>) dst(%arg10 : memref<400xi32, #tpu.memory_space<vmem>>)
    %dma_wait3A_258 = arith.constant 0 : i32
    %dma_wait3A_259 = arith.constant 0 : i32
    %dma_wait3A_260 = tpu.memref_slice %arg8[%dma_wait3A_258, %dma_wait3A_259] : memref<89600x128xf32, #tpu.memory_space<hbm>> -> memref<80x128xf32, #tpu.memory_space<hbm>>
    %dma_wait3A_261 = arith.constant 0 : i32
    %dma_wait3A_262 = arith.constant 0 : i32
    %dma_wait3A_263 = tpu.memref_slice %arg8[%dma_wait3A_261, %dma_wait3A_262] : memref<89600x128xf32, #tpu.memory_space<hbm>> -> memref<80x128xf32, #tpu.memory_space<hbm>>
    tpu.wait_dma2 semaphore(%arg25 : memref<!tpu.dma_semaphore, #tpu.memory_space<semaphore_mem>>) src(%arg13 : memref<80x128xf32, #tpu.memory_space<vmem>>) dst(%dma_wait3A_263 : memref<80x128xf32, #tpu.memory_space<hbm>>)
    %dma_start3A_264 = arith.constant 0 : i32
    %dma_start3A_265 = tpu.memref_slice %arg10[%dma_start3A_264] : memref<400xi32, #tpu.memory_space<vmem>> -> memref<80xi32, #tpu.memory_space<vmem>>
    %dma_start3A_266 = arith.constant 0 : i32
    %dma_start3A_267 = arith.constant 0 : i32
    %dma_start3A_268 = tpu.memref_slice %arg2[%dma_start3A_266, %dma_start3A_267] : memref<10000x128xf32, #tpu.memory_space<hbm>> -> memref<10000x128xf32, #tpu.memory_space<hbm>>
    tpu.enqueue_indirect_dma source(%dma_start3A_268 : memref<10000x128xf32, #tpu.memory_space<hbm>>) target(%arg13 : memref<80x128xf32, #tpu.memory_space<vmem>>) offsets(%dma_start3A_265 : memref<80xi32, #tpu.memory_space<vmem>>) semaphore(%arg19 : memref<!tpu.dma_semaphore, #tpu.memory_space<semaphore_mem>>)
    %dma_wait3A_269 = arith.constant 0 : i32
    %dma_wait3A_270 = arith.constant 0 : i32
    %dma_wait3A_271 = tpu.memref_slice %arg2[%dma_wait3A_269, %dma_wait3A_270] : memref<10000x128xf32, #tpu.memory_space<hbm>> -> memref<80x128xf32, #tpu.memory_space<hbm>>
    %dma_wait3A_272 = arith.constant 0 : i32
    %dma_wait3A_273 = arith.constant 0 : i32
    %dma_wait3A_274 = tpu.memref_slice %arg2[%dma_wait3A_272, %dma_wait3A_273] : memref<10000x128xf32, #tpu.memory_space<hbm>> -> memref<80x128xf32, #tpu.memory_space<hbm>>
    tpu.wait_dma2 semaphore(%arg23 : memref<!tpu.dma_semaphore, #tpu.memory_space<semaphore_mem>>) src(%dma_wait3A_274 : memref<80x128xf32, #tpu.memory_space<hbm>>) dst(%arg14 : memref<80x128xf32, #tpu.memory_space<vmem>>)
    %dma_wait3A_275 = arith.constant 0 : i32
    %dma_wait3A_276 = arith.constant 0 : i32
    %dma_wait3A_277 = tpu.memref_slice %arg2[%dma_wait3A_275, %dma_wait3A_276] : memref<10000x128xf32, #tpu.memory_space<hbm>> -> memref<80x128xf32, #tpu.memory_space<hbm>>
    %dma_wait3A_278 = arith.constant 0 : i32
    %dma_wait3A_279 = arith.constant 0 : i32
    %dma_wait3A_280 = tpu.memref_slice %arg2[%dma_wait3A_278, %dma_wait3A_279] : memref<10000x128xf32, #tpu.memory_space<hbm>> -> memref<80x128xf32, #tpu.memory_space<hbm>>
    tpu.wait_dma2 semaphore(%arg23 : memref<!tpu.dma_semaphore, #tpu.memory_space<semaphore_mem>>) src(%dma_wait3A_280 : memref<80x128xf32, #tpu.memory_space<hbm>>) dst(%arg14 : memref<80x128xf32, #tpu.memory_space<vmem>>)
    %dma_wait3A_281 = arith.constant 0 : i32
    %dma_wait3A_282 = arith.constant 0 : i32
    %dma_wait3A_283 = tpu.memref_slice %arg2[%dma_wait3A_281, %dma_wait3A_282] : memref<10000x128xf32, #tpu.memory_space<hbm>> -> memref<80x128xf32, #tpu.memory_space<hbm>>
    %dma_wait3A_284 = arith.constant 0 : i32
    %dma_wait3A_285 = arith.constant 0 : i32
    %dma_wait3A_286 = tpu.memref_slice %arg2[%dma_wait3A_284, %dma_wait3A_285] : memref<10000x128xf32, #tpu.memory_space<hbm>> -> memref<80x128xf32, #tpu.memory_space<hbm>>
    tpu.wait_dma2 semaphore(%arg23 : memref<!tpu.dma_semaphore, #tpu.memory_space<semaphore_mem>>) src(%dma_wait3A_286 : memref<80x128xf32, #tpu.memory_space<hbm>>) dst(%arg14 : memref<80x128xf32, #tpu.memory_space<vmem>>)
    %dma_wait3A_287 = arith.constant 0 : i32
    %dma_wait3A_288 = arith.constant 0 : i32
    %dma_wait3A_289 = tpu.memref_slice %arg2[%dma_wait3A_287, %dma_wait3A_288] : memref<10000x128xf32, #tpu.memory_space<hbm>> -> memref<80x128xf32, #tpu.memory_space<hbm>>
    %dma_wait3A_290 = arith.constant 0 : i32
    %dma_wait3A_291 = arith.constant 0 : i32
    %dma_wait3A_292 = tpu.memref_slice %arg2[%dma_wait3A_290, %dma_wait3A_291] : memref<10000x128xf32, #tpu.memory_space<hbm>> -> memref<80x128xf32, #tpu.memory_space<hbm>>
    tpu.wait_dma2 semaphore(%arg23 : memref<!tpu.dma_semaphore, #tpu.memory_space<semaphore_mem>>) src(%dma_wait3A_292 : memref<80x128xf32, #tpu.memory_space<hbm>>) dst(%arg14 : memref<80x128xf32, #tpu.memory_space<vmem>>)
    %add3A_293 = arith.constant 2560 : i32
    %add3A_294 = arith.addi %mul3A_6, %add3A_293 : i32
    %dma_start3A_295 = arith.constant 0 : i32
    %dma_start3A_296 = tpu.memref_slice %arg8[%add3A_294, %dma_start3A_295] : memref<89600x128xf32, #tpu.memory_space<hbm>> -> memref<80x128xf32, #tpu.memory_space<hbm>>
    %dma_start3A_297 = arith.constant 0 : i32
    %dma_start3A_298 = tpu.memref_slice %arg8[%add3A_294, %dma_start3A_297] : memref<89600x128xf32, #tpu.memory_space<hbm>> -> memref<80x128xf32, #tpu.memory_space<hbm>>
    tpu.enqueue_dma source(%arg14 : memref<80x128xf32, #tpu.memory_space<vmem>>) target(%dma_start3A_298 : memref<80x128xf32, #tpu.memory_space<hbm>>) target_semaphore(%arg26 : memref<!tpu.dma_semaphore, #tpu.memory_space<semaphore_mem>>)
    %dma_wait3A_299 = arith.constant 0 : i32
    %dma_wait3A_300 = arith.constant 0 : i32
    %dma_wait3A_301 = tpu.memref_slice %arg2[%dma_wait3A_299, %dma_wait3A_300] : memref<10000x128xf32, #tpu.memory_space<hbm>> -> memref<80x128xf32, #tpu.memory_space<hbm>>
    %dma_wait3A_302 = arith.constant 0 : i32
    %dma_wait3A_303 = arith.constant 0 : i32
    %dma_wait3A_304 = tpu.memref_slice %arg2[%dma_wait3A_302, %dma_wait3A_303] : memref<10000x128xf32, #tpu.memory_space<hbm>> -> memref<80x128xf32, #tpu.memory_space<hbm>>
    tpu.wait_dma2 semaphore(%arg19 : memref<!tpu.dma_semaphore, #tpu.memory_space<semaphore_mem>>) src(%dma_wait3A_304 : memref<80x128xf32, #tpu.memory_space<hbm>>) dst(%arg13 : memref<80x128xf32, #tpu.memory_space<vmem>>)
    %dma_start3A_305 = arith.constant 80 : i32
    %dma_start3A_306 = tpu.memref_slice %arg10[%dma_start3A_305] : memref<400xi32, #tpu.memory_space<vmem>> -> memref<80xi32, #tpu.memory_space<vmem>>
    %dma_start3A_307 = arith.constant 0 : i32
    %dma_start3A_308 = arith.constant 0 : i32
    %dma_start3A_309 = tpu.memref_slice %arg3[%dma_start3A_307, %dma_start3A_308] : memref<10000x128xf32, #tpu.memory_space<hbm>> -> memref<10000x128xf32, #tpu.memory_space<hbm>>
    tpu.enqueue_indirect_dma source(%dma_start3A_309 : memref<10000x128xf32, #tpu.memory_space<hbm>>) target(%arg13 : memref<80x128xf32, #tpu.memory_space<vmem>>) offsets(%dma_start3A_306 : memref<80xi32, #tpu.memory_space<vmem>>) semaphore(%arg22 : memref<!tpu.dma_semaphore, #tpu.memory_space<semaphore_mem>>) {add = true}
    %dma_start3A_310 = arith.constant 160 : i32
    %dma_start3A_311 = tpu.memref_slice %arg10[%dma_start3A_310] : memref<400xi32, #tpu.memory_space<vmem>> -> memref<80xi32, #tpu.memory_space<vmem>>
    %dma_start3A_312 = arith.constant 0 : i32
    %dma_start3A_313 = arith.constant 0 : i32
    %dma_start3A_314 = tpu.memref_slice %arg4[%dma_start3A_312, %dma_start3A_313] : memref<10000x128xf32, #tpu.memory_space<hbm>> -> memref<10000x128xf32, #tpu.memory_space<hbm>>
    tpu.enqueue_indirect_dma source(%dma_start3A_314 : memref<10000x128xf32, #tpu.memory_space<hbm>>) target(%arg13 : memref<80x128xf32, #tpu.memory_space<vmem>>) offsets(%dma_start3A_311 : memref<80xi32, #tpu.memory_space<vmem>>) semaphore(%arg22 : memref<!tpu.dma_semaphore, #tpu.memory_space<semaphore_mem>>) {add = true}
    %dma_start3A_315 = arith.constant 240 : i32
    %dma_start3A_316 = tpu.memref_slice %arg10[%dma_start3A_315] : memref<400xi32, #tpu.memory_space<vmem>> -> memref<80xi32, #tpu.memory_space<vmem>>
    %dma_start3A_317 = arith.constant 0 : i32
    %dma_start3A_318 = arith.constant 0 : i32
    %dma_start3A_319 = tpu.memref_slice %arg5[%dma_start3A_317, %dma_start3A_318] : memref<320000x128xf32, #tpu.memory_space<hbm>> -> memref<320000x128xf32, #tpu.memory_space<hbm>>
    tpu.enqueue_indirect_dma source(%dma_start3A_319 : memref<320000x128xf32, #tpu.memory_space<hbm>>) target(%arg13 : memref<80x128xf32, #tpu.memory_space<vmem>>) offsets(%dma_start3A_316 : memref<80xi32, #tpu.memory_space<vmem>>) semaphore(%arg22 : memref<!tpu.dma_semaphore, #tpu.memory_space<semaphore_mem>>) {add = true}
    %dma_start3A_320 = arith.constant 320 : i32
    %dma_start3A_321 = tpu.memref_slice %arg10[%dma_start3A_320] : memref<400xi32, #tpu.memory_space<vmem>> -> memref<80xi32, #tpu.memory_space<vmem>>
    %dma_start3A_322 = arith.constant 0 : i32
    %dma_start3A_323 = arith.constant 0 : i32
    %dma_start3A_324 = tpu.memref_slice %arg6[%dma_start3A_322, %dma_start3A_323] : memref<320000x128xf32, #tpu.memory_space<hbm>> -> memref<320000x128xf32, #tpu.memory_space<hbm>>
    tpu.enqueue_indirect_dma source(%dma_start3A_324 : memref<320000x128xf32, #tpu.memory_space<hbm>>) target(%arg13 : memref<80x128xf32, #tpu.memory_space<vmem>>) offsets(%dma_start3A_321 : memref<80xi32, #tpu.memory_space<vmem>>) semaphore(%arg22 : memref<!tpu.dma_semaphore, #tpu.memory_space<semaphore_mem>>) {add = true}
    %dma_wait3A_325 = arith.constant 0 : i32
    %dma_wait3A_326 = arith.constant 0 : i32
    %dma_wait3A_327 = tpu.memref_slice %arg8[%dma_wait3A_325, %dma_wait3A_326] : memref<89600x128xf32, #tpu.memory_space<hbm>> -> memref<80x128xf32, #tpu.memory_space<hbm>>
    %dma_wait3A_328 = arith.constant 0 : i32
    %dma_wait3A_329 = arith.constant 0 : i32
    %dma_wait3A_330 = tpu.memref_slice %arg8[%dma_wait3A_328, %dma_wait3A_329] : memref<89600x128xf32, #tpu.memory_space<hbm>> -> memref<80x128xf32, #tpu.memory_space<hbm>>
    tpu.wait_dma2 semaphore(%arg26 : memref<!tpu.dma_semaphore, #tpu.memory_space<semaphore_mem>>) src(%arg14 : memref<80x128xf32, #tpu.memory_space<vmem>>) dst(%dma_wait3A_330 : memref<80x128xf32, #tpu.memory_space<hbm>>)
    %dma_wait3A_331 = arith.constant 0 : i32
    %dma_wait3A_332 = arith.constant 0 : i32
    %dma_wait3A_333 = tpu.memref_slice %arg2[%dma_wait3A_331, %dma_wait3A_332] : memref<10000x128xf32, #tpu.memory_space<hbm>> -> memref<80x128xf32, #tpu.memory_space<hbm>>
    %dma_wait3A_334 = arith.constant 0 : i32
    %dma_wait3A_335 = arith.constant 0 : i32
    %dma_wait3A_336 = tpu.memref_slice %arg2[%dma_wait3A_334, %dma_wait3A_335] : memref<10000x128xf32, #tpu.memory_space<hbm>> -> memref<80x128xf32, #tpu.memory_space<hbm>>
    tpu.wait_dma2 semaphore(%arg21 : memref<!tpu.dma_semaphore, #tpu.memory_space<semaphore_mem>>) src(%dma_wait3A_336 : memref<80x128xf32, #tpu.memory_space<hbm>>) dst(%arg12 : memref<80x128xf32, #tpu.memory_space<vmem>>)
    %dma_wait3A_337 = arith.constant 0 : i32
    %dma_wait3A_338 = arith.constant 0 : i32
    %dma_wait3A_339 = tpu.memref_slice %arg2[%dma_wait3A_337, %dma_wait3A_338] : memref<10000x128xf32, #tpu.memory_space<hbm>> -> memref<80x128xf32, #tpu.memory_space<hbm>>
    %dma_wait3A_340 = arith.constant 0 : i32
    %dma_wait3A_341 = arith.constant 0 : i32
    %dma_wait3A_342 = tpu.memref_slice %arg2[%dma_wait3A_340, %dma_wait3A_341] : memref<10000x128xf32, #tpu.memory_space<hbm>> -> memref<80x128xf32, #tpu.memory_space<hbm>>
    tpu.wait_dma2 semaphore(%arg21 : memref<!tpu.dma_semaphore, #tpu.memory_space<semaphore_mem>>) src(%dma_wait3A_342 : memref<80x128xf32, #tpu.memory_space<hbm>>) dst(%arg12 : memref<80x128xf32, #tpu.memory_space<vmem>>)
    %dma_wait3A_343 = arith.constant 0 : i32
    %dma_wait3A_344 = arith.constant 0 : i32
    %dma_wait3A_345 = tpu.memref_slice %arg2[%dma_wait3A_343, %dma_wait3A_344] : memref<10000x128xf32, #tpu.memory_space<hbm>> -> memref<80x128xf32, #tpu.memory_space<hbm>>
    %dma_wait3A_346 = arith.constant 0 : i32
    %dma_wait3A_347 = arith.constant 0 : i32
    %dma_wait3A_348 = tpu.memref_slice %arg2[%dma_wait3A_346, %dma_wait3A_347] : memref<10000x128xf32, #tpu.memory_space<hbm>> -> memref<80x128xf32, #tpu.memory_space<hbm>>
    tpu.wait_dma2 semaphore(%arg21 : memref<!tpu.dma_semaphore, #tpu.memory_space<semaphore_mem>>) src(%dma_wait3A_348 : memref<80x128xf32, #tpu.memory_space<hbm>>) dst(%arg12 : memref<80x128xf32, #tpu.memory_space<vmem>>)
    %dma_wait3A_349 = arith.constant 0 : i32
    %dma_wait3A_350 = arith.constant 0 : i32
    %dma_wait3A_351 = tpu.memref_slice %arg2[%dma_wait3A_349, %dma_wait3A_350] : memref<10000x128xf32, #tpu.memory_space<hbm>> -> memref<80x128xf32, #tpu.memory_space<hbm>>
    %dma_wait3A_352 = arith.constant 0 : i32
    %dma_wait3A_353 = arith.constant 0 : i32
    %dma_wait3A_354 = tpu.memref_slice %arg2[%dma_wait3A_352, %dma_wait3A_353] : memref<10000x128xf32, #tpu.memory_space<hbm>> -> memref<80x128xf32, #tpu.memory_space<hbm>>
    tpu.wait_dma2 semaphore(%arg21 : memref<!tpu.dma_semaphore, #tpu.memory_space<semaphore_mem>>) src(%dma_wait3A_354 : memref<80x128xf32, #tpu.memory_space<hbm>>) dst(%arg12 : memref<80x128xf32, #tpu.memory_space<vmem>>)
    %add3A_355 = arith.constant 2640 : i32
    %add3A_356 = arith.addi %mul3A_6, %add3A_355 : i32
    %dma_start3A_357 = arith.constant 0 : i32
    %dma_start3A_358 = tpu.memref_slice %arg8[%add3A_356, %dma_start3A_357] : memref<89600x128xf32, #tpu.memory_space<hbm>> -> memref<80x128xf32, #tpu.memory_space<hbm>>
    %dma_start3A_359 = arith.constant 0 : i32
    %dma_start3A_360 = tpu.memref_slice %arg8[%add3A_356, %dma_start3A_359] : memref<89600x128xf32, #tpu.memory_space<hbm>> -> memref<80x128xf32, #tpu.memory_space<hbm>>
    tpu.enqueue_dma source(%arg12 : memref<80x128xf32, #tpu.memory_space<vmem>>) target(%dma_start3A_360 : memref<80x128xf32, #tpu.memory_space<hbm>>) target_semaphore(%arg24 : memref<!tpu.dma_semaphore, #tpu.memory_space<semaphore_mem>>)
    %dma_wait3A_361 = arith.constant 0 : i32
    %dma_wait3A_362 = arith.constant 0 : i32
    %dma_wait3A_363 = tpu.memref_slice %arg2[%dma_wait3A_361, %dma_wait3A_362] : memref<10000x128xf32, #tpu.memory_space<hbm>> -> memref<80x128xf32, #tpu.memory_space<hbm>>
    %dma_wait3A_364 = arith.constant 0 : i32
    %dma_wait3A_365 = arith.constant 0 : i32
    %dma_wait3A_366 = tpu.memref_slice %arg2[%dma_wait3A_364, %dma_wait3A_365] : memref<10000x128xf32, #tpu.memory_space<hbm>> -> memref<80x128xf32, #tpu.memory_space<hbm>>
    tpu.wait_dma2 semaphore(%arg22 : memref<!tpu.dma_semaphore, #tpu.memory_space<semaphore_mem>>) src(%dma_wait3A_366 : memref<80x128xf32, #tpu.memory_space<hbm>>) dst(%arg13 : memref<80x128xf32, #tpu.memory_space<vmem>>)
    %dma_wait3A_367 = arith.constant 0 : i32
    %dma_wait3A_368 = arith.constant 0 : i32
    %dma_wait3A_369 = tpu.memref_slice %arg2[%dma_wait3A_367, %dma_wait3A_368] : memref<10000x128xf32, #tpu.memory_space<hbm>> -> memref<80x128xf32, #tpu.memory_space<hbm>>
    %dma_wait3A_370 = arith.constant 0 : i32
    %dma_wait3A_371 = arith.constant 0 : i32
    %dma_wait3A_372 = tpu.memref_slice %arg2[%dma_wait3A_370, %dma_wait3A_371] : memref<10000x128xf32, #tpu.memory_space<hbm>> -> memref<80x128xf32, #tpu.memory_space<hbm>>
    tpu.wait_dma2 semaphore(%arg22 : memref<!tpu.dma_semaphore, #tpu.memory_space<semaphore_mem>>) src(%dma_wait3A_372 : memref<80x128xf32, #tpu.memory_space<hbm>>) dst(%arg13 : memref<80x128xf32, #tpu.memory_space<vmem>>)
    %dma_wait3A_373 = arith.constant 0 : i32
    %dma_wait3A_374 = arith.constant 0 : i32
    %dma_wait3A_375 = tpu.memref_slice %arg2[%dma_wait3A_373, %dma_wait3A_374] : memref<10000x128xf32, #tpu.memory_space<hbm>> -> memref<80x128xf32, #tpu.memory_space<hbm>>
    %dma_wait3A_376 = arith.constant 0 : i32
    %dma_wait3A_377 = arith.constant 0 : i32
    %dma_wait3A_378 = tpu.memref_slice %arg2[%dma_wait3A_376, %dma_wait3A_377] : memref<10000x128xf32, #tpu.memory_space<hbm>> -> memref<80x128xf32, #tpu.memory_space<hbm>>
    tpu.wait_dma2 semaphore(%arg22 : memref<!tpu.dma_semaphore, #tpu.memory_space<semaphore_mem>>) src(%dma_wait3A_378 : memref<80x128xf32, #tpu.memory_space<hbm>>) dst(%arg13 : memref<80x128xf32, #tpu.memory_space<vmem>>)
    %dma_wait3A_379 = arith.constant 0 : i32
    %dma_wait3A_380 = arith.constant 0 : i32
    %dma_wait3A_381 = tpu.memref_slice %arg2[%dma_wait3A_379, %dma_wait3A_380] : memref<10000x128xf32, #tpu.memory_space<hbm>> -> memref<80x128xf32, #tpu.memory_space<hbm>>
    %dma_wait3A_382 = arith.constant 0 : i32
    %dma_wait3A_383 = arith.constant 0 : i32
    %dma_wait3A_384 = tpu.memref_slice %arg2[%dma_wait3A_382, %dma_wait3A_383] : memref<10000x128xf32, #tpu.memory_space<hbm>> -> memref<80x128xf32, #tpu.memory_space<hbm>>
    tpu.wait_dma2 semaphore(%arg22 : memref<!tpu.dma_semaphore, #tpu.memory_space<semaphore_mem>>) src(%dma_wait3A_384 : memref<80x128xf32, #tpu.memory_space<hbm>>) dst(%arg13 : memref<80x128xf32, #tpu.memory_space<vmem>>)
    %add3A_385 = arith.constant 2720 : i32
    %add3A_386 = arith.addi %mul3A_6, %add3A_385 : i32
    %dma_start3A_387 = arith.constant 0 : i32
    %dma_start3A_388 = tpu.memref_slice %arg8[%add3A_386, %dma_start3A_387] : memref<89600x128xf32, #tpu.memory_space<hbm>> -> memref<80x128xf32, #tpu.memory_space<hbm>>
    %dma_start3A_389 = arith.constant 0 : i32
    %dma_start3A_390 = tpu.memref_slice %arg8[%add3A_386, %dma_start3A_389] : memref<89600x128xf32, #tpu.memory_space<hbm>> -> memref<80x128xf32, #tpu.memory_space<hbm>>
    tpu.enqueue_dma source(%arg13 : memref<80x128xf32, #tpu.memory_space<vmem>>) target(%dma_start3A_390 : memref<80x128xf32, #tpu.memory_space<hbm>>) target_semaphore(%arg25 : memref<!tpu.dma_semaphore, #tpu.memory_space<semaphore_mem>>)
    %dma_wait3A_391 = arith.constant 0 : i32
    %dma_wait3A_392 = arith.constant 0 : i32
    %dma_wait3A_393 = tpu.memref_slice %arg8[%dma_wait3A_391, %dma_wait3A_392] : memref<89600x128xf32, #tpu.memory_space<hbm>> -> memref<80x128xf32, #tpu.memory_space<hbm>>
    %dma_wait3A_394 = arith.constant 0 : i32
    %dma_wait3A_395 = arith.constant 0 : i32
    %dma_wait3A_396 = tpu.memref_slice %arg8[%dma_wait3A_394, %dma_wait3A_395] : memref<89600x128xf32, #tpu.memory_space<hbm>> -> memref<80x128xf32, #tpu.memory_space<hbm>>
    tpu.wait_dma2 semaphore(%arg24 : memref<!tpu.dma_semaphore, #tpu.memory_space<semaphore_mem>>) src(%arg12 : memref<80x128xf32, #tpu.memory_space<vmem>>) dst(%dma_wait3A_396 : memref<80x128xf32, #tpu.memory_space<hbm>>)
    %dma_wait3A_397 = arith.constant 0 : i32
    %dma_wait3A_398 = arith.constant 0 : i32
    %dma_wait3A_399 = tpu.memref_slice %arg8[%dma_wait3A_397, %dma_wait3A_398] : memref<89600x128xf32, #tpu.memory_space<hbm>> -> memref<80x128xf32, #tpu.memory_space<hbm>>
    %dma_wait3A_400 = arith.constant 0 : i32
    %dma_wait3A_401 = arith.constant 0 : i32
    %dma_wait3A_402 = tpu.memref_slice %arg8[%dma_wait3A_400, %dma_wait3A_401] : memref<89600x128xf32, #tpu.memory_space<hbm>> -> memref<80x128xf32, #tpu.memory_space<hbm>>
    tpu.wait_dma2 semaphore(%arg25 : memref<!tpu.dma_semaphore, #tpu.memory_space<semaphore_mem>>) src(%arg13 : memref<80x128xf32, #tpu.memory_space<vmem>>) dst(%dma_wait3A_402 : memref<80x128xf32, #tpu.memory_space<hbm>>)
    return
  }
}

#map = affine_map<(d0, d1) -> (0)>
module attributes {stable_mosaic.version = 14 : i64} {
  func.func @idx_kernel(%arg0: i32, %arg1: i32, %arg2: memref<320000xi32, #tpu.memory_space<hbm>>, %arg3: memref<320000xi32, #tpu.memory_space<hbm>>, %arg4: memref<320000xi32, #tpu.memory_space<hbm>>, %arg5: memref<320000xi32, #tpu.memory_space<hbm>>, %arg6: memref<1600000xi32, #tpu.memory_space<hbm>>, %arg7: memref<50000xi32, #tpu.memory_space<vmem>>, %arg8: memref<!tpu.dma_semaphore, #tpu.memory_space<semaphore_mem>>, %arg9: memref<!tpu.dma_semaphore, #tpu.memory_space<semaphore_mem>>) attributes {dimension_semantics = [#tpu.dimension_semantics<core_parallel>, #tpu.dimension_semantics<subcore_parallel>], iteration_bounds = array<i64: 2, 16>, scalar_prefetch = 0 : i64, scratch_operands = 3 : i64, tpu.core_type = #tpu.core_type<sc_vector_subcore>, window_params = [{transform_indices = #map}, {transform_indices = #map}, {transform_indices = #map}, {transform_indices = #map}, {transform_indices = #map}]} {
    %mul3A = arith.constant 2 : i32
    %mul3A_0 = arith.muli %arg1, %mul3A : i32
    %add3A = arith.addi %mul3A_0, %arg0 : i32
    %mul3A_1 = arith.constant 10000 : i32
    %mul3A_2 = arith.muli %add3A, %mul3A_1 : i32
    %scan3A = arith.constant 0 : i32
    %scan3A_3 = arith.constant 0 : i32
    %scan3A_4 = arith.constant 125 : i32
    %scan3A_5 = arith.addi %scan3A_3, %scan3A_4 : i32
    %scan3A_6 = arith.constant 1 : i32
    scf.for %scan3A_31 = %scan3A_3 to %scan3A_5 step %scan3A_6  : i32 {
      %mul3A_32 = arith.constant 80 : i32
      %mul3A_33 = arith.muli %scan3A_31, %mul3A_32 : i32
      %add3A_34 = arith.addi %mul3A_2, %mul3A_33 : i32
      %mul3A_35 = arith.constant 400 : i32
      %mul3A_36 = arith.muli %scan3A_31, %mul3A_35 : i32
      %add3A_37 = arith.constant 240 : i32
      %add3A_38 = arith.addi %mul3A_36, %add3A_37 : i32
      %dma_start3A = tpu.memref_slice %arg7[%add3A_38] : memref<50000xi32, #tpu.memory_space<vmem>> -> memref<80xi32, #tpu.memory_space<vmem>>
      %dma_start3A_39 = tpu.memref_slice %arg4[%add3A_34] : memref<320000xi32, #tpu.memory_space<hbm>> -> memref<80xi32, #tpu.memory_space<hbm>>
      %dma_start3A_40 = tpu.memref_slice %arg7[%add3A_38] : memref<50000xi32, #tpu.memory_space<vmem>> -> memref<80xi32, #tpu.memory_space<vmem>>
      %dma_start3A_41 = tpu.memref_slice %arg4[%add3A_34] : memref<320000xi32, #tpu.memory_space<hbm>> -> memref<80xi32, #tpu.memory_space<hbm>>
      tpu.enqueue_dma source(%dma_start3A_41 : memref<80xi32, #tpu.memory_space<hbm>>) target(%dma_start3A_40 : memref<80xi32, #tpu.memory_space<vmem>>) target_semaphore(%arg8 : memref<!tpu.dma_semaphore, #tpu.memory_space<semaphore_mem>>)
      %mul3A_42 = arith.constant 400 : i32
      %mul3A_43 = arith.muli %scan3A_31, %mul3A_42 : i32
      %add3A_44 = arith.constant 320 : i32
      %add3A_45 = arith.addi %mul3A_43, %add3A_44 : i32
      %dma_start3A_46 = tpu.memref_slice %arg7[%add3A_45] : memref<50000xi32, #tpu.memory_space<vmem>> -> memref<80xi32, #tpu.memory_space<vmem>>
      %dma_start3A_47 = tpu.memref_slice %arg5[%add3A_34] : memref<320000xi32, #tpu.memory_space<hbm>> -> memref<80xi32, #tpu.memory_space<hbm>>
      %dma_start3A_48 = tpu.memref_slice %arg7[%add3A_45] : memref<50000xi32, #tpu.memory_space<vmem>> -> memref<80xi32, #tpu.memory_space<vmem>>
      %dma_start3A_49 = tpu.memref_slice %arg5[%add3A_34] : memref<320000xi32, #tpu.memory_space<hbm>> -> memref<80xi32, #tpu.memory_space<hbm>>
      tpu.enqueue_dma source(%dma_start3A_49 : memref<80xi32, #tpu.memory_space<hbm>>) target(%dma_start3A_48 : memref<80xi32, #tpu.memory_space<vmem>>) target_semaphore(%arg8 : memref<!tpu.dma_semaphore, #tpu.memory_space<semaphore_mem>>)
    }
    %scan3A_7 = arith.constant 125 : i32
    %dma_wait3A = arith.constant 0 : i32
    %dma_wait3A_8 = tpu.memref_slice %arg7[%dma_wait3A] : memref<50000xi32, #tpu.memory_space<vmem>> -> memref<20000xi32, #tpu.memory_space<vmem>>
    %dma_wait3A_9 = arith.constant 0 : i32
    %dma_wait3A_10 = tpu.memref_slice %arg4[%dma_wait3A_9] : memref<320000xi32, #tpu.memory_space<hbm>> -> memref<20000xi32, #tpu.memory_space<hbm>>
    %dma_wait3A_11 = arith.constant 0 : i32
    %dma_wait3A_12 = tpu.memref_slice %arg7[%dma_wait3A_11] : memref<50000xi32, #tpu.memory_space<vmem>> -> memref<20000xi32, #tpu.memory_space<vmem>>
    %dma_wait3A_13 = arith.constant 0 : i32
    %dma_wait3A_14 = tpu.memref_slice %arg4[%dma_wait3A_13] : memref<320000xi32, #tpu.memory_space<hbm>> -> memref<20000xi32, #tpu.memory_space<hbm>>
    tpu.wait_dma2 semaphore(%arg8 : memref<!tpu.dma_semaphore, #tpu.memory_space<semaphore_mem>>) src(%dma_wait3A_14 : memref<20000xi32, #tpu.memory_space<hbm>>) dst(%dma_wait3A_12 : memref<20000xi32, #tpu.memory_space<vmem>>)
    %scan3A_15 = arith.constant 0 : i32
    %scan3A_16 = arith.constant 0 : i32
    %scan3A_17 = arith.constant 125 : i32
    %scan3A_18 = arith.addi %scan3A_16, %scan3A_17 : i32
    %scan3A_19 = arith.constant 1 : i32
    scf.for %scan3A_31 = %scan3A_16 to %scan3A_18 step %scan3A_19  : i32 {
      %mul3A_32 = arith.constant 400 : i32
      %mul3A_33 = arith.muli %scan3A_31, %mul3A_32 : i32
      %add3A_34 = arith.constant 240 : i32
      %add3A_35 = arith.addi %mul3A_33, %add3A_34 : i32
      %mul3A_36 = arith.constant 400 : i32
      %mul3A_37 = arith.muli %scan3A_31, %mul3A_36 : i32
      %add3A_38 = arith.constant 320 : i32
      %add3A_39 = arith.addi %mul3A_37, %add3A_38 : i32
      %mul3A_40 = arith.constant 400 : i32
      %mul3A_41 = arith.muli %scan3A_31, %mul3A_40 : i32
      %dma_start3A = tpu.memref_slice %arg7[%mul3A_41] : memref<50000xi32, #tpu.memory_space<vmem>> -> memref<80xi32, #tpu.memory_space<vmem>>
      %dma_start3A_42 = tpu.memref_slice %arg7[%add3A_39] : memref<50000xi32, #tpu.memory_space<vmem>> -> memref<80xi32, #tpu.memory_space<vmem>>
      %dma_start3A_43 = arith.constant 0 : i32
      %dma_start3A_44 = tpu.memref_slice %arg2[%dma_start3A_43] : memref<320000xi32, #tpu.memory_space<hbm>> -> memref<320000xi32, #tpu.memory_space<hbm>>
      tpu.enqueue_indirect_dma source(%dma_start3A_44 : memref<320000xi32, #tpu.memory_space<hbm>>) target(%dma_start3A : memref<80xi32, #tpu.memory_space<vmem>>) offsets(%dma_start3A_42 : memref<80xi32, #tpu.memory_space<vmem>>) semaphore(%arg9 : memref<!tpu.dma_semaphore, #tpu.memory_space<semaphore_mem>>)
      %mul3A_45 = arith.constant 400 : i32
      %mul3A_46 = arith.muli %scan3A_31, %mul3A_45 : i32
      %add3A_47 = arith.constant 80 : i32
      %add3A_48 = arith.addi %mul3A_46, %add3A_47 : i32
      %dma_start3A_49 = tpu.memref_slice %arg7[%add3A_48] : memref<50000xi32, #tpu.memory_space<vmem>> -> memref<80xi32, #tpu.memory_space<vmem>>
      %dma_start3A_50 = tpu.memref_slice %arg7[%add3A_35] : memref<50000xi32, #tpu.memory_space<vmem>> -> memref<80xi32, #tpu.memory_space<vmem>>
      %dma_start3A_51 = arith.constant 0 : i32
      %dma_start3A_52 = tpu.memref_slice %arg3[%dma_start3A_51] : memref<320000xi32, #tpu.memory_space<hbm>> -> memref<320000xi32, #tpu.memory_space<hbm>>
      tpu.enqueue_indirect_dma source(%dma_start3A_52 : memref<320000xi32, #tpu.memory_space<hbm>>) target(%dma_start3A_49 : memref<80xi32, #tpu.memory_space<vmem>>) offsets(%dma_start3A_50 : memref<80xi32, #tpu.memory_space<vmem>>) semaphore(%arg9 : memref<!tpu.dma_semaphore, #tpu.memory_space<semaphore_mem>>)
      %mul3A_53 = arith.constant 400 : i32
      %mul3A_54 = arith.muli %scan3A_31, %mul3A_53 : i32
      %add3A_55 = arith.constant 160 : i32
      %add3A_56 = arith.addi %mul3A_54, %add3A_55 : i32
      %dma_start3A_57 = tpu.memref_slice %arg7[%add3A_56] : memref<50000xi32, #tpu.memory_space<vmem>> -> memref<80xi32, #tpu.memory_space<vmem>>
      %dma_start3A_58 = tpu.memref_slice %arg7[%add3A_39] : memref<50000xi32, #tpu.memory_space<vmem>> -> memref<80xi32, #tpu.memory_space<vmem>>
      %dma_start3A_59 = arith.constant 0 : i32
      %dma_start3A_60 = tpu.memref_slice %arg3[%dma_start3A_59] : memref<320000xi32, #tpu.memory_space<hbm>> -> memref<320000xi32, #tpu.memory_space<hbm>>
      tpu.enqueue_indirect_dma source(%dma_start3A_60 : memref<320000xi32, #tpu.memory_space<hbm>>) target(%dma_start3A_57 : memref<80xi32, #tpu.memory_space<vmem>>) offsets(%dma_start3A_58 : memref<80xi32, #tpu.memory_space<vmem>>) semaphore(%arg9 : memref<!tpu.dma_semaphore, #tpu.memory_space<semaphore_mem>>)
    }
    %scan3A_20 = arith.constant 125 : i32
    %dma_wait3A_21 = arith.constant 0 : i32
    %dma_wait3A_22 = tpu.memref_slice %arg7[%dma_wait3A_21] : memref<50000xi32, #tpu.memory_space<vmem>> -> memref<30000xi32, #tpu.memory_space<vmem>>
    %dma_wait3A_23 = arith.constant 0 : i32
    %dma_wait3A_24 = tpu.memref_slice %arg2[%dma_wait3A_23] : memref<320000xi32, #tpu.memory_space<hbm>> -> memref<30000xi32, #tpu.memory_space<hbm>>
    %dma_wait3A_25 = arith.constant 0 : i32
    %dma_wait3A_26 = tpu.memref_slice %arg7[%dma_wait3A_25] : memref<50000xi32, #tpu.memory_space<vmem>> -> memref<30000xi32, #tpu.memory_space<vmem>>
    %dma_wait3A_27 = arith.constant 0 : i32
    %dma_wait3A_28 = tpu.memref_slice %arg2[%dma_wait3A_27] : memref<320000xi32, #tpu.memory_space<hbm>> -> memref<30000xi32, #tpu.memory_space<hbm>>
    tpu.wait_dma2 semaphore(%arg9 : memref<!tpu.dma_semaphore, #tpu.memory_space<semaphore_mem>>) src(%dma_wait3A_28 : memref<30000xi32, #tpu.memory_space<hbm>>) dst(%dma_wait3A_26 : memref<30000xi32, #tpu.memory_space<vmem>>)
    %mul3A_29 = arith.constant 50000 : i32
    %mul3A_30 = arith.muli %add3A, %mul3A_29 : i32
    "tpu.region"() ({
      %run_scoped3A = tpu.sem_alloc : memref<!tpu.dma_semaphore, #tpu.memory_space<semaphore_mem>>
      %dma_start3A = tpu.memref_slice %arg6[%mul3A_30] : memref<1600000xi32, #tpu.memory_space<hbm>> -> memref<50000xi32, #tpu.memory_space<hbm>>
      %dma_start3A_31 = tpu.memref_slice %arg6[%mul3A_30] : memref<1600000xi32, #tpu.memory_space<hbm>> -> memref<50000xi32, #tpu.memory_space<hbm>>
      tpu.enqueue_dma source(%arg7 : memref<50000xi32, #tpu.memory_space<vmem>>) target(%dma_start3A_31 : memref<50000xi32, #tpu.memory_space<hbm>>) target_semaphore(%run_scoped3A : memref<!tpu.dma_semaphore, #tpu.memory_space<semaphore_mem>>)
      %dma_wait3A_32 = tpu.memref_slice %arg6[%mul3A_30] : memref<1600000xi32, #tpu.memory_space<hbm>> -> memref<50000xi32, #tpu.memory_space<hbm>>
      %dma_wait3A_33 = tpu.memref_slice %arg6[%mul3A_30] : memref<1600000xi32, #tpu.memory_space<hbm>> -> memref<50000xi32, #tpu.memory_space<hbm>>
      tpu.wait_dma2 semaphore(%run_scoped3A : memref<!tpu.dma_semaphore, #tpu.memory_space<semaphore_mem>>) src(%arg7 : memref<50000xi32, #tpu.memory_space<vmem>>) dst(%dma_wait3A_33 : memref<50000xi32, #tpu.memory_space<hbm>>)
      tpu.yield
    }) : () -> ()
    return
  }
}

module attributes {stable_mosaic.version = 14 : i64} {
  func.func @_atoms_body(%arg0: memref<10000x128xf32, #tpu.memory_space<vmem>>, %arg1: memref<128x128xf32, #tpu.memory_space<vmem>>, %arg2: memref<128x128xf32, #tpu.memory_space<vmem>>, %arg3: memref<128x128xf32, #tpu.memory_space<vmem>>, %arg4: memref<10000x128xf32, #tpu.memory_space<vmem>>, %arg5: memref<10000x128xf32, #tpu.memory_space<vmem>>, %arg6: memref<10000x128xf32, #tpu.memory_space<vmem>>) attributes {dimension_semantics = [], scalar_prefetch = 0 : i64, scratch_operands = 0 : i64, tpu.core_type = #tpu.core_type<tc>} {
    %get3A = arith.constant 0 : index
    %get3A_0 = arith.constant 0 : index
    %get3A_1 = vector.load %arg0[%get3A, %get3A_0] : memref<10000x128xf32, #tpu.memory_space<vmem>>, vector<10000x128xf32>
    %get3A_2 = arith.constant 0 : index
    %get3A_3 = arith.constant 0 : index
    %get3A_4 = vector.load %arg1[%get3A_2, %get3A_3] : memref<128x128xf32, #tpu.memory_space<vmem>>, vector<128x128xf32>
    %dot_general3A = arith.constant dense<0.000000e+00> : vector<10000x128xf32>
    %dot_general3A_5 = tpu.matmul %get3A_1, %get3A_4, %dot_general3A {dimension_numbers = #tpu.dot_dimension_numbers<[1], [0], [0], [1], [0, 0, 1, 1], [], []>, transpose_lhs_hint = false} : vector<10000x128xf32>, vector<128x128xf32>, vector<10000x128xf32> -> vector<10000x128xf32>
    %swap3A = arith.constant 0 : index
    %swap3A_6 = arith.constant 0 : index
    %swap3A_7 = vector.load %arg4[%swap3A, %swap3A_6] : memref<10000x128xf32, #tpu.memory_space<vmem>>, vector<10000x128xf32>
    tpu.vector_store %arg4[%swap3A, %swap3A_6], %dot_general3A_5 {strides = array<i32>} : memref<10000x128xf32, #tpu.memory_space<vmem>>, vector<10000x128xf32>,
    %get3A_8 = arith.constant 0 : index
    %get3A_9 = arith.constant 0 : index
    %get3A_10 = vector.load %arg2[%get3A_8, %get3A_9] : memref<128x128xf32, #tpu.memory_space<vmem>>, vector<128x128xf32>
    %dot_general3A_11 = arith.constant dense<0.000000e+00> : vector<10000x128xf32>
    %dot_general3A_12 = tpu.matmul %get3A_1, %get3A_10, %dot_general3A_11 {dimension_numbers = #tpu.dot_dimension_numbers<[1], [0], [0], [1], [0, 0, 1, 1], [], []>, transpose_lhs_hint = false} : vector<10000x128xf32>, vector<128x128xf32>, vector<10000x128xf32> -> vector<10000x128xf32>
    %swap3A_13 = arith.constant 0 : index
    %swap3A_14 = arith.constant 0 : index
    %swap3A_15 = vector.load %arg5[%swap3A_13, %swap3A_14] : memref<10000x128xf32, #tpu.memory_space<vmem>>, vector<10000x128xf32>
    tpu.vector_store %arg5[%swap3A_13, %swap3A_14], %dot_general3A_12 {strides = array<i32>} : memref<10000x128xf32, #tpu.memory_space<vmem>>, vector<10000x128xf32>,
    %get3A_16 = arith.constant 0 : index
    %get3A_17 = arith.constant 0 : index
    %get3A_18 = vector.load %arg3[%get3A_16, %get3A_17] : memref<128x128xf32, #tpu.memory_space<vmem>>, vector<128x128xf32>
    %dot_general3A_19 = arith.constant dense<0.000000e+00> : vector<10000x128xf32>
    %dot_general3A_20 = tpu.matmul %get3A_1, %get3A_18, %dot_general3A_19 {dimension_numbers = #tpu.dot_dimension_numbers<[1], [0], [0], [1], [0, 0, 1, 1], [], []>, transpose_lhs_hint = false} : vector<10000x128xf32>, vector<128x128xf32>, vector<10000x128xf32> -> vector<10000x128xf32>
    %swap3A_21 = arith.constant 0 : index
    %swap3A_22 = arith.constant 0 : index
    %swap3A_23 = vector.load %arg6[%swap3A_21, %swap3A_22] : memref<10000x128xf32, #tpu.memory_space<vmem>>, vector<10000x128xf32>
    tpu.vector_store %arg6[%swap3A_21, %swap3A_22], %dot_general3A_20 {strides = array<i32>} : memref<10000x128xf32, #tpu.memory_space<vmem>>, vector<10000x128xf32>,
    return
  }
}

module attributes {stable_mosaic.version = 14 : i64} {
  func.func @_edges_body(%arg0: i32, %arg1: memref<2000x128xf32, #tpu.memory_space<vmem>>, %arg2: memref<128x128xf32, #tpu.memory_space<vmem>>, %arg3: memref<128x128xf32, #tpu.memory_space<vmem>>, %arg4: memref<2000x128xf32, #tpu.memory_space<vmem>>, %arg5: memref<2000x128xf32, #tpu.memory_space<vmem>>) attributes {dimension_semantics = [#tpu.dimension_semantics<arbitrary>], iteration_bounds = array<i64: 160>, scalar_prefetch = 0 : i64, scratch_operands = 0 : i64, tpu.core_type = #tpu.core_type<tc>, window_params = [{transform_indices = @transform_0, window_bounds = array<i64: 2000, 128>}, {pipeline_mode = #tpu.pipeline_mode<synchronous>, transform_indices = @transform_1, window_bounds = array<i64: 128, 128>}, {pipeline_mode = #tpu.pipeline_mode<synchronous>, transform_indices = @transform_2, window_bounds = array<i64: 128, 128>}, {transform_indices = @transform_3, window_bounds = array<i64: 2000, 128>}, {transform_indices = @transform_4, window_bounds = array<i64: 2000, 128>}]} {
    %get3A = arith.constant 0 : index
    %get3A_0 = arith.constant 0 : index
    %get3A_1 = vector.load %arg1[%get3A, %get3A_0] : memref<2000x128xf32, #tpu.memory_space<vmem>>, vector<2000x128xf32>
    %get3A_2 = arith.constant 0 : index
    %get3A_3 = arith.constant 0 : index
    %get3A_4 = vector.load %arg2[%get3A_2, %get3A_3] : memref<128x128xf32, #tpu.memory_space<vmem>>, vector<128x128xf32>
    %dot_general3A = arith.constant dense<0.000000e+00> : vector<2000x128xf32>
    %dot_general3A_5 = tpu.matmul %get3A_1, %get3A_4, %dot_general3A {dimension_numbers = #tpu.dot_dimension_numbers<[1], [0], [0], [1], [0, 0, 1, 1], [], []>, transpose_lhs_hint = false} : vector<2000x128xf32>, vector<128x128xf32>, vector<2000x128xf32> -> vector<2000x128xf32>
    %swap3A = arith.constant 0 : index
    %swap3A_6 = arith.constant 0 : index
    %swap3A_7 = vector.load %arg4[%swap3A, %swap3A_6] : memref<2000x128xf32, #tpu.memory_space<vmem>>, vector<2000x128xf32>
    tpu.vector_store %arg4[%swap3A, %swap3A_6], %dot_general3A_5 {strides = array<i32>} : memref<2000x128xf32, #tpu.memory_space<vmem>>, vector<2000x128xf32>,
    %get3A_8 = arith.constant 0 : index
    %get3A_9 = arith.constant 0 : index
    %get3A_10 = vector.load %arg3[%get3A_8, %get3A_9] : memref<128x128xf32, #tpu.memory_space<vmem>>, vector<128x128xf32>
    %dot_general3A_11 = arith.constant dense<0.000000e+00> : vector<2000x128xf32>
    %dot_general3A_12 = tpu.matmul %get3A_1, %get3A_10, %dot_general3A_11 {dimension_numbers = #tpu.dot_dimension_numbers<[1], [0], [0], [1], [0, 0, 1, 1], [], []>, transpose_lhs_hint = false} : vector<2000x128xf32>, vector<128x128xf32>, vector<2000x128xf32> -> vector<2000x128xf32>
    %swap3A_13 = arith.constant 0 : index
    %swap3A_14 = arith.constant 0 : index
    %swap3A_15 = vector.load %arg5[%swap3A_13, %swap3A_14] : memref<2000x128xf32, #tpu.memory_space<vmem>>, vector<2000x128xf32>
    tpu.vector_store %arg5[%swap3A_13, %swap3A_14], %dot_general3A_12 {strides = array<i32>} : memref<2000x128xf32, #tpu.memory_space<vmem>>, vector<2000x128xf32>,
    return
  }
  func.func @transform_0(%arg0: i32) -> (i32, i32) {
    %c0_i32 = arith.constant 0 : i32
    %c0_i32_0 = arith.constant 0 : i32
    return %arg0, %c0_i32 : i32, i32
  }
  func.func @transform_1(%arg0: i32) -> (i32, i32) {
    %c0_i32 = arith.constant 0 : i32
    %c0_i32_0 = arith.constant 0 : i32
    %c0_i32_1 = arith.constant 0 : i32
    return %c0_i32, %c0_i32_0 : i32, i32
  }
  func.func @transform_2(%arg0: i32) -> (i32, i32) {
    %c0_i32 = arith.constant 0 : i32
    %c0_i32_0 = arith.constant 0 : i32
    %c0_i32_1 = arith.constant 0 : i32
    return %c0_i32, %c0_i32_0 : i32, i32
  }
  func.func @transform_3(%arg0: i32) -> (i32, i32) {
    %c0_i32 = arith.constant 0 : i32
    %c0_i32_0 = arith.constant 0 : i32
    return %arg0, %c0_i32 : i32, i32
  }
  func.func @transform_4(%arg0: i32) -> (i32, i32) {
    %c0_i32 = arith.constant 0 : i32
    %c0_i32_0 = arith.constant 0 : i32
    return %arg0, %c0_i32 : i32, i32
  }
}

module attributes {stable_mosaic.version = 14 : i64} {
  func.func @_final_body(%arg0: i32, %arg1: memref<2560x128xf32, #tpu.memory_space<vmem>>, %arg2: memref<2560x128xf32, #tpu.memory_space<vmem>>, %arg3: memref<2560x16xf32, #tpu.memory_space<vmem>>, %arg4: memref<2560x16xf32, #tpu.memory_space<vmem>>, %arg5: memref<2560x1xf32, #tpu.memory_space<vmem>>, %arg6: memref<128x128xf32, #tpu.memory_space<vmem>>, %arg7: memref<1x128xf32, #tpu.memory_space<vmem>>, %arg8: memref<128x128xf32, #tpu.memory_space<vmem>>, %arg9: memref<1x128xf32, #tpu.memory_space<vmem>>, %arg10: memref<16x128xf32, #tpu.memory_space<vmem>>, %arg11: memref<1x128xf32, #tpu.memory_space<vmem>>, %arg12: memref<16x128xf32, #tpu.memory_space<vmem>>, %arg13: memref<1x128xf32, #tpu.memory_space<vmem>>, %arg14: memref<1x128xf32, #tpu.memory_space<vmem>>, %arg15: memref<1x128xf32, #tpu.memory_space<vmem>>, %arg16: memref<1x128xf32, #tpu.memory_space<vmem>>, %arg17: memref<2560x128xf32, #tpu.memory_space<vmem>>) attributes {dimension_semantics = [#tpu.dimension_semantics<arbitrary>], iteration_bounds = array<i64: 90>, scalar_prefetch = 0 : i64, scratch_operands = 0 : i64, tpu.core_type = #tpu.core_type<tc>, window_params = [{transform_indices = @transform_0, window_bounds = array<i64: 2560, 128>}, {transform_indices = @transform_1, window_bounds = array<i64: 2560, 128>}, {transform_indices = @transform_2, window_bounds = array<i64: 2560, 16>}, {transform_indices = @transform_3, window_bounds = array<i64: 2560, 16>}, {transform_indices = @transform_4, window_bounds = array<i64: 2560, 1>}, {pipeline_mode = #tpu.pipeline_mode<synchronous>, transform_indices = @transform_5, window_bounds = array<i64: 128, 128>}, {pipeline_mode = #tpu.pipeline_mode<synchronous>, transform_indices = @transform_6, window_bounds = array<i64: 1, 128>}, {pipeline_mode = #tpu.pipeline_mode<synchronous>, transform_indices = @transform_7, window_bounds = array<i64: 128, 128>}, {pipeline_mode = #tpu.pipeline_mode<synchronous>, transform_indices = @transform_8, window_bounds = array<i64: 1, 128>}, {pipeline_mode = #tpu.pipeline_mode<synchronous>, transform_indices = @transform_9, window_bounds = array<i64: 16, 128>}, {pipeline_mode = #tpu.pipeline_mode<synchronous>, transform_indices = @transform_10, window_bounds = array<i64: 1, 128>}, {pipeline_mode = #tpu.pipeline_mode<synchronous>, transform_indices = @transform_11, window_bounds = array<i64: 16, 128>}, {pipeline_mode = #tpu.pipeline_mode<synchronous>, transform_indices = @transform_12, window_bounds = array<i64: 1, 128>}, {pipeline_mode = #tpu.pipeline_mode<synchronous>, transform_indices = @transform_13, window_bounds = array<i64: 1, 128>}, {pipeline_mode = #tpu.pipeline_mode<synchronous>, transform_indices = @transform_14, window_bounds = array<i64: 1, 128>}, {pipeline_mode = #tpu.pipeline_mode<synchronous>, transform_indices = @transform_15, window_bounds = array<i64: 1, 128>}, {transform_indices = @transform_16, window_bounds = array<i64: 2560, 128>}]} {
    %get3A = arith.constant 0 : index
    %get3A_0 = arith.constant 0 : index
    %get3A_1 = vector.load %arg1[%get3A, %get3A_0] : memref<2560x128xf32, #tpu.memory_space<vmem>>, vector<2560x128xf32>
    %get3A_2 = arith.constant 0 : index
    %get3A_3 = arith.constant 0 : index
    %get3A_4 = vector.load %arg16[%get3A_2, %get3A_3] : memref<1x128xf32, #tpu.memory_space<vmem>>, vector<1x128xf32>
    %add3A = vector.broadcast %get3A_4 : vector<1x128xf32> to vector<2560x128xf32>
    %add3A_5 = arith.addf %get3A_1, %add3A : vector<2560x128xf32>
    %logistic3A = arith.negf %add3A_5 : vector<2560x128xf32>
    %logistic3A_6 = math.exp %logistic3A : vector<2560x128xf32>
    %logistic3A_7 = arith.constant 1.000000e+00 : f32
    %logistic3A_8 = vector.broadcast %logistic3A_7 : f32 to vector<2560x128xf32>
    %logistic3A_9 = arith.addf %logistic3A_8, %logistic3A_6 : vector<2560x128xf32>
    %logistic3A_10 = arith.divf %logistic3A_8, %logistic3A_9 : vector<2560x128xf32>
    %mul3A = arith.mulf %add3A_5, %logistic3A_10 : vector<2560x128xf32>
    %get3A_11 = arith.constant 0 : index
    %get3A_12 = arith.constant 0 : index
    %get3A_13 = vector.load %arg6[%get3A_11, %get3A_12] : memref<128x128xf32, #tpu.memory_space<vmem>>, vector<128x128xf32>
    %dot_general3A = arith.constant dense<0.000000e+00> : vector<2560x128xf32>
    %dot_general3A_14 = tpu.matmul %mul3A, %get3A_13, %dot_general3A {dimension_numbers = #tpu.dot_dimension_numbers<[1], [0], [0], [1], [0, 0, 1, 1], [], []>, transpose_lhs_hint = false} : vector<2560x128xf32>, vector<128x128xf32>, vector<2560x128xf32> -> vector<2560x128xf32>
    %get3A_15 = arith.constant 0 : index
    %get3A_16 = arith.constant 0 : index
    %get3A_17 = vector.load %arg7[%get3A_15, %get3A_16] : memref<1x128xf32, #tpu.memory_space<vmem>>, vector<1x128xf32>
    %add3A_18 = vector.broadcast %get3A_17 : vector<1x128xf32> to vector<2560x128xf32>
    %add3A_19 = arith.addf %dot_general3A_14, %add3A_18 : vector<2560x128xf32>
    %logistic3A_20 = arith.negf %add3A_19 : vector<2560x128xf32>
    %logistic3A_21 = math.exp %logistic3A_20 : vector<2560x128xf32>
    %logistic3A_22 = arith.constant 1.000000e+00 : f32
    %logistic3A_23 = vector.broadcast %logistic3A_22 : f32 to vector<2560x128xf32>
    %logistic3A_24 = arith.addf %logistic3A_23, %logistic3A_21 : vector<2560x128xf32>
    %logistic3A_25 = arith.divf %logistic3A_23, %logistic3A_24 : vector<2560x128xf32>
    %get3A_26 = arith.constant 0 : index
    %get3A_27 = arith.constant 0 : index
    %get3A_28 = vector.load %arg8[%get3A_26, %get3A_27] : memref<128x128xf32, #tpu.memory_space<vmem>>, vector<128x128xf32>
    %dot_general3A_29 = arith.constant dense<0.000000e+00> : vector<2560x128xf32>
    %dot_general3A_30 = tpu.matmul %mul3A, %get3A_28, %dot_general3A_29 {dimension_numbers = #tpu.dot_dimension_numbers<[1], [0], [0], [1], [0, 0, 1, 1], [], []>, transpose_lhs_hint = false} : vector<2560x128xf32>, vector<128x128xf32>, vector<2560x128xf32> -> vector<2560x128xf32>
    %get3A_31 = arith.constant 0 : index
    %get3A_32 = arith.constant 0 : index
    %get3A_33 = vector.load %arg9[%get3A_31, %get3A_32] : memref<1x128xf32, #tpu.memory_space<vmem>>, vector<1x128xf32>
    %add3A_34 = vector.broadcast %get3A_33 : vector<1x128xf32> to vector<2560x128xf32>
    %add3A_35 = arith.addf %dot_general3A_30, %add3A_34 : vector<2560x128xf32>
    %logistic3A_36 = arith.negf %add3A_35 : vector<2560x128xf32>
    %logistic3A_37 = math.exp %logistic3A_36 : vector<2560x128xf32>
    %logistic3A_38 = arith.constant 1.000000e+00 : f32
    %logistic3A_39 = vector.broadcast %logistic3A_38 : f32 to vector<2560x128xf32>
    %logistic3A_40 = arith.addf %logistic3A_39, %logistic3A_37 : vector<2560x128xf32>
    %logistic3A_41 = arith.divf %logistic3A_39, %logistic3A_40 : vector<2560x128xf32>
    %mul3A_42 = arith.mulf %add3A_35, %logistic3A_41 : vector<2560x128xf32>
    %mul3A_43 = arith.mulf %logistic3A_25, %mul3A_42 : vector<2560x128xf32>
    %get3A_44 = arith.constant 0 : index
    %get3A_45 = arith.constant 0 : index
    %get3A_46 = vector.load %arg3[%get3A_44, %get3A_45] : memref<2560x16xf32, #tpu.memory_space<vmem>>, vector<2560x16xf32>
    %get3A_47 = arith.constant 0 : index
    %get3A_48 = arith.constant 0 : index
    %get3A_49 = vector.load %arg10[%get3A_47, %get3A_48] : memref<16x128xf32, #tpu.memory_space<vmem>>, vector<16x128xf32>
    %dot_general3A_50 = arith.constant dense<0.000000e+00> : vector<2560x128xf32>
    %dot_general3A_51 = tpu.matmul %get3A_46, %get3A_49, %dot_general3A_50 {dimension_numbers = #tpu.dot_dimension_numbers<[1], [0], [0], [1], [0, 0, 1, 1], [], []>, transpose_lhs_hint = false} : vector<2560x16xf32>, vector<16x128xf32>, vector<2560x128xf32> -> vector<2560x128xf32>
    %get3A_52 = arith.constant 0 : index
    %get3A_53 = arith.constant 0 : index
    %get3A_54 = vector.load %arg11[%get3A_52, %get3A_53] : memref<1x128xf32, #tpu.memory_space<vmem>>, vector<1x128xf32>
    %add3A_55 = vector.broadcast %get3A_54 : vector<1x128xf32> to vector<2560x128xf32>
    %add3A_56 = arith.addf %dot_general3A_51, %add3A_55 : vector<2560x128xf32>
    %get3A_57 = arith.constant 0 : index
    %get3A_58 = arith.constant 0 : index
    %get3A_59 = vector.load %arg4[%get3A_57, %get3A_58] : memref<2560x16xf32, #tpu.memory_space<vmem>>, vector<2560x16xf32>
    %get3A_60 = arith.constant 0 : index
    %get3A_61 = arith.constant 0 : index
    %get3A_62 = vector.load %arg12[%get3A_60, %get3A_61] : memref<16x128xf32, #tpu.memory_space<vmem>>, vector<16x128xf32>
    %dot_general3A_63 = arith.constant dense<0.000000e+00> : vector<2560x128xf32>
    %dot_general3A_64 = tpu.matmul %get3A_59, %get3A_62, %dot_general3A_63 {dimension_numbers = #tpu.dot_dimension_numbers<[1], [0], [0], [1], [0, 0, 1, 1], [], []>, transpose_lhs_hint = false} : vector<2560x16xf32>, vector<16x128xf32>, vector<2560x128xf32> -> vector<2560x128xf32>
    %get3A_65 = arith.constant 0 : index
    %get3A_66 = arith.constant 0 : index
    %get3A_67 = vector.load %arg13[%get3A_65, %get3A_66] : memref<1x128xf32, #tpu.memory_space<vmem>>, vector<1x128xf32>
    %add3A_68 = vector.broadcast %get3A_67 : vector<1x128xf32> to vector<2560x128xf32>
    %add3A_69 = arith.addf %dot_general3A_64, %add3A_68 : vector<2560x128xf32>
    %get3A_70 = arith.constant 0 : index
    %get3A_71 = arith.constant 0 : index
    %get3A_72 = vector.load %arg5[%get3A_70, %get3A_71] : memref<2560x1xf32, #tpu.memory_space<vmem>>, vector<2560x1xf32>
    %get3A_73 = arith.constant 0 : index
    %get3A_74 = arith.constant 0 : index
    %get3A_75 = vector.load %arg14[%get3A_73, %get3A_74] : memref<1x128xf32, #tpu.memory_space<vmem>>, vector<1x128xf32>
    %mul3A_76 = vector.broadcast %get3A_72 : vector<2560x1xf32> to vector<2560x128xf32>
    %mul3A_77 = vector.broadcast %get3A_75 : vector<1x128xf32> to vector<2560x128xf32>
    %mul3A_78 = arith.mulf %mul3A_76, %mul3A_77 : vector<2560x128xf32>
    %get3A_79 = arith.constant 0 : index
    %get3A_80 = arith.constant 0 : index
    %get3A_81 = vector.load %arg15[%get3A_79, %get3A_80] : memref<1x128xf32, #tpu.memory_space<vmem>>, vector<1x128xf32>
    %add3A_82 = vector.broadcast %get3A_81 : vector<1x128xf32> to vector<2560x128xf32>
    %add3A_83 = arith.addf %mul3A_78, %add3A_82 : vector<2560x128xf32>
    %get3A_84 = arith.constant 0 : index
    %get3A_85 = arith.constant 0 : index
    %get3A_86 = vector.load %arg2[%get3A_84, %get3A_85] : memref<2560x128xf32, #tpu.memory_space<vmem>>, vector<2560x128xf32>
    %mul3A_87 = arith.mulf %mul3A_43, %add3A_56 : vector<2560x128xf32>
    %mul3A_88 = arith.mulf %mul3A_87, %add3A_69 : vector<2560x128xf32>
    %mul3A_89 = arith.mulf %mul3A_88, %add3A_83 : vector<2560x128xf32>
    %add3A_90 = arith.addf %get3A_86, %mul3A_89 : vector<2560x128xf32>
    %swap3A = arith.constant 0 : index
    %swap3A_91 = arith.constant 0 : index
    %swap3A_92 = vector.load %arg17[%swap3A, %swap3A_91] : memref<2560x128xf32, #tpu.memory_space<vmem>>, vector<2560x128xf32>
    tpu.vector_store %arg17[%swap3A, %swap3A_91], %add3A_90 {strides = array<i32>} : memref<2560x128xf32, #tpu.memory_space<vmem>>, vector<2560x128xf32>,
    return
  }
  func.func @transform_0(%arg0: i32) -> (i32, i32) {
    %c0_i32 = arith.constant 0 : i32
    %c0_i32_0 = arith.constant 0 : i32
    return %arg0, %c0_i32 : i32, i32
  }
  func.func @transform_1(%arg0: i32) -> (i32, i32) {
    %add3A = arith.constant 0 : i32
    %add3A_0 = arith.addi %arg0, %add3A : i32
    %c0_i32 = arith.constant 0 : i32
    %c0_i32_1 = arith.constant 0 : i32
    return %add3A_0, %c0_i32 : i32, i32
  }
  func.func @transform_2(%arg0: i32) -> (i32, i32) {
    %add3A = arith.constant 0 : i32
    %add3A_0 = arith.addi %arg0, %add3A : i32
    %c0_i32 = arith.constant 0 : i32
    %c0_i32_1 = arith.constant 0 : i32
    return %add3A_0, %c0_i32 : i32, i32
  }
  func.func @transform_3(%arg0: i32) -> (i32, i32) {
    %add3A = arith.constant 0 : i32
    %add3A_0 = arith.addi %arg0, %add3A : i32
    %c0_i32 = arith.constant 0 : i32
    %c0_i32_1 = arith.constant 0 : i32
    return %add3A_0, %c0_i32 : i32, i32
  }
  func.func @transform_4(%arg0: i32) -> (i32, i32) {
    %add3A = arith.constant 0 : i32
    %add3A_0 = arith.addi %arg0, %add3A : i32
    %c0_i32 = arith.constant 0 : i32
    %c0_i32_1 = arith.constant 0 : i32
    return %add3A_0, %c0_i32 : i32, i32
  }
  func.func @transform_5(%arg0: i32) -> (i32, i32) {
    %c0_i32 = arith.constant 0 : i32
    %c0_i32_0 = arith.constant 0 : i32
    %c0_i32_1 = arith.constant 0 : i32
    return %c0_i32, %c0_i32_0 : i32, i32
  }
  func.func @transform_6(%arg0: i32) -> (i32, i32) {
    %c0_i32 = arith.constant 0 : i32
    %c0_i32_0 = arith.constant 0 : i32
    %c0_i32_1 = arith.constant 0 : i32
    return %c0_i32, %c0_i32_0 : i32, i32
  }
  func.func @transform_7(%arg0: i32) -> (i32, i32) {
    %c0_i32 = arith.constant 0 : i32
    %c0_i32_0 = arith.constant 0 : i32
    %c0_i32_1 = arith.constant 0 : i32
    return %c0_i32, %c0_i32_0 : i32, i32
  }
  func.func @transform_8(%arg0: i32) -> (i32, i32) {
    %c0_i32 = arith.constant 0 : i32
    %c0_i32_0 = arith.constant 0 : i32
    %c0_i32_1 = arith.constant 0 : i32
    return %c0_i32, %c0_i32_0 : i32, i32
  }
  func.func @transform_9(%arg0: i32) -> (i32, i32) {
    %c0_i32 = arith.constant 0 : i32
    %c0_i32_0 = arith.constant 0 : i32
    %c0_i32_1 = arith.constant 0 : i32
    return %c0_i32, %c0_i32_0 : i32, i32
  }
  func.func @transform_10(%arg0: i32) -> (i32, i32) {
    %c0_i32 = arith.constant 0 : i32
    %c0_i32_0 = arith.constant 0 : i32
    %c0_i32_1 = arith.constant 0 : i32
    return %c0_i32, %c0_i32_0 : i32, i32
  }
  func.func @transform_11(%arg0: i32) -> (i32, i32) {
    %c0_i32 = arith.constant 0 : i32
    %c0_i32_0 = arith.constant 0 : i32
    %c0_i32_1 = arith.constant 0 : i32
    return %c0_i32, %c0_i32_0 : i32, i32
  }
  func.func @transform_12(%arg0: i32) -> (i32, i32) {
    %c0_i32 = arith.constant 0 : i32
    %c0_i32_0 = arith.constant 0 : i32
    %c0_i32_1 = arith.constant 0 : i32
    return %c0_i32, %c0_i32_0 : i32, i32
  }
  func.func @transform_13(%arg0: i32) -> (i32, i32) {
    %c0_i32 = arith.constant 0 : i32
    %c0_i32_0 = arith.constant 0 : i32
    %c0_i32_1 = arith.constant 0 : i32
    return %c0_i32, %c0_i32_0 : i32, i32
  }
  func.func @transform_14(%arg0: i32) -> (i32, i32) {
    %c0_i32 = arith.constant 0 : i32
    %c0_i32_0 = arith.constant 0 : i32
    %c0_i32_1 = arith.constant 0 : i32
    return %c0_i32, %c0_i32_0 : i32, i32
  }
  func.func @transform_15(%arg0: i32) -> (i32, i32) {
    %c0_i32 = arith.constant 0 : i32
    %c0_i32_0 = arith.constant 0 : i32
    %c0_i32_1 = arith.constant 0 : i32
    return %c0_i32, %c0_i32_0 : i32, i32
  }
  func.func @transform_16(%arg0: i32) -> (i32, i32) {
    %add3A = arith.constant 0 : i32
    %add3A_0 = arith.addi %arg0, %add3A : i32
    %c0_i32 = arith.constant 0 : i32
    %c0_i32_1 = arith.constant 0 : i32
    return %add3A_0, %c0_i32 : i32, i32
  }
}

module attributes {stable_mosaic.version = 14 : i64} {
  func.func @_final_body_aliased(%arg0: i32, %arg1: memref<320000x128xf32, #tpu.memory_space<any>>, %arg2: memref<2560x128xf32, #tpu.memory_space<vmem>>, %arg3: memref<2560x128xf32, #tpu.memory_space<vmem>>, %arg4: memref<2560x16xf32, #tpu.memory_space<vmem>>, %arg5: memref<2560x16xf32, #tpu.memory_space<vmem>>, %arg6: memref<2560x1xf32, #tpu.memory_space<vmem>>, %arg7: memref<128x128xf32, #tpu.memory_space<vmem>>, %arg8: memref<1x128xf32, #tpu.memory_space<vmem>>, %arg9: memref<128x128xf32, #tpu.memory_space<vmem>>, %arg10: memref<1x128xf32, #tpu.memory_space<vmem>>, %arg11: memref<16x128xf32, #tpu.memory_space<vmem>>, %arg12: memref<1x128xf32, #tpu.memory_space<vmem>>, %arg13: memref<16x128xf32, #tpu.memory_space<vmem>>, %arg14: memref<1x128xf32, #tpu.memory_space<vmem>>, %arg15: memref<1x128xf32, #tpu.memory_space<vmem>>, %arg16: memref<1x128xf32, #tpu.memory_space<vmem>>, %arg17: memref<1x128xf32, #tpu.memory_space<vmem>>, %arg18: memref<2560x128xf32, #tpu.memory_space<vmem>>) attributes {dimension_semantics = [#tpu.dimension_semantics<arbitrary>], iteration_bounds = array<i64: 35>, scalar_prefetch = 0 : i64, scratch_operands = 0 : i64, tpu.core_type = #tpu.core_type<tc>, window_params = [{}, {transform_indices = @transform_1, window_bounds = array<i64: 2560, 128>}, {transform_indices = @transform_2, window_bounds = array<i64: 2560, 128>}, {transform_indices = @transform_3, window_bounds = array<i64: 2560, 16>}, {transform_indices = @transform_4, window_bounds = array<i64: 2560, 16>}, {transform_indices = @transform_5, window_bounds = array<i64: 2560, 1>}, {pipeline_mode = #tpu.pipeline_mode<synchronous>, transform_indices = @transform_6, window_bounds = array<i64: 128, 128>}, {pipeline_mode = #tpu.pipeline_mode<synchronous>, transform_indices = @transform_7, window_bounds = array<i64: 1, 128>}, {pipeline_mode = #tpu.pipeline_mode<synchronous>, transform_indices = @transform_8, window_bounds = array<i64: 128, 128>}, {pipeline_mode = #tpu.pipeline_mode<synchronous>, transform_indices = @transform_9, window_bounds = array<i64: 1, 128>}, {pipeline_mode = #tpu.pipeline_mode<synchronous>, transform_indices = @transform_10, window_bounds = array<i64: 16, 128>}, {pipeline_mode = #tpu.pipeline_mode<synchronous>, transform_indices = @transform_11, window_bounds = array<i64: 1, 128>}, {pipeline_mode = #tpu.pipeline_mode<synchronous>, transform_indices = @transform_12, window_bounds = array<i64: 16, 128>}, {pipeline_mode = #tpu.pipeline_mode<synchronous>, transform_indices = @transform_13, window_bounds = array<i64: 1, 128>}, {pipeline_mode = #tpu.pipeline_mode<synchronous>, transform_indices = @transform_14, window_bounds = array<i64: 1, 128>}, {pipeline_mode = #tpu.pipeline_mode<synchronous>, transform_indices = @transform_15, window_bounds = array<i64: 1, 128>}, {pipeline_mode = #tpu.pipeline_mode<synchronous>, transform_indices = @transform_16, window_bounds = array<i64: 1, 128>}, {transform_indices = @transform_17, window_bounds = array<i64: 2560, 128>}]} {
    %get3A = arith.constant 0 : index
    %get3A_0 = arith.constant 0 : index
    %get3A_1 = vector.load %arg2[%get3A, %get3A_0] : memref<2560x128xf32, #tpu.memory_space<vmem>>, vector<2560x128xf32>
    %get3A_2 = arith.constant 0 : index
    %get3A_3 = arith.constant 0 : index
    %get3A_4 = vector.load %arg17[%get3A_2, %get3A_3] : memref<1x128xf32, #tpu.memory_space<vmem>>, vector<1x128xf32>
    %add3A = vector.broadcast %get3A_4 : vector<1x128xf32> to vector<2560x128xf32>
    %add3A_5 = arith.addf %get3A_1, %add3A : vector<2560x128xf32>
    %logistic3A = arith.negf %add3A_5 : vector<2560x128xf32>
    %logistic3A_6 = math.exp %logistic3A : vector<2560x128xf32>
    %logistic3A_7 = arith.constant 1.000000e+00 : f32
    %logistic3A_8 = vector.broadcast %logistic3A_7 : f32 to vector<2560x128xf32>
    %logistic3A_9 = arith.addf %logistic3A_8, %logistic3A_6 : vector<2560x128xf32>
    %logistic3A_10 = arith.divf %logistic3A_8, %logistic3A_9 : vector<2560x128xf32>
    %mul3A = arith.mulf %add3A_5, %logistic3A_10 : vector<2560x128xf32>
    %get3A_11 = arith.constant 0 : index
    %get3A_12 = arith.constant 0 : index
    %get3A_13 = vector.load %arg7[%get3A_11, %get3A_12] : memref<128x128xf32, #tpu.memory_space<vmem>>, vector<128x128xf32>
    %dot_general3A = arith.constant dense<0.000000e+00> : vector<2560x128xf32>
    %dot_general3A_14 = tpu.matmul %mul3A, %get3A_13, %dot_general3A {dimension_numbers = #tpu.dot_dimension_numbers<[1], [0], [0], [1], [0, 0, 1, 1], [], []>, transpose_lhs_hint = false} : vector<2560x128xf32>, vector<128x128xf32>, vector<2560x128xf32> -> vector<2560x128xf32>
    %get3A_15 = arith.constant 0 : index
    %get3A_16 = arith.constant 0 : index
    %get3A_17 = vector.load %arg8[%get3A_15, %get3A_16] : memref<1x128xf32, #tpu.memory_space<vmem>>, vector<1x128xf32>
    %add3A_18 = vector.broadcast %get3A_17 : vector<1x128xf32> to vector<2560x128xf32>
    %add3A_19 = arith.addf %dot_general3A_14, %add3A_18 : vector<2560x128xf32>
    %logistic3A_20 = arith.negf %add3A_19 : vector<2560x128xf32>
    %logistic3A_21 = math.exp %logistic3A_20 : vector<2560x128xf32>
    %logistic3A_22 = arith.constant 1.000000e+00 : f32
    %logistic3A_23 = vector.broadcast %logistic3A_22 : f32 to vector<2560x128xf32>
    %logistic3A_24 = arith.addf %logistic3A_23, %logistic3A_21 : vector<2560x128xf32>
    %logistic3A_25 = arith.divf %logistic3A_23, %logistic3A_24 : vector<2560x128xf32>
    %get3A_26 = arith.constant 0 : index
    %get3A_27 = arith.constant 0 : index
    %get3A_28 = vector.load %arg9[%get3A_26, %get3A_27] : memref<128x128xf32, #tpu.memory_space<vmem>>, vector<128x128xf32>
    %dot_general3A_29 = arith.constant dense<0.000000e+00> : vector<2560x128xf32>
    %dot_general3A_30 = tpu.matmul %mul3A, %get3A_28, %dot_general3A_29 {dimension_numbers = #tpu.dot_dimension_numbers<[1], [0], [0], [1], [0, 0, 1, 1], [], []>, transpose_lhs_hint = false} : vector<2560x128xf32>, vector<128x128xf32>, vector<2560x128xf32> -> vector<2560x128xf32>
    %get3A_31 = arith.constant 0 : index
    %get3A_32 = arith.constant 0 : index
    %get3A_33 = vector.load %arg10[%get3A_31, %get3A_32] : memref<1x128xf32, #tpu.memory_space<vmem>>, vector<1x128xf32>
    %add3A_34 = vector.broadcast %get3A_33 : vector<1x128xf32> to vector<2560x128xf32>
    %add3A_35 = arith.addf %dot_general3A_30, %add3A_34 : vector<2560x128xf32>
    %logistic3A_36 = arith.negf %add3A_35 : vector<2560x128xf32>
    %logistic3A_37 = math.exp %logistic3A_36 : vector<2560x128xf32>
    %logistic3A_38 = arith.constant 1.000000e+00 : f32
    %logistic3A_39 = vector.broadcast %logistic3A_38 : f32 to vector<2560x128xf32>
    %logistic3A_40 = arith.addf %logistic3A_39, %logistic3A_37 : vector<2560x128xf32>
    %logistic3A_41 = arith.divf %logistic3A_39, %logistic3A_40 : vector<2560x128xf32>
    %mul3A_42 = arith.mulf %add3A_35, %logistic3A_41 : vector<2560x128xf32>
    %mul3A_43 = arith.mulf %logistic3A_25, %mul3A_42 : vector<2560x128xf32>
    %get3A_44 = arith.constant 0 : index
    %get3A_45 = arith.constant 0 : index
    %get3A_46 = vector.load %arg4[%get3A_44, %get3A_45] : memref<2560x16xf32, #tpu.memory_space<vmem>>, vector<2560x16xf32>
    %get3A_47 = arith.constant 0 : index
    %get3A_48 = arith.constant 0 : index
    %get3A_49 = vector.load %arg11[%get3A_47, %get3A_48] : memref<16x128xf32, #tpu.memory_space<vmem>>, vector<16x128xf32>
    %dot_general3A_50 = arith.constant dense<0.000000e+00> : vector<2560x128xf32>
    %dot_general3A_51 = tpu.matmul %get3A_46, %get3A_49, %dot_general3A_50 {dimension_numbers = #tpu.dot_dimension_numbers<[1], [0], [0], [1], [0, 0, 1, 1], [], []>, transpose_lhs_hint = false} : vector<2560x16xf32>, vector<16x128xf32>, vector<2560x128xf32> -> vector<2560x128xf32>
    %get3A_52 = arith.constant 0 : index
    %get3A_53 = arith.constant 0 : index
    %get3A_54 = vector.load %arg12[%get3A_52, %get3A_53] : memref<1x128xf32, #tpu.memory_space<vmem>>, vector<1x128xf32>
    %add3A_55 = vector.broadcast %get3A_54 : vector<1x128xf32> to vector<2560x128xf32>
    %add3A_56 = arith.addf %dot_general3A_51, %add3A_55 : vector<2560x128xf32>
    %get3A_57 = arith.constant 0 : index
    %get3A_58 = arith.constant 0 : index
    %get3A_59 = vector.load %arg5[%get3A_57, %get3A_58] : memref<2560x16xf32, #tpu.memory_space<vmem>>, vector<2560x16xf32>
    %get3A_60 = arith.constant 0 : index
    %get3A_61 = arith.constant 0 : index
    %get3A_62 = vector.load %arg13[%get3A_60, %get3A_61] : memref<16x128xf32, #tpu.memory_space<vmem>>, vector<16x128xf32>
    %dot_general3A_63 = arith.constant dense<0.000000e+00> : vector<2560x128xf32>
    %dot_general3A_64 = tpu.matmul %get3A_59, %get3A_62, %dot_general3A_63 {dimension_numbers = #tpu.dot_dimension_numbers<[1], [0], [0], [1], [0, 0, 1, 1], [], []>, transpose_lhs_hint = false} : vector<2560x16xf32>, vector<16x128xf32>, vector<2560x128xf32> -> vector<2560x128xf32>
    %get3A_65 = arith.constant 0 : index
    %get3A_66 = arith.constant 0 : index
    %get3A_67 = vector.load %arg14[%get3A_65, %get3A_66] : memref<1x128xf32, #tpu.memory_space<vmem>>, vector<1x128xf32>
    %add3A_68 = vector.broadcast %get3A_67 : vector<1x128xf32> to vector<2560x128xf32>
    %add3A_69 = arith.addf %dot_general3A_64, %add3A_68 : vector<2560x128xf32>
    %get3A_70 = arith.constant 0 : index
    %get3A_71 = arith.constant 0 : index
    %get3A_72 = vector.load %arg6[%get3A_70, %get3A_71] : memref<2560x1xf32, #tpu.memory_space<vmem>>, vector<2560x1xf32>
    %get3A_73 = arith.constant 0 : index
    %get3A_74 = arith.constant 0 : index
    %get3A_75 = vector.load %arg15[%get3A_73, %get3A_74] : memref<1x128xf32, #tpu.memory_space<vmem>>, vector<1x128xf32>
    %mul3A_76 = vector.broadcast %get3A_72 : vector<2560x1xf32> to vector<2560x128xf32>
    %mul3A_77 = vector.broadcast %get3A_75 : vector<1x128xf32> to vector<2560x128xf32>
    %mul3A_78 = arith.mulf %mul3A_76, %mul3A_77 : vector<2560x128xf32>
    %get3A_79 = arith.constant 0 : index
    %get3A_80 = arith.constant 0 : index
    %get3A_81 = vector.load %arg16[%get3A_79, %get3A_80] : memref<1x128xf32, #tpu.memory_space<vmem>>, vector<1x128xf32>
    %add3A_82 = vector.broadcast %get3A_81 : vector<1x128xf32> to vector<2560x128xf32>
    %add3A_83 = arith.addf %mul3A_78, %add3A_82 : vector<2560x128xf32>
    %get3A_84 = arith.constant 0 : index
    %get3A_85 = arith.constant 0 : index
    %get3A_86 = vector.load %arg3[%get3A_84, %get3A_85] : memref<2560x128xf32, #tpu.memory_space<vmem>>, vector<2560x128xf32>
    %mul3A_87 = arith.mulf %mul3A_43, %add3A_56 : vector<2560x128xf32>
    %mul3A_88 = arith.mulf %mul3A_87, %add3A_69 : vector<2560x128xf32>
    %mul3A_89 = arith.mulf %mul3A_88, %add3A_83 : vector<2560x128xf32>
    %add3A_90 = arith.addf %get3A_86, %mul3A_89 : vector<2560x128xf32>
    %swap3A = arith.constant 0 : index
    %swap3A_91 = arith.constant 0 : index
    %swap3A_92 = vector.load %arg18[%swap3A, %swap3A_91] : memref<2560x128xf32, #tpu.memory_space<vmem>>, vector<2560x128xf32>
    tpu.vector_store %arg18[%swap3A, %swap3A_91], %add3A_90 {strides = array<i32>} : memref<2560x128xf32, #tpu.memory_space<vmem>>, vector<2560x128xf32>,
    return
  }
  func.func @transform_1(%arg0: i32) -> (i32, i32) {
    %c0_i32 = arith.constant 0 : i32
    %c0_i32_0 = arith.constant 0 : i32
    return %arg0, %c0_i32 : i32, i32
  }
  func.func @transform_2(%arg0: i32) -> (i32, i32) {
    %add3A = arith.constant 90 : i32
    %add3A_0 = arith.addi %arg0, %add3A : i32
    %c0_i32 = arith.constant 0 : i32
    %c0_i32_1 = arith.constant 0 : i32
    return %add3A_0, %c0_i32 : i32, i32
  }
  func.func @transform_3(%arg0: i32) -> (i32, i32) {
    %add3A = arith.constant 90 : i32
    %add3A_0 = arith.addi %arg0, %add3A : i32
    %c0_i32 = arith.constant 0 : i32
    %c0_i32_1 = arith.constant 0 : i32
    return %add3A_0, %c0_i32 : i32, i32
  }
  func.func @transform_4(%arg0: i32) -> (i32, i32) {
    %add3A = arith.constant 90 : i32
    %add3A_0 = arith.addi %arg0, %add3A : i32
    %c0_i32 = arith.constant 0 : i32
    %c0_i32_1 = arith.constant 0 : i32
    return %add3A_0, %c0_i32 : i32, i32
  }
  func.func @transform_5(%arg0: i32) -> (i32, i32) {
    %add3A = arith.constant 90 : i32
    %add3A_0 = arith.addi %arg0, %add3A : i32
    %c0_i32 = arith.constant 0 : i32
    %c0_i32_1 = arith.constant 0 : i32
    return %add3A_0, %c0_i32 : i32, i32
  }
  func.func @transform_6(%arg0: i32) -> (i32, i32) {
    %c0_i32 = arith.constant 0 : i32
    %c0_i32_0 = arith.constant 0 : i32
    %c0_i32_1 = arith.constant 0 : i32
    return %c0_i32, %c0_i32_0 : i32, i32
  }
  func.func @transform_7(%arg0: i32) -> (i32, i32) {
    %c0_i32 = arith.constant 0 : i32
    %c0_i32_0 = arith.constant 0 : i32
    %c0_i32_1 = arith.constant 0 : i32
    return %c0_i32, %c0_i32_0 : i32, i32
  }
  func.func @transform_8(%arg0: i32) -> (i32, i32) {
    %c0_i32 = arith.constant 0 : i32
    %c0_i32_0 = arith.constant 0 : i32
    %c0_i32_1 = arith.constant 0 : i32
    return %c0_i32, %c0_i32_0 : i32, i32
  }
  func.func @transform_9(%arg0: i32) -> (i32, i32) {
    %c0_i32 = arith.constant 0 : i32
    %c0_i32_0 = arith.constant 0 : i32
    %c0_i32_1 = arith.constant 0 : i32
    return %c0_i32, %c0_i32_0 : i32, i32
  }
  func.func @transform_10(%arg0: i32) -> (i32, i32) {
    %c0_i32 = arith.constant 0 : i32
    %c0_i32_0 = arith.constant 0 : i32
    %c0_i32_1 = arith.constant 0 : i32
    return %c0_i32, %c0_i32_0 : i32, i32
  }
  func.func @transform_11(%arg0: i32) -> (i32, i32) {
    %c0_i32 = arith.constant 0 : i32
    %c0_i32_0 = arith.constant 0 : i32
    %c0_i32_1 = arith.constant 0 : i32
    return %c0_i32, %c0_i32_0 : i32, i32
  }
  func.func @transform_12(%arg0: i32) -> (i32, i32) {
    %c0_i32 = arith.constant 0 : i32
    %c0_i32_0 = arith.constant 0 : i32
    %c0_i32_1 = arith.constant 0 : i32
    return %c0_i32, %c0_i32_0 : i32, i32
  }
  func.func @transform_13(%arg0: i32) -> (i32, i32) {
    %c0_i32 = arith.constant 0 : i32
    %c0_i32_0 = arith.constant 0 : i32
    %c0_i32_1 = arith.constant 0 : i32
    return %c0_i32, %c0_i32_0 : i32, i32
  }
  func.func @transform_14(%arg0: i32) -> (i32, i32) {
    %c0_i32 = arith.constant 0 : i32
    %c0_i32_0 = arith.constant 0 : i32
    %c0_i32_1 = arith.constant 0 : i32
    return %c0_i32, %c0_i32_0 : i32, i32
  }
  func.func @transform_15(%arg0: i32) -> (i32, i32) {
    %c0_i32 = arith.constant 0 : i32
    %c0_i32_0 = arith.constant 0 : i32
    %c0_i32_1 = arith.constant 0 : i32
    return %c0_i32, %c0_i32_0 : i32, i32
  }
  func.func @transform_16(%arg0: i32) -> (i32, i32) {
    %c0_i32 = arith.constant 0 : i32
    %c0_i32_0 = arith.constant 0 : i32
    %c0_i32_1 = arith.constant 0 : i32
    return %c0_i32, %c0_i32_0 : i32, i32
  }
  func.func @transform_17(%arg0: i32) -> (i32, i32) {
    %add3A = arith.constant 90 : i32
    %add3A_0 = arith.addi %arg0, %add3A : i32
    %c0_i32 = arith.constant 0 : i32
    %c0_i32_1 = arith.constant 0 : i32
    return %add3A_0, %c0_i32 : i32, i32
  }
}

</mosaic_0001>

<sc_bundles>
// kernel: kernel.12.cloned.1.call-start
scs
__scs_entry_jumppad:
0x0: {  	(pc) =	sbr.rel $0x88, $3  }
0x1: {  	(tag) =	ssettag $0x0;
	lr =	simm.s32 $0x1  }
0x2: {  	[smem:$0x3F8E] =	sst lr;
	_ =	strace $0xD0000000  }
0x3: {  	_ = 	snop  }
0x4: {  	_ = 	snop  }
0x5: {  	_ = 	snop  }
0x6: {  	_ = 	snop  }
0x7: {  	_ = 	snop  }
__scs_overlays_trampoline_lowered:
0x8: {  	[smem:$0x3F9D] =	sst s0  }
0x9: {  	[smem:$0x3F9E] =	sst s1  }
0xa: {  	[smem:$0x3F9F] =	sst s2  }
0xb: {  	[smem:$0x3FA0] =	sst s3  }
0xc: {  	[smem:$0x3FA1] =	sst s4  }
0xd: {  	[smem:$0x3FA2] =	sst s5  }
0xe: {  	[smem:$0x3FA3] =	sst s6  }
0xf: {  	[smem:$0x3FA4] =	sst s7  }
0x10: {  	[smem:$0x3FA5] =	sst s8  }
0x11: {  	[smem:$0x3FA6] =	sst s9;
	s0 =	simm.s32 @!p0 $0x0  }
0x12: {  	s1 =	sld [smem:$0x3F8C];
	s0 =	simm.s32 @p0 $0x1  }
0x13: {  	[smem:$0x3FA7] =	sst s0;
	s0 =	simm.s32 @!p1 $0x0  }
0x14: {  	s2 =	sld [smem:$0x3F8B];
	s0 =	simm.s32 @p1 $0x1  }
0x15: {  	[smem:$0x3FA8] =	sst s0;
	s0 =	simm.s32 @!p2 $0x0  }
0x16: {  	s3 =	sld [smem:$0x3FDB];
	s0 =	simm.s32 @p2 $0x1  }
0x17: {  	s4 =	simm.s32 $0x1BF5;
	[smem:$0x3FAA] =	sst s0  }
0x18: {  	s0 =	sld [smem:$0x3F8D];
	_ =	swait.ge [sflag:s4], $0x0  }
0x19: {  	s7 =	sld [smem:$0x3F8E]  }
0x1a: {  	s8 =	sadd.s32 $0xFFFFE003, lr  }
0x1b: {  	s9 =	sadd.s32 $0xFFFFFEF7, lr;
	s5 =	simm.s32 $0xFFFFFFFF;
	p2 =	slt.u32 s8, $0xFFFFF086  }
0x1c: {  	p1 =	slt.u32 s9, $0xF7A;
	s5 =	simm.s32 @!p2 $0x0  }
0x1d: {  	s5 =	simm.s32 @p1 $0x1;
	p0 =	seq.s32 s7, s2  }
0x1e: {  	s7 =	smul.u32 @!p0 $0xF7A, s2;
	p2 =	seq.s32 @!p0 s5, $0x0  }
0x1f: {  	s9 =	smul.u32 $0xF7A, s1;
	s8 =	simm.s32 @!p0 $0x1BF5;
	p2 =	por !p2, p0  }
0x20: {  	[sflag:s8] =	ssyncset.s32 @!p0 $0xFFFFF086;
	s6 =	sadd.s32 @!p0 s3, s7;
	s7 =	simm.s32 @!p0 $0x108  }
0x21: {  	s3 =	sadd.s32 s3, s9;
	s6 =	sadd.s32 @!p0 $0x88, s6;
	s7 =	simm.s32 @p2 $0x1082  }
0x22: {  	[simem:s7], [sflag:s8] =	dma.local @!p0 [hbm:s6], $0xF7A  }
0x23: {  	s9 =	sor.u32 $0xD0000000, s2;
	s6 =	simm.s32 $0x108;
	_ =	swait.ge @!p0 [sflag:s8], $0x0  }
0x24: {  	s3 =	sadd.s32 $0x88, s3;
	s6 =	simm.s32 @!p1 $0x1082;
	[sflag:s4] =	ssyncset.s32 $0xFFFFF086  }
0x25: {  	[simem:s6], [sflag:s4] =	dma.local [hbm:s3], $0xF7A  }
0x26: {  	[smem:$0x3F8E] =	sst s1;
	(tag) =	ssettag s2;
	_ =	strace s9  }
0x27: {  	s1 =	sld [smem:$0x3F9E]  }
0x28: {  	s2 =	sld [smem:$0x3F9F]  }
0x29: {  	s4 =	sld [smem:$0x3FA1]  }
0x2a: {  	p0 =	seq.s32 s5, $0x0;
	s5 =	sld [smem:$0x3FA2]  }
0x2b: {  	s6 =	sld [smem:$0x3FA3]  }
0x2c: {  	s7 =	sld [smem:$0x3FA4]  }
0x2d: {  	s3 =	simm.s32 $0x108;
	s8 =	sld [smem:$0x3FA5]  }
0x2e: {  	s3 =	simm.s32 @!p0 $0x1082;
	s9 =	sld [smem:$0x3FA6]  }
0x2f: {  	lr =	sadd.s32 s0, s3;
	s0 =	sld [smem:$0x3F9D]  }
0x30: {  	s3 =	sld [smem:$0x3FA0]  }
0x31: {  	[smem:$0x3FA9] =	sst s10  }
0x32: {  	s10 =	sld [smem:$0x3FA7];
	_ =	sdelay $0x3  }
0x33: {  	p0 =	seq.s32 s10, $0x1;
	s10 =	sld [smem:$0x3FA9];
	_ =	sdelay $0x3  }
0x34: {  	[smem:$0x3FA9] =	sst s10  }
0x35: {  	s10 =	sld [smem:$0x3FA8];
	_ =	sdelay $0x3  }
0x36: {  	p1 =	seq.s32 s10, $0x1;
	s10 =	sld [smem:$0x3FA9];
	_ =	sdelay $0x3  }
0x37: {  	[smem:$0x3FA9] =	sst s10  }
0x38: {  	s10 =	sld [smem:$0x3FAA]  }
0x39: {  	_ = 	snop;
	(pc) =	sbr.ind lr, $3  }
0x3a: {  	_ = 	snop  }
0x3b: {  	_ = 	snop  }
0x3c: {  	p2 =	seq.s32 s10, $0x1;
	s10 =	sld [smem:$0x3FA9]  }
0x3d: {  	_ =	shalt  }
0x3e: {  	_ =	shalt  }
0x3f: {  	_ =	shalt  }
0x40: {  	_ =	shalt  }
0x41: {  	_ =	shalt  }
0x42: {  	_ =	shalt  }
0x43: {  	_ =	shalt  }
0x44: {  	_ =	shalt  }
0x45: {  	_ =	shalt  }
0x46: {  	_ =	shalt  }
0x47: {  	_ =	shalt  }
0x48: {  	_ =	shalt  }
0x49: {  	_ =	shalt  }
0x4a: {  	_ =	shalt  }
0x4b: {  	_ =	shalt  }
0x4c: {  	_ =	shalt  }
0x4d: {  	_ =	shalt  }
0x4e: {  	_ =	shalt  }
0x4f: {  	_ =	shalt  }
0x50: {  	_ =	shalt  }
0x51: {  	_ =	shalt  }
0x52: {  	_ =	shalt  }
0x53: {  	_ =	shalt  }
0x54: {  	_ =	shalt  }
0x55: {  	_ =	shalt  }
0x56: {  	_ =	shalt  }
0x57: {  	_ =	shalt  }
0x58: {  	_ =	shalt  }
0x59: {  	_ =	shalt  }
0x5a: {  	_ =	shalt  }
0x5b: {  	_ =	shalt  }
0x5c: {  	_ =	shalt  }
0x5d: {  	_ =	shalt  }
0x5e: {  	_ =	shalt  }
0x5f: {  	_ =	shalt  }
0x60: {  	_ =	shalt  }
0x61: {  	_ =	shalt  }
0x62: {  	_ =	shalt  }
0x63: {  	_ =	shalt  }
0x64: {  	_ =	shalt  }
0x65: {  	_ =	shalt  }
0x66: {  	_ =	shalt  }
0x67: {  	_ =	shalt  }
0x68: {  	_ =	shalt  }
0x69: {  	_ =	shalt  }
0x6a: {  	_ =	shalt  }
0x6b: {  	_ =	shalt  }
0x6c: {  	_ =	shalt  }
0x6d: {  	_ =	shalt  }
0x6e: {  	_ =	shalt  }
0x6f: {  	_ =	shalt  }
0x70: {  	_ =	shalt  }
0x71: {  	_ =	shalt  }
0x72: {  	_ =	shalt  }
0x73: {  	_ =	shalt  }
0x74: {  	_ =	shalt  }
0x75: {  	_ =	shalt  }
0x76: {  	_ =	shalt  }
0x77: {  	_ =	shalt  }
0x78: {  	_ =	shalt  }
0x79: {  	_ =	shalt  }
0x7a: {  	_ =	shalt  }
0x7b: {  	_ =	shalt  }
0x7c: {  	_ =	shalt  }
0x7d: {  	_ =	shalt  }
0x7e: {  	_ =	shalt  }
0x7f: {  	_ =	shalt  }
0x80: {  	_ =	shalt  }
0x81: {  	_ =	shalt  }
0x82: {  	_ =	shalt  }
0x83: {  	_ =	shalt  }
0x84: {  	_ =	shalt  }
0x85: {  	_ =	shalt  }
0x86: {  	_ =	shalt  }
0x87: {  	_ =	shalt  }
.Lfunc_end0:
.L_simem_size_0:
called_computation.1_lowered:
.L_overlay_start_0:
0x88: {  	s2 =	sld [smem:$0x3FD9]  }
0x89: {  	s3 =	sld [smem:$0x3FFE];
	_ =	sdelay $0x1  }
0x8a: {  	s1 =	srdreg.scid  }
0x8b: {  	s0 =	sand.u32 $0x1, s1  }
0x8c: {  	s16 =	sshll.u32 s0, $0xA;
	s2 =	sadd.s32 s3, s2  }
0x8d: {  	s2 =	sadd.s32 s2, s16  }
0x8e: {  	[smem:$0x3FB5] =	sst s2  }
0x8f: {  	_ = 	snop  }
0x90: {  	(tm) =	ssettm $0x1  }
0x91: {  	s17 =	sld [smem:$0x3FFB];
	_ =	sdelay $0x3  }
0x92: {  	_ =	strace s17  }
0x93: {  	s2 =	sld [smem:$0x3FFC];
	_ =	sdelay $0x3  }
0x94: {  	_ =	strace s2  }
0x95: {  	s2 =	sld [smem:$0x3FFD];
	_ =	sdelay $0x3  }
0x96: {  	_ =	strace s2  }
0x97: {  	_ =	strace $0x8FFFFFFF  }
0x98: {  	s18 =	sld [smem:$0x3FDB];
	_ =	sdelay $0x1  }
0x99: {  	s19 =	simm.s32 $_scs_section_size  }
0x9a: {  	s4 =	simm.s32 $_size__tile_overlayer_lowered;
	s5 =	simm.s32 $_tile_overlayer_lowered  }
0x9b: {  	s22 =	simm.s32 $0x1BFF;
	s21 =	sshll.u32 s5, $0x1;
	s2 =	sadd.s32 s19, s18  }
0x9c: {  	s6 =	simm.s32 $0x0;
	s20 =	sshll.u32 s4, $0x1;
	s4 =	sadd.s32 s21, s2  }
0x9d: {  	[timem:s6], [sflag:s22] =	dma.local [hbm:s4], s20  }
0x9e: {  	_ =	swait.ge [sflag:s22], s20  }
0x9f: {  	s3 =	ssub.s32 $0x0, s20;
	[sflag:s22] =	ssyncset.done $0x0  }
0xa0: {  	[sflag:s22] =	ssyncadd.s32 s3;
	_ =	sdelay $0x1  }
0xa1: {  	s23 =	simm.s32 $0x1B8B  }
0xa2: {  	_ =	swait.ge [sflag:s23], $0x1  }
0xa3: {  	[sflag:s23] =	ssyncset.done $0x0  }
0xa4: {  	s25 =	simm.s32 $0x1B8E;
	s24 =	sld [smem:$0x3FFE];
	[sflag:s23] =	ssyncadd.s32 $0xFFFFFFFF  }
0xa5: {  	s26 =	simm.s32 $execute0_lowered;
	[smem:$0x3FD2] =	sst s25  }
0xa6: {  	s4 =	sshll.u32 s26, $0x1;
	_ =	strace $0x80000049;
	[dreg:$0x1] =	wrdreg $0xFFFFFFFF  }
0xa7: {  	s28 =	simm.s32 $_size_execute0_lowered;
	s2 =	sadd.s32 s2, s4;
	[dreg:$0x0] =	wrdreg $0x0  }
0xa8: {  	s4 =	sshll.u32 s28, $0x1;
	[dreg:$0x2] =	wrdreg s2  }
0xa9: {  	[dreg:$0x3] =	wrdreg s4  }
0xaa: {  	[dreg:$0x4] =	wrdreg $0xC0  }
0xab: {  	_ =	task [dreg:s6], $0x5FFFF  }
0xac: {  	[dreg:$0x1] =	wrdreg $0xFFFFFFFF  }
0xad: {  	[dreg:$0x0] =	wrdreg $0x60  }
0xae: {  	[dreg:$0x2] =	wrdreg s24  }
0xaf: {  	[dreg:$0x3] =	wrdreg $0x9  }
0xb0: {  	_ =	task.clear_ibuf [dreg:s6], $0x4FFFF;
	_ =	strace $0x90000049  }
0xb1: {  	s29 =	simm.s32 $0x9;
	_ =	strace $0x8000004B  }
0xb2: {  	_ =	swait.ge [sflag:s29], $0x1  }
0xb3: {  	[sflag:s29] =	ssyncadd.s32 $0xFFFFFFFF  }
0xb4: {  	_ =	strace $0x9000004B  }
0xb5: {  	_ =	sfence  }
0xb6: {  	s30 =	sld [smem:$0x0];
	_ =	sdelay $0x2  }
0xb7: {  	s31 =	sshll.u32 s1, $0xD;
	s1 =	sshrl.u32 s1, $0x2  }
0xb8: {  	s3 =	sand.u32 $0x4000, s31;
	s1 =	sadd.s32 s1, s30  }
0xb9: {  	s0 =	sor.u32 s3, s0;
	s1 =	sshll.u32 s1, $0x11  }
0xba: {  	s0 =	sor.u32 s1, s0  }
0xbb: {  	s0 =	sadd.s32 $0x8F2B, s0  }
0xbc: {  	[sflag:s0] =	ssyncadd.remote.s32 $0x1  }
0xbd: {  	_ =	sfence.sel $0xFFFF  }
0xbe: {  	[dreg:$0x0] =	wrdreg $0xFFFFFFFF;
	(pc) =	sbr.abs _section_cstart, $3  }
0xbf: {  	[dreg:$0x1] =	wrdreg $0xFFFFFFFF  }
0xc0: {  	_ =	task.clear_ibuf [dreg:s6], $0x2FFFF;
	_ =	strace $0x9FFFFFFF  }
0xc1: {  	(tm) =	ssettm $0x7FFFFFFF  }
tec
execute0_lowered:
.L_overlay_start_1:
0x0: {  	(tag) =	ssettag $0x1  }
0x1: {  	s0 =	rddreg [dreg:$0x0];
	s2 =	simm.s32 $0x0;
	s1 =	srdreg.scid  }
0x2: {  	s15 =	stileid.u32;
	s31 =	simm.s32 $0x2;
	s28 =	simm.s32 $0x8  }
0x3: {  	s29 =	simm.s32 $0xB;
	s30 =	simm.s32 $0x9;
	[smem:$0x7FF] =	sst s2  }
0x4: {  	s1 =	sand.u32 $0x1, s1;
	s3 =	sadd.s32 $0xA63400, s0;
	s13 =	smul.u32 $0x11940, s15  }
0x5: {  	s4 =	sshll.u32 s15, $0x1;
	s5 =	sadd.s32 $0xA3C200, s0;
	s19 =	smul.u32 $0x38400, s15  }
0x6: {  	s6 =	sadd.s32 $0x51000, s0;
	s7 =	sadd.s32 $0x533000, s0;
	s22 =	smul.u32 $0x8CA0, s1  }
0x7: {  	s8 =	sor.u32 s1, s4;
	s12 =	ssub.s32 $0x2, s1;
	s1 =	smul.u32 $0x1C200, s1  }
0x8: {  	s11 =	sadd.s32 $0x20200, s0;
	s15 =	simm.s32 $0x5600;
	s9 =	smul.u32 $0x8CA0, s8  }
0x9: {  	_ =	strace $0x8000004A;
	s4 =	sadd.s32 $0xA15000, s0;
	s10 =	smul.u32 $0x1C200, s8  }
0xa: {  	s0 =	sadd.s32 $0xA8A600, s0;
	s8 =	smul.u32 $0xE1000, s8;
	s14 =	sshrl.u32 s12, $0x1  }
0xb: {  	s12 =	ssub.s32 s12, s14;
	s9 =	sshrl.u32 s9, $0x3;
	s10 =	sadd.s32 s0, s10  }
0xc: {  	s8 =	sshrl.u32 s8, $0x3;
	s16 =	sadd.s32 s11, s9;
	[dreg:$0x8] =	wrdreg s10  }
0xd: {  	s9 =	sadd.s32 s22, s13;
	s23 =	sadd.s32 $0x32, s16;
	[dreg:$0x5] =	wrdreg s16  }
0xe: {  	s8 =	sadd.s32 s0, s8;
	s24 =	sadd.s32 $0x64, s16;
	[dreg:$0x6] =	wrdreg s23  }
0xf: {  	s0 =	sadd.s32 s19, s0;
	s25 =	sadd.s32 $0x96, s16;
	[dreg:$0x7] =	wrdreg s24  }
0x10: {  	s26 =	sadd.s32 $0x960, s9;
	s14 =	sadd.s32 $0x1A900, s8;
	[dreg:$0x9] =	wrdreg s25  }
0x11: {  	s17 =	sadd.s32 $0x1130, s16;
	s18 =	sadd.s32 $0x1AE00, s8;
	[dreg:$0xa] =	wrdreg s14  }
0x12: {  	s20 =	sadd.s32 $0x1162, s16;
	s21 =	sadd.s32 $0x1B300, s8;
	[dreg:$0xb] =	wrdreg s17  }
0x13: {  	s22 =	sadd.s32 $0x1B800, s8;
	s8 =	sadd.s32 $0x1BD00, s8;
	[dreg:$0xc] =	wrdreg s18  }
0x14: {  	s0 =	sadd.s32 s1, s0;
	s16 =	simm.s32 $0x7;
	[dreg:$0xd] =	wrdreg s20  }
0x15: {  	s1 =	simm.s32 $0x540;
	s10 =	sshrl.u32 s26, $0x3;
	[dreg:$0xe] =	wrdreg s21  }
0x16: {  	[dreg:$0xf] =	wrdreg s22;
	s23 =	sadd.s32 $0x7D0, s9;
	s9 =	sadd.s32 $0x640, s9  }
0x17: {  	[dreg:$0x10] =	wrdreg s8;
	s26 =	smax.u32 s12, $0x1;
	s0 =	sadd.s32 $0xF00, s0  }
0x18: {  	s14 =	simm.s32 $0x3;
	s17 =	simm.s32 $0x6;
	s8 =	simm.s32 $0x450  }
0x19: {  	s20 =	simm.s32 $0x4A0;
	s22 =	simm.s32 $0x4F0;
	s21 =	simm.s32 $0xA  }
0x1a: {  	s12 =	simm.s32 $0x0;
	s10 =	sadd.s32 s10, s11;
	[dreg:$0x11] =	wrdreg s26  }
0x1b: {  	s9 =	sshrl.u32 s9, $0x3;
	[dreg:$0x12] =	wrdreg s0;
	s26 =	simm.s32 $0x4  }
0x1c: {  	s0 =	simm.s32 $0x2E00;
	[dreg:$0x2] =	wrdreg s10;
	s10 =	sshrl.u32 s23, $0x3  }
0x1d: {  	s25 =	sadd.s32 s9, s11;
	s23 =	simm.s32 $0x1;
	s9 =	simm.s32 $0x5  }
0x1e: {  	s24 =	sadd.s32 s10, s11;
	[dreg:$0x4] =	wrdreg s25;
	s25 =	simm.s32 $0x600  }
0x1f: {  	s10 =	simm.s32 $0xC;
	[dreg:$0x3] =	wrdreg s24;
	s24 =	simm.s32 $0x50  }
.LBB2_1:
0x20: {  	[dreg:$0x13] =	wrdreg s12  }
0x21: {  	s11 =	rddreg [dreg:$0x5]  }
0x22: {  	[tilespmem:s2], [sflag:$0x1] =	stream.linear.gather [hbm4b:s11+s2], $0x190, $0x38;
	[tilespmem:$0x7E00] =	vst v63  }
0x23: {  	s12 =	rddreg [dreg:$0x6];
	s13 =	simm.s32 $0x200  }
0x24: {  	[tilespmem:s13], [sflag:$0x2] =	stream.linear.gather [hbm4b:s12+s2], $0x190, $0x38;
	[tilespmem:$0x7E00] =	vst v63  }
0x25: {  	_ =	swait.ge [sflag:s23], $0x190  }
0x26: {  	[sflag:s23] =	ssyncset.done $0x0  }
0x27: {  	[sflag:s23] =	ssyncadd.s32 $0xFFFFFE70  }
0x28: {  	[tilespmem:s25], [sflag:$0x4] =	stream.indirect.gather [hbm4b:s3+s24], $0x80, s2, s24, $0xb8;
	[tilespmem:$0x7E00] =	vst v63  }
0x29: {  	_ =	swait.ge [sflag:s26], $0x2800  }
0x2a: {  	[sflag:s26] =	ssyncset.done $0x0  }
0x2b: {  	[sflag:s26] =	ssyncadd.s32 $0xFFFFD800  }
0x2c: {  	[tilespmem:s25], [sflag:$0x7] =	stream.indirect.gather.add.f32 [hbm:s4], $0x80, s24, s24, $0xb8;
	[tilespmem:$0x7E00] =	vst v63  }
0x2d: {  	s18 =	simm.s32 $0xA0  }
0x2e: {  	[tilespmem:s25], [sflag:$0x7] =	stream.indirect.gather.add.f32 [hbm:s5], $0x80, s18, s24, $0xb8;
	[tilespmem:$0x7E00] =	vst v63  }
0x2f: {  	s19 =	simm.s32 $0xF0  }
0x30: {  	[tilespmem:s25], [sflag:$0x7] =	stream.indirect.gather.add.f32 [hbm:s6], $0x80, s19, s24, $0xb8;
	[tilespmem:$0x7E00] =	vst v63  }
0x31: {  	s12 =	simm.s32 $0x140  }
0x32: {  	[tilespmem:s25], [sflag:$0x7] =	stream.indirect.gather.add.f32 [hbm:s7], $0x80, s12, s24, $0xb8;
	[tilespmem:$0x7E00] =	vst v63  }
0x33: {  	_ =	swait.ge [sflag:s31], $0x190  }
0x34: {  	[sflag:s31] =	ssyncset.done $0x0  }
0x35: {  	[sflag:s31] =	ssyncadd.s32 $0xFFFFFE70  }
0x36: {  	[tilespmem:s0], [sflag:$0x5] =	stream.indirect.gather [hbm4b:s3+s24], $0x80, s13, s24, $0xb8;
	[tilespmem:$0x7E00] =	vst v63  }
0x37: {  	s19 =	simm.s32 $0x400;
	s18 =	rddreg [dreg:$0x7]  }
0x38: {  	[tilespmem:s19], [sflag:$0x3] =	stream.linear.gather [hbm4b:s18+s2], $0x190, $0x38;
	[tilespmem:$0x7E00] =	vst v63  }
0x39: {  	_ =	swait.ge [sflag:s9], $0x2800  }
0x3a: {  	[sflag:s9] =	ssyncset.done $0x0  }
0x3b: {  	s12 =	simm.s32 $0x250;
	[sflag:s9] =	ssyncadd.s32 $0xFFFFD800  }
0x3c: {  	[tilespmem:s0], [sflag:$0x8] =	stream.indirect.gather.add.f32 [hbm:s4], $0x80, s12, s24, $0xb8;
	[tilespmem:$0x7E00] =	vst v63  }
0x3d: {  	s18 =	simm.s32 $0x2A0  }
0x3e: {  	[tilespmem:s0], [sflag:$0x8] =	stream.indirect.gather.add.f32 [hbm:s5], $0x80, s18, s24, $0xb8;
	[tilespmem:$0x7E00] =	vst v63  }
0x3f: {  	s12 =	simm.s32 $0x2F0  }
0x40: {  	[tilespmem:s0], [sflag:$0x8] =	stream.indirect.gather.add.f32 [hbm:s6], $0x80, s12, s24, $0xb8;
	[tilespmem:$0x7E00] =	vst v63  }
0x41: {  	s18 =	simm.s32 $0x340  }
0x42: {  	[tilespmem:s0], [sflag:$0x8] =	stream.indirect.gather.add.f32 [hbm:s7], $0x80, s18, s24, $0xb8;
	[tilespmem:$0x7E00] =	vst v63  }
0x43: {  	_ =	swait.ge [sflag:s14], $0x190  }
0x44: {  	[sflag:s14] =	ssyncset.done $0x0  }
0x45: {  	[sflag:s14] =	ssyncadd.s32 $0xFFFFFE70  }
0x46: {  	[tilespmem:s15], [sflag:$0x6] =	stream.indirect.gather [hbm4b:s3+s24], $0x80, s19, s24, $0xb8;
	[tilespmem:$0x7E00] =	vst v63  }
0x47: {  	_ =	swait.ge [sflag:s16], $0x2800  }
0x48: {  	[sflag:s16] =	ssyncset.done $0x0  }
0x49: {  	[sflag:s16] =	ssyncadd.s32 $0xFFFFD800  }
0x4a: {  	_ =	swait.ge [sflag:s16], $0x2800  }
0x4b: {  	[sflag:s16] =	ssyncset.done $0x0  }
0x4c: {  	[sflag:s16] =	ssyncadd.s32 $0xFFFFD800  }
0x4d: {  	_ =	swait.ge [sflag:s16], $0x2800  }
0x4e: {  	[sflag:s16] =	ssyncset.done $0x0  }
0x4f: {  	[sflag:s16] =	ssyncadd.s32 $0xFFFFD800  }
0x50: {  	_ =	swait.ge [sflag:s16], $0x2800  }
0x51: {  	[sflag:s16] =	ssyncset.done $0x0  }
0x52: {  	s12 =	rddreg [dreg:$0x8];
	[sflag:s16] =	ssyncadd.s32 $0xFFFFD800  }
0x53: {  	[hbm4b:s12+s2] =	stream.linear.scatter [tilespmem:s25], [sflag:$0xA], $0x2800, $0x38;
	[tilespmem:$0x7E00] =	vst v63  }
0x54: {  	s18 =	rddreg [dreg:$0x9]  }
0x55: {  	[tilespmem:s2], [sflag:$0x1] =	stream.linear.gather [hbm4b:s18+s2], $0x190, $0x38;
	[tilespmem:$0x7E00] =	vst v63  }
0x56: {  	_ =	swait.ge [sflag:s17], $0x2800  }
0x57: {  	[sflag:s17] =	ssyncset.done $0x0  }
0x58: {  	[sflag:s17] =	ssyncadd.s32 $0xFFFFD800  }
0x59: {  	[tilespmem:s15], [sflag:$0x9] =	stream.indirect.gather.add.f32 [hbm:s4], $0x80, s8, s24, $0xb8;
	[tilespmem:$0x7E00] =	vst v63  }
0x5a: {  	_ = 	snop  }
0x5b: {  	[tilespmem:s15], [sflag:$0x9] =	stream.indirect.gather.add.f32 [hbm:s5], $0x80, s20, s24, $0xb8;
	[tilespmem:$0x7E00] =	vst v63  }
0x5c: {  	_ = 	snop  }
0x5d: {  	[tilespmem:s15], [sflag:$0x9] =	stream.indirect.gather.add.f32 [hbm:s6], $0x80, s22, s24, $0xb8;
	[tilespmem:$0x7E00] =	vst v63  }
0x5e: {  	_ = 	snop  }
0x5f: {  	[tilespmem:s15], [sflag:$0x9] =	stream.indirect.gather.add.f32 [hbm:s7], $0x80, s1, s24, $0xb8;
	[tilespmem:$0x7E00] =	vst v63  }
0x60: {  	_ =	swait.ge [sflag:s23], $0x190  }
0x61: {  	[sflag:s23] =	ssyncset.done $0x0  }
0x62: {  	[sflag:s23] =	ssyncadd.s32 $0xFFFFFE70  }
0x63: {  	_ =	swait.ge [sflag:s21], $0x2800  }
0x64: {  	[sflag:s21] =	ssyncset.done $0x0  }
0x65: {  	[sflag:s21] =	ssyncadd.s32 $0xFFFFD800  }
0x66: {  	[tilespmem:s25], [sflag:$0x4] =	stream.indirect.gather [hbm4b:s3+s24], $0x80, s2, s24, $0xb8;
	[tilespmem:$0x7E00] =	vst v63  }
0x67: {  	_ =	swait.ge [sflag:s28], $0x2800  }
0x68: {  	[sflag:s28] =	ssyncset.done $0x0  }
0x69: {  	[sflag:s28] =	ssyncadd.s32 $0xFFFFD800  }
0x6a: {  	_ =	swait.ge [sflag:s28], $0x2800  }
0x6b: {  	[sflag:s28] =	ssyncset.done $0x0  }
0x6c: {  	[sflag:s28] =	ssyncadd.s32 $0xFFFFD800  }
0x6d: {  	_ =	swait.ge [sflag:s28], $0x2800  }
0x6e: {  	[sflag:s28] =	ssyncset.done $0x0  }
0x6f: {  	[sflag:s28] =	ssyncadd.s32 $0xFFFFD800  }
0x70: {  	_ =	swait.ge [sflag:s28], $0x2800  }
0x71: {  	[sflag:s28] =	ssyncset.done $0x0;
	s18 =	rddreg [dreg:$0x12]  }
0x72: {  	s11 =	rddreg [dreg:$0x4];
	[sflag:s28] =	ssyncadd.s32 $0xFFFFD800;
	s12 =	sadd.s32 $0xFFFFF600, s18  }
0x73: {  	[hbm4b:s12+s2] =	stream.linear.scatter [tilespmem:s0], [sflag:$0xB], $0x2800, $0x38;
	[tilespmem:$0x7E00] =	vst v63  }
0x74: {  	s11 =	sadd.s32 $0x0, s11  }
0x75: {  	[tilespmem:s13], [sflag:$0x2] =	stream.linear.gather [hbm4b:s11+s2], $0x190, $0x38;
	[tilespmem:$0x7E00] =	vst v63  }
0x76: {  	_ =	swait.ge [sflag:s26], $0x2800  }
0x77: {  	[sflag:s26] =	ssyncset.done $0x0  }
0x78: {  	[sflag:s26] =	ssyncadd.s32 $0xFFFFD800  }
0x79: {  	[tilespmem:s25], [sflag:$0x7] =	stream.indirect.gather.add.f32 [hbm:s4], $0x80, s24, s24, $0xb8;
	[tilespmem:$0x7E00] =	vst v63  }
0x7a: {  	s12 =	simm.s32 $0xA0  }
0x7b: {  	[tilespmem:s25], [sflag:$0x7] =	stream.indirect.gather.add.f32 [hbm:s5], $0x80, s12, s24, $0xb8;
	[tilespmem:$0x7E00] =	vst v63  }
0x7c: {  	s12 =	simm.s32 $0xF0  }
0x7d: {  	[tilespmem:s25], [sflag:$0x7] =	stream.indirect.gather.add.f32 [hbm:s6], $0x80, s12, s24, $0xb8;
	[tilespmem:$0x7E00] =	vst v63  }
0x7e: {  	s12 =	simm.s32 $0x140  }
0x7f: {  	[tilespmem:s25], [sflag:$0x7] =	stream.indirect.gather.add.f32 [hbm:s7], $0x80, s12, s24, $0xb8;
	[tilespmem:$0x7E00] =	vst v63  }
0x80: {  	_ =	swait.ge [sflag:s31], $0x190  }
0x81: {  	[sflag:s31] =	ssyncset.done $0x0  }
0x82: {  	[sflag:s31] =	ssyncadd.s32 $0xFFFFFE70  }
0x83: {  	_ =	swait.ge [sflag:s29], $0x2800  }
0x84: {  	[sflag:s29] =	ssyncset.done $0x0  }
0x85: {  	[sflag:s29] =	ssyncadd.s32 $0xFFFFD800  }
0x86: {  	[tilespmem:s0], [sflag:$0x5] =	stream.indirect.gather [hbm4b:s3+s24], $0x80, s13, s24, $0xb8;
	[tilespmem:$0x7E00] =	vst v63  }
0x87: {  	_ =	swait.ge [sflag:s30], $0x2800  }
0x88: {  	[sflag:s30] =	ssyncset.done $0x0  }
0x89: {  	[sflag:s30] =	ssyncadd.s32 $0xFFFFD800  }
0x8a: {  	_ =	swait.ge [sflag:s30], $0x2800  }
0x8b: {  	[sflag:s30] =	ssyncset.done $0x0  }
0x8c: {  	[sflag:s30] =	ssyncadd.s32 $0xFFFFD800  }
0x8d: {  	_ =	swait.ge [sflag:s30], $0x2800  }
0x8e: {  	[sflag:s30] =	ssyncset.done $0x0  }
0x8f: {  	[sflag:s30] =	ssyncadd.s32 $0xFFFFD800  }
0x90: {  	_ =	swait.ge [sflag:s30], $0x2800  }
0x91: {  	[sflag:s30] =	ssyncset.done $0x0  }
0x92: {  	s13 =	sadd.s32 $0xFFFFFB00, s18;
	s11 =	rddreg [dreg:$0x3];
	[sflag:s30] =	ssyncadd.s32 $0xFFFFD800  }
0x93: {  	[hbm4b:s13+s2] =	stream.linear.scatter [tilespmem:s15], [sflag:$0xC], $0x2800, $0x38;
	[tilespmem:$0x7E00] =	vst v63  }
0x94: {  	s11 =	sadd.s32 $0x0, s11  }
0x95: {  	[tilespmem:s19], [sflag:$0x3] =	stream.linear.gather [hbm4b:s11+s2], $0x190, $0x38;
	[tilespmem:$0x7E00] =	vst v63  }
0x96: {  	_ =	swait.ge [sflag:s9], $0x2800  }
0x97: {  	[sflag:s9] =	ssyncset.done $0x0  }
0x98: {  	s12 =	simm.s32 $0x250;
	[sflag:s9] =	ssyncadd.s32 $0xFFFFD800  }
0x99: {  	[tilespmem:s0], [sflag:$0x8] =	stream.indirect.gather.add.f32 [hbm:s4], $0x80, s12, s24, $0xb8;
	[tilespmem:$0x7E00] =	vst v63  }
0x9a: {  	s13 =	simm.s32 $0x2A0  }
0x9b: {  	[tilespmem:s0], [sflag:$0x8] =	stream.indirect.gather.add.f32 [hbm:s5], $0x80, s13, s24, $0xb8;
	[tilespmem:$0x7E00] =	vst v63  }
0x9c: {  	s12 =	simm.s32 $0x2F0  }
0x9d: {  	[tilespmem:s0], [sflag:$0x8] =	stream.indirect.gather.add.f32 [hbm:s6], $0x80, s12, s24, $0xb8;
	[tilespmem:$0x7E00] =	vst v63  }
0x9e: {  	s13 =	simm.s32 $0x340  }
0x9f: {  	[tilespmem:s0], [sflag:$0x8] =	stream.indirect.gather.add.f32 [hbm:s7], $0x80, s13, s24, $0xb8;
	[tilespmem:$0x7E00] =	vst v63  }
0xa0: {  	_ =	swait.ge [sflag:s14], $0x190  }
0xa1: {  	[sflag:s14] =	ssyncset.done $0x0  }
0xa2: {  	[sflag:s14] =	ssyncadd.s32 $0xFFFFFE70  }
0xa3: {  	_ =	swait.ge [sflag:s10], $0x2800  }
0xa4: {  	[sflag:s10] =	ssyncset.done $0x0  }
0xa5: {  	[sflag:s10] =	ssyncadd.s32 $0xFFFFD800  }
0xa6: {  	[tilespmem:s15], [sflag:$0x6] =	stream.indirect.gather [hbm4b:s3+s24], $0x80, s19, s24, $0xb8;
	[tilespmem:$0x7E00] =	vst v63  }
0xa7: {  	_ =	swait.ge [sflag:s16], $0x2800  }
0xa8: {  	[sflag:s16] =	ssyncset.done $0x0  }
0xa9: {  	[sflag:s16] =	ssyncadd.s32 $0xFFFFD800  }
0xaa: {  	_ =	swait.ge [sflag:s16], $0x2800  }
0xab: {  	[sflag:s16] =	ssyncset.done $0x0  }
0xac: {  	[sflag:s16] =	ssyncadd.s32 $0xFFFFD800  }
0xad: {  	_ =	swait.ge [sflag:s16], $0x2800  }
0xae: {  	[sflag:s16] =	ssyncset.done $0x0  }
0xaf: {  	[sflag:s16] =	ssyncadd.s32 $0xFFFFD800  }
0xb0: {  	_ =	swait.ge [sflag:s16], $0x2800  }
0xb1: {  	s11 =	simm.s32 $0x96;
	[sflag:s16] =	ssyncset.done $0x0;
	s19 =	rddreg [dreg:$0x2]  }
0xb2: {  	s12 =	sadd.s32 $0xF00, s18;
	[sflag:s16] =	ssyncadd.s32 $0xFFFFD800;
	s13 =	sadd.s32 $0x0, s19  }
0xb3: {  	[hbm4b:s18+s2] =	stream.linear.scatter [tilespmem:s25], [sflag:$0xA], $0x2800, $0x38;
	[tilespmem:$0x7E00] =	vst v63  }
.LBB2_2:
0xb4: {  	[tilespmem:s2], [sflag:$0x1] =	stream.linear.gather [hbm4b:s13+s2], $0x190, $0x38;
	[tilespmem:$0x7E00] =	vst v63  }
0xb5: {  	_ =	swait.ge [sflag:s17], $0x2800  }
0xb6: {  	[sflag:s17] =	ssyncset.done $0x0  }
0xb7: {  	[sflag:s17] =	ssyncadd.s32 $0xFFFFD800  }
0xb8: {  	[tilespmem:s15], [sflag:$0x9] =	stream.indirect.gather.add.f32 [hbm:s4], $0x80, s8, s24, $0xb8;
	[tilespmem:$0x7E00] =	vst v63  }
0xb9: {  	_ = 	snop  }
0xba: {  	[tilespmem:s15], [sflag:$0x9] =	stream.indirect.gather.add.f32 [hbm:s5], $0x80, s20, s24, $0xb8;
	[tilespmem:$0x7E00] =	vst v63  }
0xbb: {  	_ = 	snop  }
0xbc: {  	[tilespmem:s15], [sflag:$0x9] =	stream.indirect.gather.add.f32 [hbm:s6], $0x80, s22, s24, $0xb8;
	[tilespmem:$0x7E00] =	vst v63  }
0xbd: {  	_ = 	snop  }
0xbe: {  	[tilespmem:s15], [sflag:$0x9] =	stream.indirect.gather.add.f32 [hbm:s7], $0x80, s1, s24, $0xb8;
	[tilespmem:$0x7E00] =	vst v63  }
0xbf: {  	_ =	swait.ge [sflag:s23], $0x190  }
0xc0: {  	[sflag:s23] =	ssyncset.done $0x0  }
0xc1: {  	[sflag:s23] =	ssyncadd.s32 $0xFFFFFE70  }
0xc2: {  	_ =	swait.ge [sflag:s21], $0x2800  }
0xc3: {  	[sflag:s21] =	ssyncset.done $0x0  }
0xc4: {  	[sflag:s21] =	ssyncadd.s32 $0xFFFFD800  }
0xc5: {  	[tilespmem:s25], [sflag:$0x4] =	stream.indirect.gather [hbm4b:s3+s24], $0x80, s2, s24, $0xb8;
	[tilespmem:$0x7E00] =	vst v63  }
0xc6: {  	_ =	swait.ge [sflag:s28], $0x2800  }
0xc7: {  	[sflag:s28] =	ssyncset.done $0x0  }
0xc8: {  	[sflag:s28] =	ssyncadd.s32 $0xFFFFD800  }
0xc9: {  	_ =	swait.ge [sflag:s28], $0x2800  }
0xca: {  	[sflag:s28] =	ssyncset.done $0x0  }
0xcb: {  	[sflag:s28] =	ssyncadd.s32 $0xFFFFD800  }
0xcc: {  	_ =	swait.ge [sflag:s28], $0x2800  }
0xcd: {  	[sflag:s28] =	ssyncset.done $0x0  }
0xce: {  	[sflag:s28] =	ssyncadd.s32 $0xFFFFD800  }
0xcf: {  	_ =	swait.ge [sflag:s28], $0x2800  }
0xd0: {  	s13 =	smov.u32 s11;
	[sflag:s28] =	ssyncset.done $0x0  }
0xd1: {  	s19 =	sadd.s32 $0xFFFFF600, s12;
	s18 =	rddreg [dreg:$0x4];
	[sflag:s28] =	ssyncadd.s32 $0xFFFFD800  }
0xd2: {  	[hbm4b:s19+s2] =	stream.linear.scatter [tilespmem:s0], [sflag:$0xB], $0x2800, $0x38;
	[tilespmem:$0x7E00] =	vst v63  }
0xd3: {  	s18 =	sadd.s32 s13, s18;
	s19 =	simm.s32 $0x200  }
0xd4: {  	[tilespmem:s19], [sflag:$0x2] =	stream.linear.gather [hbm4b:s18+s2], $0x190, $0x38;
	[tilespmem:$0x7E00] =	vst v63  }
0xd5: {  	_ =	swait.ge [sflag:s26], $0x2800  }
0xd6: {  	[sflag:s26] =	ssyncset.done $0x0  }
0xd7: {  	[sflag:s26] =	ssyncadd.s32 $0xFFFFD800  }
0xd8: {  	[tilespmem:s25], [sflag:$0x7] =	stream.indirect.gather.add.f32 [hbm:s4], $0x80, s24, s24, $0xb8;
	[tilespmem:$0x7E00] =	vst v63  }
0xd9: {  	s18 =	simm.s32 $0xA0  }
0xda: {  	[tilespmem:s25], [sflag:$0x7] =	stream.indirect.gather.add.f32 [hbm:s5], $0x80, s18, s24, $0xb8;
	[tilespmem:$0x7E00] =	vst v63  }
0xdb: {  	s18 =	simm.s32 $0xF0  }
0xdc: {  	[tilespmem:s25], [sflag:$0x7] =	stream.indirect.gather.add.f32 [hbm:s6], $0x80, s18, s24, $0xb8;
	[tilespmem:$0x7E00] =	vst v63  }
0xdd: {  	s18 =	simm.s32 $0x140  }
0xde: {  	[tilespmem:s25], [sflag:$0x7] =	stream.indirect.gather.add.f32 [hbm:s7], $0x80, s18, s24, $0xb8;
	[tilespmem:$0x7E00] =	vst v63  }
0xdf: {  	_ =	swait.ge [sflag:s31], $0x190  }
0xe0: {  	[sflag:s31] =	ssyncset.done $0x0  }
0xe1: {  	[sflag:s31] =	ssyncadd.s32 $0xFFFFFE70  }
0xe2: {  	_ =	swait.ge [sflag:s29], $0x2800  }
0xe3: {  	[sflag:s29] =	ssyncset.done $0x0  }
0xe4: {  	[sflag:s29] =	ssyncadd.s32 $0xFFFFD800  }
0xe5: {  	[tilespmem:s0], [sflag:$0x5] =	stream.indirect.gather [hbm4b:s3+s24], $0x80, s19, s24, $0xb8;
	[tilespmem:$0x7E00] =	vst v63  }
0xe6: {  	_ =	swait.ge [sflag:s30], $0x2800  }
0xe7: {  	[sflag:s30] =	ssyncset.done $0x0  }
0xe8: {  	[sflag:s30] =	ssyncadd.s32 $0xFFFFD800  }
0xe9: {  	_ =	swait.ge [sflag:s30], $0x2800  }
0xea: {  	[sflag:s30] =	ssyncset.done $0x0  }
0xeb: {  	[sflag:s30] =	ssyncadd.s32 $0xFFFFD800  }
0xec: {  	_ =	swait.ge [sflag:s30], $0x2800  }
0xed: {  	[sflag:s30] =	ssyncset.done $0x0  }
0xee: {  	[sflag:s30] =	ssyncadd.s32 $0xFFFFD800  }
0xef: {  	_ =	swait.ge [sflag:s30], $0x2800  }
0xf0: {  	[sflag:s30] =	ssyncset.done $0x0  }
0xf1: {  	s19 =	sadd.s32 $0xFFFFFB00, s12;
	s18 =	rddreg [dreg:$0x3];
	[sflag:s30] =	ssyncadd.s32 $0xFFFFD800  }
0xf2: {  	[hbm4b:s19+s2] =	stream.linear.scatter [tilespmem:s15], [sflag:$0xC], $0x2800, $0x38;
	[tilespmem:$0x7E00] =	vst v63  }
0xf3: {  	s18 =	sadd.s32 s13, s18;
	s19 =	simm.s32 $0x400  }
0xf4: {  	[tilespmem:s19], [sflag:$0x3] =	stream.linear.gather [hbm4b:s18+s2], $0x190, $0x38;
	[tilespmem:$0x7E00] =	vst v63  }
0xf5: {  	_ =	swait.ge [sflag:s9], $0x2800  }
0xf6: {  	[sflag:s9] =	ssyncset.done $0x0  }
0xf7: {  	s18 =	simm.s32 $0x250;
	[sflag:s9] =	ssyncadd.s32 $0xFFFFD800  }
0xf8: {  	[tilespmem:s0], [sflag:$0x8] =	stream.indirect.gather.add.f32 [hbm:s4], $0x80, s18, s24, $0xb8;
	[tilespmem:$0x7E00] =	vst v63  }
0xf9: {  	s18 =	simm.s32 $0x2A0  }
0xfa: {  	[tilespmem:s0], [sflag:$0x8] =	stream.indirect.gather.add.f32 [hbm:s5], $0x80, s18, s24, $0xb8;
	[tilespmem:$0x7E00] =	vst v63  }
0xfb: {  	s18 =	simm.s32 $0x2F0  }
0xfc: {  	[tilespmem:s0], [sflag:$0x8] =	stream.indirect.gather.add.f32 [hbm:s6], $0x80, s18, s24, $0xb8;
	[tilespmem:$0x7E00] =	vst v63  }
0xfd: {  	s18 =	simm.s32 $0x340  }
0xfe: {  	[tilespmem:s0], [sflag:$0x8] =	stream.indirect.gather.add.f32 [hbm:s7], $0x80, s18, s24, $0xb8;
	[tilespmem:$0x7E00] =	vst v63  }
0xff: {  	_ =	swait.ge [sflag:s14], $0x190  }
0x100: {  	[sflag:s14] =	ssyncset.done $0x0  }
0x101: {  	[sflag:s14] =	ssyncadd.s32 $0xFFFFFE70  }
0x102: {  	_ =	swait.ge [sflag:s10], $0x2800  }
0x103: {  	[sflag:s10] =	ssyncset.done $0x0  }
0x104: {  	[sflag:s10] =	ssyncadd.s32 $0xFFFFD800  }
0x105: {  	[tilespmem:s15], [sflag:$0x6] =	stream.indirect.gather [hbm4b:s3+s24], $0x80, s19, s24, $0xb8;
	[tilespmem:$0x7E00] =	vst v63  }
0x106: {  	_ =	swait.ge [sflag:s16], $0x2800  }
0x107: {  	[sflag:s16] =	ssyncset.done $0x0  }
0x108: {  	[sflag:s16] =	ssyncadd.s32 $0xFFFFD800  }
0x109: {  	_ =	swait.ge [sflag:s16], $0x2800  }
0x10a: {  	[sflag:s16] =	ssyncset.done $0x0  }
0x10b: {  	[sflag:s16] =	ssyncadd.s32 $0xFFFFD800  }
0x10c: {  	_ =	swait.ge [sflag:s16], $0x2800  }
0x10d: {  	[sflag:s16] =	ssyncset.done $0x0  }
0x10e: {  	p0 =	sne.s32 s11, $0xFD2;
	[sflag:s16] =	ssyncadd.s32 $0xFFFFD800  }
.Ltmp0:
0x10f: {  	_ =	swait.ge [sflag:s16], $0x2800;
	(pc) =	sbr.rel @p0 .LBB2_2-.Ltmp0, $4  }
0x110: {  	[sflag:s16] =	ssyncset.done $0x0  }
0x111: {  	s19 =	rddreg [dreg:$0x2];
	[sflag:s16] =	ssyncadd.s32 $0xFFFFD800  }
0x112: {  	[hbm4b:s12+s2] =	stream.linear.scatter [tilespmem:s25], [sflag:$0xA], $0x2800, $0x38;
	[tilespmem:$0x7E00] =	vst v63  }
0x113: {  	s11 =	sadd.s32 $0x96, s11;
	s13 =	sadd.s32 s13, s19;
	s12 =	sadd.s32 $0xF00, s12  }
0x114: {  	[tilespmem:s2], [sflag:$0x1] =	stream.linear.gather [hbm4b:s13+s2], $0x190, $0x38;
	[tilespmem:$0x7E00] =	vst v63  }
0x115: {  	_ =	swait.ge [sflag:s17], $0x2800  }
0x116: {  	[sflag:s17] =	ssyncset.done $0x0  }
0x117: {  	s12 =	simm.s32 $0x450;
	[sflag:s17] =	ssyncadd.s32 $0xFFFFD800  }
0x118: {  	[tilespmem:s15], [sflag:$0x9] =	stream.indirect.gather.add.f32 [hbm:s4], $0x80, s12, s24, $0xb8;
	[tilespmem:$0x7E00] =	vst v63  }
0x119: {  	s13 =	simm.s32 $0x4A0  }
0x11a: {  	[tilespmem:s15], [sflag:$0x9] =	stream.indirect.gather.add.f32 [hbm:s5], $0x80, s13, s24, $0xb8;
	[tilespmem:$0x7E00] =	vst v63  }
0x11b: {  	s18 =	simm.s32 $0x4F0  }
0x11c: {  	[tilespmem:s15], [sflag:$0x9] =	stream.indirect.gather.add.f32 [hbm:s6], $0x80, s18, s24, $0xb8;
	[tilespmem:$0x7E00] =	vst v63  }
0x11d: {  	s1 =	simm.s32 $0x540  }
0x11e: {  	[tilespmem:s15], [sflag:$0x9] =	stream.indirect.gather.add.f32 [hbm:s7], $0x80, s1, s24, $0xb8;
	[tilespmem:$0x7E00] =	vst v63  }
0x11f: {  	_ =	swait.ge [sflag:s23], $0x190  }
0x120: {  	[sflag:s23] =	ssyncset.done $0x0  }
0x121: {  	[sflag:s23] =	ssyncadd.s32 $0xFFFFFE70  }
0x122: {  	_ =	swait.ge [sflag:s21], $0x2800  }
0x123: {  	[sflag:s21] =	ssyncset.done $0x0  }
0x124: {  	[sflag:s21] =	ssyncadd.s32 $0xFFFFD800  }
0x125: {  	[tilespmem:s25], [sflag:$0x4] =	stream.indirect.gather [hbm4b:s3+s24], $0x80, s2, s24, $0xb8;
	[tilespmem:$0x7E00] =	vst v63  }
0x126: {  	_ =	swait.ge [sflag:s28], $0x2800  }
0x127: {  	[sflag:s28] =	ssyncset.done $0x0  }
0x128: {  	[sflag:s28] =	ssyncadd.s32 $0xFFFFD800  }
0x129: {  	_ =	swait.ge [sflag:s28], $0x2800  }
0x12a: {  	[sflag:s28] =	ssyncset.done $0x0  }
0x12b: {  	[sflag:s28] =	ssyncadd.s32 $0xFFFFD800  }
0x12c: {  	_ =	swait.ge [sflag:s28], $0x2800  }
0x12d: {  	[sflag:s28] =	ssyncset.done $0x0  }
0x12e: {  	[sflag:s28] =	ssyncadd.s32 $0xFFFFD800  }
0x12f: {  	_ =	swait.ge [sflag:s28], $0x2800  }
0x130: {  	[sflag:s28] =	ssyncset.done $0x0  }
0x131: {  	s11 =	rddreg [dreg:$0xa];
	[sflag:s28] =	ssyncadd.s32 $0xFFFFD800  }
0x132: {  	[hbm4b:s11+s2] =	stream.linear.scatter [tilespmem:s0], [sflag:$0xB], $0x2800, $0x38;
	[tilespmem:$0x7E00] =	vst v63  }
0x133: {  	s19 =	simm.s32 $0x200;
	s8 =	rddreg [dreg:$0xb]  }
0x134: {  	[tilespmem:s19], [sflag:$0x2] =	stream.linear.gather [hbm4b:s8+s2], $0x190, $0x38;
	[tilespmem:$0x7E00] =	vst v63  }
0x135: {  	_ =	swait.ge [sflag:s26], $0x2800  }
0x136: {  	[sflag:s26] =	ssyncset.done $0x0  }
0x137: {  	[sflag:s26] =	ssyncadd.s32 $0xFFFFD800  }
0x138: {  	[tilespmem:s25], [sflag:$0x7] =	stream.indirect.gather.add.f32 [hbm:s4], $0x80, s24, s24, $0xb8;
	[tilespmem:$0x7E00] =	vst v63  }
0x139: {  	s20 =	simm.s32 $0xA0  }
0x13a: {  	[tilespmem:s25], [sflag:$0x7] =	stream.indirect.gather.add.f32 [hbm:s5], $0x80, s20, s24, $0xb8;
	[tilespmem:$0x7E00] =	vst v63  }
0x13b: {  	s8 =	simm.s32 $0xF0  }
0x13c: {  	[tilespmem:s25], [sflag:$0x7] =	stream.indirect.gather.add.f32 [hbm:s6], $0x80, s8, s24, $0xb8;
	[tilespmem:$0x7E00] =	vst v63  }
0x13d: {  	s22 =	simm.s32 $0x140  }
0x13e: {  	[tilespmem:s25], [sflag:$0x7] =	stream.indirect.gather.add.f32 [hbm:s7], $0x80, s22, s24, $0xb8;
	[tilespmem:$0x7E00] =	vst v63  }
0x13f: {  	_ =	swait.ge [sflag:s31], $0x190  }
0x140: {  	[sflag:s31] =	ssyncset.done $0x0  }
0x141: {  	[sflag:s31] =	ssyncadd.s32 $0xFFFFFE70  }
0x142: {  	_ =	swait.ge [sflag:s29], $0x2800  }
0x143: {  	[sflag:s29] =	ssyncset.done $0x0  }
0x144: {  	[sflag:s29] =	ssyncadd.s32 $0xFFFFD800  }
0x145: {  	[tilespmem:s0], [sflag:$0x5] =	stream.indirect.gather [hbm4b:s3+s24], $0x80, s19, s24, $0xb8;
	[tilespmem:$0x7E00] =	vst v63  }
0x146: {  	_ =	swait.ge [sflag:s30], $0x2800  }
0x147: {  	[sflag:s30] =	ssyncset.done $0x0  }
0x148: {  	[sflag:s30] =	ssyncadd.s32 $0xFFFFD800  }
0x149: {  	_ =	swait.ge [sflag:s30], $0x2800  }
0x14a: {  	[sflag:s30] =	ssyncset.done $0x0  }
0x14b: {  	[sflag:s30] =	ssyncadd.s32 $0xFFFFD800  }
0x14c: {  	_ =	swait.ge [sflag:s30], $0x2800  }
0x14d: {  	[sflag:s30] =	ssyncset.done $0x0  }
0x14e: {  	[sflag:s30] =	ssyncadd.s32 $0xFFFFD800  }
0x14f: {  	_ =	swait.ge [sflag:s30], $0x2800  }
0x150: {  	[sflag:s30] =	ssyncset.done $0x0  }
0x151: {  	s1 =	rddreg [dreg:$0xc];
	[sflag:s30] =	ssyncadd.s32 $0xFFFFD800  }
0x152: {  	[hbm4b:s1+s2] =	stream.linear.scatter [tilespmem:s15], [sflag:$0xC], $0x2800, $0x38;
	[tilespmem:$0x7E00] =	vst v63  }
0x153: {  	s8 =	rddreg [dreg:$0xd];
	s1 =	simm.s32 $0x400  }
0x154: {  	[tilespmem:s1], [sflag:$0x3] =	stream.linear.gather [hbm4b:s8+s2], $0x190, $0x38;
	[tilespmem:$0x7E00] =	vst v63  }
0x155: {  	_ =	swait.ge [sflag:s9], $0x2800  }
0x156: {  	[sflag:s9] =	ssyncset.done $0x0  }
0x157: {  	s11 =	simm.s32 $0x250;
	[sflag:s9] =	ssyncadd.s32 $0xFFFFD800  }
0x158: {  	[tilespmem:s0], [sflag:$0x8] =	stream.indirect.gather.add.f32 [hbm:s4], $0x80, s11, s24, $0xb8;
	[tilespmem:$0x7E00] =	vst v63  }
0x159: {  	s19 =	simm.s32 $0x2A0  }
0x15a: {  	[tilespmem:s0], [sflag:$0x8] =	stream.indirect.gather.add.f32 [hbm:s5], $0x80, s19, s24, $0xb8;
	[tilespmem:$0x7E00] =	vst v63  }
0x15b: {  	s20 =	simm.s32 $0x2F0  }
0x15c: {  	[tilespmem:s0], [sflag:$0x8] =	stream.indirect.gather.add.f32 [hbm:s6], $0x80, s20, s24, $0xb8;
	[tilespmem:$0x7E00] =	vst v63  }
0x15d: {  	s22 =	simm.s32 $0x340  }
0x15e: {  	[tilespmem:s0], [sflag:$0x8] =	stream.indirect.gather.add.f32 [hbm:s7], $0x80, s22, s24, $0xb8;
	[tilespmem:$0x7E00] =	vst v63  }
0x15f: {  	_ =	swait.ge [sflag:s14], $0x190  }
0x160: {  	[sflag:s14] =	ssyncset.done $0x0  }
0x161: {  	[sflag:s14] =	ssyncadd.s32 $0xFFFFFE70  }
0x162: {  	_ =	swait.ge [sflag:s10], $0x2800  }
0x163: {  	[sflag:s10] =	ssyncset.done $0x0  }
0x164: {  	[sflag:s10] =	ssyncadd.s32 $0xFFFFD800  }
0x165: {  	[tilespmem:s15], [sflag:$0x6] =	stream.indirect.gather [hbm4b:s3+s24], $0x80, s1, s24, $0xb8;
	[tilespmem:$0x7E00] =	vst v63  }
0x166: {  	_ =	swait.ge [sflag:s16], $0x2800  }
0x167: {  	[sflag:s16] =	ssyncset.done $0x0  }
0x168: {  	[sflag:s16] =	ssyncadd.s32 $0xFFFFD800  }
0x169: {  	_ =	swait.ge [sflag:s16], $0x2800  }
0x16a: {  	[sflag:s16] =	ssyncset.done $0x0  }
0x16b: {  	[sflag:s16] =	ssyncadd.s32 $0xFFFFD800  }
0x16c: {  	_ =	swait.ge [sflag:s16], $0x2800  }
0x16d: {  	[sflag:s16] =	ssyncset.done $0x0  }
0x16e: {  	[sflag:s16] =	ssyncadd.s32 $0xFFFFD800  }
0x16f: {  	_ =	swait.ge [sflag:s16], $0x2800  }
0x170: {  	[sflag:s16] =	ssyncset.done $0x0  }
0x171: {  	s8 =	rddreg [dreg:$0xe];
	[sflag:s16] =	ssyncadd.s32 $0xFFFFD800  }
0x172: {  	[hbm4b:s8+s2] =	stream.linear.scatter [tilespmem:s25], [sflag:$0xA], $0x2800, $0x38;
	[tilespmem:$0x7E00] =	vst v63  }
0x173: {  	_ =	swait.ge [sflag:s17], $0x2800  }
0x174: {  	[sflag:s17] =	ssyncset.done $0x0  }
0x175: {  	[sflag:s17] =	ssyncadd.s32 $0xFFFFD800  }
0x176: {  	[tilespmem:s15], [sflag:$0x9] =	stream.indirect.gather.add.f32 [hbm:s4], $0x80, s12, s24, $0xb8;
	[tilespmem:$0x7E00] =	vst v63  }
0x177: {  	_ = 	snop  }
0x178: {  	[tilespmem:s15], [sflag:$0x9] =	stream.indirect.gather.add.f32 [hbm:s5], $0x80, s13, s24, $0xb8;
	[tilespmem:$0x7E00] =	vst v63  }
0x179: {  	_ = 	snop  }
0x17a: {  	[tilespmem:s15], [sflag:$0x9] =	stream.indirect.gather.add.f32 [hbm:s6], $0x80, s18, s24, $0xb8;
	[tilespmem:$0x7E00] =	vst v63  }
0x17b: {  	s19 =	simm.s32 $0x540  }
0x17c: {  	[tilespmem:s15], [sflag:$0x9] =	stream.indirect.gather.add.f32 [hbm:s7], $0x80, s19, s24, $0xb8;
	[tilespmem:$0x7E00] =	vst v63  }
0x17d: {  	_ =	swait.ge [sflag:s21], $0x2800  }
0x17e: {  	[sflag:s21] =	ssyncset.done $0x0  }
0x17f: {  	[sflag:s21] =	ssyncadd.s32 $0xFFFFD800  }
0x180: {  	_ =	swait.ge [sflag:s28], $0x2800  }
0x181: {  	[sflag:s28] =	ssyncset.done $0x0  }
0x182: {  	[sflag:s28] =	ssyncadd.s32 $0xFFFFD800  }
0x183: {  	_ =	swait.ge [sflag:s28], $0x2800  }
0x184: {  	[sflag:s28] =	ssyncset.done $0x0  }
0x185: {  	[sflag:s28] =	ssyncadd.s32 $0xFFFFD800  }
0x186: {  	_ =	swait.ge [sflag:s28], $0x2800  }
0x187: {  	[sflag:s28] =	ssyncset.done $0x0  }
0x188: {  	[sflag:s28] =	ssyncadd.s32 $0xFFFFD800  }
0x189: {  	_ =	swait.ge [sflag:s28], $0x2800  }
0x18a: {  	[sflag:s28] =	ssyncset.done $0x0  }
0x18b: {  	s12 =	rddreg [dreg:$0xf];
	[sflag:s28] =	ssyncadd.s32 $0xFFFFD800  }
0x18c: {  	[hbm4b:s12+s2] =	stream.linear.scatter [tilespmem:s0], [sflag:$0xB], $0x2800, $0x38;
	[tilespmem:$0x7E00] =	vst v63  }
0x18d: {  	_ =	swait.ge [sflag:s30], $0x2800  }
0x18e: {  	[sflag:s30] =	ssyncset.done $0x0  }
0x18f: {  	[sflag:s30] =	ssyncadd.s32 $0xFFFFD800  }
0x190: {  	_ =	swait.ge [sflag:s30], $0x2800  }
0x191: {  	[sflag:s30] =	ssyncset.done $0x0  }
0x192: {  	[sflag:s30] =	ssyncadd.s32 $0xFFFFD800  }
0x193: {  	_ =	swait.ge [sflag:s30], $0x2800  }
0x194: {  	[sflag:s30] =	ssyncset.done $0x0  }
0x195: {  	[sflag:s30] =	ssyncadd.s32 $0xFFFFD800  }
0x196: {  	_ =	swait.ge [sflag:s30], $0x2800  }
0x197: {  	[sflag:s30] =	ssyncset.done $0x0  }
0x198: {  	s13 =	rddreg [dreg:$0x10];
	[sflag:s30] =	ssyncadd.s32 $0xFFFFD800  }
0x199: {  	[hbm4b:s13+s2] =	stream.linear.scatter [tilespmem:s15], [sflag:$0xC], $0x2800, $0x38;
	[tilespmem:$0x7E00] =	vst v63  }
0x19a: {  	_ =	swait.ge [sflag:s29], $0x2800  }
0x19b: {  	[sflag:s29] =	ssyncset.done $0x0  }
0x19c: {  	[sflag:s29] =	ssyncadd.s32 $0xFFFFD800  }
0x19d: {  	_ =	swait.ge [sflag:s10], $0x2800  }
0x19e: {  	s18 =	rddreg [dreg:$0x13]  }
0x19f: {  	s19 =	rddreg [dreg:$0x11];
	s12 =	sadd.s32 $0x1, s18  }
0x1a0: {  	p0 =	sne.s32 s12, s19  }
.Ltmp1:
0x1a1: {  	_ = 	snop;
	(pc) =	sbr.rel @p0 .LBB2_1-.Ltmp1, $3  }
0x1a2: {  	_ =	sdelay $0x1  }
0x1a3: {  	s20 =	simm.s32 $0x4A0;
	s22 =	simm.s32 $0x4F0;
	[sflag:s10] =	ssyncset.done $0x0  }
0x1a4: {  	s1 =	simm.s32 $0x540;
	s8 =	simm.s32 $0x450;
	[sflag:s10] =	ssyncadd.s32 $0xFFFFD800  }
0x1a5: {  	_ =	sfence.sel $0x180000  }
0x1a6: {  	[bflag:$0x0] =	sbarrier.arrive $0xFFFF  }
0x1a7: {  	_ =	strace $0x9000004A  }
0x1a8: {  	s0 =	stileid.u32;
	[bflag:$0x2] =	sbarrier.arrive $0xFFFF  }
0x1a9: {  	p0 =	sne.s32 s0, $0x0;
	s0 =	rddreg [dreg:$0x1]  }
0x1aa: {  	s0 =	sadd.s32 @!p0 $0x100000, s0  }
0x1ab: {  	[sflag:s0] =	ssyncadd.tile.s32 @!p0 $0x1;
	_ =	shalt  }
.Lfunc_end2:
_tile_overlayer_lowered:
.L_overlay_start_2:
0x1ac: {  	(tag) =	ssettag $0x2  }
0x1ad: {  	s0 =	rddreg [dreg:$0x0];
	s2 =	stileid.u32  }
0x1ae: {  	s1 =	rddreg [dreg:$0x1];
	p0 =	sne.s32 s2, $0x0  }
0x1af: {  	s3 =	rddreg [dreg:$0x2];
	[bflag:$0x3] =	sbarrier.arrive $0xFFFF;
	s2 =	simm.s32 @!p0 $0x1C0D  }
0x1b0: {  	[timem:s3], [sflag:s2] =	dma.local @!p0 [hbm:s0], s1  }
0x1b1: {  	s0 =	simm.s32 @!p0 $0xD  }
0x1b2: {  	_ =	swait.ge @!p0 [sflag:s0], s1  }
0x1b3: {  	s1 =	ssub.s32 @!p0 $0x0, s1;
	[sflag:s0] =	ssyncset.done @!p0 $0x0  }
0x1b4: {  	[sflag:s0] =	ssyncadd.s32 @!p0 s1  }
0x1b5: {  	[bflag:$0x3] =	sbarrier.arrive $0xFFFF  }
0x1b6: {  	_ =	shalt  }

// kernel: kernel.15.cloned.1.call-start
scs
__scs_entry_jumppad:
0x0: {  	(pc) =	sbr.rel $0x88, $3  }
0x1: {  	(tag) =	ssettag $0x0;
	lr =	simm.s32 $0x1  }
0x2: {  	[smem:$0x3F8E] =	sst lr;
	_ =	strace $0xD0000000  }
0x3: {  	_ = 	snop  }
0x4: {  	_ = 	snop  }
0x5: {  	_ = 	snop  }
0x6: {  	_ = 	snop  }
0x7: {  	_ = 	snop  }
__scs_overlays_trampoline_lowered:
0x8: {  	[smem:$0x3F9D] =	sst s0  }
0x9: {  	[smem:$0x3F9E] =	sst s1  }
0xa: {  	[smem:$0x3F9F] =	sst s2  }
0xb: {  	[smem:$0x3FA0] =	sst s3  }
0xc: {  	[smem:$0x3FA1] =	sst s4  }
0xd: {  	[smem:$0x3FA2] =	sst s5  }
0xe: {  	[smem:$0x3FA3] =	sst s6  }
0xf: {  	[smem:$0x3FA4] =	sst s7  }
0x10: {  	[smem:$0x3FA5] =	sst s8  }
0x11: {  	[smem:$0x3FA6] =	sst s9;
	s0 =	simm.s32 @!p0 $0x0  }
0x12: {  	s1 =	sld [smem:$0x3F8C];
	s0 =	simm.s32 @p0 $0x1  }
0x13: {  	[smem:$0x3FA7] =	sst s0;
	s0 =	simm.s32 @!p1 $0x0  }
0x14: {  	s2 =	sld [smem:$0x3F8B];
	s0 =	simm.s32 @p1 $0x1  }
0x15: {  	[smem:$0x3FA8] =	sst s0;
	s0 =	simm.s32 @!p2 $0x0  }
0x16: {  	s3 =	sld [smem:$0x3FDB];
	s0 =	simm.s32 @p2 $0x1  }
0x17: {  	s4 =	simm.s32 $0x1BF5;
	[smem:$0x3FAA] =	sst s0  }
0x18: {  	s0 =	sld [smem:$0x3F8D];
	_ =	swait.ge [sflag:s4], $0x0  }
0x19: {  	s7 =	sld [smem:$0x3F8E]  }
0x1a: {  	s8 =	sadd.s32 $0xFFFFE003, lr  }
0x1b: {  	s9 =	sadd.s32 $0xFFFFFEF7, lr;
	s5 =	simm.s32 $0xFFFFFFFF;
	p2 =	slt.u32 s8, $0xFFFFF086  }
0x1c: {  	p1 =	slt.u32 s9, $0xF7A;
	s5 =	simm.s32 @!p2 $0x0  }
0x1d: {  	s5 =	simm.s32 @p1 $0x1;
	p0 =	seq.s32 s7, s2  }
0x1e: {  	s7 =	smul.u32 @!p0 $0xF7A, s2;
	p2 =	seq.s32 @!p0 s5, $0x0  }
0x1f: {  	s9 =	smul.u32 $0xF7A, s1;
	s8 =	simm.s32 @!p0 $0x1BF5;
	p2 =	por !p2, p0  }
0x20: {  	[sflag:s8] =	ssyncset.s32 @!p0 $0xFFFFF086;
	s6 =	sadd.s32 @!p0 s3, s7;
	s7 =	simm.s32 @!p0 $0x108  }
0x21: {  	s3 =	sadd.s32 s3, s9;
	s6 =	sadd.s32 @!p0 $0x88, s6;
	s7 =	simm.s32 @p2 $0x1082  }
0x22: {  	[simem:s7], [sflag:s8] =	dma.local @!p0 [hbm:s6], $0xF7A  }
0x23: {  	s9 =	sor.u32 $0xD0000000, s2;
	s6 =	simm.s32 $0x108;
	_ =	swait.ge @!p0 [sflag:s8], $0x0  }
0x24: {  	s3 =	sadd.s32 $0x88, s3;
	s6 =	simm.s32 @!p1 $0x1082;
	[sflag:s4] =	ssyncset.s32 $0xFFFFF086  }
0x25: {  	[simem:s6], [sflag:s4] =	dma.local [hbm:s3], $0xF7A  }
0x26: {  	[smem:$0x3F8E] =	sst s1;
	(tag) =	ssettag s2;
	_ =	strace s9  }
0x27: {  	s1 =	sld [smem:$0x3F9E]  }
0x28: {  	s2 =	sld [smem:$0x3F9F]  }
0x29: {  	s4 =	sld [smem:$0x3FA1]  }
0x2a: {  	p0 =	seq.s32 s5, $0x0;
	s5 =	sld [smem:$0x3FA2]  }
0x2b: {  	s6 =	sld [smem:$0x3FA3]  }
0x2c: {  	s7 =	sld [smem:$0x3FA4]  }
0x2d: {  	s3 =	simm.s32 $0x108;
	s8 =	sld [smem:$0x3FA5]  }
0x2e: {  	s3 =	simm.s32 @!p0 $0x1082;
	s9 =	sld [smem:$0x3FA6]  }
0x2f: {  	lr =	sadd.s32 s0, s3;
	s0 =	sld [smem:$0x3F9D]  }
0x30: {  	s3 =	sld [smem:$0x3FA0]  }
0x31: {  	[smem:$0x3FA9] =	sst s10  }
0x32: {  	s10 =	sld [smem:$0x3FA7];
	_ =	sdelay $0x3  }
0x33: {  	p0 =	seq.s32 s10, $0x1;
	s10 =	sld [smem:$0x3FA9];
	_ =	sdelay $0x3  }
0x34: {  	[smem:$0x3FA9] =	sst s10  }
0x35: {  	s10 =	sld [smem:$0x3FA8];
	_ =	sdelay $0x3  }
0x36: {  	p1 =	seq.s32 s10, $0x1;
	s10 =	sld [smem:$0x3FA9];
	_ =	sdelay $0x3  }
0x37: {  	[smem:$0x3FA9] =	sst s10  }
0x38: {  	s10 =	sld [smem:$0x3FAA]  }
0x39: {  	_ = 	snop;
	(pc) =	sbr.ind lr, $3  }
0x3a: {  	_ = 	snop  }
0x3b: {  	_ = 	snop  }
0x3c: {  	p2 =	seq.s32 s10, $0x1;
	s10 =	sld [smem:$0x3FA9]  }
0x3d: {  	_ =	shalt  }
0x3e: {  	_ =	shalt  }
0x3f: {  	_ =	shalt  }
0x40: {  	_ =	shalt  }
0x41: {  	_ =	shalt  }
0x42: {  	_ =	shalt  }
0x43: {  	_ =	shalt  }
0x44: {  	_ =	shalt  }
0x45: {  	_ =	shalt  }
0x46: {  	_ =	shalt  }
0x47: {  	_ =	shalt  }
0x48: {  	_ =	shalt  }
0x49: {  	_ =	shalt  }
0x4a: {  	_ =	shalt  }
0x4b: {  	_ =	shalt  }
0x4c: {  	_ =	shalt  }
0x4d: {  	_ =	shalt  }
0x4e: {  	_ =	shalt  }
0x4f: {  	_ =	shalt  }
0x50: {  	_ =	shalt  }
0x51: {  	_ =	shalt  }
0x52: {  	_ =	shalt  }
0x53: {  	_ =	shalt  }
0x54: {  	_ =	shalt  }
0x55: {  	_ =	shalt  }
0x56: {  	_ =	shalt  }
0x57: {  	_ =	shalt  }
0x58: {  	_ =	shalt  }
0x59: {  	_ =	shalt  }
0x5a: {  	_ =	shalt  }
0x5b: {  	_ =	shalt  }
0x5c: {  	_ =	shalt  }
0x5d: {  	_ =	shalt  }
0x5e: {  	_ =	shalt  }
0x5f: {  	_ =	shalt  }
0x60: {  	_ =	shalt  }
0x61: {  	_ =	shalt  }
0x62: {  	_ =	shalt  }
0x63: {  	_ =	shalt  }
0x64: {  	_ =	shalt  }
0x65: {  	_ =	shalt  }
0x66: {  	_ =	shalt  }
0x67: {  	_ =	shalt  }
0x68: {  	_ =	shalt  }
0x69: {  	_ =	shalt  }
0x6a: {  	_ =	shalt  }
0x6b: {  	_ =	shalt  }
0x6c: {  	_ =	shalt  }
0x6d: {  	_ =	shalt  }
0x6e: {  	_ =	shalt  }
0x6f: {  	_ =	shalt  }
0x70: {  	_ =	shalt  }
0x71: {  	_ =	shalt  }
0x72: {  	_ =	shalt  }
0x73: {  	_ =	shalt  }
0x74: {  	_ =	shalt  }
0x75: {  	_ =	shalt  }
0x76: {  	_ =	shalt  }
0x77: {  	_ =	shalt  }
0x78: {  	_ =	shalt  }
0x79: {  	_ =	shalt  }
0x7a: {  	_ =	shalt  }
0x7b: {  	_ =	shalt  }
0x7c: {  	_ =	shalt  }
0x7d: {  	_ =	shalt  }
0x7e: {  	_ =	shalt  }
0x7f: {  	_ =	shalt  }
0x80: {  	_ =	shalt  }
0x81: {  	_ =	shalt  }
0x82: {  	_ =	shalt  }
0x83: {  	_ =	shalt  }
0x84: {  	_ =	shalt  }
0x85: {  	_ =	shalt  }
0x86: {  	_ =	shalt  }
0x87: {  	_ =	shalt  }
.Lfunc_end0:
.L_simem_size_0:
called_computation.2_lowered:
.L_overlay_start_0:
0x88: {  	s2 =	sld [smem:$0x3FD9]  }
0x89: {  	s3 =	sld [smem:$0x3FFE];
	_ =	sdelay $0x1  }
0x8a: {  	s1 =	srdreg.scid  }
0x8b: {  	s0 =	sand.u32 $0x1, s1  }
0x8c: {  	s17 =	sshll.u32 s0, $0xA;
	s2 =	sadd.s32 s3, s2  }
0x8d: {  	s2 =	sadd.s32 s2, s17  }
0x8e: {  	[smem:$0x3FB5] =	sst s2  }
0x8f: {  	_ = 	snop  }
0x90: {  	(tm) =	ssettm $0x1  }
0x91: {  	s18 =	sld [smem:$0x3FFB];
	_ =	sdelay $0x3  }
0x92: {  	_ =	strace s18  }
0x93: {  	s2 =	sld [smem:$0x3FFC];
	_ =	sdelay $0x3  }
0x94: {  	_ =	strace s2  }
0x95: {  	s2 =	sld [smem:$0x3FFD];
	_ =	sdelay $0x3  }
0x96: {  	_ =	strace s2  }
0x97: {  	_ =	strace $0x8FFFFFFF  }
0x98: {  	s19 =	sld [smem:$0x3FDB];
	_ =	sdelay $0x1  }
0x99: {  	s20 =	simm.s32 $_scs_section_size  }
0x9a: {  	s4 =	simm.s32 $_size__tile_overlayer_lowered;
	s5 =	simm.s32 $_tile_overlayer_lowered  }
0x9b: {  	s6 =	simm.s32 $0x1BFF;
	s21 =	sshll.u32 s5, $0x1;
	s3 =	sadd.s32 s20, s19  }
0x9c: {  	s22 =	simm.s32 $0x0;
	s4 =	sshll.u32 s4, $0x1;
	s5 =	sadd.s32 s21, s3  }
0x9d: {  	[timem:s22], [sflag:s6] =	dma.local [hbm:s5], s4  }
0x9e: {  	_ =	swait.ge [sflag:s6], s4  }
0x9f: {  	s4 =	ssub.s32 $0x0, s4;
	[sflag:s6] =	ssyncset.done $0x0  }
0xa0: {  	[sflag:s6] =	ssyncadd.s32 s4;
	_ =	sdelay $0x1  }
0xa1: {  	s23 =	simm.s32 $0x1B8B  }
0xa2: {  	_ =	swait.ge [sflag:s23], $0x1  }
0xa3: {  	[sflag:s23] =	ssyncset.done $0x0  }
0xa4: {  	[sflag:s23] =	ssyncadd.s32 $0xFFFFFFFF  }
0xa5: {  	s4 =	sld [smem:$0x0]  }
0xa6: {  	s5 =	sand.u32 $0xFFFFFFFE, s1  }
0xa7: {  	p0 =	sne.s32 s1, s5  }
0xa8: {  	s5 =	sshll.u32 @p0 s5, $0xE  }
0xa9: {  	s5 =	sadd.s32 @p0 $0x11B8D, s5;
	s6 =	sshll.u32 @p0 s4, $0x11  }
0xaa: {  	s5 =	sor.u32 @p0 s6, s5  }
0xab: {  	[sflag:s5] =	ssyncadd.remote.s32 @p0 $0x1;
	_ =	sdelay $0x1  }
0xac: {  	s5 =	simm.s32 @p0 $0x1B8D  }
0xad: {  	_ =	swait.eq @p0 [sflag:s5], $0x1  }
0xae: {  	[sflag:s5] =	ssyncadd.s32 @p0 $0xFFFFFFFF  }
0xaf: {  	s6 =	sshll.u32 @!p0 s1, $0xE  }
0xb0: {  	s6 =	sor.u32 @!p0 $0x4000, s6;
	s5 =	simm.s32 @!p0 $0x1B8D  }
0xb1: {  	s4 =	sshll.u32 @!p0 s4, $0x11;
	s6 =	sadd.s32 @!p0 $0x11B8D, s6;
	_ =	swait.eq @!p0 [sflag:s5], $0x1  }
0xb2: {  	s4 =	sor.u32 @!p0 s4, s6;
	[sflag:s5] =	ssyncadd.s32 @!p0 $0xFFFFFFFF  }
0xb3: {  	s25 =	simm.s32 $0x1B8E;
	s24 =	sld [smem:$0x3FFE];
	[sflag:s4] =	ssyncadd.remote.s32 @!p0 $0x1  }
0xb4: {  	s26 =	simm.s32 $execute0_lowered;
	[smem:$0x3FD2] =	sst s25  }
0xb5: {  	s5 =	sshll.u32 s26, $0x1;
	_ =	strace $0x8000004C;
	[dreg:$0x1] =	wrdreg $0xFFFFFFFF  }
0xb6: {  	s28 =	simm.s32 $_size_execute0_lowered;
	s3 =	sadd.s32 s3, s5;
	[dreg:$0x0] =	wrdreg $0x0  }
0xb7: {  	s5 =	sshll.u32 s28, $0x1;
	[dreg:$0x2] =	wrdreg s3  }
0xb8: {  	[dreg:$0x3] =	wrdreg s5  }
0xb9: {  	[dreg:$0x4] =	wrdreg $0xC0  }
0xba: {  	_ =	task [dreg:s22], $0x5FFFF  }
0xbb: {  	[dreg:$0x1] =	wrdreg $0xFFFFFFFF  }
0xbc: {  	[dreg:$0x0] =	wrdreg $0x60  }
0xbd: {  	[dreg:$0x2] =	wrdreg s24  }
0xbe: {  	[dreg:$0x3] =	wrdreg $0xA  }
0xbf: {  	_ =	task.clear_ibuf [dreg:s22], $0x4FFFF;
	_ =	strace $0x9000004C  }
0xc0: {  	s29 =	simm.s32 $0xA;
	_ =	strace $0x8000004E  }
0xc1: {  	_ =	swait.ge [sflag:s29], $0x1  }
0xc2: {  	[sflag:s29] =	ssyncadd.s32 $0xFFFFFFFF  }
0xc3: {  	_ =	strace $0x9000004E  }
0xc4: {  	_ =	sfence  }
0xc5: {  	s30 =	sld [smem:$0x0];
	_ =	sdelay $0x2  }
0xc6: {  	s31 =	sshll.u32 s1, $0xD;
	s1 =	sshrl.u32 s1, $0x2  }
0xc7: {  	s4 =	sand.u32 $0x4000, s31;
	s1 =	sadd.s32 s1, s30  }
0xc8: {  	s0 =	sor.u32 s4, s0;
	s1 =	sshll.u32 s1, $0x11  }
0xc9: {  	s0 =	sor.u32 s1, s0  }
0xca: {  	s0 =	sadd.s32 $0x8F2B, s0  }
0xcb: {  	[sflag:s0] =	ssyncadd.remote.s32 $0x1  }
0xcc: {  	_ =	sfence.sel $0xFFFF  }
0xcd: {  	[dreg:$0x0] =	wrdreg $0xFFFFFFFF;
	(pc) =	sbr.abs _section_cstart, $3  }
0xce: {  	[dreg:$0x1] =	wrdreg $0xFFFFFFFF  }
0xcf: {  	_ =	task.clear_ibuf [dreg:s22], $0x2FFFF;
	_ =	strace $0x9FFFFFFF  }
0xd0: {  	(tm) =	ssettm $0x7FFFFFFF  }
0xd1: {  	_ =	shalt  }
tec
execute0_lowered:
.L_overlay_start_1:
0x0: {  	(tag) =	ssettag $0x1  }
0x1: {  	s0 =	srdreg.scid;
	s15 =	stileid.u32  }
0x2: {  	s8 =	rddreg [dreg:$0x0];
	s2 =	simm.s32 $0x0;
	s29 =	simm.s32 $0x2  }
0x3: {  	s30 =	simm.s32 $0x2E00;
	s31 =	simm.s32 $0x400;
	s28 =	simm.s32 $0x9  }
0x4: {  	s0 =	sand.u32 $0x1, s0;
	s1 =	sshll.u32 s15, $0x1;
	s10 =	smul.u32 $0x15E0, s15  }
0x5: {  	[smem:$0x7FF] =	sst s2;
	s5 =	sadd.s32 $0xA3C200, s8;
	s20 =	smul.u32 $0x15E00, s15  }
0x6: {  	s6 =	sadd.s32 $0x51000, s8;
	s7 =	sadd.s32 $0x533000, s8;
	s11 =	smul.u32 $0xAF0, s0  }
0x7: {  	s1 =	sor.u32 s0, s1;
	s13 =	ssub.s32 $0x2, s0;
	s0 =	smul.u32 $0xAF00, s0  }
0x8: {  	s12 =	sadd.s32 $0x20200, s8;
	s15 =	simm.s32 $0x6;
	s3 =	smul.u32 $0xAF0, s1  }
0x9: {  	_ =	strace $0x8000004D;
	s14 =	smul.u32 $0xAF00, s1;
	s24 =	sshrl.u32 s13, $0x1  }
0xa: {  	s1 =	smul.u32 $0x57800, s1;
	s10 =	sadd.s32 s11, s10;
	s26 =	ssub.s32 s13, s24  }
0xb: {  	s4 =	sadd.s32 $0x38400, s3;
	s3 =	sadd.s32 $0xA63400, s8;
	s10 =	sadd.s32 $0x38400, s10  }
0xc: {  	s1 =	sshrl.u32 s1, $0x3;
	s9 =	smulhi.u32 $0x3333334, s4;
	s4 =	sadd.s32 $0xA15000, s8  }
0xd: {  	s26 =	smax.u32 s26, $0x1;
	s8 =	sadd.s32 $0xE0E600, s8;
	s25 =	smulhi.u32 $0x3333334, s10  }
0xe: {  	[dreg:$0xd] =	wrdreg s26;
	s26 =	simm.s32 $0xB;
	s18 =	sadd.s32 s8, s14  }
0xf: {  	s1 =	sadd.s32 s8, s1;
	s8 =	sadd.s32 s20, s8;
	s20 =	simm.s32 $0x200  }
0x10: {  	s14 =	simm.s32 $0x7;
	[dreg:$0x6] =	wrdreg s18;
	s21 =	sadd.s32 $0x9B00, s1  }
0x11: {  	s9 =	smul.u32 $0x190, s9;
	s23 =	sadd.s32 $0xA000, s1;
	[dreg:$0x8] =	wrdreg s21  }
0x12: {  	s24 =	sadd.s32 $0xA500, s1;
	s1 =	sadd.s32 $0xAA00, s1;
	[dreg:$0xa] =	wrdreg s23  }
0x13: {  	s0 =	sadd.s32 s0, s8;
	s8 =	simm.s32 $0x0;
	[dreg:$0xb] =	wrdreg s24  }
0x14: {  	[dreg:$0xc] =	wrdreg s1;
	s0 =	sadd.s32 $0xF00, s0;
	s9 =	sshrl.u32 s9, $0x3  }
0x15: {  	s21 =	simm.s32 $0x1;
	[dreg:$0xe] =	wrdreg s0;
	s16 =	sadd.s32 s12, s9  }
0x16: {  	s23 =	simm.s32 $0x600;
	s13 =	sadd.s32 $0x32, s16;
	[dreg:$0x3] =	wrdreg s16  }
0x17: {  	s24 =	simm.s32 $0x4;
	s17 =	sadd.s32 $0x64, s16;
	[dreg:$0x4] =	wrdreg s13  }
0x18: {  	s9 =	smul.u32 $0x32, s25;
	s19 =	sadd.s32 $0x96, s16;
	[dreg:$0x5] =	wrdreg s17  }
0x19: {  	s1 =	simm.s32 $0x5;
	s22 =	sadd.s32 $0x6A4, s16;
	[dreg:$0x7] =	wrdreg s19  }
0x1a: {  	s0 =	simm.s32 $0xC;
	[dreg:$0x9] =	wrdreg s22;
	s25 =	sadd.s32 s9, s12  }
0x1b: {  	s22 =	simm.s32 $0x50;
	s12 =	simm.s32 $0x3;
	s13 =	simm.s32 $0x5600  }
0x1c: {  	s19 =	simm.s32 $0xA;
	[dreg:$0x2] =	wrdreg s25;
	s25 =	simm.s32 $0x8  }
.LBB2_1:
0x1d: {  	[dreg:$0xf] =	wrdreg s8  }
0x1e: {  	s9 =	rddreg [dreg:$0x3]  }
0x1f: {  	[tilespmem:s2], [sflag:$0x1] =	stream.linear.gather [hbm4b:s9+s2], $0x190, $0x38;
	[tilespmem:$0x7E00] =	vst v63  }
0x20: {  	s8 =	rddreg [dreg:$0x4]  }
0x21: {  	[tilespmem:s20], [sflag:$0x2] =	stream.linear.gather [hbm4b:s8+s2], $0x190, $0x38;
	[tilespmem:$0x7E00] =	vst v63  }
0x22: {  	_ =	swait.ge [sflag:s21], $0x190  }
0x23: {  	[sflag:s21] =	ssyncset.done $0x0  }
0x24: {  	[sflag:s21] =	ssyncadd.s32 $0xFFFFFE70  }
0x25: {  	[tilespmem:s23], [sflag:$0x4] =	stream.indirect.gather [hbm4b:s3+s22], $0x80, s2, s22, $0xb8;
	[tilespmem:$0x7E00] =	vst v63  }
0x26: {  	_ =	swait.ge [sflag:s24], $0x2800  }
0x27: {  	[sflag:s24] =	ssyncset.done $0x0  }
0x28: {  	[sflag:s24] =	ssyncadd.s32 $0xFFFFD800  }
0x29: {  	[tilespmem:s23], [sflag:$0x7] =	stream.indirect.gather.add.f32 [hbm:s4], $0x80, s22, s22, $0xb8;
	[tilespmem:$0x7E00] =	vst v63  }
0x2a: {  	s16 =	simm.s32 $0xA0  }
0x2b: {  	[tilespmem:s23], [sflag:$0x7] =	stream.indirect.gather.add.f32 [hbm:s5], $0x80, s16, s22, $0xb8;
	[tilespmem:$0x7E00] =	vst v63  }
0x2c: {  	s17 =	simm.s32 $0xF0  }
0x2d: {  	[tilespmem:s23], [sflag:$0x7] =	stream.indirect.gather.add.f32 [hbm:s6], $0x80, s17, s22, $0xb8;
	[tilespmem:$0x7E00] =	vst v63  }
0x2e: {  	s18 =	simm.s32 $0x140  }
0x2f: {  	[tilespmem:s23], [sflag:$0x7] =	stream.indirect.gather.add.f32 [hbm:s7], $0x80, s18, s22, $0xb8;
	[tilespmem:$0x7E00] =	vst v63  }
0x30: {  	_ =	swait.ge [sflag:s29], $0x190  }
0x31: {  	[sflag:s29] =	ssyncset.done $0x0  }
0x32: {  	[sflag:s29] =	ssyncadd.s32 $0xFFFFFE70  }
0x33: {  	[tilespmem:s30], [sflag:$0x5] =	stream.indirect.gather [hbm4b:s3+s22], $0x80, s20, s22, $0xb8;
	[tilespmem:$0x7E00] =	vst v63  }
0x34: {  	s10 =	rddreg [dreg:$0x5]  }
0x35: {  	[tilespmem:s31], [sflag:$0x3] =	stream.linear.gather [hbm4b:s10+s2], $0x190, $0x38;
	[tilespmem:$0x7E00] =	vst v63  }
0x36: {  	_ =	swait.ge [sflag:s1], $0x2800  }
0x37: {  	[sflag:s1] =	ssyncset.done $0x0  }
0x38: {  	s11 =	simm.s32 $0x250;
	[sflag:s1] =	ssyncadd.s32 $0xFFFFD800  }
0x39: {  	[tilespmem:s30], [sflag:$0x8] =	stream.indirect.gather.add.f32 [hbm:s4], $0x80, s11, s22, $0xb8;
	[tilespmem:$0x7E00] =	vst v63  }
0x3a: {  	s9 =	simm.s32 $0x2A0  }
0x3b: {  	[tilespmem:s30], [sflag:$0x8] =	stream.indirect.gather.add.f32 [hbm:s5], $0x80, s9, s22, $0xb8;
	[tilespmem:$0x7E00] =	vst v63  }
0x3c: {  	s10 =	simm.s32 $0x2F0  }
0x3d: {  	[tilespmem:s30], [sflag:$0x8] =	stream.indirect.gather.add.f32 [hbm:s6], $0x80, s10, s22, $0xb8;
	[tilespmem:$0x7E00] =	vst v63  }
0x3e: {  	s11 =	simm.s32 $0x340  }
0x3f: {  	[tilespmem:s30], [sflag:$0x8] =	stream.indirect.gather.add.f32 [hbm:s7], $0x80, s11, s22, $0xb8;
	[tilespmem:$0x7E00] =	vst v63  }
0x40: {  	_ =	swait.ge [sflag:s12], $0x190  }
0x41: {  	[sflag:s12] =	ssyncset.done $0x0  }
0x42: {  	[sflag:s12] =	ssyncadd.s32 $0xFFFFFE70  }
0x43: {  	[tilespmem:s13], [sflag:$0x6] =	stream.indirect.gather [hbm4b:s3+s22], $0x80, s31, s22, $0xb8;
	[tilespmem:$0x7E00] =	vst v63  }
0x44: {  	_ =	swait.ge [sflag:s14], $0x2800  }
0x45: {  	[sflag:s14] =	ssyncset.done $0x0  }
0x46: {  	[sflag:s14] =	ssyncadd.s32 $0xFFFFD800  }
0x47: {  	_ =	swait.ge [sflag:s14], $0x2800  }
0x48: {  	[sflag:s14] =	ssyncset.done $0x0  }
0x49: {  	[sflag:s14] =	ssyncadd.s32 $0xFFFFD800  }
0x4a: {  	_ =	swait.ge [sflag:s14], $0x2800  }
0x4b: {  	[sflag:s14] =	ssyncset.done $0x0  }
0x4c: {  	[sflag:s14] =	ssyncadd.s32 $0xFFFFD800  }
0x4d: {  	_ =	swait.ge [sflag:s14], $0x2800  }
0x4e: {  	[sflag:s14] =	ssyncset.done $0x0  }
0x4f: {  	s8 =	rddreg [dreg:$0x6];
	[sflag:s14] =	ssyncadd.s32 $0xFFFFD800  }
0x50: {  	[hbm4b:s8+s2] =	stream.linear.scatter [tilespmem:s23], [sflag:$0xA], $0x2800, $0x38;
	[tilespmem:$0x7E00] =	vst v63  }
0x51: {  	s10 =	rddreg [dreg:$0x7]  }
0x52: {  	[tilespmem:s2], [sflag:$0x1] =	stream.linear.gather [hbm4b:s10+s2], $0x190, $0x38;
	[tilespmem:$0x7E00] =	vst v63  }
0x53: {  	_ =	swait.ge [sflag:s15], $0x2800  }
0x54: {  	[sflag:s15] =	ssyncset.done $0x0  }
0x55: {  	s11 =	simm.s32 $0x450;
	[sflag:s15] =	ssyncadd.s32 $0xFFFFD800  }
0x56: {  	[tilespmem:s13], [sflag:$0x9] =	stream.indirect.gather.add.f32 [hbm:s4], $0x80, s11, s22, $0xb8;
	[tilespmem:$0x7E00] =	vst v63  }
0x57: {  	s9 =	simm.s32 $0x4A0  }
0x58: {  	[tilespmem:s13], [sflag:$0x9] =	stream.indirect.gather.add.f32 [hbm:s5], $0x80, s9, s22, $0xb8;
	[tilespmem:$0x7E00] =	vst v63  }
0x59: {  	s10 =	simm.s32 $0x4F0  }
0x5a: {  	[tilespmem:s13], [sflag:$0x9] =	stream.indirect.gather.add.f32 [hbm:s6], $0x80, s10, s22, $0xb8;
	[tilespmem:$0x7E00] =	vst v63  }
0x5b: {  	s11 =	simm.s32 $0x540  }
0x5c: {  	[tilespmem:s13], [sflag:$0x9] =	stream.indirect.gather.add.f32 [hbm:s7], $0x80, s11, s22, $0xb8;
	[tilespmem:$0x7E00] =	vst v63  }
0x5d: {  	_ =	swait.ge [sflag:s21], $0x190  }
0x5e: {  	[sflag:s21] =	ssyncset.done $0x0  }
0x5f: {  	[sflag:s21] =	ssyncadd.s32 $0xFFFFFE70  }
0x60: {  	_ =	swait.ge [sflag:s19], $0x2800  }
0x61: {  	[sflag:s19] =	ssyncset.done $0x0  }
0x62: {  	[sflag:s19] =	ssyncadd.s32 $0xFFFFD800  }
0x63: {  	[tilespmem:s23], [sflag:$0x4] =	stream.indirect.gather [hbm4b:s3+s22], $0x80, s2, s22, $0xb8;
	[tilespmem:$0x7E00] =	vst v63  }
0x64: {  	_ =	swait.ge [sflag:s25], $0x2800  }
0x65: {  	[sflag:s25] =	ssyncset.done $0x0  }
0x66: {  	[sflag:s25] =	ssyncadd.s32 $0xFFFFD800  }
0x67: {  	_ =	swait.ge [sflag:s25], $0x2800  }
0x68: {  	[sflag:s25] =	ssyncset.done $0x0  }
0x69: {  	[sflag:s25] =	ssyncadd.s32 $0xFFFFD800  }
0x6a: {  	_ =	swait.ge [sflag:s25], $0x2800  }
0x6b: {  	[sflag:s25] =	ssyncset.done $0x0  }
0x6c: {  	[sflag:s25] =	ssyncadd.s32 $0xFFFFD800  }
0x6d: {  	_ =	swait.ge [sflag:s25], $0x2800  }
0x6e: {  	[sflag:s25] =	ssyncset.done $0x0;
	s11 =	rddreg [dreg:$0xe]  }
0x6f: {  	s8 =	rddreg [dreg:$0x2];
	[sflag:s25] =	ssyncadd.s32 $0xFFFFD800;
	s10 =	sadd.s32 $0xFFFFF600, s11  }
0x70: {  	[hbm4b:s10+s2] =	stream.linear.scatter [tilespmem:s30], [sflag:$0xB], $0x2800, $0x38;
	[tilespmem:$0x7E00] =	vst v63  }
0x71: {  	s10 =	sadd.s32 $0x0, s8  }
0x72: {  	s9 =	sadd.s32 $0xC8, s10  }
0x73: {  	[tilespmem:s20], [sflag:$0x2] =	stream.linear.gather [hbm4b:s9+s2], $0x190, $0x38;
	[tilespmem:$0x7E00] =	vst v63  }
0x74: {  	_ =	swait.ge [sflag:s24], $0x2800  }
0x75: {  	[sflag:s24] =	ssyncset.done $0x0  }
0x76: {  	[sflag:s24] =	ssyncadd.s32 $0xFFFFD800  }
0x77: {  	[tilespmem:s23], [sflag:$0x7] =	stream.indirect.gather.add.f32 [hbm:s4], $0x80, s22, s22, $0xb8;
	[tilespmem:$0x7E00] =	vst v63  }
0x78: {  	_ = 	snop  }
0x79: {  	[tilespmem:s23], [sflag:$0x7] =	stream.indirect.gather.add.f32 [hbm:s5], $0x80, s16, s22, $0xb8;
	[tilespmem:$0x7E00] =	vst v63  }
0x7a: {  	_ = 	snop  }
0x7b: {  	[tilespmem:s23], [sflag:$0x7] =	stream.indirect.gather.add.f32 [hbm:s6], $0x80, s17, s22, $0xb8;
	[tilespmem:$0x7E00] =	vst v63  }
0x7c: {  	_ = 	snop  }
0x7d: {  	[tilespmem:s23], [sflag:$0x7] =	stream.indirect.gather.add.f32 [hbm:s7], $0x80, s18, s22, $0xb8;
	[tilespmem:$0x7E00] =	vst v63  }
0x7e: {  	_ =	swait.ge [sflag:s29], $0x190  }
0x7f: {  	[sflag:s29] =	ssyncset.done $0x0  }
0x80: {  	[sflag:s29] =	ssyncadd.s32 $0xFFFFFE70  }
0x81: {  	_ =	swait.ge [sflag:s26], $0x2800  }
0x82: {  	[sflag:s26] =	ssyncset.done $0x0  }
0x83: {  	[sflag:s26] =	ssyncadd.s32 $0xFFFFD800  }
0x84: {  	[tilespmem:s30], [sflag:$0x5] =	stream.indirect.gather [hbm4b:s3+s22], $0x80, s20, s22, $0xb8;
	[tilespmem:$0x7E00] =	vst v63  }
0x85: {  	_ =	swait.ge [sflag:s28], $0x2800  }
0x86: {  	[sflag:s28] =	ssyncset.done $0x0  }
0x87: {  	[sflag:s28] =	ssyncadd.s32 $0xFFFFD800  }
0x88: {  	_ =	swait.ge [sflag:s28], $0x2800  }
0x89: {  	[sflag:s28] =	ssyncset.done $0x0  }
0x8a: {  	[sflag:s28] =	ssyncadd.s32 $0xFFFFD800  }
0x8b: {  	_ =	swait.ge [sflag:s28], $0x2800  }
0x8c: {  	[sflag:s28] =	ssyncset.done $0x0  }
0x8d: {  	[sflag:s28] =	ssyncadd.s32 $0xFFFFD800  }
0x8e: {  	_ =	swait.ge [sflag:s28], $0x2800  }
0x8f: {  	[sflag:s28] =	ssyncset.done $0x0  }
0x90: {  	s17 =	sadd.s32 $0xFFFFFB00, s11;
	[sflag:s28] =	ssyncadd.s32 $0xFFFFD800  }
0x91: {  	[hbm4b:s17+s2] =	stream.linear.scatter [tilespmem:s13], [sflag:$0xC], $0x2800, $0x38;
	[tilespmem:$0x7E00] =	vst v63  }
0x92: {  	s18 =	sadd.s32 $0xFA, s10  }
0x93: {  	[tilespmem:s31], [sflag:$0x3] =	stream.linear.gather [hbm4b:s18+s2], $0x190, $0x38;
	[tilespmem:$0x7E00] =	vst v63  }
0x94: {  	_ =	swait.ge [sflag:s1], $0x2800  }
0x95: {  	[sflag:s1] =	ssyncset.done $0x0  }
0x96: {  	s16 =	simm.s32 $0x250;
	[sflag:s1] =	ssyncadd.s32 $0xFFFFD800  }
0x97: {  	[tilespmem:s30], [sflag:$0x8] =	stream.indirect.gather.add.f32 [hbm:s4], $0x80, s16, s22, $0xb8;
	[tilespmem:$0x7E00] =	vst v63  }
0x98: {  	s17 =	simm.s32 $0x2A0  }
0x99: {  	[tilespmem:s30], [sflag:$0x8] =	stream.indirect.gather.add.f32 [hbm:s5], $0x80, s17, s22, $0xb8;
	[tilespmem:$0x7E00] =	vst v63  }
0x9a: {  	s16 =	simm.s32 $0x2F0  }
0x9b: {  	[tilespmem:s30], [sflag:$0x8] =	stream.indirect.gather.add.f32 [hbm:s6], $0x80, s16, s22, $0xb8;
	[tilespmem:$0x7E00] =	vst v63  }
0x9c: {  	s17 =	simm.s32 $0x340  }
0x9d: {  	[tilespmem:s30], [sflag:$0x8] =	stream.indirect.gather.add.f32 [hbm:s7], $0x80, s17, s22, $0xb8;
	[tilespmem:$0x7E00] =	vst v63  }
0x9e: {  	_ =	swait.ge [sflag:s12], $0x190  }
0x9f: {  	[sflag:s12] =	ssyncset.done $0x0  }
0xa0: {  	[sflag:s12] =	ssyncadd.s32 $0xFFFFFE70  }
0xa1: {  	_ =	swait.ge [sflag:s0], $0x2800  }
0xa2: {  	[sflag:s0] =	ssyncset.done $0x0  }
0xa3: {  	[sflag:s0] =	ssyncadd.s32 $0xFFFFD800  }
0xa4: {  	[tilespmem:s13], [sflag:$0x6] =	stream.indirect.gather [hbm4b:s3+s22], $0x80, s31, s22, $0xb8;
	[tilespmem:$0x7E00] =	vst v63  }
0xa5: {  	_ =	swait.ge [sflag:s14], $0x2800  }
0xa6: {  	[sflag:s14] =	ssyncset.done $0x0  }
0xa7: {  	[sflag:s14] =	ssyncadd.s32 $0xFFFFD800  }
0xa8: {  	_ =	swait.ge [sflag:s14], $0x2800  }
0xa9: {  	[sflag:s14] =	ssyncset.done $0x0  }
0xaa: {  	[sflag:s14] =	ssyncadd.s32 $0xFFFFD800  }
0xab: {  	_ =	swait.ge [sflag:s14], $0x2800  }
0xac: {  	[sflag:s14] =	ssyncset.done $0x0  }
0xad: {  	[sflag:s14] =	ssyncadd.s32 $0xFFFFD800  }
0xae: {  	s8 =	simm.s32 $0xF0;
	_ =	swait.ge [sflag:s14], $0x2800  }
0xaf: {  	s9 =	simm.s32 $0x96;
	s18 =	simm.s32 $0x250;
	[sflag:s14] =	ssyncset.done $0x0  }
0xb0: {  	s16 =	sadd.s32 $0x12C, s10;
	s10 =	smov.u32 s11;
	[sflag:s14] =	ssyncadd.s32 $0xFFFFD800  }
0xb1: {  	[hbm4b:s11+s2] =	stream.linear.scatter [tilespmem:s23], [sflag:$0xA], $0x2800, $0x38;
	[tilespmem:$0x7E00] =	vst v63  }
.LBB2_2:
0xb2: {  	[tilespmem:s2], [sflag:$0x1] =	stream.linear.gather [hbm4b:s16+s2], $0x190, $0x38;
	[tilespmem:$0x7E00] =	vst v63  }
0xb3: {  	_ =	swait.ge [sflag:s15], $0x2800  }
0xb4: {  	[sflag:s15] =	ssyncset.done $0x0  }
0xb5: {  	s17 =	simm.s32 $0x450;
	[sflag:s15] =	ssyncadd.s32 $0xFFFFD800  }
0xb6: {  	[tilespmem:s13], [sflag:$0x9] =	stream.indirect.gather.add.f32 [hbm:s4], $0x80, s17, s22, $0xb8;
	[tilespmem:$0x7E00] =	vst v63  }
0xb7: {  	s17 =	simm.s32 $0x4A0  }
0xb8: {  	[tilespmem:s13], [sflag:$0x9] =	stream.indirect.gather.add.f32 [hbm:s5], $0x80, s17, s22, $0xb8;
	[tilespmem:$0x7E00] =	vst v63  }
0xb9: {  	s17 =	simm.s32 $0x4F0  }
0xba: {  	[tilespmem:s13], [sflag:$0x9] =	stream.indirect.gather.add.f32 [hbm:s6], $0x80, s17, s22, $0xb8;
	[tilespmem:$0x7E00] =	vst v63  }
0xbb: {  	s17 =	simm.s32 $0x540  }
0xbc: {  	[tilespmem:s13], [sflag:$0x9] =	stream.indirect.gather.add.f32 [hbm:s7], $0x80, s17, s22, $0xb8;
	[tilespmem:$0x7E00] =	vst v63  }
0xbd: {  	_ =	swait.ge [sflag:s21], $0x190  }
0xbe: {  	[sflag:s21] =	ssyncset.done $0x0  }
0xbf: {  	[sflag:s21] =	ssyncadd.s32 $0xFFFFFE70  }
0xc0: {  	_ =	swait.ge [sflag:s19], $0x2800  }
0xc1: {  	[sflag:s19] =	ssyncset.done $0x0  }
0xc2: {  	[sflag:s19] =	ssyncadd.s32 $0xFFFFD800  }
0xc3: {  	[tilespmem:s23], [sflag:$0x4] =	stream.indirect.gather [hbm4b:s3+s22], $0x80, s2, s22, $0xb8;
	[tilespmem:$0x7E00] =	vst v63  }
0xc4: {  	_ =	swait.ge [sflag:s25], $0x2800  }
0xc5: {  	[sflag:s25] =	ssyncset.done $0x0  }
0xc6: {  	[sflag:s25] =	ssyncadd.s32 $0xFFFFD800  }
0xc7: {  	_ =	swait.ge [sflag:s25], $0x2800  }
0xc8: {  	[sflag:s25] =	ssyncset.done $0x0  }
0xc9: {  	[sflag:s25] =	ssyncadd.s32 $0xFFFFD800  }
0xca: {  	_ =	swait.ge [sflag:s25], $0x2800  }
0xcb: {  	[sflag:s25] =	ssyncset.done $0x0  }
0xcc: {  	[sflag:s25] =	ssyncadd.s32 $0xFFFFD800  }
0xcd: {  	s10 =	sadd.s32 $0xF00, s10;
	_ =	swait.ge [sflag:s25], $0x2800  }
0xce: {  	s11 =	smov.u32 s9;
	[sflag:s25] =	ssyncset.done $0x0;
	s16 =	rddreg [dreg:$0x2]  }
0xcf: {  	s17 =	sadd.s32 $0xFFFFF600, s10;
	[sflag:s25] =	ssyncadd.s32 $0xFFFFD800;
	s11 =	sadd.s32 s11, s16  }
0xd0: {  	[hbm4b:s17+s2] =	stream.linear.scatter [tilespmem:s30], [sflag:$0xB], $0x2800, $0x38;
	[tilespmem:$0x7E00] =	vst v63  }
0xd1: {  	s16 =	sadd.s32 $0xC8, s11  }
0xd2: {  	[tilespmem:s20], [sflag:$0x2] =	stream.linear.gather [hbm4b:s16+s2], $0x190, $0x38;
	[tilespmem:$0x7E00] =	vst v63  }
0xd3: {  	_ =	swait.ge [sflag:s24], $0x2800  }
0xd4: {  	[sflag:s24] =	ssyncset.done $0x0  }
0xd5: {  	[sflag:s24] =	ssyncadd.s32 $0xFFFFD800  }
0xd6: {  	[tilespmem:s23], [sflag:$0x7] =	stream.indirect.gather.add.f32 [hbm:s4], $0x80, s22, s22, $0xb8;
	[tilespmem:$0x7E00] =	vst v63  }
0xd7: {  	s17 =	simm.s32 $0xA0  }
0xd8: {  	[tilespmem:s23], [sflag:$0x7] =	stream.indirect.gather.add.f32 [hbm:s5], $0x80, s17, s22, $0xb8;
	[tilespmem:$0x7E00] =	vst v63  }
0xd9: {  	_ = 	snop  }
0xda: {  	[tilespmem:s23], [sflag:$0x7] =	stream.indirect.gather.add.f32 [hbm:s6], $0x80, s8, s22, $0xb8;
	[tilespmem:$0x7E00] =	vst v63  }
0xdb: {  	s17 =	simm.s32 $0x140  }
0xdc: {  	[tilespmem:s23], [sflag:$0x7] =	stream.indirect.gather.add.f32 [hbm:s7], $0x80, s17, s22, $0xb8;
	[tilespmem:$0x7E00] =	vst v63  }
0xdd: {  	_ =	swait.ge [sflag:s29], $0x190  }
0xde: {  	[sflag:s29] =	ssyncset.done $0x0  }
0xdf: {  	[sflag:s29] =	ssyncadd.s32 $0xFFFFFE70  }
0xe0: {  	_ =	swait.ge [sflag:s26], $0x2800  }
0xe1: {  	[sflag:s26] =	ssyncset.done $0x0  }
0xe2: {  	[sflag:s26] =	ssyncadd.s32 $0xFFFFD800  }
0xe3: {  	[tilespmem:s30], [sflag:$0x5] =	stream.indirect.gather [hbm4b:s3+s22], $0x80, s20, s22, $0xb8;
	[tilespmem:$0x7E00] =	vst v63  }
0xe4: {  	_ =	swait.ge [sflag:s28], $0x2800  }
0xe5: {  	[sflag:s28] =	ssyncset.done $0x0  }
0xe6: {  	[sflag:s28] =	ssyncadd.s32 $0xFFFFD800  }
0xe7: {  	_ =	swait.ge [sflag:s28], $0x2800  }
0xe8: {  	[sflag:s28] =	ssyncset.done $0x0  }
0xe9: {  	[sflag:s28] =	ssyncadd.s32 $0xFFFFD800  }
0xea: {  	_ =	swait.ge [sflag:s28], $0x2800  }
0xeb: {  	[sflag:s28] =	ssyncset.done $0x0  }
0xec: {  	[sflag:s28] =	ssyncadd.s32 $0xFFFFD800  }
0xed: {  	_ =	swait.ge [sflag:s28], $0x2800  }
0xee: {  	[sflag:s28] =	ssyncset.done $0x0  }
0xef: {  	s16 =	sadd.s32 $0xFFFFFB00, s10;
	[sflag:s28] =	ssyncadd.s32 $0xFFFFD800  }
0xf0: {  	[hbm4b:s16+s2] =	stream.linear.scatter [tilespmem:s13], [sflag:$0xC], $0x2800, $0x38;
	[tilespmem:$0x7E00] =	vst v63  }
0xf1: {  	s17 =	sadd.s32 $0xFA, s11  }
0xf2: {  	[tilespmem:s31], [sflag:$0x3] =	stream.linear.gather [hbm4b:s17+s2], $0x190, $0x38;
	[tilespmem:$0x7E00] =	vst v63  }
0xf3: {  	_ =	swait.ge [sflag:s1], $0x2800  }
0xf4: {  	[sflag:s1] =	ssyncset.done $0x0  }
0xf5: {  	[sflag:s1] =	ssyncadd.s32 $0xFFFFD800  }
0xf6: {  	[tilespmem:s30], [sflag:$0x8] =	stream.indirect.gather.add.f32 [hbm:s4], $0x80, s18, s22, $0xb8;
	[tilespmem:$0x7E00] =	vst v63  }
0xf7: {  	s17 =	simm.s32 $0x2A0  }
0xf8: {  	[tilespmem:s30], [sflag:$0x8] =	stream.indirect.gather.add.f32 [hbm:s5], $0x80, s17, s22, $0xb8;
	[tilespmem:$0x7E00] =	vst v63  }
0xf9: {  	s17 =	simm.s32 $0x2F0  }
0xfa: {  	[tilespmem:s30], [sflag:$0x8] =	stream.indirect.gather.add.f32 [hbm:s6], $0x80, s17, s22, $0xb8;
	[tilespmem:$0x7E00] =	vst v63  }
0xfb: {  	s17 =	simm.s32 $0x340  }
0xfc: {  	[tilespmem:s30], [sflag:$0x8] =	stream.indirect.gather.add.f32 [hbm:s7], $0x80, s17, s22, $0xb8;
	[tilespmem:$0x7E00] =	vst v63  }
0xfd: {  	_ =	swait.ge [sflag:s12], $0x190  }
0xfe: {  	[sflag:s12] =	ssyncset.done $0x0  }
0xff: {  	[sflag:s12] =	ssyncadd.s32 $0xFFFFFE70  }
0x100: {  	_ =	swait.ge [sflag:s0], $0x2800  }
0x101: {  	[sflag:s0] =	ssyncset.done $0x0  }
0x102: {  	[sflag:s0] =	ssyncadd.s32 $0xFFFFD800  }
0x103: {  	[tilespmem:s13], [sflag:$0x6] =	stream.indirect.gather [hbm4b:s3+s22], $0x80, s31, s22, $0xb8;
	[tilespmem:$0x7E00] =	vst v63  }
0x104: {  	_ =	swait.ge [sflag:s14], $0x2800  }
0x105: {  	[sflag:s14] =	ssyncset.done $0x0  }
0x106: {  	[sflag:s14] =	ssyncadd.s32 $0xFFFFD800  }
0x107: {  	_ =	swait.ge [sflag:s14], $0x2800  }
0x108: {  	[sflag:s14] =	ssyncset.done $0x0  }
0x109: {  	[sflag:s14] =	ssyncadd.s32 $0xFFFFD800  }
0x10a: {  	_ =	swait.ge [sflag:s14], $0x2800  }
0x10b: {  	p0 =	sne.s32 s9, $0x546;
	[sflag:s14] =	ssyncset.done $0x0  }
.Ltmp0:
0x10c: {  	[sflag:s14] =	ssyncadd.s32 $0xFFFFD800;
	(pc) =	sbr.rel @p0 .LBB2_2-.Ltmp0, $4  }
0x10d: {  	_ =	swait.ge [sflag:s14], $0x2800  }
0x10e: {  	[sflag:s14] =	ssyncset.done $0x0  }
0x10f: {  	s9 =	sadd.s32 $0x96, s9;
	s16 =	sadd.s32 $0x12C, s11;
	[sflag:s14] =	ssyncadd.s32 $0xFFFFD800  }
0x110: {  	[hbm4b:s10+s2] =	stream.linear.scatter [tilespmem:s23], [sflag:$0xA], $0x2800, $0x38;
	[tilespmem:$0x7E00] =	vst v63  }
0x111: {  	[tilespmem:s2], [sflag:$0x1] =	stream.linear.gather [hbm4b:s16+s2], $0x190, $0x38;
	[tilespmem:$0x7E00] =	vst v63  }
0x112: {  	_ =	swait.ge [sflag:s15], $0x2800  }
0x113: {  	[sflag:s15] =	ssyncset.done $0x0  }
0x114: {  	s9 =	simm.s32 $0x450;
	[sflag:s15] =	ssyncadd.s32 $0xFFFFD800  }
0x115: {  	[tilespmem:s13], [sflag:$0x9] =	stream.indirect.gather.add.f32 [hbm:s4], $0x80, s9, s22, $0xb8;
	[tilespmem:$0x7E00] =	vst v63  }
0x116: {  	s10 =	simm.s32 $0x4A0  }
0x117: {  	[tilespmem:s13], [sflag:$0x9] =	stream.indirect.gather.add.f32 [hbm:s5], $0x80, s10, s22, $0xb8;
	[tilespmem:$0x7E00] =	vst v63  }
0x118: {  	s11 =	simm.s32 $0x4F0  }
0x119: {  	[tilespmem:s13], [sflag:$0x9] =	stream.indirect.gather.add.f32 [hbm:s6], $0x80, s11, s22, $0xb8;
	[tilespmem:$0x7E00] =	vst v63  }
0x11a: {  	s16 =	simm.s32 $0x540  }
0x11b: {  	[tilespmem:s13], [sflag:$0x9] =	stream.indirect.gather.add.f32 [hbm:s7], $0x80, s16, s22, $0xb8;
	[tilespmem:$0x7E00] =	vst v63  }
0x11c: {  	_ =	swait.ge [sflag:s21], $0x190  }
0x11d: {  	[sflag:s21] =	ssyncset.done $0x0  }
0x11e: {  	[sflag:s21] =	ssyncadd.s32 $0xFFFFFE70  }
0x11f: {  	_ =	swait.ge [sflag:s19], $0x2800  }
0x120: {  	[sflag:s19] =	ssyncset.done $0x0  }
0x121: {  	[sflag:s19] =	ssyncadd.s32 $0xFFFFD800  }
0x122: {  	[tilespmem:s23], [sflag:$0x4] =	stream.indirect.gather [hbm4b:s3+s22], $0x80, s2, s22, $0xb8;
	[tilespmem:$0x7E00] =	vst v63  }
0x123: {  	_ =	swait.ge [sflag:s25], $0x2800  }
0x124: {  	[sflag:s25] =	ssyncset.done $0x0  }
0x125: {  	[sflag:s25] =	ssyncadd.s32 $0xFFFFD800  }
0x126: {  	_ =	swait.ge [sflag:s25], $0x2800  }
0x127: {  	[sflag:s25] =	ssyncset.done $0x0  }
0x128: {  	[sflag:s25] =	ssyncadd.s32 $0xFFFFD800  }
0x129: {  	_ =	swait.ge [sflag:s25], $0x2800  }
0x12a: {  	[sflag:s25] =	ssyncset.done $0x0  }
0x12b: {  	[sflag:s25] =	ssyncadd.s32 $0xFFFFD800  }
0x12c: {  	_ =	swait.ge [sflag:s25], $0x2800  }
0x12d: {  	[sflag:s25] =	ssyncset.done $0x0  }
0x12e: {  	s17 =	rddreg [dreg:$0x8];
	[sflag:s25] =	ssyncadd.s32 $0xFFFFD800  }
0x12f: {  	[hbm4b:s17+s2] =	stream.linear.scatter [tilespmem:s30], [sflag:$0xB], $0x2800, $0x38;
	[tilespmem:$0x7E00] =	vst v63  }
0x130: {  	s10 =	rddreg [dreg:$0x9]  }
0x131: {  	[tilespmem:s20], [sflag:$0x2] =	stream.linear.gather [hbm4b:s10+s2], $0x190, $0x38;
	[tilespmem:$0x7E00] =	vst v63  }
0x132: {  	_ =	swait.ge [sflag:s24], $0x2800  }
0x133: {  	[sflag:s24] =	ssyncset.done $0x0  }
0x134: {  	[sflag:s24] =	ssyncadd.s32 $0xFFFFD800  }
0x135: {  	[tilespmem:s23], [sflag:$0x7] =	stream.indirect.gather.add.f32 [hbm:s4], $0x80, s22, s22, $0xb8;
	[tilespmem:$0x7E00] =	vst v63  }
0x136: {  	s11 =	simm.s32 $0xA0  }
0x137: {  	[tilespmem:s23], [sflag:$0x7] =	stream.indirect.gather.add.f32 [hbm:s5], $0x80, s11, s22, $0xb8;
	[tilespmem:$0x7E00] =	vst v63  }
0x138: {  	_ = 	snop  }
0x139: {  	[tilespmem:s23], [sflag:$0x7] =	stream.indirect.gather.add.f32 [hbm:s6], $0x80, s8, s22, $0xb8;
	[tilespmem:$0x7E00] =	vst v63  }
0x13a: {  	s16 =	simm.s32 $0x140  }
0x13b: {  	[tilespmem:s23], [sflag:$0x7] =	stream.indirect.gather.add.f32 [hbm:s7], $0x80, s16, s22, $0xb8;
	[tilespmem:$0x7E00] =	vst v63  }
0x13c: {  	_ =	swait.ge [sflag:s29], $0x190  }
0x13d: {  	[sflag:s29] =	ssyncset.done $0x0  }
0x13e: {  	[sflag:s29] =	ssyncadd.s32 $0xFFFFFE70  }
0x13f: {  	_ =	swait.ge [sflag:s26], $0x2800  }
0x140: {  	[sflag:s26] =	ssyncset.done $0x0  }
0x141: {  	[sflag:s26] =	ssyncadd.s32 $0xFFFFD800  }
0x142: {  	[tilespmem:s30], [sflag:$0x5] =	stream.indirect.gather [hbm4b:s3+s22], $0x80, s20, s22, $0xb8;
	[tilespmem:$0x7E00] =	vst v63  }
0x143: {  	_ =	swait.ge [sflag:s28], $0x2800  }
0x144: {  	[sflag:s28] =	ssyncset.done $0x0  }
0x145: {  	[sflag:s28] =	ssyncadd.s32 $0xFFFFD800  }
0x146: {  	_ =	swait.ge [sflag:s28], $0x2800  }
0x147: {  	[sflag:s28] =	ssyncset.done $0x0  }
0x148: {  	[sflag:s28] =	ssyncadd.s32 $0xFFFFD800  }
0x149: {  	_ =	swait.ge [sflag:s28], $0x2800  }
0x14a: {  	[sflag:s28] =	ssyncset.done $0x0  }
0x14b: {  	[sflag:s28] =	ssyncadd.s32 $0xFFFFD800  }
0x14c: {  	_ =	swait.ge [sflag:s28], $0x2800  }
0x14d: {  	[sflag:s28] =	ssyncset.done $0x0  }
0x14e: {  	s17 =	rddreg [dreg:$0xa];
	[sflag:s28] =	ssyncadd.s32 $0xFFFFD800  }
0x14f: {  	[hbm4b:s17+s2] =	stream.linear.scatter [tilespmem:s13], [sflag:$0xC], $0x2800, $0x38;
	[tilespmem:$0x7E00] =	vst v63  }
0x150: {  	_ =	swait.ge [sflag:s1], $0x2800  }
0x151: {  	[sflag:s1] =	ssyncset.done $0x0  }
0x152: {  	[sflag:s1] =	ssyncadd.s32 $0xFFFFD800  }
0x153: {  	[tilespmem:s30], [sflag:$0x8] =	stream.indirect.gather.add.f32 [hbm:s4], $0x80, s18, s22, $0xb8;
	[tilespmem:$0x7E00] =	vst v63  }
0x154: {  	s18 =	simm.s32 $0x2A0  }
0x155: {  	[tilespmem:s30], [sflag:$0x8] =	stream.indirect.gather.add.f32 [hbm:s5], $0x80, s18, s22, $0xb8;
	[tilespmem:$0x7E00] =	vst v63  }
0x156: {  	s9 =	simm.s32 $0x2F0  }
0x157: {  	[tilespmem:s30], [sflag:$0x8] =	stream.indirect.gather.add.f32 [hbm:s6], $0x80, s9, s22, $0xb8;
	[tilespmem:$0x7E00] =	vst v63  }
0x158: {  	s10 =	simm.s32 $0x340  }
0x159: {  	[tilespmem:s30], [sflag:$0x8] =	stream.indirect.gather.add.f32 [hbm:s7], $0x80, s10, s22, $0xb8;
	[tilespmem:$0x7E00] =	vst v63  }
0x15a: {  	_ =	swait.ge [sflag:s0], $0x2800  }
0x15b: {  	[sflag:s0] =	ssyncset.done $0x0  }
0x15c: {  	[sflag:s0] =	ssyncadd.s32 $0xFFFFD800  }
0x15d: {  	_ =	swait.ge [sflag:s14], $0x2800  }
0x15e: {  	[sflag:s14] =	ssyncset.done $0x0  }
0x15f: {  	[sflag:s14] =	ssyncadd.s32 $0xFFFFD800  }
0x160: {  	_ =	swait.ge [sflag:s14], $0x2800  }
0x161: {  	[sflag:s14] =	ssyncset.done $0x0  }
0x162: {  	[sflag:s14] =	ssyncadd.s32 $0xFFFFD800  }
0x163: {  	_ =	swait.ge [sflag:s14], $0x2800  }
0x164: {  	[sflag:s14] =	ssyncset.done $0x0  }
0x165: {  	[sflag:s14] =	ssyncadd.s32 $0xFFFFD800  }
0x166: {  	_ =	swait.ge [sflag:s14], $0x2800  }
0x167: {  	[sflag:s14] =	ssyncset.done $0x0  }
0x168: {  	s11 =	rddreg [dreg:$0xb];
	[sflag:s14] =	ssyncadd.s32 $0xFFFFD800  }
0x169: {  	[hbm4b:s11+s2] =	stream.linear.scatter [tilespmem:s23], [sflag:$0xA], $0x2800, $0x38;
	[tilespmem:$0x7E00] =	vst v63  }
0x16a: {  	_ =	swait.ge [sflag:s25], $0x2800  }
0x16b: {  	[sflag:s25] =	ssyncset.done $0x0  }
0x16c: {  	[sflag:s25] =	ssyncadd.s32 $0xFFFFD800  }
0x16d: {  	_ =	swait.ge [sflag:s25], $0x2800  }
0x16e: {  	[sflag:s25] =	ssyncset.done $0x0  }
0x16f: {  	[sflag:s25] =	ssyncadd.s32 $0xFFFFD800  }
0x170: {  	_ =	swait.ge [sflag:s25], $0x2800  }
0x171: {  	[sflag:s25] =	ssyncset.done $0x0  }
0x172: {  	[sflag:s25] =	ssyncadd.s32 $0xFFFFD800  }
0x173: {  	_ =	swait.ge [sflag:s25], $0x2800  }
0x174: {  	[sflag:s25] =	ssyncset.done $0x0  }
0x175: {  	s16 =	rddreg [dreg:$0xc];
	[sflag:s25] =	ssyncadd.s32 $0xFFFFD800  }
0x176: {  	[hbm4b:s16+s2] =	stream.linear.scatter [tilespmem:s30], [sflag:$0xB], $0x2800, $0x38;
	[tilespmem:$0x7E00] =	vst v63  }
0x177: {  	_ =	swait.ge [sflag:s19], $0x2800  }
0x178: {  	[sflag:s19] =	ssyncset.done $0x0  }
0x179: {  	[sflag:s19] =	ssyncadd.s32 $0xFFFFD800  }
0x17a: {  	_ =	swait.ge [sflag:s26], $0x2800  }
0x17b: {  	s17 =	rddreg [dreg:$0xf]  }
0x17c: {  	s18 =	rddreg [dreg:$0xd];
	s8 =	sadd.s32 $0x1, s17  }
0x17d: {  	p0 =	sne.s32 s8, s18  }
.Ltmp1:
0x17e: {  	_ = 	snop;
	(pc) =	sbr.rel @p0 .LBB2_1-.Ltmp1, $3  }
0x17f: {  	_ =	sdelay $0x1  }
0x180: {  	[sflag:s26] =	ssyncset.done $0x0  }
0x181: {  	[sflag:s26] =	ssyncadd.s32 $0xFFFFD800  }
0x182: {  	_ =	sfence.sel $0x180000  }
0x183: {  	[bflag:$0x0] =	sbarrier.arrive $0xFFFF  }
0x184: {  	_ =	strace $0x9000004D  }
0x185: {  	s0 =	stileid.u32;
	[bflag:$0x2] =	sbarrier.arrive $0xFFFF  }
0x186: {  	p0 =	sne.s32 s0, $0x0;
	s0 =	rddreg [dreg:$0x1]  }
0x187: {  	s0 =	sadd.s32 @!p0 $0x100000, s0  }
0x188: {  	[sflag:s0] =	ssyncadd.tile.s32 @!p0 $0x1;
	_ =	shalt  }
.Lfunc_end2:
_tile_overlayer_lowered:
.L_overlay_start_2:
0x189: {  	(tag) =	ssettag $0x2  }
0x18a: {  	s0 =	rddreg [dreg:$0x0];
	s2 =	stileid.u32  }
0x18b: {  	s1 =	rddreg [dreg:$0x1];
	p0 =	sne.s32 s2, $0x0  }
0x18c: {  	s3 =	rddreg [dreg:$0x2];
	[bflag:$0x3] =	sbarrier.arrive $0xFFFF;
	s2 =	simm.s32 @!p0 $0x1C0D  }
0x18d: {  	[timem:s3], [sflag:s2] =	dma.local @!p0 [hbm:s0], s1  }
0x18e: {  	s0 =	simm.s32 @!p0 $0xD  }
0x18f: {  	_ =	swait.ge @!p0 [sflag:s0], s1  }
0x190: {  	s1 =	ssub.s32 @!p0 $0x0, s1;
	[sflag:s0] =	ssyncset.done @!p0 $0x0  }
0x191: {  	[sflag:s0] =	ssyncadd.s32 @!p0 s1  }
0x192: {  	[bflag:$0x3] =	sbarrier.arrive $0xFFFF  }
0x193: {  	_ =	shalt  }

// kernel: kernel.9.cloned.1.call-start
scs
__scs_entry_jumppad:
0x0: {  	(pc) =	sbr.rel $0x88, $3  }
0x1: {  	(tag) =	ssettag $0x0;
	lr =	simm.s32 $0x1  }
0x2: {  	[smem:$0x3F8E] =	sst lr;
	_ =	strace $0xD0000000  }
0x3: {  	_ = 	snop  }
0x4: {  	_ = 	snop  }
0x5: {  	_ = 	snop  }
0x6: {  	_ = 	snop  }
0x7: {  	_ = 	snop  }
__scs_overlays_trampoline_lowered:
0x8: {  	[smem:$0x3F9D] =	sst s0  }
0x9: {  	[smem:$0x3F9E] =	sst s1  }
0xa: {  	[smem:$0x3F9F] =	sst s2  }
0xb: {  	[smem:$0x3FA0] =	sst s3  }
0xc: {  	[smem:$0x3FA1] =	sst s4  }
0xd: {  	[smem:$0x3FA2] =	sst s5  }
0xe: {  	[smem:$0x3FA3] =	sst s6  }
0xf: {  	[smem:$0x3FA4] =	sst s7  }
0x10: {  	[smem:$0x3FA5] =	sst s8  }
0x11: {  	[smem:$0x3FA6] =	sst s9;
	s0 =	simm.s32 @!p0 $0x0  }
0x12: {  	s1 =	sld [smem:$0x3F8C];
	s0 =	simm.s32 @p0 $0x1  }
0x13: {  	[smem:$0x3FA7] =	sst s0;
	s0 =	simm.s32 @!p1 $0x0  }
0x14: {  	s2 =	sld [smem:$0x3F8B];
	s0 =	simm.s32 @p1 $0x1  }
0x15: {  	[smem:$0x3FA8] =	sst s0;
	s0 =	simm.s32 @!p2 $0x0  }
0x16: {  	s3 =	sld [smem:$0x3FDB];
	s0 =	simm.s32 @p2 $0x1  }
0x17: {  	s4 =	simm.s32 $0x1BF5;
	[smem:$0x3FAA] =	sst s0  }
0x18: {  	s0 =	sld [smem:$0x3F8D];
	_ =	swait.ge [sflag:s4], $0x0  }
0x19: {  	s7 =	sld [smem:$0x3F8E]  }
0x1a: {  	s8 =	sadd.s32 $0xFFFFE003, lr  }
0x1b: {  	s9 =	sadd.s32 $0xFFFFFEF7, lr;
	s5 =	simm.s32 $0xFFFFFFFF;
	p2 =	slt.u32 s8, $0xFFFFF086  }
0x1c: {  	p1 =	slt.u32 s9, $0xF7A;
	s5 =	simm.s32 @!p2 $0x0  }
0x1d: {  	s5 =	simm.s32 @p1 $0x1;
	p0 =	seq.s32 s7, s2  }
0x1e: {  	s7 =	smul.u32 @!p0 $0xF7A, s2;
	p2 =	seq.s32 @!p0 s5, $0x0  }
0x1f: {  	s9 =	smul.u32 $0xF7A, s1;
	s8 =	simm.s32 @!p0 $0x1BF5;
	p2 =	por !p2, p0  }
0x20: {  	[sflag:s8] =	ssyncset.s32 @!p0 $0xFFFFF086;
	s6 =	sadd.s32 @!p0 s3, s7;
	s7 =	simm.s32 @!p0 $0x108  }
0x21: {  	s3 =	sadd.s32 s3, s9;
	s6 =	sadd.s32 @!p0 $0x88, s6;
	s7 =	simm.s32 @p2 $0x1082  }
0x22: {  	[simem:s7], [sflag:s8] =	dma.local @!p0 [hbm:s6], $0xF7A  }
0x23: {  	s9 =	sor.u32 $0xD0000000, s2;
	s6 =	simm.s32 $0x108;
	_ =	swait.ge @!p0 [sflag:s8], $0x0  }
0x24: {  	s3 =	sadd.s32 $0x88, s3;
	s6 =	simm.s32 @!p1 $0x1082;
	[sflag:s4] =	ssyncset.s32 $0xFFFFF086  }
0x25: {  	[simem:s6], [sflag:s4] =	dma.local [hbm:s3], $0xF7A  }
0x26: {  	[smem:$0x3F8E] =	sst s1;
	(tag) =	ssettag s2;
	_ =	strace s9  }
0x27: {  	s1 =	sld [smem:$0x3F9E]  }
0x28: {  	s2 =	sld [smem:$0x3F9F]  }
0x29: {  	s4 =	sld [smem:$0x3FA1]  }
0x2a: {  	p0 =	seq.s32 s5, $0x0;
	s5 =	sld [smem:$0x3FA2]  }
0x2b: {  	s6 =	sld [smem:$0x3FA3]  }
0x2c: {  	s7 =	sld [smem:$0x3FA4]  }
0x2d: {  	s3 =	simm.s32 $0x108;
	s8 =	sld [smem:$0x3FA5]  }
0x2e: {  	s3 =	simm.s32 @!p0 $0x1082;
	s9 =	sld [smem:$0x3FA6]  }
0x2f: {  	lr =	sadd.s32 s0, s3;
	s0 =	sld [smem:$0x3F9D]  }
0x30: {  	s3 =	sld [smem:$0x3FA0]  }
0x31: {  	[smem:$0x3FA9] =	sst s10  }
0x32: {  	s10 =	sld [smem:$0x3FA7];
	_ =	sdelay $0x3  }
0x33: {  	p0 =	seq.s32 s10, $0x1;
	s10 =	sld [smem:$0x3FA9];
	_ =	sdelay $0x3  }
0x34: {  	[smem:$0x3FA9] =	sst s10  }
0x35: {  	s10 =	sld [smem:$0x3FA8];
	_ =	sdelay $0x3  }
0x36: {  	p1 =	seq.s32 s10, $0x1;
	s10 =	sld [smem:$0x3FA9];
	_ =	sdelay $0x3  }
0x37: {  	[smem:$0x3FA9] =	sst s10  }
0x38: {  	s10 =	sld [smem:$0x3FAA]  }
0x39: {  	_ = 	snop;
	(pc) =	sbr.ind lr, $3  }
0x3a: {  	_ = 	snop  }
0x3b: {  	_ = 	snop  }
0x3c: {  	p2 =	seq.s32 s10, $0x1;
	s10 =	sld [smem:$0x3FA9]  }
0x3d: {  	_ =	shalt  }
0x3e: {  	_ =	shalt  }
0x3f: {  	_ =	shalt  }
0x40: {  	_ =	shalt  }
0x41: {  	_ =	shalt  }
0x42: {  	_ =	shalt  }
0x43: {  	_ =	shalt  }
0x44: {  	_ =	shalt  }
0x45: {  	_ =	shalt  }
0x46: {  	_ =	shalt  }
0x47: {  	_ =	shalt  }
0x48: {  	_ =	shalt  }
0x49: {  	_ =	shalt  }
0x4a: {  	_ =	shalt  }
0x4b: {  	_ =	shalt  }
0x4c: {  	_ =	shalt  }
0x4d: {  	_ =	shalt  }
0x4e: {  	_ =	shalt  }
0x4f: {  	_ =	shalt  }
0x50: {  	_ =	shalt  }
0x51: {  	_ =	shalt  }
0x52: {  	_ =	shalt  }
0x53: {  	_ =	shalt  }
0x54: {  	_ =	shalt  }
0x55: {  	_ =	shalt  }
0x56: {  	_ =	shalt  }
0x57: {  	_ =	shalt  }
0x58: {  	_ =	shalt  }
0x59: {  	_ =	shalt  }
0x5a: {  	_ =	shalt  }
0x5b: {  	_ =	shalt  }
0x5c: {  	_ =	shalt  }
0x5d: {  	_ =	shalt  }
0x5e: {  	_ =	shalt  }
0x5f: {  	_ =	shalt  }
0x60: {  	_ =	shalt  }
0x61: {  	_ =	shalt  }
0x62: {  	_ =	shalt  }
0x63: {  	_ =	shalt  }
0x64: {  	_ =	shalt  }
0x65: {  	_ =	shalt  }
0x66: {  	_ =	shalt  }
0x67: {  	_ =	shalt  }
0x68: {  	_ =	shalt  }
0x69: {  	_ =	shalt  }
0x6a: {  	_ =	shalt  }
0x6b: {  	_ =	shalt  }
0x6c: {  	_ =	shalt  }
0x6d: {  	_ =	shalt  }
0x6e: {  	_ =	shalt  }
0x6f: {  	_ =	shalt  }
0x70: {  	_ =	shalt  }
0x71: {  	_ =	shalt  }
0x72: {  	_ =	shalt  }
0x73: {  	_ =	shalt  }
0x74: {  	_ =	shalt  }
0x75: {  	_ =	shalt  }
0x76: {  	_ =	shalt  }
0x77: {  	_ =	shalt  }
0x78: {  	_ =	shalt  }
0x79: {  	_ =	shalt  }
0x7a: {  	_ =	shalt  }
0x7b: {  	_ =	shalt  }
0x7c: {  	_ =	shalt  }
0x7d: {  	_ =	shalt  }
0x7e: {  	_ =	shalt  }
0x7f: {  	_ =	shalt  }
0x80: {  	_ =	shalt  }
0x81: {  	_ =	shalt  }
0x82: {  	_ =	shalt  }
0x83: {  	_ =	shalt  }
0x84: {  	_ =	shalt  }
0x85: {  	_ =	shalt  }
0x86: {  	_ =	shalt  }
0x87: {  	_ =	shalt  }
.Lfunc_end0:
.L_simem_size_0:
called_computation_lowered:
.L_overlay_start_0:
0x88: {  	s2 =	sld [smem:$0x3FD9]  }
0x89: {  	s3 =	sld [smem:$0x3FFE];
	_ =	sdelay $0x1  }
0x8a: {  	s1 =	srdreg.scid  }
0x8b: {  	s0 =	sand.u32 $0x1, s1  }
0x8c: {  	s17 =	sshll.u32 s0, $0xA;
	s2 =	sadd.s32 s3, s2  }
0x8d: {  	s2 =	sadd.s32 s2, s17  }
0x8e: {  	[smem:$0x3FB5] =	sst s2  }
0x8f: {  	_ = 	snop  }
0x90: {  	s2 =	sld [smem:$0x3FD0];
	(tm) =	ssettm $0x1  }
0x91: {  	s18 =	sld [smem:$0x3FFB];
	_ =	sdelay $0x3  }
0x92: {  	_ =	strace s18  }
0x93: {  	s3 =	sld [smem:$0x3FFC];
	_ =	sdelay $0x3  }
0x94: {  	_ =	strace s3  }
0x95: {  	s3 =	sld [smem:$0x3FFD];
	_ =	sdelay $0x3  }
0x96: {  	_ =	strace s3  }
0x97: {  	_ =	strace $0x8FFFFFFF  }
0x98: {  	s19 =	sld [smem:$0x3FDB];
	_ =	sdelay $0x1  }
0x99: {  	s4 =	simm.s32 $_scs_section_size  }
0x9a: {  	s5 =	simm.s32 $_size__tile_overlayer_lowered;
	s6 =	simm.s32 $_tile_overlayer_lowered  }
0x9b: {  	s22 =	simm.s32 $0x1BFF;
	s21 =	sshll.u32 s6, $0x1;
	s3 =	sadd.s32 s4, s19  }
0x9c: {  	s7 =	simm.s32 $0x0;
	s20 =	sshll.u32 s5, $0x1;
	s5 =	sadd.s32 s21, s3  }
0x9d: {  	[timem:s7], [sflag:s22] =	dma.local [hbm:s5], s20  }
0x9e: {  	_ =	swait.ge [sflag:s22], s20  }
0x9f: {  	s4 =	ssub.s32 $0x0, s20;
	[sflag:s22] =	ssyncset.done $0x0  }
0xa0: {  	[sflag:s22] =	ssyncadd.s32 s4;
	_ =	sdelay $0x1  }
0xa1: {  	s23 =	simm.s32 $0x1B8B  }
0xa2: {  	_ =	swait.ge [sflag:s23], $0x1  }
0xa3: {  	[sflag:s23] =	ssyncset.done $0x0  }
0xa4: {  	s25 =	simm.s32 $0x1B8E;
	s24 =	sld [smem:$0x3FFE];
	[sflag:s23] =	ssyncadd.s32 $0xFFFFFFFF  }
0xa5: {  	s26 =	simm.s32 $execute0_lowered;
	[smem:$0x3FD2] =	sst s25  }
0xa6: {  	s5 =	sshll.u32 s26, $0x1;
	_ =	strace $0x80000046;
	[dreg:$0x1] =	wrdreg $0xFFFFFFFF  }
0xa7: {  	s28 =	simm.s32 $_size_execute0_lowered;
	s3 =	sadd.s32 s3, s5;
	[dreg:$0x0] =	wrdreg $0x0  }
0xa8: {  	s5 =	sshll.u32 s28, $0x1;
	[dreg:$0x2] =	wrdreg s3  }
0xa9: {  	[dreg:$0x3] =	wrdreg s5  }
0xaa: {  	[dreg:$0x4] =	wrdreg $0xC0  }
0xab: {  	_ =	task [dreg:s7], $0x5FFFF  }
0xac: {  	[dreg:$0x1] =	wrdreg $0xFFFFFFFF  }
0xad: {  	[dreg:$0x0] =	wrdreg $0x60  }
0xae: {  	[dreg:$0x2] =	wrdreg s24  }
0xaf: {  	[dreg:$0x3] =	wrdreg s2  }
0xb0: {  	[dreg:$0x4] =	wrdreg $0x9  }
0xb1: {  	_ =	task.clear_ibuf [dreg:s7], $0x5FFFF;
	_ =	strace $0x90000046  }
0xb2: {  	s29 =	simm.s32 $0x9;
	_ =	strace $0x80000048  }
0xb3: {  	_ =	swait.ge [sflag:s29], $0x1  }
0xb4: {  	[sflag:s29] =	ssyncadd.s32 $0xFFFFFFFF  }
0xb5: {  	_ =	strace $0x90000048  }
0xb6: {  	_ =	sfence  }
0xb7: {  	s30 =	sld [smem:$0x0];
	_ =	sdelay $0x2  }
0xb8: {  	s31 =	sshll.u32 s1, $0xD;
	s1 =	sshrl.u32 s1, $0x2  }
0xb9: {  	s3 =	sand.u32 $0x4000, s31;
	s1 =	sadd.s32 s1, s30  }
0xba: {  	s0 =	sor.u32 s3, s0;
	s1 =	sshll.u32 s1, $0x11  }
0xbb: {  	s0 =	sor.u32 s1, s0  }
0xbc: {  	s0 =	sadd.s32 $0x8F2B, s0  }
0xbd: {  	[sflag:s0] =	ssyncadd.remote.s32 $0x1  }
0xbe: {  	_ =	sfence.sel $0xFFFF  }
0xbf: {  	[dreg:$0x0] =	wrdreg $0xFFFFFFFF;
	(pc) =	sbr.abs _section_cstart, $3  }
0xc0: {  	[dreg:$0x1] =	wrdreg $0xFFFFFFFF  }
0xc1: {  	_ =	task.clear_ibuf [dreg:s7], $0x2FFFF;
	_ =	strace $0x9FFFFFFF  }
0xc2: {  	(tm) =	ssettm $0x7FFFFFFF  }
0xc3: {  	_ =	shalt  }
tec
execute0_lowered:
.L_overlay_start_1:
0x0: {  	(tag) =	ssettag $0x1  }
0x1: {  	s5 =	rddreg [dreg:$0x0]  }
0x2: {  	s2 =	rddreg [dreg:$0x1]  }
0x3: {  	s0 =	rddreg [dreg:$0x2];
	s4 =	srdreg.scid  }
0x4: {  	s1 =	stileid.u32;
	s3 =	simm.s32 $0x0;
	s11 =	simm.s32 $0x2  }
0x5: {  	s12 =	simm.s32 $0x3;
	s4 =	sand.u32 $0x1, s4;
	s6 =	smul.u32 $0x4E20, s1  }
0x6: {  	[smem:$0x7FF] =	sst s3;
	s8 =	sshll.u32 s1, $0x1;
	s7 =	smul.u32 $0x2710, s4  }
0x7: {  	s13 =	simm.s32 $0x0;
	_ =	strace $0x80000047;
	s8 =	sor.u32 s4, s8  }
0x8: {  	s30 =	ssub.s32 $0x2, s4;
	s29 =	smul.u32 $0x186A, s8;
	s6 =	sadd.s32 s7, s6  }
0x9: {  	s4 =	sadd.s32 $0x2800, s5;
	s9 =	sshrl.u32 s30, $0x1;
	s6 =	sshrl.u32 s6, $0x3  }
0xa: {  	s31 =	ssub.s32 s30, s9;
	s10 =	sadd.s32 s6, s5;
	s5 =	sadd.s32 s29, s5  }
0xb: {  	s9 =	simm.s32 $0x1;
	s6 =	smax.u32 s31, $0x1;
	s5 =	sadd.s32 $0x20200, s5  }
0xc: {  	s7 =	sadd.s32 $0x16400, s10;
	s8 =	sadd.s32 $0xC600, s10;
	s10 =	simm.s32 $0x50  }
.LBB2_1:
0xd: {  	s14 =	simm.s32 $0xF0;
	s15 =	sadd.s32 $0x0, s8;
	s16 =	simm.s32 $0x140  }
0xe: {  	[tilespmem:s14], [sflag:$0x1] =	stream.linear.gather [hbm4b:s15+s3], $0x50, $0x38;
	[tilespmem:$0xC380] =	vst v63  }
0xf: {  	s17 =	sadd.s32 $0x0, s7;
	s14 =	simm.s32 $0xA;
	s15 =	simm.s32 $0x280  }
.LBB2_2:
0x10: {  	[tilespmem:s16], [sflag:$0x1] =	stream.linear.gather [hbm4b:s17+s3], $0x50, $0x38;
	[tilespmem:$0xC380] =	vst v63  }
0x11: {  	s17 =	smov.u32 s14;
	p0 =	sne.s32 s14, $0x4D8  }
.Ltmp0:
0x12: {  	s14 =	sadd.s32 $0xA, s14;
	(pc) =	sbr.rel @p0 .LBB2_2-.Ltmp0, $4  }
0x13: {  	_ = 	snop  }
0x14: {  	s16 =	sadd.s32 s17, s8  }
0x15: {  	[tilespmem:s15], [sflag:$0x1] =	stream.linear.gather [hbm4b:s16+s3], $0x50, $0x38;
	[tilespmem:$0xC380] =	vst v63  }
0x16: {  	s17 =	sadd.s32 s17, s7;
	s16 =	sadd.s32 $0x50, s15;
	s15 =	sadd.s32 $0x190, s15  }
0x17: {  	[tilespmem:s16], [sflag:$0x1] =	stream.linear.gather [hbm4b:s17+s3], $0x50, $0x38;
	[tilespmem:$0xC380] =	vst v63  }
0x18: {  	_ =	swait.ge [sflag:s9], $0x4E20  }
0x19: {  	[sflag:s9] =	ssyncset.done $0x0  }
0x1a: {  	s14 =	simm.s32 $0x0;
	s15 =	simm.s32 $0x140;
	[sflag:s9] =	ssyncadd.s32 $0xFFFFB1E0  }
0x1b: {  	[tilespmem:s14], [sflag:$0x2] =	stream.indirect.gather [hbm4b:s4+s10], $0x1, s15, s10, $0xb8;
	[tilespmem:$0xC380] =	vst v63  }
0x1c: {  	s30 =	simm.s32 $0x50;
	s31 =	simm.s32 $0xF0;
	s16 =	simm.s32 $0x640  }
0x1d: {  	[tilespmem:s30], [sflag:$0x2] =	stream.indirect.gather [hbm4b:s2+s10], $0x1, s31, s10, $0xb8;
	[tilespmem:$0xC380] =	vst v63  }
.LBB2_4:
0x1e: {  	s17 =	sadd.s32 $0xA0, s14;
	s14 =	sshra.s32 s16, $0x2;
	p0 =	sne.s32 s16, $0x30700  }
0x1f: {  	[tilespmem:s17], [sflag:$0x2] =	stream.indirect.gather [hbm4b:s2+s10], $0x1, s15, s10, $0xb8;
	[tilespmem:$0xC380] =	vst v63  }
.Ltmp1:
0x20: {  	_ = 	snop;
	(pc) =	sbr.rel @p0 .LBB2_4-.Ltmp1, $4  }
0x21: {  	s16 =	sadd.s32 $0x640, s16;
	s15 =	sadd.s32 $0x140, s14  }
0x22: {  	[tilespmem:s14], [sflag:$0x2] =	stream.indirect.gather [hbm4b:s4+s10], $0x1, s15, s10, $0xb8;
	[tilespmem:$0xC380] =	vst v63  }
0x23: {  	s17 =	sadd.s32 $0x50, s14;
	s18 =	sadd.s32 $0xF0, s14  }
0x24: {  	[tilespmem:s17], [sflag:$0x2] =	stream.indirect.gather [hbm4b:s2+s10], $0x1, s18, s10, $0xb8;
	[tilespmem:$0xC380] =	vst v63  }
0x25: {  	s14 =	sadd.s32 $0xA0, s14  }
0x26: {  	[tilespmem:s14], [sflag:$0x2] =	stream.indirect.gather [hbm4b:s2+s10], $0x1, s15, s10, $0xb8;
	[tilespmem:$0xC380] =	vst v63  }
0x27: {  	s13 =	sadd.s32 $0x1, s13;
	_ =	swait.ge [sflag:s11], $0x7530  }
0x28: {  	p0 =	sne.s32 s13, s6;
	[sflag:s11] =	ssyncset.done $0x0  }
.Ltmp2:
0x29: {  	[sflag:s11] =	ssyncadd.s32 $0xFFFF8AD0;
	(pc) =	sbr.rel @p0 .LBB2_1-.Ltmp2, $4  }
0x2a: {  	[hbm4b:s5+s3] =	stream.linear.scatter [tilespmem:s3], [sflag:$0x3], $0xC350, $0x38;
	[tilespmem:$0xC380] =	vst v63  }
0x2b: {  	_ =	swait.ge [sflag:s12], $0xC350  }
0x2c: {  	[sflag:s12] =	ssyncset.done $0x0  }
0x2d: {  	[sflag:s12] =	ssyncadd.s32 $0xFFFF3CB0  }
0x2e: {  	_ =	sfence.sel $0x180000  }
0x2f: {  	[bflag:$0x0] =	sbarrier.arrive $0xFFFF  }
0x30: {  	p0 =	sne.s32 s1, $0x0;
	_ =	strace $0x90000047  }
0x31: {  	s0 =	sadd.s32 @!p0 $0x100000, s0;
	[bflag:$0x2] =	sbarrier.arrive $0xFFFF  }
0x32: {  	[sflag:s0] =	ssyncadd.tile.s32 @!p0 $0x1;
	_ =	shalt  }
.Lfunc_end2:
_tile_overlayer_lowered:
.L_overlay_start_2:
0x33: {  	(tag) =	ssettag $0x2  }
0x34: {  	s0 =	rddreg [dreg:$0x0];
	s2 =	stileid.u32  }
0x35: {  	s1 =	rddreg [dreg:$0x1];
	p0 =	sne.s32 s2, $0x0  }
0x36: {  	s3 =	rddreg [dreg:$0x2];
	[bflag:$0x3] =	sbarrier.arrive $0xFFFF;
	s2 =	simm.s32 @!p0 $0x1C03  }
0x37: {  	[timem:s3], [sflag:s2] =	dma.local @!p0 [hbm:s0], s1  }
0x38: {  	s0 =	simm.s32 @!p0 $0x3  }
0x39: {  	_ =	swait.ge @!p0 [sflag:s0], s1  }
0x3a: {  	s1 =	ssub.s32 @!p0 $0x0, s1;
	[sflag:s0] =	ssyncset.done @!p0 $0x0  }
0x3b: {  	[sflag:s0] =	ssyncadd.s32 @!p0 s1  }
0x3c: {  	[bflag:$0x3] =	sbarrier.arrive $0xFFFF  }
0x3d: {  	_ =	shalt  }

</sc_bundles>
